<compile_context>
chip_gen: v7x
topology: tpu7x:2x2x1
jax: 0.10.2.dev20260603
libtpu: 0.0.44.dev20260713+nightly
codegen_flags: <defaults>
</compile_context>

<pallas_src>
import functools

import jax
import jax.numpy as jnp
from jax import lax
from jax.experimental import pallas as pl
from jax.experimental.pallas import tpu as pltpu
from jax.experimental.pallas import tpu_sc as plsc

N = 10000
NP = 10240
E = 320000
EP = 327680
L = 8
D = 100
DP = 128
H = 100
B = 128
R = 512
GRID = NP // R
NW = 32
TROWS = NP // 16


ECH = EP // NW // 128
ECHS = 8
NCH = EP // 128
FASTC = 0
FCH = 160
SCH = 0
assert FCH % ECHS == 0 and SCH % ECHS == 0 and 16 * (FCH + SCH) == NCH
GCH = L * NP // NW // 128


def _emb_gather_body(emb_hbm, idx3_hbm, out_hbm, eidx2, rows0, rows1,
                     gs0, gs1):
    c = lax.axis_index("c")
    s = lax.axis_index("s")
    wid = s * 2 + c
    lrow = wid // 4
    r0 = (wid % 4) * (GCH * 128)
    pltpu.sync_copy(idx3_hbm.at[wid], eidx2)

    pltpu.async_copy(emb_hbm.at[eidx2.at[0]], rows0, gs0)

    def body(j, carry):
        c0 = 2 * j
        c1 = 2 * j + 1
        pltpu.async_copy(emb_hbm.at[eidx2.at[c1]], rows1, gs1)
        pltpu.make_async_copy(emb_hbm.at[eidx2.at[c0]], rows0, gs0).wait()
        pltpu.sync_copy(rows0, out_hbm.at[lrow, pl.ds(r0 + c0 * 128, 128)])

        @pl.when(j < GCH // 2 - 1)
        def _():
            pltpu.async_copy(emb_hbm.at[eidx2.at[c0 + 2]], rows0, gs0)

        pltpu.make_async_copy(emb_hbm.at[eidx2.at[c1]], rows1, gs1).wait()
        pltpu.sync_copy(rows1, out_hbm.at[lrow, pl.ds(r0 + c1 * 128, 128)])
        return carry

    lax.fori_loop(0, GCH // 2, body, 0)


def _degree_body(dst2_hbm, out_hbm, didx2, ones_v, buf_v, acc):
    c = lax.axis_index("c")
    s = lax.axis_index("s")
    wid = s * 2 + c

    for j in range(8):
        ones_v[pl.ds(j * 16, 16)] = jnp.ones((16,), jnp.float32)

    def zrow(i, carry):
        buf_v[pl.ds(i * 16, 16)] = jnp.zeros((16,), jnp.float32)
        return carry

    lax.fori_loop(0, TROWS // 16, zrow, 0)
    pltpu.sync_copy(buf_v, acc.at[pl.ds(s * TROWS, TROWS)])
    plsc.subcore_barrier()

    def outer(o, carry):
        row0 = wid * ECH + o * ECHS
        pltpu.sync_copy(dst2_hbm.at[pl.ds(row0, ECHS)], didx2)

        def body(i, carry2):
            pltpu.sync_copy(ones_v, acc.at[didx2.at[i]], add=True)
            return carry2

        lax.fori_loop(0, ECHS, body, 0)
        return carry

    lax.fori_loop(0, ECH // ECHS, outer, 0)
    plsc.subcore_barrier()
    pltpu.sync_copy(acc.at[pl.ds(s * TROWS, TROWS)], buf_v)
    pltpu.sync_copy(buf_v, out_hbm.at[c, pl.ds(s * TROWS, TROWS)])


def _edge_acc_body(xws_hbm, src2_hbm, dst2_hbm, out_hbm, sidx2, didx2,
                   rows0, rows1, acc, gs0, gs1):
    c = lax.axis_index("c")
    s = lax.axis_index("s")

    def zrow(i, carry):
        for j in range(DP // 16):
            rows0[i, pl.ds(j * 16, 16)] = jnp.zeros((16,), jnp.float32)
        return carry

    lax.fori_loop(0, 128, zrow, 0)

    def zcp(i, carry):
        pltpu.sync_copy(rows0, acc.at[pl.ds(s * TROWS + i * 128, 128)])
        return carry

    lax.fori_loop(0, TROWS // 128, zcp, 0)
    plsc.subcore_barrier()

    nseg = jnp.where(c == FASTC, FCH // ECHS, SCH // ECHS)
    cstart = jnp.where(c == FASTC, s * FCH, 16 * FCH + s * SCH)

    def outer(o, carry):
        row0 = cstart + o * ECHS
        pltpu.sync_copy(src2_hbm.at[pl.ds(row0, ECHS)], sidx2)
        pltpu.sync_copy(dst2_hbm.at[pl.ds(row0, ECHS)], didx2)
        pltpu.async_copy(xws_hbm.at[sidx2.at[0]], rows0, gs0)

        def body(j, carry2):
            c0 = 2 * j
            c1 = 2 * j + 1
            pltpu.async_copy(xws_hbm.at[sidx2.at[c1]], rows1, gs1)
            pltpu.make_async_copy(xws_hbm.at[sidx2.at[c0]], rows0, gs0).wait()
            pltpu.sync_copy(rows0, acc.at[didx2.at[c0]], add=True)

            @pl.when(j < ECHS // 2 - 1)
            def _():
                pltpu.async_copy(xws_hbm.at[sidx2.at[c0 + 2]], rows0, gs0)

            pltpu.make_async_copy(xws_hbm.at[sidx2.at[c1]], rows1, gs1).wait()
            pltpu.sync_copy(rows1, acc.at[didx2.at[c1]], add=True)
            return carry2

        lax.fori_loop(0, ECHS // 2, body, 0)
        return carry

    lax.fori_loop(0, nseg, outer, 0)
    plsc.subcore_barrier()

    def wb(i, carry):
        r0 = s * TROWS + i * 128
        pltpu.sync_copy(acc.at[pl.ds(r0, 128)], rows0)
        pltpu.sync_copy(rows0, out_hbm.at[c, pl.ds(r0, 128)])
        return carry

    lax.fori_loop(0, TROWS // 128, wb, 0)


_SC_CACHE = {}


def _sc_kernels():
    if "emb" not in _SC_CACHE:
        mesh = plsc.VectorSubcoreMesh(core_axis_name="c", subcore_axis_name="s")
        _SC_CACHE["emb"] = pl.kernel(
            _emb_gather_body,
            out_type=jax.ShapeDtypeStruct((L, NP, DP), jnp.float32),
            mesh=mesh,
            scratch_types=[
                pltpu.VMEM((GCH, 128), jnp.int32),
                pltpu.VMEM((128, DP), jnp.float32),
                pltpu.VMEM((128, DP), jnp.float32),
                pltpu.SemaphoreType.DMA,
                pltpu.SemaphoreType.DMA,
            ],
        )
        _SC_CACHE["deg"] = pl.kernel(
            _degree_body,
            out_type=jax.ShapeDtypeStruct((2, NP), jnp.float32),
            mesh=mesh,
            scratch_types=[
                pltpu.VMEM((ECHS, 128), jnp.int32),
                pltpu.VMEM((128,), jnp.float32),
                pltpu.VMEM((TROWS,), jnp.float32),
                pltpu.VMEM_SHARED((NP,), jnp.float32),
            ],
        )
        _SC_CACHE["edge"] = pl.kernel(
            _edge_acc_body,
            out_type=jax.ShapeDtypeStruct((2, NP, DP), jnp.float32),
            mesh=mesh,
            scratch_types=[
                pltpu.VMEM((ECHS, 128), jnp.int32),
                pltpu.VMEM((ECHS, 128), jnp.int32),
                pltpu.VMEM((128, DP), jnp.float32),
                pltpu.VMEM((128, DP), jnp.float32),
                pltpu.VMEM_SHARED((NP, DP), jnp.float32),
                pltpu.SemaphoreType.DMA,
                pltpu.SemaphoreType.DMA,
            ],
        )
    return _SC_CACHE["emb"], _SC_CACHE["deg"], _SC_CACHE["edge"]



VCHUNK = 10000


def _pad_body(emb_ref, out_ref):
    x = emb_ref[...]
    out_ref[...] = jnp.pad(x, ((0, 0), (0, DP - D)))


_pad_call = pl.pallas_call(
    _pad_body,
    grid=(100000 // VCHUNK,),
    in_specs=[pl.BlockSpec((VCHUNK, D), lambda i: (i, 0))],
    out_specs=pl.BlockSpec((VCHUNK, DP), lambda i: (i, 0)),
    out_shape=jax.ShapeDtypeStruct((100000, DP), jnp.float32),
)


def _sig(x):
    return jax.nn.sigmoid(x)


def _elu(x):
    return jnp.where(x > 0, x, jnp.exp(jnp.minimum(x, 0.0)) - 1.0)


def _dot(a, b):
    return jnp.dot(a, b, preferred_element_type=jnp.float32)


def _cell(x, h, wr, wz, wn, ur, uz, un, br, bz, bin_, bhn):
    hb = h.astype(jnp.bfloat16)
    r = _sig(_dot(x, wr) + _dot(hb, ur) + br)
    z = _sig(_dot(x, wz) + _dot(hb, uz) + bz)
    n = jnp.tanh(_dot(x, wn) + bin_ + r * (_dot(hb, un) + bhn))
    return (1.0 - z) * n + z * h


def _gru_body(xg_ref, h00_ref, h01_ref, wg_ref, bg_ref, w1_ref, degt_ref,
              hlast_ref, xw1s_ref):
    h0 = h00_ref[...]
    h1 = h01_ref[...]
    w = [wg_ref[k].astype(jnp.bfloat16) for k in range(12)]
    b = [bg_ref[k:k + 1, :] for k in range(8)]
    for t in range(L):
        x = xg_ref[t].astype(jnp.bfloat16)
        h0 = _cell(x, h0, w[0], w[1], w[2], w[3], w[4], w[5],
                   b[0], b[1], b[2], b[3])
        h1 = _cell(h0.astype(jnp.bfloat16), h1, w[6], w[7], w[8], w[9],
                   w[10], w[11], b[4], b[5], b[6], b[7])
    hlast_ref[...] = h1
    dinv = lax.rsqrt(degt_ref[:, 0:1] + degt_ref[:, 1:2] + 1.0)
    rows = pl.program_id(0) * R + lax.broadcasted_iota(jnp.int32, (R, 1), 0)
    xw1s_ref[...] = jnp.where(rows < N, dinv * jnp.dot(h1, w1_ref[...]), 0.0)


def _tcb_body(acc_ref, xw1s_ref, degt_ref, x1r_ref, idx_ref, w2a_ref, w2b_ref,
              b1_ref, xw2s_ref, x2_ref):
    acc = acc_ref[0] + acc_ref[1]
    dinv = lax.rsqrt(degt_ref[:, 0:1] + degt_ref[:, 1:2] + 1.0)
    x2 = dinv * (acc + xw1s_ref[...]) + b1_ref[...]
    onehot = (idx_ref[...] ==
              lax.broadcasted_iota(jnp.int32, (R, 128), 1)).astype(jnp.float32)
    root = jnp.dot(onehot, x1r_ref[...])
    xw2 = jnp.dot(_elu(x2), w2a_ref[...]) + jnp.dot(_elu(root), w2b_ref[...])
    rows = pl.program_id(0) * R + lax.broadcasted_iota(jnp.int32, (R, 1), 0)
    xw2s_ref[...] = jnp.where(rows < N, dinv * xw2, 0.0)
    x2_ref[...] = x2


def _tcc_body(acc_ref, xw2s_ref, degt_ref, x2r_ref, idx_ref, b2_ref,
              oa_ref, ob_ref, oc_ref):
    i = pl.program_id(0)
    acc = acc_ref[0] + acc_ref[1]
    dinv = lax.rsqrt(degt_ref[:, 0:1] + degt_ref[:, 1:2] + 1.0)
    xelu = _elu(dinv * (acc + xw2s_ref[...]) + b2_ref[...])
    onehot = (idx_ref[...] ==
              lax.broadcasted_iota(jnp.int32, (R, 128), 1)).astype(jnp.float32)
    root2 = jnp.dot(onehot, x2r_ref[...])
    dn = (((0,), (0,)), ((), ()))
    sa = lax.dot_general(onehot, xelu, dn, preferred_element_type=jnp.float32)
    sb = lax.dot_general(onehot, root2, dn, preferred_element_type=jnp.float32)
    cnt = lax.dot_general(onehot, jnp.ones((R, 1), jnp.float32), dn,
                          preferred_element_type=jnp.float32)

    @pl.when(i == 0)
    def _():
        oa_ref[...] = sa
        ob_ref[...] = sb
        oc_ref[...] = cnt

    @pl.when(i > 0)
    def _():
        oa_ref[...] += sa
        ob_ref[...] += sb
        oc_ref[...] += cnt

    @pl.when(i == GRID - 1)
    def _():
        cfull = jnp.maximum(oc_ref[...], 1.0)
        oa_ref[...] = oa_ref[...] / cfull
        ob_ref[...] = ob_ref[...] / cfull


_gru_call = pl.pallas_call(
    _gru_body,
    grid=(GRID,),
    in_specs=[
        pl.BlockSpec((L, R, DP), lambda i: (0, i, 0)),
        pl.BlockSpec((R, DP), lambda i: (i, 0)),
        pl.BlockSpec((R, DP), lambda i: (i, 0)),
        pl.BlockSpec((12, DP, DP), lambda i: (0, 0, 0)),
        pl.BlockSpec((8, DP), lambda i: (0, 0)),
        pl.BlockSpec((DP, DP), lambda i: (0, 0)),
        pl.BlockSpec((R, 2), lambda i: (i, 0)),
    ],
    out_specs=[
        pl.BlockSpec((R, DP), lambda i: (i, 0)),
        pl.BlockSpec((R, DP), lambda i: (i, 0)),
    ],
    out_shape=[
        jax.ShapeDtypeStruct((NP, DP), jnp.float32),
        jax.ShapeDtypeStruct((NP, DP), jnp.float32),
    ],
)

_tcb_call = pl.pallas_call(
    _tcb_body,
    grid=(GRID,),
    in_specs=[
        pl.BlockSpec((2, R, DP), lambda i: (0, i, 0)),
        pl.BlockSpec((R, DP), lambda i: (i, 0)),
        pl.BlockSpec((R, 2), lambda i: (i, 0)),
        pl.BlockSpec((128, DP), lambda i: (0, 0)),
        pl.BlockSpec((R, 1), lambda i: (i, 0)),
        pl.BlockSpec((DP, DP), lambda i: (0, 0)),
        pl.BlockSpec((DP, DP), lambda i: (0, 0)),
        pl.BlockSpec((1, DP), lambda i: (0, 0)),
    ],
    out_specs=[
        pl.BlockSpec((R, DP), lambda i: (i, 0)),
        pl.BlockSpec((R, DP), lambda i: (i, 0)),
    ],
    out_shape=[
        jax.ShapeDtypeStruct((NP, DP), jnp.float32),
        jax.ShapeDtypeStruct((NP, DP), jnp.float32),
    ],
)

_tcc_call = pl.pallas_call(
    _tcc_body,
    grid=(GRID,),
    in_specs=[
        pl.BlockSpec((2, R, DP), lambda i: (0, i, 0)),
        pl.BlockSpec((R, DP), lambda i: (i, 0)),
        pl.BlockSpec((R, 2), lambda i: (i, 0)),
        pl.BlockSpec((128, DP), lambda i: (0, 0)),
        pl.BlockSpec((R, 1), lambda i: (i, 0)),
        pl.BlockSpec((1, DP), lambda i: (0, 0)),
    ],
    out_specs=[
        pl.BlockSpec((128, 128), lambda i: (0, 0)),
        pl.BlockSpec((128, 128), lambda i: (0, 0)),
        pl.BlockSpec((128, 1), lambda i: (0, 0)),
    ],
    out_shape=[
        jax.ShapeDtypeStruct((128, 128), jnp.float32),
        jax.ShapeDtypeStruct((128, 128), jnp.float32),
        jax.ShapeDtypeStruct((128, 1), jnp.float32),
    ],
)


def _padw(w):
    return jnp.pad(w, ((0, DP - w.shape[0]), (0, DP - w.shape[1])))


def kernel(merged_tree_feature, merged_tree_edge_index, indices,
           emb, Wih0, Whh0, bih0, bhh0, Wih1, Whh1, bih1, bhh1,
           h0, W1, b1, W2, b2):
    f32 = jnp.float32
    feat3 = jnp.pad(merged_tree_feature.T.astype(jnp.int32),
                    ((0, 0), (0, NP - N))).reshape(NW, GCH, 128)
    src = merged_tree_edge_index[0].astype(jnp.int32)
    dst = merged_tree_edge_index[1].astype(jnp.int32)
    src2 = jnp.pad(src, (0, EP - E),
                   constant_values=NP - 1).reshape(NCH, 128)
    dst2 = jnp.pad(dst, (0, EP - E),
                   constant_values=NP - 1).reshape(NCH, 128)
    idx_p = jnp.pad(indices.astype(jnp.int32), (0, NP - N),
                    constant_values=-1).reshape(NP, 1)

    def gates(Wih, Whh):
        wr, wz, wn = Wih[0:H].T, Wih[H:2 * H].T, Wih[2 * H:3 * H].T
        ur, uz, un = Whh[0:H].T, Whh[H:2 * H].T, Whh[2 * H:3 * H].T
        return [_padw(m) for m in (wr, wz, wn, ur, uz, un)]

    wg = jnp.stack(gates(Wih0, Whh0) + gates(Wih1, Whh1))

    def bvec(v):
        return jnp.pad(v, (0, DP - H))

    bg = jnp.stack([
        bvec(bih0[0:H] + bhh0[0:H]), bvec(bih0[H:2 * H] + bhh0[H:2 * H]),
        bvec(bih0[2 * H:]), bvec(bhh0[2 * H:]),
        bvec(bih1[0:H] + bhh1[0:H]), bvec(bih1[H:2 * H] + bhh1[H:2 * H]),
        bvec(bih1[2 * H:]), bvec(bhh1[2 * H:]),
    ])
    w1_p = _padw(W1)
    w2a = _padw(W2[0:H])
    w2b = _padw(W2[H:2 * H])
    b1_p = bvec(b1).reshape(1, DP)
    b2_p = bvec(b2).reshape(1, DP)

    _emb_gather, _degree, _edge_acc = _sc_kernels()
    emb_p = _pad_call(emb)
    xg = _emb_gather(emb_p, feat3)
    degp = _degree(dst2)
    degt = degp.T

    h00 = jnp.pad(h0[0], ((0, NP - N), (0, DP - H)))
    h01 = jnp.pad(h0[1], ((0, NP - N), (0, DP - H)))
    h_last, xw1s = _gru_call(xg, h00, h01, wg, bg, w1_p, degt)

    acc1 = _edge_acc(xw1s, src2, dst2)

    xw2s, x2 = _tcb_call(acc1, xw1s, degt, h_last, idx_p, w2a, w2b, b1_p)

    acc2 = _edge_acc(xw2s, src2, dst2)

    oa, ob, _ = _tcc_call(acc2, xw2s, degt, x2, idx_p, b2_p)
    return jnp.concatenate([oa[:, 0:H], ob[:, 0:H]], axis=1).astype(f32)

# --- scband reference (transcript-rebuilt; emitter-appended) ---
"""Pipeline reference for scband-tree-gcn-48911087567501 (READ-ONLY COPY).

The authoritative reference and input builder live on the scoring server;
editing this copy changes nothing except your own understanding.
"""

import jax, jax.numpy as jnp
import numpy as np

N = 10000
E = 320000
L = 8
VOCAB = 100000
D = 100   # text_input_size
H = 100   # tweet_out_size
H1 = 100  # hidden_size1
H2 = 100  # hidden_size2
B = 128   # number of trees (batch)


def setup_inputs(seed: int = 0) -> dict:
    key = jax.random.key(seed)
    ks = jax.random.split(key, 20)
    merged_tree_feature = jax.random.randint(ks[0], (N, L), 0, VOCAB)
    merged_tree_edge_index = jax.random.randint(ks[1], (2, E), 0, N)
    indices = jnp.sort(jax.random.randint(ks[2], (N,), 0, B))
    # force every tree id to appear so max(indices)+1 == B
    indices = indices.at[:B].set(jnp.arange(B))
    indices = jnp.sort(indices)

    emb = jax.random.normal(ks[3], (VOCAB, D), dtype=jnp.float32) * 0.02
    Wih0 = jax.random.normal(ks[4], (3 * H, D), dtype=jnp.float32) * 0.1
    Whh0 = jax.random.normal(ks[5], (3 * H, H), dtype=jnp.float32) * 0.1
    bih0 = jnp.zeros((3 * H,), dtype=jnp.float32)
    bhh0 = jnp.zeros((3 * H,), dtype=jnp.float32)
    Wih1 = jax.random.normal(ks[6], (3 * H, H), dtype=jnp.float32) * 0.1
    Whh1 = jax.random.normal(ks[7], (3 * H, H), dtype=jnp.float32) * 0.1
    bih1 = jnp.zeros((3 * H,), dtype=jnp.float32)
    bhh1 = jnp.zeros((3 * H,), dtype=jnp.float32)
    h0 = jax.random.normal(ks[8], (2, N, H), dtype=jnp.float32)
    W1 = jax.random.normal(ks[9], (H, H1), dtype=jnp.float32) * 0.1
    b1 = jnp.zeros((H1,), dtype=jnp.float32)
    W2 = jax.random.normal(ks[10], (H + H1, H2), dtype=jnp.float32) * 0.1
    b2 = jnp.zeros((H2,), dtype=jnp.float32)
    return {
        'merged_tree_feature': merged_tree_feature,
        'merged_tree_edge_index': merged_tree_edge_index,
        'indices': indices,
        'emb': emb,
        'Wih0': Wih0, 'Whh0': Whh0, 'bih0': bih0, 'bhh0': bhh0,
        'Wih1': Wih1, 'Whh1': Whh1, 'bih1': bih1, 'bhh1': bhh1,
        'h0': h0,
        'W1': W1, 'b1': b1, 'W2': W2, 'b2': b2,
    }


def _gru_layer(xs, h, Wih, Whh, bih, bhh):
    # xs: [L, N, in], h: [N, H]; PyTorch GRU cell math
    def step(h, x):
        gi = x @ Wih.T + bih
        gh = h @ Whh.T + bhh
        i_r, i_z, i_n = jnp.split(gi, 3, axis=-1)
        h_r, h_z, h_n = jnp.split(gh, 3, axis=-1)
        r = jax.nn.sigmoid(i_r + h_r)
        z = jax.nn.sigmoid(i_z + h_z)
        n = jnp.tanh(i_n + r * h_n)
        h_new = (1.0 - z) * n + z * h
        return h_new, h_new
    h_last, ys = jax.lax.scan(step, h, xs)
    return ys, h_last


def _gcn_conv(x, edge_index, W, b, n_nodes):
    # PyG GCNConv with add_self_loops=True, symmetric normalization
    src = edge_index[0]
    dst = edge_index[1]
    loop = jnp.arange(n_nodes)
    src = jnp.concatenate([src, loop])
    dst = jnp.concatenate([dst, loop])
    xw = x @ W
    deg = jnp.zeros((n_nodes,), dtype=xw.dtype).at[dst].add(1.0)
    dinv = jnp.where(deg > 0, deg ** -0.5, 0.0)
    norm = dinv[src] * dinv[dst]
    out = jnp.zeros_like(xw).at[dst].add(norm[:, None] * xw[src])
    return out + b


def reference(merged_tree_feature, merged_tree_edge_index, indices,
              emb, Wih0, Whh0, bih0, bhh0, Wih1, Whh1, bih1, bhh1,
              h0, W1, b1, W2, b2):
    # embedding lookup: [N, L, D]
    x = emb[merged_tree_feature]
    # permute(1, 0, 2) -> [L, N, D]
    xs = jnp.transpose(x, (1, 0, 2))
    # 2-layer GRU
    ys0, _ = _gru_layer(xs, h0[0], Wih0, Whh0, bih0, bhh0)
    _, h_last = _gru_layer(ys0, h0[1], Wih1, Whh1, bih1, bhh1)
    x_input = h_last  # [N, H] == hn[-1]
    x1 = x_input
    x = _gcn_conv(x_input, merged_tree_edge_index, W1, b1, N)
    x2 = x
    # root_extend loop == gather of x1 at indices
    root_extend = x1[indices]
    x = jnp.concatenate([x, root_extend], axis=1)
    x = jax.nn.elu(x)
    # F.dropout(training=self.training): eval mode -> identity
    x = _gcn_conv(x, merged_tree_edge_index, W2, b2, N)
    x = jax.nn.elu(x)
    root_extend2 = x2[indices]
    x = jnp.concatenate([x, root_extend2], axis=1)
    # scatter_mean over tree ids
    sums = jax.ops.segment_sum(x, indices, num_segments=B)
    cnt = jax.ops.segment_sum(jnp.ones((x.shape[0],), dtype=x.dtype), indices, num_segments=B)
    out = sums / jnp.maximum(cnt, 1.0)[:, None]
    return out


if False:  # reference __main__ guard neutralized (emitter)
    inp = setup_inputs()
    out = reference(**inp)
    print(out.shape)

if __name__ == "__main__":
    import jax
    _d = setup_inputs()
    print(jax.jit(kernel)(*tuple(_d.values())))

</pallas_src>

<mosaic_0001>
#map = affine_map<(d0, d1) -> (0, 0)>
#map1 = affine_map<(d0, d1) -> (0, 0, 0)>
module attributes {stable_mosaic.version = 14 : i64} {
  func.func @_edge_acc_body(%arg0: i32, %arg1: i32, %arg2: memref<10240x128xf32, #tpu.memory_space<hbm>>, %arg3: memref<2560x128xi32, #tpu.memory_space<hbm>>, %arg4: memref<2560x128xi32, #tpu.memory_space<hbm>>, %arg5: memref<2x10240x128xf32, #tpu.memory_space<hbm>>, %arg6: memref<8x128xi32, #tpu.memory_space<vmem>>, %arg7: memref<8x128xi32, #tpu.memory_space<vmem>>, %arg8: memref<128x128xf32, #tpu.memory_space<vmem>>, %arg9: memref<128x128xf32, #tpu.memory_space<vmem>>, %arg10: memref<10240x128xf32, #tpu.memory_space<vmem_shared>>, %arg11: memref<!tpu.dma_semaphore, #tpu.memory_space<semaphore_mem>>, %arg12: memref<!tpu.dma_semaphore, #tpu.memory_space<semaphore_mem>>) attributes {dimension_semantics = [#tpu.dimension_semantics<core_parallel>, #tpu.dimension_semantics<subcore_parallel>], iteration_bounds = array<i64: 2, 16>, scalar_prefetch = 0 : i64, scratch_operands = 7 : i64, tpu.core_type = #tpu.core_type<sc_vector_subcore>, window_params = [{transform_indices = #map}, {transform_indices = #map}, {transform_indices = #map}, {transform_indices = #map1}]} {
    %scan3A = arith.constant 0 : i32
    %scan3A_0 = arith.constant 0 : i32
    %scan3A_1 = arith.constant 128 : i32
    %scan3A_2 = arith.addi %scan3A_0, %scan3A_1 : i32
    %scan3A_3 = arith.constant 1 : i32
    scf.for %scan3A_36 = %scan3A_0 to %scan3A_2 step %scan3A_3  : i32 {
      %broadcast_in_dim3A = arith.constant 0.000000e+00 : f32
      %broadcast_in_dim3A_37 = vector.broadcast %broadcast_in_dim3A : f32 to vector<16xf32>
      %swap3A = arith.index_cast %scan3A_36 : i32 to index
      %swap3A_38 = arith.constant 0 : index
      %swap3A_39 = tpu.vector_load %arg8[%swap3A, %swap3A_38] {strides = array<i32>} : memref<128x128xf32, #tpu.memory_space<vmem>>, vector<1x16xf32>,
      %swap3A_40 = vector.shape_cast %swap3A_39 : vector<1x16xf32> to vector<16xf32>
      %swap3A_41 = vector.shape_cast %broadcast_in_dim3A_37 : vector<16xf32> to vector<1x16xf32>
      tpu.vector_store %arg8[%swap3A, %swap3A_38], %swap3A_41 {strides = array<i32>} : memref<128x128xf32, #tpu.memory_space<vmem>>, vector<1x16xf32>,
      %broadcast_in_dim3A_42 = arith.constant 0.000000e+00 : f32
      %broadcast_in_dim3A_43 = vector.broadcast %broadcast_in_dim3A_42 : f32 to vector<16xf32>
      %swap3A_44 = arith.index_cast %scan3A_36 : i32 to index
      %swap3A_45 = arith.constant 16 : index
      %swap3A_46 = tpu.vector_load %arg8[%swap3A_44, %swap3A_45] {strides = array<i32>} : memref<128x128xf32, #tpu.memory_space<vmem>>, vector<1x16xf32>,
      %swap3A_47 = vector.shape_cast %swap3A_46 : vector<1x16xf32> to vector<16xf32>
      %swap3A_48 = vector.shape_cast %broadcast_in_dim3A_43 : vector<16xf32> to vector<1x16xf32>
      tpu.vector_store %arg8[%swap3A_44, %swap3A_45], %swap3A_48 {strides = array<i32>} : memref<128x128xf32, #tpu.memory_space<vmem>>, vector<1x16xf32>,
      %broadcast_in_dim3A_49 = arith.constant 0.000000e+00 : f32
      %broadcast_in_dim3A_50 = vector.broadcast %broadcast_in_dim3A_49 : f32 to vector<16xf32>
      %swap3A_51 = arith.index_cast %scan3A_36 : i32 to index
      %swap3A_52 = arith.constant 32 : index
      %swap3A_53 = tpu.vector_load %arg8[%swap3A_51, %swap3A_52] {strides = array<i32>} : memref<128x128xf32, #tpu.memory_space<vmem>>, vector<1x16xf32>,
      %swap3A_54 = vector.shape_cast %swap3A_53 : vector<1x16xf32> to vector<16xf32>
      %swap3A_55 = vector.shape_cast %broadcast_in_dim3A_50 : vector<16xf32> to vector<1x16xf32>
      tpu.vector_store %arg8[%swap3A_51, %swap3A_52], %swap3A_55 {strides = array<i32>} : memref<128x128xf32, #tpu.memory_space<vmem>>, vector<1x16xf32>,
      %broadcast_in_dim3A_56 = arith.constant 0.000000e+00 : f32
      %broadcast_in_dim3A_57 = vector.broadcast %broadcast_in_dim3A_56 : f32 to vector<16xf32>
      %swap3A_58 = arith.index_cast %scan3A_36 : i32 to index
      %swap3A_59 = arith.constant 48 : index
      %swap3A_60 = tpu.vector_load %arg8[%swap3A_58, %swap3A_59] {strides = array<i32>} : memref<128x128xf32, #tpu.memory_space<vmem>>, vector<1x16xf32>,
      %swap3A_61 = vector.shape_cast %swap3A_60 : vector<1x16xf32> to vector<16xf32>
      %swap3A_62 = vector.shape_cast %broadcast_in_dim3A_57 : vector<16xf32> to vector<1x16xf32>
      tpu.vector_store %arg8[%swap3A_58, %swap3A_59], %swap3A_62 {strides = array<i32>} : memref<128x128xf32, #tpu.memory_space<vmem>>, vector<1x16xf32>,
      %broadcast_in_dim3A_63 = arith.constant 0.000000e+00 : f32
      %broadcast_in_dim3A_64 = vector.broadcast %broadcast_in_dim3A_63 : f32 to vector<16xf32>
      %swap3A_65 = arith.index_cast %scan3A_36 : i32 to index
      %swap3A_66 = arith.constant 64 : index
      %swap3A_67 = tpu.vector_load %arg8[%swap3A_65, %swap3A_66] {strides = array<i32>} : memref<128x128xf32, #tpu.memory_space<vmem>>, vector<1x16xf32>,
      %swap3A_68 = vector.shape_cast %swap3A_67 : vector<1x16xf32> to vector<16xf32>
      %swap3A_69 = vector.shape_cast %broadcast_in_dim3A_64 : vector<16xf32> to vector<1x16xf32>
      tpu.vector_store %arg8[%swap3A_65, %swap3A_66], %swap3A_69 {strides = array<i32>} : memref<128x128xf32, #tpu.memory_space<vmem>>, vector<1x16xf32>,
      %broadcast_in_dim3A_70 = arith.constant 0.000000e+00 : f32
      %broadcast_in_dim3A_71 = vector.broadcast %broadcast_in_dim3A_70 : f32 to vector<16xf32>
      %swap3A_72 = arith.index_cast %scan3A_36 : i32 to index
      %swap3A_73 = arith.constant 80 : index
      %swap3A_74 = tpu.vector_load %arg8[%swap3A_72, %swap3A_73] {strides = array<i32>} : memref<128x128xf32, #tpu.memory_space<vmem>>, vector<1x16xf32>,
      %swap3A_75 = vector.shape_cast %swap3A_74 : vector<1x16xf32> to vector<16xf32>
      %swap3A_76 = vector.shape_cast %broadcast_in_dim3A_71 : vector<16xf32> to vector<1x16xf32>
      tpu.vector_store %arg8[%swap3A_72, %swap3A_73], %swap3A_76 {strides = array<i32>} : memref<128x128xf32, #tpu.memory_space<vmem>>, vector<1x16xf32>,
      %broadcast_in_dim3A_77 = arith.constant 0.000000e+00 : f32
      %broadcast_in_dim3A_78 = vector.broadcast %broadcast_in_dim3A_77 : f32 to vector<16xf32>
      %swap3A_79 = arith.index_cast %scan3A_36 : i32 to index
      %swap3A_80 = arith.constant 96 : index
      %swap3A_81 = tpu.vector_load %arg8[%swap3A_79, %swap3A_80] {strides = array<i32>} : memref<128x128xf32, #tpu.memory_space<vmem>>, vector<1x16xf32>,
      %swap3A_82 = vector.shape_cast %swap3A_81 : vector<1x16xf32> to vector<16xf32>
      %swap3A_83 = vector.shape_cast %broadcast_in_dim3A_78 : vector<16xf32> to vector<1x16xf32>
      tpu.vector_store %arg8[%swap3A_79, %swap3A_80], %swap3A_83 {strides = array<i32>} : memref<128x128xf32, #tpu.memory_space<vmem>>, vector<1x16xf32>,
      %broadcast_in_dim3A_84 = arith.constant 0.000000e+00 : f32
      %broadcast_in_dim3A_85 = vector.broadcast %broadcast_in_dim3A_84 : f32 to vector<16xf32>
      %swap3A_86 = arith.index_cast %scan3A_36 : i32 to index
      %swap3A_87 = arith.constant 112 : index
      %swap3A_88 = tpu.vector_load %arg8[%swap3A_86, %swap3A_87] {strides = array<i32>} : memref<128x128xf32, #tpu.memory_space<vmem>>, vector<1x16xf32>,
      %swap3A_89 = vector.shape_cast %swap3A_88 : vector<1x16xf32> to vector<16xf32>
      %swap3A_90 = vector.shape_cast %broadcast_in_dim3A_85 : vector<16xf32> to vector<1x16xf32>
      tpu.vector_store %arg8[%swap3A_86, %swap3A_87], %swap3A_90 {strides = array<i32>} : memref<128x128xf32, #tpu.memory_space<vmem>>, vector<1x16xf32>,
    }
    %scan3A_4 = arith.constant 128 : i32
    %scan3A_5 = arith.constant 0 : i32
    %scan3A_6 = arith.constant 0 : i32
    %scan3A_7 = arith.constant 5 : i32
    %scan3A_8 = arith.addi %scan3A_6, %scan3A_7 : i32
    %scan3A_9 = arith.constant 1 : i32
    scf.for %scan3A_36 = %scan3A_6 to %scan3A_8 step %scan3A_9  : i32 {
      %mul3A_37 = arith.constant 640 : i32
      %mul3A_38 = arith.muli %arg1, %mul3A_37 : i32
      %mul3A_39 = arith.constant 128 : i32
      %mul3A_40 = arith.muli %scan3A_36, %mul3A_39 : i32
      %add3A_41 = arith.addi %mul3A_38, %mul3A_40 : i32
      "tpu.region"() ({
        %run_scoped3A = tpu.sem_alloc : memref<!tpu.dma_semaphore, #tpu.memory_space<semaphore_mem>>
        %dma_start3A = arith.constant 0 : i32
        %dma_start3A_42 = tpu.memref_slice %arg10[%add3A_41, %dma_start3A] : memref<10240x128xf32, #tpu.memory_space<vmem_shared>> -> memref<128x128xf32, #tpu.memory_space<vmem_shared>>
        %dma_start3A_43 = arith.constant 0 : i32
        %dma_start3A_44 = tpu.memref_slice %arg10[%add3A_41, %dma_start3A_43] : memref<10240x128xf32, #tpu.memory_space<vmem_shared>> -> memref<128x128xf32, #tpu.memory_space<vmem_shared>>
        tpu.enqueue_dma source(%arg8 : memref<128x128xf32, #tpu.memory_space<vmem>>) target(%dma_start3A_44 : memref<128x128xf32, #tpu.memory_space<vmem_shared>>) target_semaphore(%run_scoped3A : memref<!tpu.dma_semaphore, #tpu.memory_space<semaphore_mem>>)
        %dma_wait3A = arith.constant 0 : i32
        %dma_wait3A_45 = tpu.memref_slice %arg10[%add3A_41, %dma_wait3A] : memref<10240x128xf32, #tpu.memory_space<vmem_shared>> -> memref<128x128xf32, #tpu.memory_space<vmem_shared>>
        %dma_wait3A_46 = arith.constant 0 : i32
        %dma_wait3A_47 = tpu.memref_slice %arg10[%add3A_41, %dma_wait3A_46] : memref<10240x128xf32, #tpu.memory_space<vmem_shared>> -> memref<128x128xf32, #tpu.memory_space<vmem_shared>>
        tpu.wait_dma2 semaphore(%run_scoped3A : memref<!tpu.dma_semaphore, #tpu.memory_space<semaphore_mem>>) src(%arg8 : memref<128x128xf32, #tpu.memory_space<vmem>>) dst(%dma_wait3A_47 : memref<128x128xf32, #tpu.memory_space<vmem_shared>>)
        tpu.yield
      }) : () -> ()
    }
    %scan3A_10 = arith.constant 5 : i32
    %barrier3A = arith.constant 0 : index
    tpu.barrier barrier_id(%barrier3A)
    %eq3A = arith.constant 0 : i32
    %eq3A_11 = arith.cmpi eq, %arg0, %eq3A : i32
    %jit3A = arith.constant 20 : i32
    %jit3A_12 = arith.constant 0 : i32
    %select_n3A = arith.select %eq3A_11, %jit3A, %jit3A_12 : i32
    %eq3A_13 = arith.constant 0 : i32
    %eq3A_14 = arith.cmpi eq, %arg0, %eq3A_13 : i32
    %mul3A = arith.constant 160 : i32
    %mul3A_15 = arith.muli %arg1, %mul3A : i32
    %mul3A_16 = arith.constant 0 : i32
    %mul3A_17 = arith.muli %arg1, %mul3A_16 : i32
    %add3A = arith.constant 2560 : i32
    %add3A_18 = arith.addi %add3A, %mul3A_17 : i32
    %select_n3A_19 = arith.select %eq3A_14, %mul3A_15, %add3A_18 : i32
    %while3A = arith.constant 0 : i32
    %while3A_20 = arith.constant 0 : i32
    %while3A_21 = arith.subi %select_n3A, %while3A_20 : i32
    %while3A_22 = arith.addi %while3A_20, %while3A_21 : i32
    %while3A_23 = arith.constant 1 : i32
    %while3A_24 = arith.divsi %while3A_21, %while3A_23 : i32
    %while3A_25 = arith.muli %while3A_24, %while3A_23 : i32
    %while3A_26 = arith.addi %while3A_20, %while3A_25 : i32
    %while3A_27 = arith.constant 1 : i32
    scf.for %while3A_36 = %while3A_20 to %while3A_26 step %while3A_27  : i32 {
      %mul3A_37 = arith.constant 8 : i32
      %mul3A_38 = arith.muli %while3A_36, %mul3A_37 : i32
      %add3A_39 = arith.addi %select_n3A_19, %mul3A_38 : i32
      "tpu.region"() ({
        %run_scoped3A = tpu.sem_alloc : memref<!tpu.dma_semaphore, #tpu.memory_space<semaphore_mem>>
        %dma_start3A_52 = arith.constant 0 : i32
        %dma_start3A_53 = tpu.memref_slice %arg3[%add3A_39, %dma_start3A_52] : memref<2560x128xi32, #tpu.memory_space<hbm>> -> memref<8x128xi32, #tpu.memory_space<hbm>>
        %dma_start3A_54 = arith.constant 0 : i32
        %dma_start3A_55 = tpu.memref_slice %arg3[%add3A_39, %dma_start3A_54] : memref<2560x128xi32, #tpu.memory_space<hbm>> -> memref<8x128xi32, #tpu.memory_space<hbm>>
        tpu.enqueue_dma source(%dma_start3A_55 : memref<8x128xi32, #tpu.memory_space<hbm>>) target(%arg6 : memref<8x128xi32, #tpu.memory_space<vmem>>) target_semaphore(%run_scoped3A : memref<!tpu.dma_semaphore, #tpu.memory_space<semaphore_mem>>)
        %dma_wait3A = arith.constant 0 : i32
        %dma_wait3A_56 = tpu.memref_slice %arg3[%add3A_39, %dma_wait3A] : memref<2560x128xi32, #tpu.memory_space<hbm>> -> memref<8x128xi32, #tpu.memory_space<hbm>>
        %dma_wait3A_57 = arith.constant 0 : i32
        %dma_wait3A_58 = tpu.memref_slice %arg3[%add3A_39, %dma_wait3A_57] : memref<2560x128xi32, #tpu.memory_space<hbm>> -> memref<8x128xi32, #tpu.memory_space<hbm>>
        tpu.wait_dma2 semaphore(%run_scoped3A : memref<!tpu.dma_semaphore, #tpu.memory_space<semaphore_mem>>) src(%dma_wait3A_58 : memref<8x128xi32, #tpu.memory_space<hbm>>) dst(%arg6 : memref<8x128xi32, #tpu.memory_space<vmem>>)
        tpu.yield
      }) : () -> ()
      "tpu.region"() ({
        %run_scoped3A = tpu.sem_alloc : memref<!tpu.dma_semaphore, #tpu.memory_space<semaphore_mem>>
        %dma_start3A_52 = arith.constant 0 : i32
        %dma_start3A_53 = tpu.memref_slice %arg4[%add3A_39, %dma_start3A_52] : memref<2560x128xi32, #tpu.memory_space<hbm>> -> memref<8x128xi32, #tpu.memory_space<hbm>>
        %dma_start3A_54 = arith.constant 0 : i32
        %dma_start3A_55 = tpu.memref_slice %arg4[%add3A_39, %dma_start3A_54] : memref<2560x128xi32, #tpu.memory_space<hbm>> -> memref<8x128xi32, #tpu.memory_space<hbm>>
        tpu.enqueue_dma source(%dma_start3A_55 : memref<8x128xi32, #tpu.memory_space<hbm>>) target(%arg7 : memref<8x128xi32, #tpu.memory_space<vmem>>) target_semaphore(%run_scoped3A : memref<!tpu.dma_semaphore, #tpu.memory_space<semaphore_mem>>)
        %dma_wait3A = arith.constant 0 : i32
        %dma_wait3A_56 = tpu.memref_slice %arg4[%add3A_39, %dma_wait3A] : memref<2560x128xi32, #tpu.memory_space<hbm>> -> memref<8x128xi32, #tpu.memory_space<hbm>>
        %dma_wait3A_57 = arith.constant 0 : i32
        %dma_wait3A_58 = tpu.memref_slice %arg4[%add3A_39, %dma_wait3A_57] : memref<2560x128xi32, #tpu.memory_space<hbm>> -> memref<8x128xi32, #tpu.memory_space<hbm>>
        tpu.wait_dma2 semaphore(%run_scoped3A : memref<!tpu.dma_semaphore, #tpu.memory_space<semaphore_mem>>) src(%dma_wait3A_58 : memref<8x128xi32, #tpu.memory_space<hbm>>) dst(%arg7 : memref<8x128xi32, #tpu.memory_space<vmem>>)
        tpu.yield
      }) : () -> ()
      %dma_start3A = arith.constant 0 : i32
      %dma_start3A_40 = arith.constant 0 : i32
      %dma_start3A_41 = tpu.memref_slice %arg6[%dma_start3A, %dma_start3A_40] : memref<8x128xi32, #tpu.memory_space<vmem>> -> memref<1x128xi32, #tpu.memory_space<vmem>>
      %dma_start3A_42 = tpu.memref_squeeze %dma_start3A_41 : memref<1x128xi32, #tpu.memory_space<vmem>> -> memref<128xi32, #tpu.memory_space<vmem>>
      %dma_start3A_43 = arith.constant 0 : i32
      %dma_start3A_44 = arith.constant 0 : i32
      %dma_start3A_45 = tpu.memref_slice %arg2[%dma_start3A_43, %dma_start3A_44] : memref<10240x128xf32, #tpu.memory_space<hbm>> -> memref<10240x128xf32, #tpu.memory_space<hbm>>
      tpu.enqueue_indirect_dma source(%dma_start3A_45 : memref<10240x128xf32, #tpu.memory_space<hbm>>) target(%arg8 : memref<128x128xf32, #tpu.memory_space<vmem>>) offsets(%dma_start3A_42 : memref<128xi32, #tpu.memory_space<vmem>>) semaphore(%arg11 : memref<!tpu.dma_semaphore, #tpu.memory_space<semaphore_mem>>)
      %scan3A_46 = arith.constant 0 : i32
      %scan3A_47 = arith.constant 0 : i32
      %scan3A_48 = arith.constant 4 : i32
      %scan3A_49 = arith.addi %scan3A_47, %scan3A_48 : i32
      %scan3A_50 = arith.constant 1 : i32
      scf.for %scan3A_52 = %scan3A_47 to %scan3A_49 step %scan3A_50  : i32 {
        %mul3A_53 = arith.constant 2 : i32
        %mul3A_54 = arith.muli %mul3A_53, %scan3A_52 : i32
        %mul3A_55 = arith.constant 2 : i32
        %mul3A_56 = arith.muli %mul3A_55, %scan3A_52 : i32
        %add3A_57 = arith.constant 1 : i32
        %add3A_58 = arith.addi %mul3A_56, %add3A_57 : i32
        %dma_start3A_59 = arith.constant 0 : i32
        %dma_start3A_60 = tpu.memref_slice %arg6[%add3A_58, %dma_start3A_59] : memref<8x128xi32, #tpu.memory_space<vmem>> -> memref<1x128xi32, #tpu.memory_space<vmem>>
        %dma_start3A_61 = tpu.memref_squeeze %dma_start3A_60 : memref<1x128xi32, #tpu.memory_space<vmem>> -> memref<128xi32, #tpu.memory_space<vmem>>
        %dma_start3A_62 = arith.constant 0 : i32
        %dma_start3A_63 = arith.constant 0 : i32
        %dma_start3A_64 = tpu.memref_slice %arg2[%dma_start3A_62, %dma_start3A_63] : memref<10240x128xf32, #tpu.memory_space<hbm>> -> memref<10240x128xf32, #tpu.memory_space<hbm>>
        tpu.enqueue_indirect_dma source(%dma_start3A_64 : memref<10240x128xf32, #tpu.memory_space<hbm>>) target(%arg9 : memref<128x128xf32, #tpu.memory_space<vmem>>) offsets(%dma_start3A_61 : memref<128xi32, #tpu.memory_space<vmem>>) semaphore(%arg12 : memref<!tpu.dma_semaphore, #tpu.memory_space<semaphore_mem>>)
        %dma_wait3A = arith.constant 0 : i32
        %dma_wait3A_65 = tpu.memref_slice %arg6[%mul3A_54, %dma_wait3A] : memref<8x128xi32, #tpu.memory_space<vmem>> -> memref<1x128xi32, #tpu.memory_space<vmem>>
        %dma_wait3A_66 = tpu.memref_squeeze %dma_wait3A_65 : memref<1x128xi32, #tpu.memory_space<vmem>> -> memref<128xi32, #tpu.memory_space<vmem>>
        %dma_wait3A_67 = arith.constant 0 : i32
        %dma_wait3A_68 = arith.constant 0 : i32
        %dma_wait3A_69 = tpu.memref_slice %arg2[%dma_wait3A_67, %dma_wait3A_68] : memref<10240x128xf32, #tpu.memory_space<hbm>> -> memref<10240x128xf32, #tpu.memory_space<hbm>>
        tpu.wait_indirect_dma semaphore(%arg11 : memref<!tpu.dma_semaphore, #tpu.memory_space<semaphore_mem>>) src(%dma_wait3A_69 : memref<10240x128xf32, #tpu.memory_space<hbm>>) dst(%arg8 : memref<128x128xf32, #tpu.memory_space<vmem>>)
        "tpu.region"() ({
          %run_scoped3A = tpu.sem_alloc : memref<!tpu.dma_semaphore, #tpu.memory_space<semaphore_mem>>
          %dma_start3A_78 = arith.constant 0 : i32
          %dma_start3A_79 = tpu.memref_slice %arg7[%mul3A_54, %dma_start3A_78] : memref<8x128xi32, #tpu.memory_space<vmem>> -> memref<1x128xi32, #tpu.memory_space<vmem>>
          %dma_start3A_80 = tpu.memref_squeeze %dma_start3A_79 : memref<1x128xi32, #tpu.memory_space<vmem>> -> memref<128xi32, #tpu.memory_space<vmem>>
          %dma_start3A_81 = arith.constant 0 : i32
          %dma_start3A_82 = arith.constant 0 : i32
          %dma_start3A_83 = tpu.memref_slice %arg10[%dma_start3A_81, %dma_start3A_82] : memref<10240x128xf32, #tpu.memory_space<vmem_shared>> -> memref<10240x128xf32, #tpu.memory_space<vmem_shared>>
          tpu.enqueue_indirect_dma source(%arg8 : memref<128x128xf32, #tpu.memory_space<vmem>>) target(%dma_start3A_83 : memref<10240x128xf32, #tpu.memory_space<vmem_shared>>) offsets(%dma_start3A_80 : memref<128xi32, #tpu.memory_space<vmem>>) semaphore(%run_scoped3A : memref<!tpu.dma_semaphore, #tpu.memory_space<semaphore_mem>>) {add = true}
          %dma_wait3A_84 = arith.constant 0 : i32
          %dma_wait3A_85 = tpu.memref_slice %arg7[%mul3A_54, %dma_wait3A_84] : memref<8x128xi32, #tpu.memory_space<vmem>> -> memref<1x128xi32, #tpu.memory_space<vmem>>
          %dma_wait3A_86 = tpu.memref_squeeze %dma_wait3A_85 : memref<1x128xi32, #tpu.memory_space<vmem>> -> memref<128xi32, #tpu.memory_space<vmem>>
          %dma_wait3A_87 = arith.constant 0 : i32
          %dma_wait3A_88 = arith.constant 0 : i32
          %dma_wait3A_89 = tpu.memref_slice %arg10[%dma_wait3A_87, %dma_wait3A_88] : memref<10240x128xf32, #tpu.memory_space<vmem_shared>> -> memref<10240x128xf32, #tpu.memory_space<vmem_shared>>
          tpu.wait_indirect_dma semaphore(%run_scoped3A : memref<!tpu.dma_semaphore, #tpu.memory_space<semaphore_mem>>) src(%arg8 : memref<128x128xf32, #tpu.memory_space<vmem>>) dst(%dma_wait3A_89 : memref<10240x128xf32, #tpu.memory_space<vmem_shared>>)
          tpu.yield
        }) : () -> ()
        %lt3A = arith.constant 3 : i32
        %lt3A_70 = arith.cmpi slt, %scan3A_52, %lt3A : i32
        %convert_element_type3A = arith.extui %lt3A_70 : i1 to i32
        %cond3A = arith.constant 0 : i32
        %cond3A_71 = arith.cmpi ne, %convert_element_type3A, %cond3A : i32
        scf.if %cond3A_71 {
          %add3A_78 = arith.constant 2 : i32
          %add3A_79 = arith.addi %mul3A_54, %add3A_78 : i32
          %dma_start3A_80 = arith.constant 0 : i32
          %dma_start3A_81 = tpu.memref_slice %arg6[%add3A_79, %dma_start3A_80] : memref<8x128xi32, #tpu.memory_space<vmem>> -> memref<1x128xi32, #tpu.memory_space<vmem>>
          %dma_start3A_82 = tpu.memref_squeeze %dma_start3A_81 : memref<1x128xi32, #tpu.memory_space<vmem>> -> memref<128xi32, #tpu.memory_space<vmem>>
          %dma_start3A_83 = arith.constant 0 : i32
          %dma_start3A_84 = arith.constant 0 : i32
          %dma_start3A_85 = tpu.memref_slice %arg2[%dma_start3A_83, %dma_start3A_84] : memref<10240x128xf32, #tpu.memory_space<hbm>> -> memref<10240x128xf32, #tpu.memory_space<hbm>>
          tpu.enqueue_indirect_dma source(%dma_start3A_85 : memref<10240x128xf32, #tpu.memory_space<hbm>>) target(%arg8 : memref<128x128xf32, #tpu.memory_space<vmem>>) offsets(%dma_start3A_82 : memref<128xi32, #tpu.memory_space<vmem>>) semaphore(%arg11 : memref<!tpu.dma_semaphore, #tpu.memory_space<semaphore_mem>>)
        } else {
        }
        %dma_wait3A_72 = arith.constant 0 : i32
        %dma_wait3A_73 = tpu.memref_slice %arg6[%add3A_58, %dma_wait3A_72] : memref<8x128xi32, #tpu.memory_space<vmem>> -> memref<1x128xi32, #tpu.memory_space<vmem>>
        %dma_wait3A_74 = tpu.memref_squeeze %dma_wait3A_73 : memref<1x128xi32, #tpu.memory_space<vmem>> -> memref<128xi32, #tpu.memory_space<vmem>>
        %dma_wait3A_75 = arith.constant 0 : i32
        %dma_wait3A_76 = arith.constant 0 : i32
        %dma_wait3A_77 = tpu.memref_slice %arg2[%dma_wait3A_75, %dma_wait3A_76] : memref<10240x128xf32, #tpu.memory_space<hbm>> -> memref<10240x128xf32, #tpu.memory_space<hbm>>
        tpu.wait_indirect_dma semaphore(%arg12 : memref<!tpu.dma_semaphore, #tpu.memory_space<semaphore_mem>>) src(%dma_wait3A_77 : memref<10240x128xf32, #tpu.memory_space<hbm>>) dst(%arg9 : memref<128x128xf32, #tpu.memory_space<vmem>>)
        "tpu.region"() ({
          %run_scoped3A = tpu.sem_alloc : memref<!tpu.dma_semaphore, #tpu.memory_space<semaphore_mem>>
          %dma_start3A_78 = arith.constant 0 : i32
          %dma_start3A_79 = tpu.memref_slice %arg7[%add3A_58, %dma_start3A_78] : memref<8x128xi32, #tpu.memory_space<vmem>> -> memref<1x128xi32, #tpu.memory_space<vmem>>
          %dma_start3A_80 = tpu.memref_squeeze %dma_start3A_79 : memref<1x128xi32, #tpu.memory_space<vmem>> -> memref<128xi32, #tpu.memory_space<vmem>>
          %dma_start3A_81 = arith.constant 0 : i32
          %dma_start3A_82 = arith.constant 0 : i32
          %dma_start3A_83 = tpu.memref_slice %arg10[%dma_start3A_81, %dma_start3A_82] : memref<10240x128xf32, #tpu.memory_space<vmem_shared>> -> memref<10240x128xf32, #tpu.memory_space<vmem_shared>>
          tpu.enqueue_indirect_dma source(%arg9 : memref<128x128xf32, #tpu.memory_space<vmem>>) target(%dma_start3A_83 : memref<10240x128xf32, #tpu.memory_space<vmem_shared>>) offsets(%dma_start3A_80 : memref<128xi32, #tpu.memory_space<vmem>>) semaphore(%run_scoped3A : memref<!tpu.dma_semaphore, #tpu.memory_space<semaphore_mem>>) {add = true}
          %dma_wait3A_84 = arith.constant 0 : i32
          %dma_wait3A_85 = tpu.memref_slice %arg7[%add3A_58, %dma_wait3A_84] : memref<8x128xi32, #tpu.memory_space<vmem>> -> memref<1x128xi32, #tpu.memory_space<vmem>>
          %dma_wait3A_86 = tpu.memref_squeeze %dma_wait3A_85 : memref<1x128xi32, #tpu.memory_space<vmem>> -> memref<128xi32, #tpu.memory_space<vmem>>
          %dma_wait3A_87 = arith.constant 0 : i32
          %dma_wait3A_88 = arith.constant 0 : i32
          %dma_wait3A_89 = tpu.memref_slice %arg10[%dma_wait3A_87, %dma_wait3A_88] : memref<10240x128xf32, #tpu.memory_space<vmem_shared>> -> memref<10240x128xf32, #tpu.memory_space<vmem_shared>>
          tpu.wait_indirect_dma semaphore(%run_scoped3A : memref<!tpu.dma_semaphore, #tpu.memory_space<semaphore_mem>>) src(%arg9 : memref<128x128xf32, #tpu.memory_space<vmem>>) dst(%dma_wait3A_89 : memref<10240x128xf32, #tpu.memory_space<vmem_shared>>)
          tpu.yield
        }) : () -> ()
      }
      %scan3A_51 = arith.constant 4 : i32
    }
    %while3A_28 = arith.constant 1 : i32
    scf.for %while3A_36 = %while3A_26 to %while3A_22 step %while3A_28  : i32 {
      %mul3A_37 = arith.constant 8 : i32
      %mul3A_38 = arith.muli %while3A_36, %mul3A_37 : i32
      %add3A_39 = arith.addi %select_n3A_19, %mul3A_38 : i32
      "tpu.region"() ({
        %run_scoped3A = tpu.sem_alloc : memref<!tpu.dma_semaphore, #tpu.memory_space<semaphore_mem>>
        %dma_start3A_52 = arith.constant 0 : i32
        %dma_start3A_53 = tpu.memref_slice %arg3[%add3A_39, %dma_start3A_52] : memref<2560x128xi32, #tpu.memory_space<hbm>> -> memref<8x128xi32, #tpu.memory_space<hbm>>
        %dma_start3A_54 = arith.constant 0 : i32
        %dma_start3A_55 = tpu.memref_slice %arg3[%add3A_39, %dma_start3A_54] : memref<2560x128xi32, #tpu.memory_space<hbm>> -> memref<8x128xi32, #tpu.memory_space<hbm>>
        tpu.enqueue_dma source(%dma_start3A_55 : memref<8x128xi32, #tpu.memory_space<hbm>>) target(%arg6 : memref<8x128xi32, #tpu.memory_space<vmem>>) target_semaphore(%run_scoped3A : memref<!tpu.dma_semaphore, #tpu.memory_space<semaphore_mem>>)
        %dma_wait3A = arith.constant 0 : i32
        %dma_wait3A_56 = tpu.memref_slice %arg3[%add3A_39, %dma_wait3A] : memref<2560x128xi32, #tpu.memory_space<hbm>> -> memref<8x128xi32, #tpu.memory_space<hbm>>
        %dma_wait3A_57 = arith.constant 0 : i32
        %dma_wait3A_58 = tpu.memref_slice %arg3[%add3A_39, %dma_wait3A_57] : memref<2560x128xi32, #tpu.memory_space<hbm>> -> memref<8x128xi32, #tpu.memory_space<hbm>>
        tpu.wait_dma2 semaphore(%run_scoped3A : memref<!tpu.dma_semaphore, #tpu.memory_space<semaphore_mem>>) src(%dma_wait3A_58 : memref<8x128xi32, #tpu.memory_space<hbm>>) dst(%arg6 : memref<8x128xi32, #tpu.memory_space<vmem>>)
        tpu.yield
      }) : () -> ()
      "tpu.region"() ({
        %run_scoped3A = tpu.sem_alloc : memref<!tpu.dma_semaphore, #tpu.memory_space<semaphore_mem>>
        %dma_start3A_52 = arith.constant 0 : i32
        %dma_start3A_53 = tpu.memref_slice %arg4[%add3A_39, %dma_start3A_52] : memref<2560x128xi32, #tpu.memory_space<hbm>> -> memref<8x128xi32, #tpu.memory_space<hbm>>
        %dma_start3A_54 = arith.constant 0 : i32
        %dma_start3A_55 = tpu.memref_slice %arg4[%add3A_39, %dma_start3A_54] : memref<2560x128xi32, #tpu.memory_space<hbm>> -> memref<8x128xi32, #tpu.memory_space<hbm>>
        tpu.enqueue_dma source(%dma_start3A_55 : memref<8x128xi32, #tpu.memory_space<hbm>>) target(%arg7 : memref<8x128xi32, #tpu.memory_space<vmem>>) target_semaphore(%run_scoped3A : memref<!tpu.dma_semaphore, #tpu.memory_space<semaphore_mem>>)
        %dma_wait3A = arith.constant 0 : i32
        %dma_wait3A_56 = tpu.memref_slice %arg4[%add3A_39, %dma_wait3A] : memref<2560x128xi32, #tpu.memory_space<hbm>> -> memref<8x128xi32, #tpu.memory_space<hbm>>
        %dma_wait3A_57 = arith.constant 0 : i32
        %dma_wait3A_58 = tpu.memref_slice %arg4[%add3A_39, %dma_wait3A_57] : memref<2560x128xi32, #tpu.memory_space<hbm>> -> memref<8x128xi32, #tpu.memory_space<hbm>>
        tpu.wait_dma2 semaphore(%run_scoped3A : memref<!tpu.dma_semaphore, #tpu.memory_space<semaphore_mem>>) src(%dma_wait3A_58 : memref<8x128xi32, #tpu.memory_space<hbm>>) dst(%arg7 : memref<8x128xi32, #tpu.memory_space<vmem>>)
        tpu.yield
      }) : () -> ()
      %dma_start3A = arith.constant 0 : i32
      %dma_start3A_40 = arith.constant 0 : i32
      %dma_start3A_41 = tpu.memref_slice %arg6[%dma_start3A, %dma_start3A_40] : memref<8x128xi32, #tpu.memory_space<vmem>> -> memref<1x128xi32, #tpu.memory_space<vmem>>
      %dma_start3A_42 = tpu.memref_squeeze %dma_start3A_41 : memref<1x128xi32, #tpu.memory_space<vmem>> -> memref<128xi32, #tpu.memory_space<vmem>>
      %dma_start3A_43 = arith.constant 0 : i32
      %dma_start3A_44 = arith.constant 0 : i32
      %dma_start3A_45 = tpu.memref_slice %arg2[%dma_start3A_43, %dma_start3A_44] : memref<10240x128xf32, #tpu.memory_space<hbm>> -> memref<10240x128xf32, #tpu.memory_space<hbm>>
      tpu.enqueue_indirect_dma source(%dma_start3A_45 : memref<10240x128xf32, #tpu.memory_space<hbm>>) target(%arg8 : memref<128x128xf32, #tpu.memory_space<vmem>>) offsets(%dma_start3A_42 : memref<128xi32, #tpu.memory_space<vmem>>) semaphore(%arg11 : memref<!tpu.dma_semaphore, #tpu.memory_space<semaphore_mem>>)
      %scan3A_46 = arith.constant 0 : i32
      %scan3A_47 = arith.constant 0 : i32
      %scan3A_48 = arith.constant 4 : i32
      %scan3A_49 = arith.addi %scan3A_47, %scan3A_48 : i32
      %scan3A_50 = arith.constant 1 : i32
      scf.for %scan3A_52 = %scan3A_47 to %scan3A_49 step %scan3A_50  : i32 {
        %mul3A_53 = arith.constant 2 : i32
        %mul3A_54 = arith.muli %mul3A_53, %scan3A_52 : i32
        %mul3A_55 = arith.constant 2 : i32
        %mul3A_56 = arith.muli %mul3A_55, %scan3A_52 : i32
        %add3A_57 = arith.constant 1 : i32
        %add3A_58 = arith.addi %mul3A_56, %add3A_57 : i32
        %dma_start3A_59 = arith.constant 0 : i32
        %dma_start3A_60 = tpu.memref_slice %arg6[%add3A_58, %dma_start3A_59] : memref<8x128xi32, #tpu.memory_space<vmem>> -> memref<1x128xi32, #tpu.memory_space<vmem>>
        %dma_start3A_61 = tpu.memref_squeeze %dma_start3A_60 : memref<1x128xi32, #tpu.memory_space<vmem>> -> memref<128xi32, #tpu.memory_space<vmem>>
        %dma_start3A_62 = arith.constant 0 : i32
        %dma_start3A_63 = arith.constant 0 : i32
        %dma_start3A_64 = tpu.memref_slice %arg2[%dma_start3A_62, %dma_start3A_63] : memref<10240x128xf32, #tpu.memory_space<hbm>> -> memref<10240x128xf32, #tpu.memory_space<hbm>>
        tpu.enqueue_indirect_dma source(%dma_start3A_64 : memref<10240x128xf32, #tpu.memory_space<hbm>>) target(%arg9 : memref<128x128xf32, #tpu.memory_space<vmem>>) offsets(%dma_start3A_61 : memref<128xi32, #tpu.memory_space<vmem>>) semaphore(%arg12 : memref<!tpu.dma_semaphore, #tpu.memory_space<semaphore_mem>>)
        %dma_wait3A = arith.constant 0 : i32
        %dma_wait3A_65 = tpu.memref_slice %arg6[%mul3A_54, %dma_wait3A] : memref<8x128xi32, #tpu.memory_space<vmem>> -> memref<1x128xi32, #tpu.memory_space<vmem>>
        %dma_wait3A_66 = tpu.memref_squeeze %dma_wait3A_65 : memref<1x128xi32, #tpu.memory_space<vmem>> -> memref<128xi32, #tpu.memory_space<vmem>>
        %dma_wait3A_67 = arith.constant 0 : i32
        %dma_wait3A_68 = arith.constant 0 : i32
        %dma_wait3A_69 = tpu.memref_slice %arg2[%dma_wait3A_67, %dma_wait3A_68] : memref<10240x128xf32, #tpu.memory_space<hbm>> -> memref<10240x128xf32, #tpu.memory_space<hbm>>
        tpu.wait_indirect_dma semaphore(%arg11 : memref<!tpu.dma_semaphore, #tpu.memory_space<semaphore_mem>>) src(%dma_wait3A_69 : memref<10240x128xf32, #tpu.memory_space<hbm>>) dst(%arg8 : memref<128x128xf32, #tpu.memory_space<vmem>>)
        "tpu.region"() ({
          %run_scoped3A = tpu.sem_alloc : memref<!tpu.dma_semaphore, #tpu.memory_space<semaphore_mem>>
          %dma_start3A_78 = arith.constant 0 : i32
          %dma_start3A_79 = tpu.memref_slice %arg7[%mul3A_54, %dma_start3A_78] : memref<8x128xi32, #tpu.memory_space<vmem>> -> memref<1x128xi32, #tpu.memory_space<vmem>>
          %dma_start3A_80 = tpu.memref_squeeze %dma_start3A_79 : memref<1x128xi32, #tpu.memory_space<vmem>> -> memref<128xi32, #tpu.memory_space<vmem>>
          %dma_start3A_81 = arith.constant 0 : i32
          %dma_start3A_82 = arith.constant 0 : i32
          %dma_start3A_83 = tpu.memref_slice %arg10[%dma_start3A_81, %dma_start3A_82] : memref<10240x128xf32, #tpu.memory_space<vmem_shared>> -> memref<10240x128xf32, #tpu.memory_space<vmem_shared>>
          tpu.enqueue_indirect_dma source(%arg8 : memref<128x128xf32, #tpu.memory_space<vmem>>) target(%dma_start3A_83 : memref<10240x128xf32, #tpu.memory_space<vmem_shared>>) offsets(%dma_start3A_80 : memref<128xi32, #tpu.memory_space<vmem>>) semaphore(%run_scoped3A : memref<!tpu.dma_semaphore, #tpu.memory_space<semaphore_mem>>) {add = true}
          %dma_wait3A_84 = arith.constant 0 : i32
          %dma_wait3A_85 = tpu.memref_slice %arg7[%mul3A_54, %dma_wait3A_84] : memref<8x128xi32, #tpu.memory_space<vmem>> -> memref<1x128xi32, #tpu.memory_space<vmem>>
          %dma_wait3A_86 = tpu.memref_squeeze %dma_wait3A_85 : memref<1x128xi32, #tpu.memory_space<vmem>> -> memref<128xi32, #tpu.memory_space<vmem>>
          %dma_wait3A_87 = arith.constant 0 : i32
          %dma_wait3A_88 = arith.constant 0 : i32
          %dma_wait3A_89 = tpu.memref_slice %arg10[%dma_wait3A_87, %dma_wait3A_88] : memref<10240x128xf32, #tpu.memory_space<vmem_shared>> -> memref<10240x128xf32, #tpu.memory_space<vmem_shared>>
          tpu.wait_indirect_dma semaphore(%run_scoped3A : memref<!tpu.dma_semaphore, #tpu.memory_space<semaphore_mem>>) src(%arg8 : memref<128x128xf32, #tpu.memory_space<vmem>>) dst(%dma_wait3A_89 : memref<10240x128xf32, #tpu.memory_space<vmem_shared>>)
          tpu.yield
        }) : () -> ()
        %lt3A = arith.constant 3 : i32
        %lt3A_70 = arith.cmpi slt, %scan3A_52, %lt3A : i32
        %convert_element_type3A = arith.extui %lt3A_70 : i1 to i32
        %cond3A = arith.constant 0 : i32
        %cond3A_71 = arith.cmpi ne, %convert_element_type3A, %cond3A : i32
        scf.if %cond3A_71 {
          %add3A_78 = arith.constant 2 : i32
          %add3A_79 = arith.addi %mul3A_54, %add3A_78 : i32
          %dma_start3A_80 = arith.constant 0 : i32
          %dma_start3A_81 = tpu.memref_slice %arg6[%add3A_79, %dma_start3A_80] : memref<8x128xi32, #tpu.memory_space<vmem>> -> memref<1x128xi32, #tpu.memory_space<vmem>>
          %dma_start3A_82 = tpu.memref_squeeze %dma_start3A_81 : memref<1x128xi32, #tpu.memory_space<vmem>> -> memref<128xi32, #tpu.memory_space<vmem>>
          %dma_start3A_83 = arith.constant 0 : i32
          %dma_start3A_84 = arith.constant 0 : i32
          %dma_start3A_85 = tpu.memref_slice %arg2[%dma_start3A_83, %dma_start3A_84] : memref<10240x128xf32, #tpu.memory_space<hbm>> -> memref<10240x128xf32, #tpu.memory_space<hbm>>
          tpu.enqueue_indirect_dma source(%dma_start3A_85 : memref<10240x128xf32, #tpu.memory_space<hbm>>) target(%arg8 : memref<128x128xf32, #tpu.memory_space<vmem>>) offsets(%dma_start3A_82 : memref<128xi32, #tpu.memory_space<vmem>>) semaphore(%arg11 : memref<!tpu.dma_semaphore, #tpu.memory_space<semaphore_mem>>)
        } else {
        }
        %dma_wait3A_72 = arith.constant 0 : i32
        %dma_wait3A_73 = tpu.memref_slice %arg6[%add3A_58, %dma_wait3A_72] : memref<8x128xi32, #tpu.memory_space<vmem>> -> memref<1x128xi32, #tpu.memory_space<vmem>>
        %dma_wait3A_74 = tpu.memref_squeeze %dma_wait3A_73 : memref<1x128xi32, #tpu.memory_space<vmem>> -> memref<128xi32, #tpu.memory_space<vmem>>
        %dma_wait3A_75 = arith.constant 0 : i32
        %dma_wait3A_76 = arith.constant 0 : i32
        %dma_wait3A_77 = tpu.memref_slice %arg2[%dma_wait3A_75, %dma_wait3A_76] : memref<10240x128xf32, #tpu.memory_space<hbm>> -> memref<10240x128xf32, #tpu.memory_space<hbm>>
        tpu.wait_indirect_dma semaphore(%arg12 : memref<!tpu.dma_semaphore, #tpu.memory_space<semaphore_mem>>) src(%dma_wait3A_77 : memref<10240x128xf32, #tpu.memory_space<hbm>>) dst(%arg9 : memref<128x128xf32, #tpu.memory_space<vmem>>)
        "tpu.region"() ({
          %run_scoped3A = tpu.sem_alloc : memref<!tpu.dma_semaphore, #tpu.memory_space<semaphore_mem>>
          %dma_start3A_78 = arith.constant 0 : i32
          %dma_start3A_79 = tpu.memref_slice %arg7[%add3A_58, %dma_start3A_78] : memref<8x128xi32, #tpu.memory_space<vmem>> -> memref<1x128xi32, #tpu.memory_space<vmem>>
          %dma_start3A_80 = tpu.memref_squeeze %dma_start3A_79 : memref<1x128xi32, #tpu.memory_space<vmem>> -> memref<128xi32, #tpu.memory_space<vmem>>
          %dma_start3A_81 = arith.constant 0 : i32
          %dma_start3A_82 = arith.constant 0 : i32
          %dma_start3A_83 = tpu.memref_slice %arg10[%dma_start3A_81, %dma_start3A_82] : memref<10240x128xf32, #tpu.memory_space<vmem_shared>> -> memref<10240x128xf32, #tpu.memory_space<vmem_shared>>
          tpu.enqueue_indirect_dma source(%arg9 : memref<128x128xf32, #tpu.memory_space<vmem>>) target(%dma_start3A_83 : memref<10240x128xf32, #tpu.memory_space<vmem_shared>>) offsets(%dma_start3A_80 : memref<128xi32, #tpu.memory_space<vmem>>) semaphore(%run_scoped3A : memref<!tpu.dma_semaphore, #tpu.memory_space<semaphore_mem>>) {add = true}
          %dma_wait3A_84 = arith.constant 0 : i32
          %dma_wait3A_85 = tpu.memref_slice %arg7[%add3A_58, %dma_wait3A_84] : memref<8x128xi32, #tpu.memory_space<vmem>> -> memref<1x128xi32, #tpu.memory_space<vmem>>
          %dma_wait3A_86 = tpu.memref_squeeze %dma_wait3A_85 : memref<1x128xi32, #tpu.memory_space<vmem>> -> memref<128xi32, #tpu.memory_space<vmem>>
          %dma_wait3A_87 = arith.constant 0 : i32
          %dma_wait3A_88 = arith.constant 0 : i32
          %dma_wait3A_89 = tpu.memref_slice %arg10[%dma_wait3A_87, %dma_wait3A_88] : memref<10240x128xf32, #tpu.memory_space<vmem_shared>> -> memref<10240x128xf32, #tpu.memory_space<vmem_shared>>
          tpu.wait_indirect_dma semaphore(%run_scoped3A : memref<!tpu.dma_semaphore, #tpu.memory_space<semaphore_mem>>) src(%arg9 : memref<128x128xf32, #tpu.memory_space<vmem>>) dst(%dma_wait3A_89 : memref<10240x128xf32, #tpu.memory_space<vmem_shared>>)
          tpu.yield
        }) : () -> ()
      }
      %scan3A_51 = arith.constant 4 : i32
    }
    %barrier3A_29 = arith.constant 0 : index
    tpu.barrier barrier_id(%barrier3A_29)
    %scan3A_30 = arith.constant 0 : i32
    %scan3A_31 = arith.constant 0 : i32
    %scan3A_32 = arith.constant 5 : i32
    %scan3A_33 = arith.addi %scan3A_31, %scan3A_32 : i32
    %scan3A_34 = arith.constant 1 : i32
    scf.for %scan3A_36 = %scan3A_31 to %scan3A_33 step %scan3A_34  : i32 {
      %mul3A_37 = arith.constant 640 : i32
      %mul3A_38 = arith.muli %arg1, %mul3A_37 : i32
      %mul3A_39 = arith.constant 128 : i32
      %mul3A_40 = arith.muli %scan3A_36, %mul3A_39 : i32
      %add3A_41 = arith.addi %mul3A_38, %mul3A_40 : i32
      "tpu.region"() ({
        %run_scoped3A = tpu.sem_alloc : memref<!tpu.dma_semaphore, #tpu.memory_space<semaphore_mem>>
        %dma_start3A = arith.constant 0 : i32
        %dma_start3A_42 = tpu.memref_slice %arg10[%add3A_41, %dma_start3A] : memref<10240x128xf32, #tpu.memory_space<vmem_shared>> -> memref<128x128xf32, #tpu.memory_space<vmem_shared>>
        %dma_start3A_43 = arith.constant 0 : i32
        %dma_start3A_44 = tpu.memref_slice %arg10[%add3A_41, %dma_start3A_43] : memref<10240x128xf32, #tpu.memory_space<vmem_shared>> -> memref<128x128xf32, #tpu.memory_space<vmem_shared>>
        tpu.enqueue_dma source(%dma_start3A_44 : memref<128x128xf32, #tpu.memory_space<vmem_shared>>) target(%arg8 : memref<128x128xf32, #tpu.memory_space<vmem>>) target_semaphore(%run_scoped3A : memref<!tpu.dma_semaphore, #tpu.memory_space<semaphore_mem>>)
        %dma_wait3A = arith.constant 0 : i32
        %dma_wait3A_45 = tpu.memref_slice %arg10[%add3A_41, %dma_wait3A] : memref<10240x128xf32, #tpu.memory_space<vmem_shared>> -> memref<128x128xf32, #tpu.memory_space<vmem_shared>>
        %dma_wait3A_46 = arith.constant 0 : i32
        %dma_wait3A_47 = tpu.memref_slice %arg10[%add3A_41, %dma_wait3A_46] : memref<10240x128xf32, #tpu.memory_space<vmem_shared>> -> memref<128x128xf32, #tpu.memory_space<vmem_shared>>
        tpu.wait_dma2 semaphore(%run_scoped3A : memref<!tpu.dma_semaphore, #tpu.memory_space<semaphore_mem>>) src(%dma_wait3A_47 : memref<128x128xf32, #tpu.memory_space<vmem_shared>>) dst(%arg8 : memref<128x128xf32, #tpu.memory_space<vmem>>)
        tpu.yield
      }) : () -> ()
      "tpu.region"() ({
        %run_scoped3A = tpu.sem_alloc : memref<!tpu.dma_semaphore, #tpu.memory_space<semaphore_mem>>
        %dma_start3A = arith.constant 0 : i32
        %dma_start3A_42 = tpu.memref_slice %arg5[%arg0, %add3A_41, %dma_start3A] : memref<2x10240x128xf32, #tpu.memory_space<hbm>> -> memref<1x128x128xf32, #tpu.memory_space<hbm>>
        %dma_start3A_43 = tpu.memref_squeeze %dma_start3A_42 : memref<1x128x128xf32, #tpu.memory_space<hbm>> -> memref<128x128xf32, #tpu.memory_space<hbm>>
        %dma_start3A_44 = arith.constant 0 : i32
        %dma_start3A_45 = tpu.memref_slice %arg5[%arg0, %add3A_41, %dma_start3A_44] : memref<2x10240x128xf32, #tpu.memory_space<hbm>> -> memref<1x128x128xf32, #tpu.memory_space<hbm>>
        %dma_start3A_46 = tpu.memref_squeeze %dma_start3A_45 : memref<1x128x128xf32, #tpu.memory_space<hbm>> -> memref<128x128xf32, #tpu.memory_space<hbm>>
        tpu.enqueue_dma source(%arg8 : memref<128x128xf32, #tpu.memory_space<vmem>>) target(%dma_start3A_46 : memref<128x128xf32, #tpu.memory_space<hbm>>) target_semaphore(%run_scoped3A : memref<!tpu.dma_semaphore, #tpu.memory_space<semaphore_mem>>)
        %dma_wait3A = arith.constant 0 : i32
        %dma_wait3A_47 = tpu.memref_slice %arg5[%arg0, %add3A_41, %dma_wait3A] : memref<2x10240x128xf32, #tpu.memory_space<hbm>> -> memref<1x128x128xf32, #tpu.memory_space<hbm>>
        %dma_wait3A_48 = tpu.memref_squeeze %dma_wait3A_47 : memref<1x128x128xf32, #tpu.memory_space<hbm>> -> memref<128x128xf32, #tpu.memory_space<hbm>>
        %dma_wait3A_49 = arith.constant 0 : i32
        %dma_wait3A_50 = tpu.memref_slice %arg5[%arg0, %add3A_41, %dma_wait3A_49] : memref<2x10240x128xf32, #tpu.memory_space<hbm>> -> memref<1x128x128xf32, #tpu.memory_space<hbm>>
        %dma_wait3A_51 = tpu.memref_squeeze %dma_wait3A_50 : memref<1x128x128xf32, #tpu.memory_space<hbm>> -> memref<128x128xf32, #tpu.memory_space<hbm>>
        tpu.wait_dma2 semaphore(%run_scoped3A : memref<!tpu.dma_semaphore, #tpu.memory_space<semaphore_mem>>) src(%arg8 : memref<128x128xf32, #tpu.memory_space<vmem>>) dst(%dma_wait3A_51 : memref<128x128xf32, #tpu.memory_space<hbm>>)
        tpu.yield
      }) : () -> ()
    }
    %scan3A_35 = arith.constant 5 : i32
    return
  }
}

#map = affine_map<(d0, d1) -> (0, 0)>
#map1 = affine_map<(d0, d1) -> (0, 0, 0)>
module attributes {stable_mosaic.version = 14 : i64} {
  func.func @_edge_acc_body(%arg0: i32, %arg1: i32, %arg2: memref<10240x128xf32, #tpu.memory_space<hbm>>, %arg3: memref<2560x128xi32, #tpu.memory_space<hbm>>, %arg4: memref<2560x128xi32, #tpu.memory_space<hbm>>, %arg5: memref<2x10240x128xf32, #tpu.memory_space<hbm>>, %arg6: memref<8x128xi32, #tpu.memory_space<vmem>>, %arg7: memref<8x128xi32, #tpu.memory_space<vmem>>, %arg8: memref<128x128xf32, #tpu.memory_space<vmem>>, %arg9: memref<128x128xf32, #tpu.memory_space<vmem>>, %arg10: memref<10240x128xf32, #tpu.memory_space<vmem_shared>>, %arg11: memref<!tpu.dma_semaphore, #tpu.memory_space<semaphore_mem>>, %arg12: memref<!tpu.dma_semaphore, #tpu.memory_space<semaphore_mem>>) attributes {dimension_semantics = [#tpu.dimension_semantics<core_parallel>, #tpu.dimension_semantics<subcore_parallel>], iteration_bounds = array<i64: 2, 16>, scalar_prefetch = 0 : i64, scratch_operands = 7 : i64, tpu.core_type = #tpu.core_type<sc_vector_subcore>, window_params = [{transform_indices = #map}, {transform_indices = #map}, {transform_indices = #map}, {transform_indices = #map1}]} {
    %scan3A = arith.constant 0 : i32
    %scan3A_0 = arith.constant 0 : i32
    %scan3A_1 = arith.constant 128 : i32
    %scan3A_2 = arith.addi %scan3A_0, %scan3A_1 : i32
    %scan3A_3 = arith.constant 1 : i32
    scf.for %scan3A_36 = %scan3A_0 to %scan3A_2 step %scan3A_3  : i32 {
      %broadcast_in_dim3A = arith.constant 0.000000e+00 : f32
      %broadcast_in_dim3A_37 = vector.broadcast %broadcast_in_dim3A : f32 to vector<16xf32>
      %swap3A = arith.index_cast %scan3A_36 : i32 to index
      %swap3A_38 = arith.constant 0 : index
      %swap3A_39 = tpu.vector_load %arg8[%swap3A, %swap3A_38] {strides = array<i32>} : memref<128x128xf32, #tpu.memory_space<vmem>>, vector<1x16xf32>,
      %swap3A_40 = vector.shape_cast %swap3A_39 : vector<1x16xf32> to vector<16xf32>
      %swap3A_41 = vector.shape_cast %broadcast_in_dim3A_37 : vector<16xf32> to vector<1x16xf32>
      tpu.vector_store %arg8[%swap3A, %swap3A_38], %swap3A_41 {strides = array<i32>} : memref<128x128xf32, #tpu.memory_space<vmem>>, vector<1x16xf32>,
      %broadcast_in_dim3A_42 = arith.constant 0.000000e+00 : f32
      %broadcast_in_dim3A_43 = vector.broadcast %broadcast_in_dim3A_42 : f32 to vector<16xf32>
      %swap3A_44 = arith.index_cast %scan3A_36 : i32 to index
      %swap3A_45 = arith.constant 16 : index
      %swap3A_46 = tpu.vector_load %arg8[%swap3A_44, %swap3A_45] {strides = array<i32>} : memref<128x128xf32, #tpu.memory_space<vmem>>, vector<1x16xf32>,
      %swap3A_47 = vector.shape_cast %swap3A_46 : vector<1x16xf32> to vector<16xf32>
      %swap3A_48 = vector.shape_cast %broadcast_in_dim3A_43 : vector<16xf32> to vector<1x16xf32>
      tpu.vector_store %arg8[%swap3A_44, %swap3A_45], %swap3A_48 {strides = array<i32>} : memref<128x128xf32, #tpu.memory_space<vmem>>, vector<1x16xf32>,
      %broadcast_in_dim3A_49 = arith.constant 0.000000e+00 : f32
      %broadcast_in_dim3A_50 = vector.broadcast %broadcast_in_dim3A_49 : f32 to vector<16xf32>
      %swap3A_51 = arith.index_cast %scan3A_36 : i32 to index
      %swap3A_52 = arith.constant 32 : index
      %swap3A_53 = tpu.vector_load %arg8[%swap3A_51, %swap3A_52] {strides = array<i32>} : memref<128x128xf32, #tpu.memory_space<vmem>>, vector<1x16xf32>,
      %swap3A_54 = vector.shape_cast %swap3A_53 : vector<1x16xf32> to vector<16xf32>
      %swap3A_55 = vector.shape_cast %broadcast_in_dim3A_50 : vector<16xf32> to vector<1x16xf32>
      tpu.vector_store %arg8[%swap3A_51, %swap3A_52], %swap3A_55 {strides = array<i32>} : memref<128x128xf32, #tpu.memory_space<vmem>>, vector<1x16xf32>,
      %broadcast_in_dim3A_56 = arith.constant 0.000000e+00 : f32
      %broadcast_in_dim3A_57 = vector.broadcast %broadcast_in_dim3A_56 : f32 to vector<16xf32>
      %swap3A_58 = arith.index_cast %scan3A_36 : i32 to index
      %swap3A_59 = arith.constant 48 : index
      %swap3A_60 = tpu.vector_load %arg8[%swap3A_58, %swap3A_59] {strides = array<i32>} : memref<128x128xf32, #tpu.memory_space<vmem>>, vector<1x16xf32>,
      %swap3A_61 = vector.shape_cast %swap3A_60 : vector<1x16xf32> to vector<16xf32>
      %swap3A_62 = vector.shape_cast %broadcast_in_dim3A_57 : vector<16xf32> to vector<1x16xf32>
      tpu.vector_store %arg8[%swap3A_58, %swap3A_59], %swap3A_62 {strides = array<i32>} : memref<128x128xf32, #tpu.memory_space<vmem>>, vector<1x16xf32>,
      %broadcast_in_dim3A_63 = arith.constant 0.000000e+00 : f32
      %broadcast_in_dim3A_64 = vector.broadcast %broadcast_in_dim3A_63 : f32 to vector<16xf32>
      %swap3A_65 = arith.index_cast %scan3A_36 : i32 to index
      %swap3A_66 = arith.constant 64 : index
      %swap3A_67 = tpu.vector_load %arg8[%swap3A_65, %swap3A_66] {strides = array<i32>} : memref<128x128xf32, #tpu.memory_space<vmem>>, vector<1x16xf32>,
      %swap3A_68 = vector.shape_cast %swap3A_67 : vector<1x16xf32> to vector<16xf32>
      %swap3A_69 = vector.shape_cast %broadcast_in_dim3A_64 : vector<16xf32> to vector<1x16xf32>
      tpu.vector_store %arg8[%swap3A_65, %swap3A_66], %swap3A_69 {strides = array<i32>} : memref<128x128xf32, #tpu.memory_space<vmem>>, vector<1x16xf32>,
      %broadcast_in_dim3A_70 = arith.constant 0.000000e+00 : f32
      %broadcast_in_dim3A_71 = vector.broadcast %broadcast_in_dim3A_70 : f32 to vector<16xf32>
      %swap3A_72 = arith.index_cast %scan3A_36 : i32 to index
      %swap3A_73 = arith.constant 80 : index
      %swap3A_74 = tpu.vector_load %arg8[%swap3A_72, %swap3A_73] {strides = array<i32>} : memref<128x128xf32, #tpu.memory_space<vmem>>, vector<1x16xf32>,
      %swap3A_75 = vector.shape_cast %swap3A_74 : vector<1x16xf32> to vector<16xf32>
      %swap3A_76 = vector.shape_cast %broadcast_in_dim3A_71 : vector<16xf32> to vector<1x16xf32>
      tpu.vector_store %arg8[%swap3A_72, %swap3A_73], %swap3A_76 {strides = array<i32>} : memref<128x128xf32, #tpu.memory_space<vmem>>, vector<1x16xf32>,
      %broadcast_in_dim3A_77 = arith.constant 0.000000e+00 : f32
      %broadcast_in_dim3A_78 = vector.broadcast %broadcast_in_dim3A_77 : f32 to vector<16xf32>
      %swap3A_79 = arith.index_cast %scan3A_36 : i32 to index
      %swap3A_80 = arith.constant 96 : index
      %swap3A_81 = tpu.vector_load %arg8[%swap3A_79, %swap3A_80] {strides = array<i32>} : memref<128x128xf32, #tpu.memory_space<vmem>>, vector<1x16xf32>,
      %swap3A_82 = vector.shape_cast %swap3A_81 : vector<1x16xf32> to vector<16xf32>
      %swap3A_83 = vector.shape_cast %broadcast_in_dim3A_78 : vector<16xf32> to vector<1x16xf32>
      tpu.vector_store %arg8[%swap3A_79, %swap3A_80], %swap3A_83 {strides = array<i32>} : memref<128x128xf32, #tpu.memory_space<vmem>>, vector<1x16xf32>,
      %broadcast_in_dim3A_84 = arith.constant 0.000000e+00 : f32
      %broadcast_in_dim3A_85 = vector.broadcast %broadcast_in_dim3A_84 : f32 to vector<16xf32>
      %swap3A_86 = arith.index_cast %scan3A_36 : i32 to index
      %swap3A_87 = arith.constant 112 : index
      %swap3A_88 = tpu.vector_load %arg8[%swap3A_86, %swap3A_87] {strides = array<i32>} : memref<128x128xf32, #tpu.memory_space<vmem>>, vector<1x16xf32>,
      %swap3A_89 = vector.shape_cast %swap3A_88 : vector<1x16xf32> to vector<16xf32>
      %swap3A_90 = vector.shape_cast %broadcast_in_dim3A_85 : vector<16xf32> to vector<1x16xf32>
      tpu.vector_store %arg8[%swap3A_86, %swap3A_87], %swap3A_90 {strides = array<i32>} : memref<128x128xf32, #tpu.memory_space<vmem>>, vector<1x16xf32>,
    }
    %scan3A_4 = arith.constant 128 : i32
    %scan3A_5 = arith.constant 0 : i32
    %scan3A_6 = arith.constant 0 : i32
    %scan3A_7 = arith.constant 5 : i32
    %scan3A_8 = arith.addi %scan3A_6, %scan3A_7 : i32
    %scan3A_9 = arith.constant 1 : i32
    scf.for %scan3A_36 = %scan3A_6 to %scan3A_8 step %scan3A_9  : i32 {
      %mul3A_37 = arith.constant 640 : i32
      %mul3A_38 = arith.muli %arg1, %mul3A_37 : i32
      %mul3A_39 = arith.constant 128 : i32
      %mul3A_40 = arith.muli %scan3A_36, %mul3A_39 : i32
      %add3A_41 = arith.addi %mul3A_38, %mul3A_40 : i32
      "tpu.region"() ({
        %run_scoped3A = tpu.sem_alloc : memref<!tpu.dma_semaphore, #tpu.memory_space<semaphore_mem>>
        %dma_start3A = arith.constant 0 : i32
        %dma_start3A_42 = tpu.memref_slice %arg10[%add3A_41, %dma_start3A] : memref<10240x128xf32, #tpu.memory_space<vmem_shared>> -> memref<128x128xf32, #tpu.memory_space<vmem_shared>>
        %dma_start3A_43 = arith.constant 0 : i32
        %dma_start3A_44 = tpu.memref_slice %arg10[%add3A_41, %dma_start3A_43] : memref<10240x128xf32, #tpu.memory_space<vmem_shared>> -> memref<128x128xf32, #tpu.memory_space<vmem_shared>>
        tpu.enqueue_dma source(%arg8 : memref<128x128xf32, #tpu.memory_space<vmem>>) target(%dma_start3A_44 : memref<128x128xf32, #tpu.memory_space<vmem_shared>>) target_semaphore(%run_scoped3A : memref<!tpu.dma_semaphore, #tpu.memory_space<semaphore_mem>>)
        %dma_wait3A = arith.constant 0 : i32
        %dma_wait3A_45 = tpu.memref_slice %arg10[%add3A_41, %dma_wait3A] : memref<10240x128xf32, #tpu.memory_space<vmem_shared>> -> memref<128x128xf32, #tpu.memory_space<vmem_shared>>
        %dma_wait3A_46 = arith.constant 0 : i32
        %dma_wait3A_47 = tpu.memref_slice %arg10[%add3A_41, %dma_wait3A_46] : memref<10240x128xf32, #tpu.memory_space<vmem_shared>> -> memref<128x128xf32, #tpu.memory_space<vmem_shared>>
        tpu.wait_dma2 semaphore(%run_scoped3A : memref<!tpu.dma_semaphore, #tpu.memory_space<semaphore_mem>>) src(%arg8 : memref<128x128xf32, #tpu.memory_space<vmem>>) dst(%dma_wait3A_47 : memref<128x128xf32, #tpu.memory_space<vmem_shared>>)
        tpu.yield
      }) : () -> ()
    }
    %scan3A_10 = arith.constant 5 : i32
    %barrier3A = arith.constant 0 : index
    tpu.barrier barrier_id(%barrier3A)
    %eq3A = arith.constant 0 : i32
    %eq3A_11 = arith.cmpi eq, %arg0, %eq3A : i32
    %jit3A = arith.constant 20 : i32
    %jit3A_12 = arith.constant 0 : i32
    %select_n3A = arith.select %eq3A_11, %jit3A, %jit3A_12 : i32
    %eq3A_13 = arith.constant 0 : i32
    %eq3A_14 = arith.cmpi eq, %arg0, %eq3A_13 : i32
    %mul3A = arith.constant 160 : i32
    %mul3A_15 = arith.muli %arg1, %mul3A : i32
    %mul3A_16 = arith.constant 0 : i32
    %mul3A_17 = arith.muli %arg1, %mul3A_16 : i32
    %add3A = arith.constant 2560 : i32
    %add3A_18 = arith.addi %add3A, %mul3A_17 : i32
    %select_n3A_19 = arith.select %eq3A_14, %mul3A_15, %add3A_18 : i32
    %while3A = arith.constant 0 : i32
    %while3A_20 = arith.constant 0 : i32
    %while3A_21 = arith.subi %select_n3A, %while3A_20 : i32
    %while3A_22 = arith.addi %while3A_20, %while3A_21 : i32
    %while3A_23 = arith.constant 1 : i32
    %while3A_24 = arith.divsi %while3A_21, %while3A_23 : i32
    %while3A_25 = arith.muli %while3A_24, %while3A_23 : i32
    %while3A_26 = arith.addi %while3A_20, %while3A_25 : i32
    %while3A_27 = arith.constant 1 : i32
    scf.for %while3A_36 = %while3A_20 to %while3A_26 step %while3A_27  : i32 {
      %mul3A_37 = arith.constant 8 : i32
      %mul3A_38 = arith.muli %while3A_36, %mul3A_37 : i32
      %add3A_39 = arith.addi %select_n3A_19, %mul3A_38 : i32
      "tpu.region"() ({
        %run_scoped3A = tpu.sem_alloc : memref<!tpu.dma_semaphore, #tpu.memory_space<semaphore_mem>>
        %dma_start3A_52 = arith.constant 0 : i32
        %dma_start3A_53 = tpu.memref_slice %arg3[%add3A_39, %dma_start3A_52] : memref<2560x128xi32, #tpu.memory_space<hbm>> -> memref<8x128xi32, #tpu.memory_space<hbm>>
        %dma_start3A_54 = arith.constant 0 : i32
        %dma_start3A_55 = tpu.memref_slice %arg3[%add3A_39, %dma_start3A_54] : memref<2560x128xi32, #tpu.memory_space<hbm>> -> memref<8x128xi32, #tpu.memory_space<hbm>>
        tpu.enqueue_dma source(%dma_start3A_55 : memref<8x128xi32, #tpu.memory_space<hbm>>) target(%arg6 : memref<8x128xi32, #tpu.memory_space<vmem>>) target_semaphore(%run_scoped3A : memref<!tpu.dma_semaphore, #tpu.memory_space<semaphore_mem>>)
        %dma_wait3A = arith.constant 0 : i32
        %dma_wait3A_56 = tpu.memref_slice %arg3[%add3A_39, %dma_wait3A] : memref<2560x128xi32, #tpu.memory_space<hbm>> -> memref<8x128xi32, #tpu.memory_space<hbm>>
        %dma_wait3A_57 = arith.constant 0 : i32
        %dma_wait3A_58 = tpu.memref_slice %arg3[%add3A_39, %dma_wait3A_57] : memref<2560x128xi32, #tpu.memory_space<hbm>> -> memref<8x128xi32, #tpu.memory_space<hbm>>
        tpu.wait_dma2 semaphore(%run_scoped3A : memref<!tpu.dma_semaphore, #tpu.memory_space<semaphore_mem>>) src(%dma_wait3A_58 : memref<8x128xi32, #tpu.memory_space<hbm>>) dst(%arg6 : memref<8x128xi32, #tpu.memory_space<vmem>>)
        tpu.yield
      }) : () -> ()
      "tpu.region"() ({
        %run_scoped3A = tpu.sem_alloc : memref<!tpu.dma_semaphore, #tpu.memory_space<semaphore_mem>>
        %dma_start3A_52 = arith.constant 0 : i32
        %dma_start3A_53 = tpu.memref_slice %arg4[%add3A_39, %dma_start3A_52] : memref<2560x128xi32, #tpu.memory_space<hbm>> -> memref<8x128xi32, #tpu.memory_space<hbm>>
        %dma_start3A_54 = arith.constant 0 : i32
        %dma_start3A_55 = tpu.memref_slice %arg4[%add3A_39, %dma_start3A_54] : memref<2560x128xi32, #tpu.memory_space<hbm>> -> memref<8x128xi32, #tpu.memory_space<hbm>>
        tpu.enqueue_dma source(%dma_start3A_55 : memref<8x128xi32, #tpu.memory_space<hbm>>) target(%arg7 : memref<8x128xi32, #tpu.memory_space<vmem>>) target_semaphore(%run_scoped3A : memref<!tpu.dma_semaphore, #tpu.memory_space<semaphore_mem>>)
        %dma_wait3A = arith.constant 0 : i32
        %dma_wait3A_56 = tpu.memref_slice %arg4[%add3A_39, %dma_wait3A] : memref<2560x128xi32, #tpu.memory_space<hbm>> -> memref<8x128xi32, #tpu.memory_space<hbm>>
        %dma_wait3A_57 = arith.constant 0 : i32
        %dma_wait3A_58 = tpu.memref_slice %arg4[%add3A_39, %dma_wait3A_57] : memref<2560x128xi32, #tpu.memory_space<hbm>> -> memref<8x128xi32, #tpu.memory_space<hbm>>
        tpu.wait_dma2 semaphore(%run_scoped3A : memref<!tpu.dma_semaphore, #tpu.memory_space<semaphore_mem>>) src(%dma_wait3A_58 : memref<8x128xi32, #tpu.memory_space<hbm>>) dst(%arg7 : memref<8x128xi32, #tpu.memory_space<vmem>>)
        tpu.yield
      }) : () -> ()
      %dma_start3A = arith.constant 0 : i32
      %dma_start3A_40 = arith.constant 0 : i32
      %dma_start3A_41 = tpu.memref_slice %arg6[%dma_start3A, %dma_start3A_40] : memref<8x128xi32, #tpu.memory_space<vmem>> -> memref<1x128xi32, #tpu.memory_space<vmem>>
      %dma_start3A_42 = tpu.memref_squeeze %dma_start3A_41 : memref<1x128xi32, #tpu.memory_space<vmem>> -> memref<128xi32, #tpu.memory_space<vmem>>
      %dma_start3A_43 = arith.constant 0 : i32
      %dma_start3A_44 = arith.constant 0 : i32
      %dma_start3A_45 = tpu.memref_slice %arg2[%dma_start3A_43, %dma_start3A_44] : memref<10240x128xf32, #tpu.memory_space<hbm>> -> memref<10240x128xf32, #tpu.memory_space<hbm>>
      tpu.enqueue_indirect_dma source(%dma_start3A_45 : memref<10240x128xf32, #tpu.memory_space<hbm>>) target(%arg8 : memref<128x128xf32, #tpu.memory_space<vmem>>) offsets(%dma_start3A_42 : memref<128xi32, #tpu.memory_space<vmem>>) semaphore(%arg11 : memref<!tpu.dma_semaphore, #tpu.memory_space<semaphore_mem>>)
      %scan3A_46 = arith.constant 0 : i32
      %scan3A_47 = arith.constant 0 : i32
      %scan3A_48 = arith.constant 4 : i32
      %scan3A_49 = arith.addi %scan3A_47, %scan3A_48 : i32
      %scan3A_50 = arith.constant 1 : i32
      scf.for %scan3A_52 = %scan3A_47 to %scan3A_49 step %scan3A_50  : i32 {
        %mul3A_53 = arith.constant 2 : i32
        %mul3A_54 = arith.muli %mul3A_53, %scan3A_52 : i32
        %mul3A_55 = arith.constant 2 : i32
        %mul3A_56 = arith.muli %mul3A_55, %scan3A_52 : i32
        %add3A_57 = arith.constant 1 : i32
        %add3A_58 = arith.addi %mul3A_56, %add3A_57 : i32
        %dma_start3A_59 = arith.constant 0 : i32
        %dma_start3A_60 = tpu.memref_slice %arg6[%add3A_58, %dma_start3A_59] : memref<8x128xi32, #tpu.memory_space<vmem>> -> memref<1x128xi32, #tpu.memory_space<vmem>>
        %dma_start3A_61 = tpu.memref_squeeze %dma_start3A_60 : memref<1x128xi32, #tpu.memory_space<vmem>> -> memref<128xi32, #tpu.memory_space<vmem>>
        %dma_start3A_62 = arith.constant 0 : i32
        %dma_start3A_63 = arith.constant 0 : i32
        %dma_start3A_64 = tpu.memref_slice %arg2[%dma_start3A_62, %dma_start3A_63] : memref<10240x128xf32, #tpu.memory_space<hbm>> -> memref<10240x128xf32, #tpu.memory_space<hbm>>
        tpu.enqueue_indirect_dma source(%dma_start3A_64 : memref<10240x128xf32, #tpu.memory_space<hbm>>) target(%arg9 : memref<128x128xf32, #tpu.memory_space<vmem>>) offsets(%dma_start3A_61 : memref<128xi32, #tpu.memory_space<vmem>>) semaphore(%arg12 : memref<!tpu.dma_semaphore, #tpu.memory_space<semaphore_mem>>)
        %dma_wait3A = arith.constant 0 : i32
        %dma_wait3A_65 = tpu.memref_slice %arg6[%mul3A_54, %dma_wait3A] : memref<8x128xi32, #tpu.memory_space<vmem>> -> memref<1x128xi32, #tpu.memory_space<vmem>>
        %dma_wait3A_66 = tpu.memref_squeeze %dma_wait3A_65 : memref<1x128xi32, #tpu.memory_space<vmem>> -> memref<128xi32, #tpu.memory_space<vmem>>
        %dma_wait3A_67 = arith.constant 0 : i32
        %dma_wait3A_68 = arith.constant 0 : i32
        %dma_wait3A_69 = tpu.memref_slice %arg2[%dma_wait3A_67, %dma_wait3A_68] : memref<10240x128xf32, #tpu.memory_space<hbm>> -> memref<10240x128xf32, #tpu.memory_space<hbm>>
        tpu.wait_indirect_dma semaphore(%arg11 : memref<!tpu.dma_semaphore, #tpu.memory_space<semaphore_mem>>) src(%dma_wait3A_69 : memref<10240x128xf32, #tpu.memory_space<hbm>>) dst(%arg8 : memref<128x128xf32, #tpu.memory_space<vmem>>)
        "tpu.region"() ({
          %run_scoped3A = tpu.sem_alloc : memref<!tpu.dma_semaphore, #tpu.memory_space<semaphore_mem>>
          %dma_start3A_78 = arith.constant 0 : i32
          %dma_start3A_79 = tpu.memref_slice %arg7[%mul3A_54, %dma_start3A_78] : memref<8x128xi32, #tpu.memory_space<vmem>> -> memref<1x128xi32, #tpu.memory_space<vmem>>
          %dma_start3A_80 = tpu.memref_squeeze %dma_start3A_79 : memref<1x128xi32, #tpu.memory_space<vmem>> -> memref<128xi32, #tpu.memory_space<vmem>>
          %dma_start3A_81 = arith.constant 0 : i32
          %dma_start3A_82 = arith.constant 0 : i32
          %dma_start3A_83 = tpu.memref_slice %arg10[%dma_start3A_81, %dma_start3A_82] : memref<10240x128xf32, #tpu.memory_space<vmem_shared>> -> memref<10240x128xf32, #tpu.memory_space<vmem_shared>>
          tpu.enqueue_indirect_dma source(%arg8 : memref<128x128xf32, #tpu.memory_space<vmem>>) target(%dma_start3A_83 : memref<10240x128xf32, #tpu.memory_space<vmem_shared>>) offsets(%dma_start3A_80 : memref<128xi32, #tpu.memory_space<vmem>>) semaphore(%run_scoped3A : memref<!tpu.dma_semaphore, #tpu.memory_space<semaphore_mem>>) {add = true}
          %dma_wait3A_84 = arith.constant 0 : i32
          %dma_wait3A_85 = tpu.memref_slice %arg7[%mul3A_54, %dma_wait3A_84] : memref<8x128xi32, #tpu.memory_space<vmem>> -> memref<1x128xi32, #tpu.memory_space<vmem>>
          %dma_wait3A_86 = tpu.memref_squeeze %dma_wait3A_85 : memref<1x128xi32, #tpu.memory_space<vmem>> -> memref<128xi32, #tpu.memory_space<vmem>>
          %dma_wait3A_87 = arith.constant 0 : i32
          %dma_wait3A_88 = arith.constant 0 : i32
          %dma_wait3A_89 = tpu.memref_slice %arg10[%dma_wait3A_87, %dma_wait3A_88] : memref<10240x128xf32, #tpu.memory_space<vmem_shared>> -> memref<10240x128xf32, #tpu.memory_space<vmem_shared>>
          tpu.wait_indirect_dma semaphore(%run_scoped3A : memref<!tpu.dma_semaphore, #tpu.memory_space<semaphore_mem>>) src(%arg8 : memref<128x128xf32, #tpu.memory_space<vmem>>) dst(%dma_wait3A_89 : memref<10240x128xf32, #tpu.memory_space<vmem_shared>>)
          tpu.yield
        }) : () -> ()
        %lt3A = arith.constant 3 : i32
        %lt3A_70 = arith.cmpi slt, %scan3A_52, %lt3A : i32
        %convert_element_type3A = arith.extui %lt3A_70 : i1 to i32
        %cond3A = arith.constant 0 : i32
        %cond3A_71 = arith.cmpi ne, %convert_element_type3A, %cond3A : i32
        scf.if %cond3A_71 {
          %add3A_78 = arith.constant 2 : i32
          %add3A_79 = arith.addi %mul3A_54, %add3A_78 : i32
          %dma_start3A_80 = arith.constant 0 : i32
          %dma_start3A_81 = tpu.memref_slice %arg6[%add3A_79, %dma_start3A_80] : memref<8x128xi32, #tpu.memory_space<vmem>> -> memref<1x128xi32, #tpu.memory_space<vmem>>
          %dma_start3A_82 = tpu.memref_squeeze %dma_start3A_81 : memref<1x128xi32, #tpu.memory_space<vmem>> -> memref<128xi32, #tpu.memory_space<vmem>>
          %dma_start3A_83 = arith.constant 0 : i32
          %dma_start3A_84 = arith.constant 0 : i32
          %dma_start3A_85 = tpu.memref_slice %arg2[%dma_start3A_83, %dma_start3A_84] : memref<10240x128xf32, #tpu.memory_space<hbm>> -> memref<10240x128xf32, #tpu.memory_space<hbm>>
          tpu.enqueue_indirect_dma source(%dma_start3A_85 : memref<10240x128xf32, #tpu.memory_space<hbm>>) target(%arg8 : memref<128x128xf32, #tpu.memory_space<vmem>>) offsets(%dma_start3A_82 : memref<128xi32, #tpu.memory_space<vmem>>) semaphore(%arg11 : memref<!tpu.dma_semaphore, #tpu.memory_space<semaphore_mem>>)
        } else {
        }
        %dma_wait3A_72 = arith.constant 0 : i32
        %dma_wait3A_73 = tpu.memref_slice %arg6[%add3A_58, %dma_wait3A_72] : memref<8x128xi32, #tpu.memory_space<vmem>> -> memref<1x128xi32, #tpu.memory_space<vmem>>
        %dma_wait3A_74 = tpu.memref_squeeze %dma_wait3A_73 : memref<1x128xi32, #tpu.memory_space<vmem>> -> memref<128xi32, #tpu.memory_space<vmem>>
        %dma_wait3A_75 = arith.constant 0 : i32
        %dma_wait3A_76 = arith.constant 0 : i32
        %dma_wait3A_77 = tpu.memref_slice %arg2[%dma_wait3A_75, %dma_wait3A_76] : memref<10240x128xf32, #tpu.memory_space<hbm>> -> memref<10240x128xf32, #tpu.memory_space<hbm>>
        tpu.wait_indirect_dma semaphore(%arg12 : memref<!tpu.dma_semaphore, #tpu.memory_space<semaphore_mem>>) src(%dma_wait3A_77 : memref<10240x128xf32, #tpu.memory_space<hbm>>) dst(%arg9 : memref<128x128xf32, #tpu.memory_space<vmem>>)
        "tpu.region"() ({
          %run_scoped3A = tpu.sem_alloc : memref<!tpu.dma_semaphore, #tpu.memory_space<semaphore_mem>>
          %dma_start3A_78 = arith.constant 0 : i32
          %dma_start3A_79 = tpu.memref_slice %arg7[%add3A_58, %dma_start3A_78] : memref<8x128xi32, #tpu.memory_space<vmem>> -> memref<1x128xi32, #tpu.memory_space<vmem>>
          %dma_start3A_80 = tpu.memref_squeeze %dma_start3A_79 : memref<1x128xi32, #tpu.memory_space<vmem>> -> memref<128xi32, #tpu.memory_space<vmem>>
          %dma_start3A_81 = arith.constant 0 : i32
          %dma_start3A_82 = arith.constant 0 : i32
          %dma_start3A_83 = tpu.memref_slice %arg10[%dma_start3A_81, %dma_start3A_82] : memref<10240x128xf32, #tpu.memory_space<vmem_shared>> -> memref<10240x128xf32, #tpu.memory_space<vmem_shared>>
          tpu.enqueue_indirect_dma source(%arg9 : memref<128x128xf32, #tpu.memory_space<vmem>>) target(%dma_start3A_83 : memref<10240x128xf32, #tpu.memory_space<vmem_shared>>) offsets(%dma_start3A_80 : memref<128xi32, #tpu.memory_space<vmem>>) semaphore(%run_scoped3A : memref<!tpu.dma_semaphore, #tpu.memory_space<semaphore_mem>>) {add = true}
          %dma_wait3A_84 = arith.constant 0 : i32
          %dma_wait3A_85 = tpu.memref_slice %arg7[%add3A_58, %dma_wait3A_84] : memref<8x128xi32, #tpu.memory_space<vmem>> -> memref<1x128xi32, #tpu.memory_space<vmem>>
          %dma_wait3A_86 = tpu.memref_squeeze %dma_wait3A_85 : memref<1x128xi32, #tpu.memory_space<vmem>> -> memref<128xi32, #tpu.memory_space<vmem>>
          %dma_wait3A_87 = arith.constant 0 : i32
          %dma_wait3A_88 = arith.constant 0 : i32
          %dma_wait3A_89 = tpu.memref_slice %arg10[%dma_wait3A_87, %dma_wait3A_88] : memref<10240x128xf32, #tpu.memory_space<vmem_shared>> -> memref<10240x128xf32, #tpu.memory_space<vmem_shared>>
          tpu.wait_indirect_dma semaphore(%run_scoped3A : memref<!tpu.dma_semaphore, #tpu.memory_space<semaphore_mem>>) src(%arg9 : memref<128x128xf32, #tpu.memory_space<vmem>>) dst(%dma_wait3A_89 : memref<10240x128xf32, #tpu.memory_space<vmem_shared>>)
          tpu.yield
        }) : () -> ()
      }
      %scan3A_51 = arith.constant 4 : i32
    }
    %while3A_28 = arith.constant 1 : i32
    scf.for %while3A_36 = %while3A_26 to %while3A_22 step %while3A_28  : i32 {
      %mul3A_37 = arith.constant 8 : i32
      %mul3A_38 = arith.muli %while3A_36, %mul3A_37 : i32
      %add3A_39 = arith.addi %select_n3A_19, %mul3A_38 : i32
      "tpu.region"() ({
        %run_scoped3A = tpu.sem_alloc : memref<!tpu.dma_semaphore, #tpu.memory_space<semaphore_mem>>
        %dma_start3A_52 = arith.constant 0 : i32
        %dma_start3A_53 = tpu.memref_slice %arg3[%add3A_39, %dma_start3A_52] : memref<2560x128xi32, #tpu.memory_space<hbm>> -> memref<8x128xi32, #tpu.memory_space<hbm>>
        %dma_start3A_54 = arith.constant 0 : i32
        %dma_start3A_55 = tpu.memref_slice %arg3[%add3A_39, %dma_start3A_54] : memref<2560x128xi32, #tpu.memory_space<hbm>> -> memref<8x128xi32, #tpu.memory_space<hbm>>
        tpu.enqueue_dma source(%dma_start3A_55 : memref<8x128xi32, #tpu.memory_space<hbm>>) target(%arg6 : memref<8x128xi32, #tpu.memory_space<vmem>>) target_semaphore(%run_scoped3A : memref<!tpu.dma_semaphore, #tpu.memory_space<semaphore_mem>>)
        %dma_wait3A = arith.constant 0 : i32
        %dma_wait3A_56 = tpu.memref_slice %arg3[%add3A_39, %dma_wait3A] : memref<2560x128xi32, #tpu.memory_space<hbm>> -> memref<8x128xi32, #tpu.memory_space<hbm>>
        %dma_wait3A_57 = arith.constant 0 : i32
        %dma_wait3A_58 = tpu.memref_slice %arg3[%add3A_39, %dma_wait3A_57] : memref<2560x128xi32, #tpu.memory_space<hbm>> -> memref<8x128xi32, #tpu.memory_space<hbm>>
        tpu.wait_dma2 semaphore(%run_scoped3A : memref<!tpu.dma_semaphore, #tpu.memory_space<semaphore_mem>>) src(%dma_wait3A_58 : memref<8x128xi32, #tpu.memory_space<hbm>>) dst(%arg6 : memref<8x128xi32, #tpu.memory_space<vmem>>)
        tpu.yield
      }) : () -> ()
      "tpu.region"() ({
        %run_scoped3A = tpu.sem_alloc : memref<!tpu.dma_semaphore, #tpu.memory_space<semaphore_mem>>
        %dma_start3A_52 = arith.constant 0 : i32
        %dma_start3A_53 = tpu.memref_slice %arg4[%add3A_39, %dma_start3A_52] : memref<2560x128xi32, #tpu.memory_space<hbm>> -> memref<8x128xi32, #tpu.memory_space<hbm>>
        %dma_start3A_54 = arith.constant 0 : i32
        %dma_start3A_55 = tpu.memref_slice %arg4[%add3A_39, %dma_start3A_54] : memref<2560x128xi32, #tpu.memory_space<hbm>> -> memref<8x128xi32, #tpu.memory_space<hbm>>
        tpu.enqueue_dma source(%dma_start3A_55 : memref<8x128xi32, #tpu.memory_space<hbm>>) target(%arg7 : memref<8x128xi32, #tpu.memory_space<vmem>>) target_semaphore(%run_scoped3A : memref<!tpu.dma_semaphore, #tpu.memory_space<semaphore_mem>>)
        %dma_wait3A = arith.constant 0 : i32
        %dma_wait3A_56 = tpu.memref_slice %arg4[%add3A_39, %dma_wait3A] : memref<2560x128xi32, #tpu.memory_space<hbm>> -> memref<8x128xi32, #tpu.memory_space<hbm>>
        %dma_wait3A_57 = arith.constant 0 : i32
        %dma_wait3A_58 = tpu.memref_slice %arg4[%add3A_39, %dma_wait3A_57] : memref<2560x128xi32, #tpu.memory_space<hbm>> -> memref<8x128xi32, #tpu.memory_space<hbm>>
        tpu.wait_dma2 semaphore(%run_scoped3A : memref<!tpu.dma_semaphore, #tpu.memory_space<semaphore_mem>>) src(%dma_wait3A_58 : memref<8x128xi32, #tpu.memory_space<hbm>>) dst(%arg7 : memref<8x128xi32, #tpu.memory_space<vmem>>)
        tpu.yield
      }) : () -> ()
      %dma_start3A = arith.constant 0 : i32
      %dma_start3A_40 = arith.constant 0 : i32
      %dma_start3A_41 = tpu.memref_slice %arg6[%dma_start3A, %dma_start3A_40] : memref<8x128xi32, #tpu.memory_space<vmem>> -> memref<1x128xi32, #tpu.memory_space<vmem>>
      %dma_start3A_42 = tpu.memref_squeeze %dma_start3A_41 : memref<1x128xi32, #tpu.memory_space<vmem>> -> memref<128xi32, #tpu.memory_space<vmem>>
      %dma_start3A_43 = arith.constant 0 : i32
      %dma_start3A_44 = arith.constant 0 : i32
      %dma_start3A_45 = tpu.memref_slice %arg2[%dma_start3A_43, %dma_start3A_44] : memref<10240x128xf32, #tpu.memory_space<hbm>> -> memref<10240x128xf32, #tpu.memory_space<hbm>>
      tpu.enqueue_indirect_dma source(%dma_start3A_45 : memref<10240x128xf32, #tpu.memory_space<hbm>>) target(%arg8 : memref<128x128xf32, #tpu.memory_space<vmem>>) offsets(%dma_start3A_42 : memref<128xi32, #tpu.memory_space<vmem>>) semaphore(%arg11 : memref<!tpu.dma_semaphore, #tpu.memory_space<semaphore_mem>>)
      %scan3A_46 = arith.constant 0 : i32
      %scan3A_47 = arith.constant 0 : i32
      %scan3A_48 = arith.constant 4 : i32
      %scan3A_49 = arith.addi %scan3A_47, %scan3A_48 : i32
      %scan3A_50 = arith.constant 1 : i32
      scf.for %scan3A_52 = %scan3A_47 to %scan3A_49 step %scan3A_50  : i32 {
        %mul3A_53 = arith.constant 2 : i32
        %mul3A_54 = arith.muli %mul3A_53, %scan3A_52 : i32
        %mul3A_55 = arith.constant 2 : i32
        %mul3A_56 = arith.muli %mul3A_55, %scan3A_52 : i32
        %add3A_57 = arith.constant 1 : i32
        %add3A_58 = arith.addi %mul3A_56, %add3A_57 : i32
        %dma_start3A_59 = arith.constant 0 : i32
        %dma_start3A_60 = tpu.memref_slice %arg6[%add3A_58, %dma_start3A_59] : memref<8x128xi32, #tpu.memory_space<vmem>> -> memref<1x128xi32, #tpu.memory_space<vmem>>
        %dma_start3A_61 = tpu.memref_squeeze %dma_start3A_60 : memref<1x128xi32, #tpu.memory_space<vmem>> -> memref<128xi32, #tpu.memory_space<vmem>>
        %dma_start3A_62 = arith.constant 0 : i32
        %dma_start3A_63 = arith.constant 0 : i32
        %dma_start3A_64 = tpu.memref_slice %arg2[%dma_start3A_62, %dma_start3A_63] : memref<10240x128xf32, #tpu.memory_space<hbm>> -> memref<10240x128xf32, #tpu.memory_space<hbm>>
        tpu.enqueue_indirect_dma source(%dma_start3A_64 : memref<10240x128xf32, #tpu.memory_space<hbm>>) target(%arg9 : memref<128x128xf32, #tpu.memory_space<vmem>>) offsets(%dma_start3A_61 : memref<128xi32, #tpu.memory_space<vmem>>) semaphore(%arg12 : memref<!tpu.dma_semaphore, #tpu.memory_space<semaphore_mem>>)
        %dma_wait3A = arith.constant 0 : i32
        %dma_wait3A_65 = tpu.memref_slice %arg6[%mul3A_54, %dma_wait3A] : memref<8x128xi32, #tpu.memory_space<vmem>> -> memref<1x128xi32, #tpu.memory_space<vmem>>
        %dma_wait3A_66 = tpu.memref_squeeze %dma_wait3A_65 : memref<1x128xi32, #tpu.memory_space<vmem>> -> memref<128xi32, #tpu.memory_space<vmem>>
        %dma_wait3A_67 = arith.constant 0 : i32
        %dma_wait3A_68 = arith.constant 0 : i32
        %dma_wait3A_69 = tpu.memref_slice %arg2[%dma_wait3A_67, %dma_wait3A_68] : memref<10240x128xf32, #tpu.memory_space<hbm>> -> memref<10240x128xf32, #tpu.memory_space<hbm>>
        tpu.wait_indirect_dma semaphore(%arg11 : memref<!tpu.dma_semaphore, #tpu.memory_space<semaphore_mem>>) src(%dma_wait3A_69 : memref<10240x128xf32, #tpu.memory_space<hbm>>) dst(%arg8 : memref<128x128xf32, #tpu.memory_space<vmem>>)
        "tpu.region"() ({
          %run_scoped3A = tpu.sem_alloc : memref<!tpu.dma_semaphore, #tpu.memory_space<semaphore_mem>>
          %dma_start3A_78 = arith.constant 0 : i32
          %dma_start3A_79 = tpu.memref_slice %arg7[%mul3A_54, %dma_start3A_78] : memref<8x128xi32, #tpu.memory_space<vmem>> -> memref<1x128xi32, #tpu.memory_space<vmem>>
          %dma_start3A_80 = tpu.memref_squeeze %dma_start3A_79 : memref<1x128xi32, #tpu.memory_space<vmem>> -> memref<128xi32, #tpu.memory_space<vmem>>
          %dma_start3A_81 = arith.constant 0 : i32
          %dma_start3A_82 = arith.constant 0 : i32
          %dma_start3A_83 = tpu.memref_slice %arg10[%dma_start3A_81, %dma_start3A_82] : memref<10240x128xf32, #tpu.memory_space<vmem_shared>> -> memref<10240x128xf32, #tpu.memory_space<vmem_shared>>
          tpu.enqueue_indirect_dma source(%arg8 : memref<128x128xf32, #tpu.memory_space<vmem>>) target(%dma_start3A_83 : memref<10240x128xf32, #tpu.memory_space<vmem_shared>>) offsets(%dma_start3A_80 : memref<128xi32, #tpu.memory_space<vmem>>) semaphore(%run_scoped3A : memref<!tpu.dma_semaphore, #tpu.memory_space<semaphore_mem>>) {add = true}
          %dma_wait3A_84 = arith.constant 0 : i32
          %dma_wait3A_85 = tpu.memref_slice %arg7[%mul3A_54, %dma_wait3A_84] : memref<8x128xi32, #tpu.memory_space<vmem>> -> memref<1x128xi32, #tpu.memory_space<vmem>>
          %dma_wait3A_86 = tpu.memref_squeeze %dma_wait3A_85 : memref<1x128xi32, #tpu.memory_space<vmem>> -> memref<128xi32, #tpu.memory_space<vmem>>
          %dma_wait3A_87 = arith.constant 0 : i32
          %dma_wait3A_88 = arith.constant 0 : i32
          %dma_wait3A_89 = tpu.memref_slice %arg10[%dma_wait3A_87, %dma_wait3A_88] : memref<10240x128xf32, #tpu.memory_space<vmem_shared>> -> memref<10240x128xf32, #tpu.memory_space<vmem_shared>>
          tpu.wait_indirect_dma semaphore(%run_scoped3A : memref<!tpu.dma_semaphore, #tpu.memory_space<semaphore_mem>>) src(%arg8 : memref<128x128xf32, #tpu.memory_space<vmem>>) dst(%dma_wait3A_89 : memref<10240x128xf32, #tpu.memory_space<vmem_shared>>)
          tpu.yield
        }) : () -> ()
        %lt3A = arith.constant 3 : i32
        %lt3A_70 = arith.cmpi slt, %scan3A_52, %lt3A : i32
        %convert_element_type3A = arith.extui %lt3A_70 : i1 to i32
        %cond3A = arith.constant 0 : i32
        %cond3A_71 = arith.cmpi ne, %convert_element_type3A, %cond3A : i32
        scf.if %cond3A_71 {
          %add3A_78 = arith.constant 2 : i32
          %add3A_79 = arith.addi %mul3A_54, %add3A_78 : i32
          %dma_start3A_80 = arith.constant 0 : i32
          %dma_start3A_81 = tpu.memref_slice %arg6[%add3A_79, %dma_start3A_80] : memref<8x128xi32, #tpu.memory_space<vmem>> -> memref<1x128xi32, #tpu.memory_space<vmem>>
          %dma_start3A_82 = tpu.memref_squeeze %dma_start3A_81 : memref<1x128xi32, #tpu.memory_space<vmem>> -> memref<128xi32, #tpu.memory_space<vmem>>
          %dma_start3A_83 = arith.constant 0 : i32
          %dma_start3A_84 = arith.constant 0 : i32
          %dma_start3A_85 = tpu.memref_slice %arg2[%dma_start3A_83, %dma_start3A_84] : memref<10240x128xf32, #tpu.memory_space<hbm>> -> memref<10240x128xf32, #tpu.memory_space<hbm>>
          tpu.enqueue_indirect_dma source(%dma_start3A_85 : memref<10240x128xf32, #tpu.memory_space<hbm>>) target(%arg8 : memref<128x128xf32, #tpu.memory_space<vmem>>) offsets(%dma_start3A_82 : memref<128xi32, #tpu.memory_space<vmem>>) semaphore(%arg11 : memref<!tpu.dma_semaphore, #tpu.memory_space<semaphore_mem>>)
        } else {
        }
        %dma_wait3A_72 = arith.constant 0 : i32
        %dma_wait3A_73 = tpu.memref_slice %arg6[%add3A_58, %dma_wait3A_72] : memref<8x128xi32, #tpu.memory_space<vmem>> -> memref<1x128xi32, #tpu.memory_space<vmem>>
        %dma_wait3A_74 = tpu.memref_squeeze %dma_wait3A_73 : memref<1x128xi32, #tpu.memory_space<vmem>> -> memref<128xi32, #tpu.memory_space<vmem>>
        %dma_wait3A_75 = arith.constant 0 : i32
        %dma_wait3A_76 = arith.constant 0 : i32
        %dma_wait3A_77 = tpu.memref_slice %arg2[%dma_wait3A_75, %dma_wait3A_76] : memref<10240x128xf32, #tpu.memory_space<hbm>> -> memref<10240x128xf32, #tpu.memory_space<hbm>>
        tpu.wait_indirect_dma semaphore(%arg12 : memref<!tpu.dma_semaphore, #tpu.memory_space<semaphore_mem>>) src(%dma_wait3A_77 : memref<10240x128xf32, #tpu.memory_space<hbm>>) dst(%arg9 : memref<128x128xf32, #tpu.memory_space<vmem>>)
        "tpu.region"() ({
          %run_scoped3A = tpu.sem_alloc : memref<!tpu.dma_semaphore, #tpu.memory_space<semaphore_mem>>
          %dma_start3A_78 = arith.constant 0 : i32
          %dma_start3A_79 = tpu.memref_slice %arg7[%add3A_58, %dma_start3A_78] : memref<8x128xi32, #tpu.memory_space<vmem>> -> memref<1x128xi32, #tpu.memory_space<vmem>>
          %dma_start3A_80 = tpu.memref_squeeze %dma_start3A_79 : memref<1x128xi32, #tpu.memory_space<vmem>> -> memref<128xi32, #tpu.memory_space<vmem>>
          %dma_start3A_81 = arith.constant 0 : i32
          %dma_start3A_82 = arith.constant 0 : i32
          %dma_start3A_83 = tpu.memref_slice %arg10[%dma_start3A_81, %dma_start3A_82] : memref<10240x128xf32, #tpu.memory_space<vmem_shared>> -> memref<10240x128xf32, #tpu.memory_space<vmem_shared>>
          tpu.enqueue_indirect_dma source(%arg9 : memref<128x128xf32, #tpu.memory_space<vmem>>) target(%dma_start3A_83 : memref<10240x128xf32, #tpu.memory_space<vmem_shared>>) offsets(%dma_start3A_80 : memref<128xi32, #tpu.memory_space<vmem>>) semaphore(%run_scoped3A : memref<!tpu.dma_semaphore, #tpu.memory_space<semaphore_mem>>) {add = true}
          %dma_wait3A_84 = arith.constant 0 : i32
          %dma_wait3A_85 = tpu.memref_slice %arg7[%add3A_58, %dma_wait3A_84] : memref<8x128xi32, #tpu.memory_space<vmem>> -> memref<1x128xi32, #tpu.memory_space<vmem>>
          %dma_wait3A_86 = tpu.memref_squeeze %dma_wait3A_85 : memref<1x128xi32, #tpu.memory_space<vmem>> -> memref<128xi32, #tpu.memory_space<vmem>>
          %dma_wait3A_87 = arith.constant 0 : i32
          %dma_wait3A_88 = arith.constant 0 : i32
          %dma_wait3A_89 = tpu.memref_slice %arg10[%dma_wait3A_87, %dma_wait3A_88] : memref<10240x128xf32, #tpu.memory_space<vmem_shared>> -> memref<10240x128xf32, #tpu.memory_space<vmem_shared>>
          tpu.wait_indirect_dma semaphore(%run_scoped3A : memref<!tpu.dma_semaphore, #tpu.memory_space<semaphore_mem>>) src(%arg9 : memref<128x128xf32, #tpu.memory_space<vmem>>) dst(%dma_wait3A_89 : memref<10240x128xf32, #tpu.memory_space<vmem_shared>>)
          tpu.yield
        }) : () -> ()
      }
      %scan3A_51 = arith.constant 4 : i32
    }
    %barrier3A_29 = arith.constant 0 : index
    tpu.barrier barrier_id(%barrier3A_29)
    %scan3A_30 = arith.constant 0 : i32
    %scan3A_31 = arith.constant 0 : i32
    %scan3A_32 = arith.constant 5 : i32
    %scan3A_33 = arith.addi %scan3A_31, %scan3A_32 : i32
    %scan3A_34 = arith.constant 1 : i32
    scf.for %scan3A_36 = %scan3A_31 to %scan3A_33 step %scan3A_34  : i32 {
      %mul3A_37 = arith.constant 640 : i32
      %mul3A_38 = arith.muli %arg1, %mul3A_37 : i32
      %mul3A_39 = arith.constant 128 : i32
      %mul3A_40 = arith.muli %scan3A_36, %mul3A_39 : i32
      %add3A_41 = arith.addi %mul3A_38, %mul3A_40 : i32
      "tpu.region"() ({
        %run_scoped3A = tpu.sem_alloc : memref<!tpu.dma_semaphore, #tpu.memory_space<semaphore_mem>>
        %dma_start3A = arith.constant 0 : i32
        %dma_start3A_42 = tpu.memref_slice %arg10[%add3A_41, %dma_start3A] : memref<10240x128xf32, #tpu.memory_space<vmem_shared>> -> memref<128x128xf32, #tpu.memory_space<vmem_shared>>
        %dma_start3A_43 = arith.constant 0 : i32
        %dma_start3A_44 = tpu.memref_slice %arg10[%add3A_41, %dma_start3A_43] : memref<10240x128xf32, #tpu.memory_space<vmem_shared>> -> memref<128x128xf32, #tpu.memory_space<vmem_shared>>
        tpu.enqueue_dma source(%dma_start3A_44 : memref<128x128xf32, #tpu.memory_space<vmem_shared>>) target(%arg8 : memref<128x128xf32, #tpu.memory_space<vmem>>) target_semaphore(%run_scoped3A : memref<!tpu.dma_semaphore, #tpu.memory_space<semaphore_mem>>)
        %dma_wait3A = arith.constant 0 : i32
        %dma_wait3A_45 = tpu.memref_slice %arg10[%add3A_41, %dma_wait3A] : memref<10240x128xf32, #tpu.memory_space<vmem_shared>> -> memref<128x128xf32, #tpu.memory_space<vmem_shared>>
        %dma_wait3A_46 = arith.constant 0 : i32
        %dma_wait3A_47 = tpu.memref_slice %arg10[%add3A_41, %dma_wait3A_46] : memref<10240x128xf32, #tpu.memory_space<vmem_shared>> -> memref<128x128xf32, #tpu.memory_space<vmem_shared>>
        tpu.wait_dma2 semaphore(%run_scoped3A : memref<!tpu.dma_semaphore, #tpu.memory_space<semaphore_mem>>) src(%dma_wait3A_47 : memref<128x128xf32, #tpu.memory_space<vmem_shared>>) dst(%arg8 : memref<128x128xf32, #tpu.memory_space<vmem>>)
        tpu.yield
      }) : () -> ()
      "tpu.region"() ({
        %run_scoped3A = tpu.sem_alloc : memref<!tpu.dma_semaphore, #tpu.memory_space<semaphore_mem>>
        %dma_start3A = arith.constant 0 : i32
        %dma_start3A_42 = tpu.memref_slice %arg5[%arg0, %add3A_41, %dma_start3A] : memref<2x10240x128xf32, #tpu.memory_space<hbm>> -> memref<1x128x128xf32, #tpu.memory_space<hbm>>
        %dma_start3A_43 = tpu.memref_squeeze %dma_start3A_42 : memref<1x128x128xf32, #tpu.memory_space<hbm>> -> memref<128x128xf32, #tpu.memory_space<hbm>>
        %dma_start3A_44 = arith.constant 0 : i32
        %dma_start3A_45 = tpu.memref_slice %arg5[%arg0, %add3A_41, %dma_start3A_44] : memref<2x10240x128xf32, #tpu.memory_space<hbm>> -> memref<1x128x128xf32, #tpu.memory_space<hbm>>
        %dma_start3A_46 = tpu.memref_squeeze %dma_start3A_45 : memref<1x128x128xf32, #tpu.memory_space<hbm>> -> memref<128x128xf32, #tpu.memory_space<hbm>>
        tpu.enqueue_dma source(%arg8 : memref<128x128xf32, #tpu.memory_space<vmem>>) target(%dma_start3A_46 : memref<128x128xf32, #tpu.memory_space<hbm>>) target_semaphore(%run_scoped3A : memref<!tpu.dma_semaphore, #tpu.memory_space<semaphore_mem>>)
        %dma_wait3A = arith.constant 0 : i32
        %dma_wait3A_47 = tpu.memref_slice %arg5[%arg0, %add3A_41, %dma_wait3A] : memref<2x10240x128xf32, #tpu.memory_space<hbm>> -> memref<1x128x128xf32, #tpu.memory_space<hbm>>
        %dma_wait3A_48 = tpu.memref_squeeze %dma_wait3A_47 : memref<1x128x128xf32, #tpu.memory_space<hbm>> -> memref<128x128xf32, #tpu.memory_space<hbm>>
        %dma_wait3A_49 = arith.constant 0 : i32
        %dma_wait3A_50 = tpu.memref_slice %arg5[%arg0, %add3A_41, %dma_wait3A_49] : memref<2x10240x128xf32, #tpu.memory_space<hbm>> -> memref<1x128x128xf32, #tpu.memory_space<hbm>>
        %dma_wait3A_51 = tpu.memref_squeeze %dma_wait3A_50 : memref<1x128x128xf32, #tpu.memory_space<hbm>> -> memref<128x128xf32, #tpu.memory_space<hbm>>
        tpu.wait_dma2 semaphore(%run_scoped3A : memref<!tpu.dma_semaphore, #tpu.memory_space<semaphore_mem>>) src(%arg8 : memref<128x128xf32, #tpu.memory_space<vmem>>) dst(%dma_wait3A_51 : memref<128x128xf32, #tpu.memory_space<hbm>>)
        tpu.yield
      }) : () -> ()
    }
    %scan3A_35 = arith.constant 5 : i32
    return
  }
}

#map = affine_map<(d0, d1) -> (0, 0)>
module attributes {stable_mosaic.version = 14 : i64} {
  func.func @_degree_body(%arg0: i32, %arg1: i32, %arg2: memref<2560x128xi32, #tpu.memory_space<hbm>>, %arg3: memref<2x10240xf32, #tpu.memory_space<hbm>>, %arg4: memref<8x128xi32, #tpu.memory_space<vmem>>, %arg5: memref<128xf32, #tpu.memory_space<vmem>>, %arg6: memref<640xf32, #tpu.memory_space<vmem>>, %arg7: memref<10240xf32, #tpu.memory_space<vmem_shared>>) attributes {dimension_semantics = [#tpu.dimension_semantics<core_parallel>, #tpu.dimension_semantics<subcore_parallel>], iteration_bounds = array<i64: 2, 16>, scalar_prefetch = 0 : i64, scratch_operands = 4 : i64, tpu.core_type = #tpu.core_type<sc_vector_subcore>, window_params = [{transform_indices = #map}, {transform_indices = #map}]} {
    %mul3A = arith.constant 2 : i32
    %mul3A_0 = arith.muli %arg1, %mul3A : i32
    %add3A = arith.addi %mul3A_0, %arg0 : i32
    %broadcast_in_dim3A = arith.constant 1.000000e+00 : f32
    %broadcast_in_dim3A_1 = vector.broadcast %broadcast_in_dim3A : f32 to vector<16xf32>
    %swap3A = arith.constant 0 : index
    %swap3A_2 = tpu.vector_load %arg5[%swap3A] {strides = array<i32>} : memref<128xf32, #tpu.memory_space<vmem>>, vector<16xf32>,
    %swap3A_3 = vector.shape_cast %swap3A_2 : vector<16xf32> to vector<16xf32>
    %swap3A_4 = vector.shape_cast %broadcast_in_dim3A_1 : vector<16xf32> to vector<16xf32>
    tpu.vector_store %arg5[%swap3A], %swap3A_4 {strides = array<i32>} : memref<128xf32, #tpu.memory_space<vmem>>, vector<16xf32>,
    %broadcast_in_dim3A_5 = arith.constant 1.000000e+00 : f32
    %broadcast_in_dim3A_6 = vector.broadcast %broadcast_in_dim3A_5 : f32 to vector<16xf32>
    %swap3A_7 = arith.constant 16 : index
    %swap3A_8 = tpu.vector_load %arg5[%swap3A_7] {strides = array<i32>} : memref<128xf32, #tpu.memory_space<vmem>>, vector<16xf32>,
    %swap3A_9 = vector.shape_cast %swap3A_8 : vector<16xf32> to vector<16xf32>
    %swap3A_10 = vector.shape_cast %broadcast_in_dim3A_6 : vector<16xf32> to vector<16xf32>
    tpu.vector_store %arg5[%swap3A_7], %swap3A_10 {strides = array<i32>} : memref<128xf32, #tpu.memory_space<vmem>>, vector<16xf32>,
    %broadcast_in_dim3A_11 = arith.constant 1.000000e+00 : f32
    %broadcast_in_dim3A_12 = vector.broadcast %broadcast_in_dim3A_11 : f32 to vector<16xf32>
    %swap3A_13 = arith.constant 32 : index
    %swap3A_14 = tpu.vector_load %arg5[%swap3A_13] {strides = array<i32>} : memref<128xf32, #tpu.memory_space<vmem>>, vector<16xf32>,
    %swap3A_15 = vector.shape_cast %swap3A_14 : vector<16xf32> to vector<16xf32>
    %swap3A_16 = vector.shape_cast %broadcast_in_dim3A_12 : vector<16xf32> to vector<16xf32>
    tpu.vector_store %arg5[%swap3A_13], %swap3A_16 {strides = array<i32>} : memref<128xf32, #tpu.memory_space<vmem>>, vector<16xf32>,
    %broadcast_in_dim3A_17 = arith.constant 1.000000e+00 : f32
    %broadcast_in_dim3A_18 = vector.broadcast %broadcast_in_dim3A_17 : f32 to vector<16xf32>
    %swap3A_19 = arith.constant 48 : index
    %swap3A_20 = tpu.vector_load %arg5[%swap3A_19] {strides = array<i32>} : memref<128xf32, #tpu.memory_space<vmem>>, vector<16xf32>,
    %swap3A_21 = vector.shape_cast %swap3A_20 : vector<16xf32> to vector<16xf32>
    %swap3A_22 = vector.shape_cast %broadcast_in_dim3A_18 : vector<16xf32> to vector<16xf32>
    tpu.vector_store %arg5[%swap3A_19], %swap3A_22 {strides = array<i32>} : memref<128xf32, #tpu.memory_space<vmem>>, vector<16xf32>,
    %broadcast_in_dim3A_23 = arith.constant 1.000000e+00 : f32
    %broadcast_in_dim3A_24 = vector.broadcast %broadcast_in_dim3A_23 : f32 to vector<16xf32>
    %swap3A_25 = arith.constant 64 : index
    %swap3A_26 = tpu.vector_load %arg5[%swap3A_25] {strides = array<i32>} : memref<128xf32, #tpu.memory_space<vmem>>, vector<16xf32>,
    %swap3A_27 = vector.shape_cast %swap3A_26 : vector<16xf32> to vector<16xf32>
    %swap3A_28 = vector.shape_cast %broadcast_in_dim3A_24 : vector<16xf32> to vector<16xf32>
    tpu.vector_store %arg5[%swap3A_25], %swap3A_28 {strides = array<i32>} : memref<128xf32, #tpu.memory_space<vmem>>, vector<16xf32>,
    %broadcast_in_dim3A_29 = arith.constant 1.000000e+00 : f32
    %broadcast_in_dim3A_30 = vector.broadcast %broadcast_in_dim3A_29 : f32 to vector<16xf32>
    %swap3A_31 = arith.constant 80 : index
    %swap3A_32 = tpu.vector_load %arg5[%swap3A_31] {strides = array<i32>} : memref<128xf32, #tpu.memory_space<vmem>>, vector<16xf32>,
    %swap3A_33 = vector.shape_cast %swap3A_32 : vector<16xf32> to vector<16xf32>
    %swap3A_34 = vector.shape_cast %broadcast_in_dim3A_30 : vector<16xf32> to vector<16xf32>
    tpu.vector_store %arg5[%swap3A_31], %swap3A_34 {strides = array<i32>} : memref<128xf32, #tpu.memory_space<vmem>>, vector<16xf32>,
    %broadcast_in_dim3A_35 = arith.constant 1.000000e+00 : f32
    %broadcast_in_dim3A_36 = vector.broadcast %broadcast_in_dim3A_35 : f32 to vector<16xf32>
    %swap3A_37 = arith.constant 96 : index
    %swap3A_38 = tpu.vector_load %arg5[%swap3A_37] {strides = array<i32>} : memref<128xf32, #tpu.memory_space<vmem>>, vector<16xf32>,
    %swap3A_39 = vector.shape_cast %swap3A_38 : vector<16xf32> to vector<16xf32>
    %swap3A_40 = vector.shape_cast %broadcast_in_dim3A_36 : vector<16xf32> to vector<16xf32>
    tpu.vector_store %arg5[%swap3A_37], %swap3A_40 {strides = array<i32>} : memref<128xf32, #tpu.memory_space<vmem>>, vector<16xf32>,
    %broadcast_in_dim3A_41 = arith.constant 1.000000e+00 : f32
    %broadcast_in_dim3A_42 = vector.broadcast %broadcast_in_dim3A_41 : f32 to vector<16xf32>
    %swap3A_43 = arith.constant 112 : index
    %swap3A_44 = tpu.vector_load %arg5[%swap3A_43] {strides = array<i32>} : memref<128xf32, #tpu.memory_space<vmem>>, vector<16xf32>,
    %swap3A_45 = vector.shape_cast %swap3A_44 : vector<16xf32> to vector<16xf32>
    %swap3A_46 = vector.shape_cast %broadcast_in_dim3A_42 : vector<16xf32> to vector<16xf32>
    tpu.vector_store %arg5[%swap3A_43], %swap3A_46 {strides = array<i32>} : memref<128xf32, #tpu.memory_space<vmem>>, vector<16xf32>,
    %scan3A = arith.constant 0 : i32
    %scan3A_47 = arith.constant 0 : i32
    %scan3A_48 = arith.constant 40 : i32
    %scan3A_49 = arith.addi %scan3A_47, %scan3A_48 : i32
    %scan3A_50 = arith.constant 1 : i32
    scf.for %scan3A_65 = %scan3A_47 to %scan3A_49 step %scan3A_50  : i32 {
      %broadcast_in_dim3A_66 = arith.constant 0.000000e+00 : f32
      %broadcast_in_dim3A_67 = vector.broadcast %broadcast_in_dim3A_66 : f32 to vector<16xf32>
      %mul3A_68 = arith.constant 16 : i32
      %mul3A_69 = arith.muli %scan3A_65, %mul3A_68 : i32
      %swap3A_70 = arith.index_cast %mul3A_69 : i32 to index
      %swap3A_71 = tpu.vector_load %arg6[%swap3A_70] {strides = array<i32>} : memref<640xf32, #tpu.memory_space<vmem>>, vector<16xf32>,
      %swap3A_72 = vector.shape_cast %swap3A_71 : vector<16xf32> to vector<16xf32>
      %swap3A_73 = vector.shape_cast %broadcast_in_dim3A_67 : vector<16xf32> to vector<16xf32>
      tpu.vector_store %arg6[%swap3A_70], %swap3A_73 {strides = array<i32>} : memref<640xf32, #tpu.memory_space<vmem>>, vector<16xf32>,
    }
    %scan3A_51 = arith.constant 40 : i32
    %mul3A_52 = arith.constant 640 : i32
    %mul3A_53 = arith.muli %arg1, %mul3A_52 : i32
    "tpu.region"() ({
      %run_scoped3A = tpu.sem_alloc : memref<!tpu.dma_semaphore, #tpu.memory_space<semaphore_mem>>
      %dma_start3A = tpu.memref_slice %arg7[%mul3A_53] : memref<10240xf32, #tpu.memory_space<vmem_shared>> -> memref<640xf32, #tpu.memory_space<vmem_shared>>
      %dma_start3A_65 = tpu.memref_slice %arg7[%mul3A_53] : memref<10240xf32, #tpu.memory_space<vmem_shared>> -> memref<640xf32, #tpu.memory_space<vmem_shared>>
      tpu.enqueue_dma source(%arg6 : memref<640xf32, #tpu.memory_space<vmem>>) target(%dma_start3A_65 : memref<640xf32, #tpu.memory_space<vmem_shared>>) target_semaphore(%run_scoped3A : memref<!tpu.dma_semaphore, #tpu.memory_space<semaphore_mem>>)
      %dma_wait3A = tpu.memref_slice %arg7[%mul3A_53] : memref<10240xf32, #tpu.memory_space<vmem_shared>> -> memref<640xf32, #tpu.memory_space<vmem_shared>>
      %dma_wait3A_66 = tpu.memref_slice %arg7[%mul3A_53] : memref<10240xf32, #tpu.memory_space<vmem_shared>> -> memref<640xf32, #tpu.memory_space<vmem_shared>>
      tpu.wait_dma2 semaphore(%run_scoped3A : memref<!tpu.dma_semaphore, #tpu.memory_space<semaphore_mem>>) src(%arg6 : memref<640xf32, #tpu.memory_space<vmem>>) dst(%dma_wait3A_66 : memref<640xf32, #tpu.memory_space<vmem_shared>>)
      tpu.yield
    }) : () -> ()
    %barrier3A = arith.constant 0 : index
    tpu.barrier barrier_id(%barrier3A)
    %scan3A_54 = arith.constant 0 : i32
    %scan3A_55 = arith.constant 0 : i32
    %scan3A_56 = arith.constant 10 : i32
    %scan3A_57 = arith.addi %scan3A_55, %scan3A_56 : i32
    %scan3A_58 = arith.constant 1 : i32
    scf.for %scan3A_65 = %scan3A_55 to %scan3A_57 step %scan3A_58  : i32 {
      %mul3A_66 = arith.constant 80 : i32
      %mul3A_67 = arith.muli %add3A, %mul3A_66 : i32
      %mul3A_68 = arith.constant 8 : i32
      %mul3A_69 = arith.muli %scan3A_65, %mul3A_68 : i32
      %add3A_70 = arith.addi %mul3A_67, %mul3A_69 : i32
      "tpu.region"() ({
        %run_scoped3A = tpu.sem_alloc : memref<!tpu.dma_semaphore, #tpu.memory_space<semaphore_mem>>
        %dma_start3A = arith.constant 0 : i32
        %dma_start3A_77 = tpu.memref_slice %arg2[%add3A_70, %dma_start3A] : memref<2560x128xi32, #tpu.memory_space<hbm>> -> memref<8x128xi32, #tpu.memory_space<hbm>>
        %dma_start3A_78 = arith.constant 0 : i32
        %dma_start3A_79 = tpu.memref_slice %arg2[%add3A_70, %dma_start3A_78] : memref<2560x128xi32, #tpu.memory_space<hbm>> -> memref<8x128xi32, #tpu.memory_space<hbm>>
        tpu.enqueue_dma source(%dma_start3A_79 : memref<8x128xi32, #tpu.memory_space<hbm>>) target(%arg4 : memref<8x128xi32, #tpu.memory_space<vmem>>) target_semaphore(%run_scoped3A : memref<!tpu.dma_semaphore, #tpu.memory_space<semaphore_mem>>)
        %dma_wait3A = arith.constant 0 : i32
        %dma_wait3A_80 = tpu.memref_slice %arg2[%add3A_70, %dma_wait3A] : memref<2560x128xi32, #tpu.memory_space<hbm>> -> memref<8x128xi32, #tpu.memory_space<hbm>>
        %dma_wait3A_81 = arith.constant 0 : i32
        %dma_wait3A_82 = tpu.memref_slice %arg2[%add3A_70, %dma_wait3A_81] : memref<2560x128xi32, #tpu.memory_space<hbm>> -> memref<8x128xi32, #tpu.memory_space<hbm>>
        tpu.wait_dma2 semaphore(%run_scoped3A : memref<!tpu.dma_semaphore, #tpu.memory_space<semaphore_mem>>) src(%dma_wait3A_82 : memref<8x128xi32, #tpu.memory_space<hbm>>) dst(%arg4 : memref<8x128xi32, #tpu.memory_space<vmem>>)
        tpu.yield
      }) : () -> ()
      %scan3A_71 = arith.constant 0 : i32
      %scan3A_72 = arith.constant 0 : i32
      %scan3A_73 = arith.constant 8 : i32
      %scan3A_74 = arith.addi %scan3A_72, %scan3A_73 : i32
      %scan3A_75 = arith.constant 1 : i32
      scf.for %scan3A_77 = %scan3A_72 to %scan3A_74 step %scan3A_75  : i32 {
        "tpu.region"() ({
          %run_scoped3A = tpu.sem_alloc : memref<!tpu.dma_semaphore, #tpu.memory_space<semaphore_mem>>
          %dma_start3A = arith.constant 0 : i32
          %dma_start3A_78 = tpu.memref_slice %arg4[%scan3A_77, %dma_start3A] : memref<8x128xi32, #tpu.memory_space<vmem>> -> memref<1x128xi32, #tpu.memory_space<vmem>>
          %dma_start3A_79 = tpu.memref_squeeze %dma_start3A_78 : memref<1x128xi32, #tpu.memory_space<vmem>> -> memref<128xi32, #tpu.memory_space<vmem>>
          %dma_start3A_80 = arith.constant 0 : i32
          %dma_start3A_81 = tpu.memref_slice %arg7[%dma_start3A_80] : memref<10240xf32, #tpu.memory_space<vmem_shared>> -> memref<10240xf32, #tpu.memory_space<vmem_shared>>
          tpu.enqueue_indirect_dma source(%arg5 : memref<128xf32, #tpu.memory_space<vmem>>) target(%dma_start3A_81 : memref<10240xf32, #tpu.memory_space<vmem_shared>>) offsets(%dma_start3A_79 : memref<128xi32, #tpu.memory_space<vmem>>) semaphore(%run_scoped3A : memref<!tpu.dma_semaphore, #tpu.memory_space<semaphore_mem>>) {add = true}
          %dma_wait3A = arith.constant 0 : i32
          %dma_wait3A_82 = tpu.memref_slice %arg4[%scan3A_77, %dma_wait3A] : memref<8x128xi32, #tpu.memory_space<vmem>> -> memref<1x128xi32, #tpu.memory_space<vmem>>
          %dma_wait3A_83 = tpu.memref_squeeze %dma_wait3A_82 : memref<1x128xi32, #tpu.memory_space<vmem>> -> memref<128xi32, #tpu.memory_space<vmem>>
          %dma_wait3A_84 = arith.constant 0 : i32
          %dma_wait3A_85 = tpu.memref_slice %arg7[%dma_wait3A_84] : memref<10240xf32, #tpu.memory_space<vmem_shared>> -> memref<10240xf32, #tpu.memory_space<vmem_shared>>
          tpu.wait_indirect_dma semaphore(%run_scoped3A : memref<!tpu.dma_semaphore, #tpu.memory_space<semaphore_mem>>) src(%arg5 : memref<128xf32, #tpu.memory_space<vmem>>) dst(%dma_wait3A_85 : memref<10240xf32, #tpu.memory_space<vmem_shared>>)
          tpu.yield
        }) : () -> ()
      }
      %scan3A_76 = arith.constant 8 : i32
    }
    %scan3A_59 = arith.constant 10 : i32
    %barrier3A_60 = arith.constant 0 : index
    tpu.barrier barrier_id(%barrier3A_60)
    %mul3A_61 = arith.constant 640 : i32
    %mul3A_62 = arith.muli %arg1, %mul3A_61 : i32
    "tpu.region"() ({
      %run_scoped3A = tpu.sem_alloc : memref<!tpu.dma_semaphore, #tpu.memory_space<semaphore_mem>>
      %dma_start3A = tpu.memref_slice %arg7[%mul3A_62] : memref<10240xf32, #tpu.memory_space<vmem_shared>> -> memref<640xf32, #tpu.memory_space<vmem_shared>>
      %dma_start3A_65 = tpu.memref_slice %arg7[%mul3A_62] : memref<10240xf32, #tpu.memory_space<vmem_shared>> -> memref<640xf32, #tpu.memory_space<vmem_shared>>
      tpu.enqueue_dma source(%dma_start3A_65 : memref<640xf32, #tpu.memory_space<vmem_shared>>) target(%arg6 : memref<640xf32, #tpu.memory_space<vmem>>) target_semaphore(%run_scoped3A : memref<!tpu.dma_semaphore, #tpu.memory_space<semaphore_mem>>)
      %dma_wait3A = tpu.memref_slice %arg7[%mul3A_62] : memref<10240xf32, #tpu.memory_space<vmem_shared>> -> memref<640xf32, #tpu.memory_space<vmem_shared>>
      %dma_wait3A_66 = tpu.memref_slice %arg7[%mul3A_62] : memref<10240xf32, #tpu.memory_space<vmem_shared>> -> memref<640xf32, #tpu.memory_space<vmem_shared>>
      tpu.wait_dma2 semaphore(%run_scoped3A : memref<!tpu.dma_semaphore, #tpu.memory_space<semaphore_mem>>) src(%dma_wait3A_66 : memref<640xf32, #tpu.memory_space<vmem_shared>>) dst(%arg6 : memref<640xf32, #tpu.memory_space<vmem>>)
      tpu.yield
    }) : () -> ()
    %mul3A_63 = arith.constant 640 : i32
    %mul3A_64 = arith.muli %arg1, %mul3A_63 : i32
    "tpu.region"() ({
      %run_scoped3A = tpu.sem_alloc : memref<!tpu.dma_semaphore, #tpu.memory_space<semaphore_mem>>
      %dma_start3A = tpu.memref_slice %arg3[%arg0, %mul3A_64] : memref<2x10240xf32, #tpu.memory_space<hbm>> -> memref<1x640xf32, #tpu.memory_space<hbm>>
      %dma_start3A_65 = tpu.memref_squeeze %dma_start3A : memref<1x640xf32, #tpu.memory_space<hbm>> -> memref<640xf32, #tpu.memory_space<hbm>>
      %dma_start3A_66 = tpu.memref_slice %arg3[%arg0, %mul3A_64] : memref<2x10240xf32, #tpu.memory_space<hbm>> -> memref<1x640xf32, #tpu.memory_space<hbm>>
      %dma_start3A_67 = tpu.memref_squeeze %dma_start3A_66 : memref<1x640xf32, #tpu.memory_space<hbm>> -> memref<640xf32, #tpu.memory_space<hbm>>
      tpu.enqueue_dma source(%arg6 : memref<640xf32, #tpu.memory_space<vmem>>) target(%dma_start3A_67 : memref<640xf32, #tpu.memory_space<hbm>>) target_semaphore(%run_scoped3A : memref<!tpu.dma_semaphore, #tpu.memory_space<semaphore_mem>>)
      %dma_wait3A = tpu.memref_slice %arg3[%arg0, %mul3A_64] : memref<2x10240xf32, #tpu.memory_space<hbm>> -> memref<1x640xf32, #tpu.memory_space<hbm>>
      %dma_wait3A_68 = tpu.memref_squeeze %dma_wait3A : memref<1x640xf32, #tpu.memory_space<hbm>> -> memref<640xf32, #tpu.memory_space<hbm>>
      %dma_wait3A_69 = tpu.memref_slice %arg3[%arg0, %mul3A_64] : memref<2x10240xf32, #tpu.memory_space<hbm>> -> memref<1x640xf32, #tpu.memory_space<hbm>>
      %dma_wait3A_70 = tpu.memref_squeeze %dma_wait3A_69 : memref<1x640xf32, #tpu.memory_space<hbm>> -> memref<640xf32, #tpu.memory_space<hbm>>
      tpu.wait_dma2 semaphore(%run_scoped3A : memref<!tpu.dma_semaphore, #tpu.memory_space<semaphore_mem>>) src(%arg6 : memref<640xf32, #tpu.memory_space<vmem>>) dst(%dma_wait3A_70 : memref<640xf32, #tpu.memory_space<hbm>>)
      tpu.yield
    }) : () -> ()
    return
  }
}

#map = affine_map<(d0, d1) -> (0, 0)>
#map1 = affine_map<(d0, d1) -> (0, 0, 0)>
module attributes {stable_mosaic.version = 14 : i64} {
  func.func @_emb_gather_body(%arg0: i32, %arg1: i32, %arg2: memref<100000x128xf32, #tpu.memory_space<hbm>>, %arg3: memref<32x20x128xi32, #tpu.memory_space<hbm>>, %arg4: memref<8x10240x128xf32, #tpu.memory_space<hbm>>, %arg5: memref<20x128xi32, #tpu.memory_space<vmem>>, %arg6: memref<128x128xf32, #tpu.memory_space<vmem>>, %arg7: memref<128x128xf32, #tpu.memory_space<vmem>>, %arg8: memref<!tpu.dma_semaphore, #tpu.memory_space<semaphore_mem>>, %arg9: memref<!tpu.dma_semaphore, #tpu.memory_space<semaphore_mem>>) attributes {dimension_semantics = [#tpu.dimension_semantics<core_parallel>, #tpu.dimension_semantics<subcore_parallel>], iteration_bounds = array<i64: 2, 16>, scalar_prefetch = 0 : i64, scratch_operands = 5 : i64, tpu.core_type = #tpu.core_type<sc_vector_subcore>, window_params = [{transform_indices = #map}, {transform_indices = #map1}, {transform_indices = #map1}]} {
    %mul3A = arith.constant 2 : i32
    %mul3A_0 = arith.muli %arg1, %mul3A : i32
    %add3A = arith.addi %mul3A_0, %arg0 : i32
    %jit3A = arith.constant 4 : i32
    %div3A = arith.divsi %add3A, %jit3A : i32
    %sign3A = arith.constant 0 : i32
    %sign3A_1 = arith.cmpi sgt, %add3A, %sign3A : i32
    %sign3A_2 = arith.extui %sign3A_1 : i1 to i32
    %sign3A_3 = arith.constant 0 : i32
    %sign3A_4 = arith.cmpi slt, %add3A, %sign3A_3 : i32
    %sign3A_5 = arith.extui %sign3A_4 : i1 to i32
    %sign3A_6 = arith.subi %sign3A_2, %sign3A_5 : i32
    %sign3A_7 = arith.constant 0 : i32
    %sign3A_8 = arith.cmpi sgt, %jit3A, %sign3A_7 : i32
    %sign3A_9 = arith.extui %sign3A_8 : i1 to i32
    %sign3A_10 = arith.constant 0 : i32
    %sign3A_11 = arith.cmpi slt, %jit3A, %sign3A_10 : i32
    %sign3A_12 = arith.extui %sign3A_11 : i1 to i32
    %sign3A_13 = arith.subi %sign3A_9, %sign3A_12 : i32
    %ne3A = arith.cmpi ne, %sign3A_6, %sign3A_13 : i32
    %rem3A = arith.remsi %add3A, %jit3A : i32
    %ne3A_14 = arith.constant 0 : i32
    %ne3A_15 = arith.cmpi ne, %rem3A, %ne3A_14 : i32
    %and3A = arith.andi %ne3A, %ne3A_15 : i1
    %sub3A = arith.constant 1 : i32
    %sub3A_16 = arith.subi %div3A, %sub3A : i32
    %select_n3A = arith.select %and3A, %sub3A_16, %div3A : i32
    %jit3A_17 = arith.constant 4 : i32
    %eq3A = arith.constant 0 : i32
    %eq3A_18 = arith.cmpi eq, %jit3A_17, %eq3A : i32
    %jit3A_19 = arith.constant 1 : i32
    %select_n3A_20 = arith.select %eq3A_18, %jit3A_19, %jit3A_17 : i32
    %rem3A_21 = arith.remsi %add3A, %select_n3A_20 : i32
    %ne3A_22 = arith.constant 0 : i32
    %ne3A_23 = arith.cmpi ne, %rem3A_21, %ne3A_22 : i32
    %lt3A = arith.constant 0 : i32
    %lt3A_24 = arith.cmpi slt, %rem3A_21, %lt3A : i32
    %lt3A_25 = arith.constant 0 : i32
    %lt3A_26 = arith.cmpi slt, %select_n3A_20, %lt3A_25 : i32
    %ne3A_27 = arith.xori %lt3A_24, %lt3A_26 : i1
    %and3A_28 = arith.andi %ne3A_27, %ne3A_23 : i1
    %add3A_29 = arith.addi %rem3A_21, %select_n3A_20 : i32
    %select_n3A_30 = arith.select %and3A_28, %add3A_29, %rem3A_21 : i32
    %mul3A_31 = arith.constant 2560 : i32
    %mul3A_32 = arith.muli %select_n3A_30, %mul3A_31 : i32
    "tpu.region"() ({
      %run_scoped3A = tpu.sem_alloc : memref<!tpu.dma_semaphore, #tpu.memory_space<semaphore_mem>>
      %dma_start3A_44 = arith.constant 0 : i32
      %dma_start3A_45 = arith.constant 0 : i32
      %dma_start3A_46 = tpu.memref_slice %arg3[%add3A, %dma_start3A_44, %dma_start3A_45] : memref<32x20x128xi32, #tpu.memory_space<hbm>> -> memref<1x20x128xi32, #tpu.memory_space<hbm>>
      %dma_start3A_47 = tpu.memref_squeeze %dma_start3A_46 : memref<1x20x128xi32, #tpu.memory_space<hbm>> -> memref<20x128xi32, #tpu.memory_space<hbm>>
      %dma_start3A_48 = arith.constant 0 : i32
      %dma_start3A_49 = arith.constant 0 : i32
      %dma_start3A_50 = tpu.memref_slice %arg3[%add3A, %dma_start3A_48, %dma_start3A_49] : memref<32x20x128xi32, #tpu.memory_space<hbm>> -> memref<1x20x128xi32, #tpu.memory_space<hbm>>
      %dma_start3A_51 = tpu.memref_squeeze %dma_start3A_50 : memref<1x20x128xi32, #tpu.memory_space<hbm>> -> memref<20x128xi32, #tpu.memory_space<hbm>>
      tpu.enqueue_dma source(%dma_start3A_51 : memref<20x128xi32, #tpu.memory_space<hbm>>) target(%arg5 : memref<20x128xi32, #tpu.memory_space<vmem>>) target_semaphore(%run_scoped3A : memref<!tpu.dma_semaphore, #tpu.memory_space<semaphore_mem>>)
      %dma_wait3A = arith.constant 0 : i32
      %dma_wait3A_52 = arith.constant 0 : i32
      %dma_wait3A_53 = tpu.memref_slice %arg3[%add3A, %dma_wait3A, %dma_wait3A_52] : memref<32x20x128xi32, #tpu.memory_space<hbm>> -> memref<1x20x128xi32, #tpu.memory_space<hbm>>
      %dma_wait3A_54 = tpu.memref_squeeze %dma_wait3A_53 : memref<1x20x128xi32, #tpu.memory_space<hbm>> -> memref<20x128xi32, #tpu.memory_space<hbm>>
      %dma_wait3A_55 = arith.constant 0 : i32
      %dma_wait3A_56 = arith.constant 0 : i32
      %dma_wait3A_57 = tpu.memref_slice %arg3[%add3A, %dma_wait3A_55, %dma_wait3A_56] : memref<32x20x128xi32, #tpu.memory_space<hbm>> -> memref<1x20x128xi32, #tpu.memory_space<hbm>>
      %dma_wait3A_58 = tpu.memref_squeeze %dma_wait3A_57 : memref<1x20x128xi32, #tpu.memory_space<hbm>> -> memref<20x128xi32, #tpu.memory_space<hbm>>
      tpu.wait_dma2 semaphore(%run_scoped3A : memref<!tpu.dma_semaphore, #tpu.memory_space<semaphore_mem>>) src(%dma_wait3A_58 : memref<20x128xi32, #tpu.memory_space<hbm>>) dst(%arg5 : memref<20x128xi32, #tpu.memory_space<vmem>>)
      tpu.yield
    }) : () -> ()
    %dma_start3A = arith.constant 0 : i32
    %dma_start3A_33 = arith.constant 0 : i32
    %dma_start3A_34 = tpu.memref_slice %arg5[%dma_start3A, %dma_start3A_33] : memref<20x128xi32, #tpu.memory_space<vmem>> -> memref<1x128xi32, #tpu.memory_space<vmem>>
    %dma_start3A_35 = tpu.memref_squeeze %dma_start3A_34 : memref<1x128xi32, #tpu.memory_space<vmem>> -> memref<128xi32, #tpu.memory_space<vmem>>
    %dma_start3A_36 = arith.constant 0 : i32
    %dma_start3A_37 = arith.constant 0 : i32
    %dma_start3A_38 = tpu.memref_slice %arg2[%dma_start3A_36, %dma_start3A_37] : memref<100000x128xf32, #tpu.memory_space<hbm>> -> memref<100000x128xf32, #tpu.memory_space<hbm>>
    tpu.enqueue_indirect_dma source(%dma_start3A_38 : memref<100000x128xf32, #tpu.memory_space<hbm>>) target(%arg6 : memref<128x128xf32, #tpu.memory_space<vmem>>) offsets(%dma_start3A_35 : memref<128xi32, #tpu.memory_space<vmem>>) semaphore(%arg8 : memref<!tpu.dma_semaphore, #tpu.memory_space<semaphore_mem>>)
    %scan3A = arith.constant 0 : i32
    %scan3A_39 = arith.constant 0 : i32
    %scan3A_40 = arith.constant 10 : i32
    %scan3A_41 = arith.addi %scan3A_39, %scan3A_40 : i32
    %scan3A_42 = arith.constant 1 : i32
    scf.for %scan3A_44 = %scan3A_39 to %scan3A_41 step %scan3A_42  : i32 {
      %mul3A_45 = arith.constant 2 : i32
      %mul3A_46 = arith.muli %mul3A_45, %scan3A_44 : i32
      %mul3A_47 = arith.constant 2 : i32
      %mul3A_48 = arith.muli %mul3A_47, %scan3A_44 : i32
      %add3A_49 = arith.constant 1 : i32
      %add3A_50 = arith.addi %mul3A_48, %add3A_49 : i32
      %dma_start3A_51 = arith.constant 0 : i32
      %dma_start3A_52 = tpu.memref_slice %arg5[%add3A_50, %dma_start3A_51] : memref<20x128xi32, #tpu.memory_space<vmem>> -> memref<1x128xi32, #tpu.memory_space<vmem>>
      %dma_start3A_53 = tpu.memref_squeeze %dma_start3A_52 : memref<1x128xi32, #tpu.memory_space<vmem>> -> memref<128xi32, #tpu.memory_space<vmem>>
      %dma_start3A_54 = arith.constant 0 : i32
      %dma_start3A_55 = arith.constant 0 : i32
      %dma_start3A_56 = tpu.memref_slice %arg2[%dma_start3A_54, %dma_start3A_55] : memref<100000x128xf32, #tpu.memory_space<hbm>> -> memref<100000x128xf32, #tpu.memory_space<hbm>>
      tpu.enqueue_indirect_dma source(%dma_start3A_56 : memref<100000x128xf32, #tpu.memory_space<hbm>>) target(%arg7 : memref<128x128xf32, #tpu.memory_space<vmem>>) offsets(%dma_start3A_53 : memref<128xi32, #tpu.memory_space<vmem>>) semaphore(%arg9 : memref<!tpu.dma_semaphore, #tpu.memory_space<semaphore_mem>>)
      %dma_wait3A = arith.constant 0 : i32
      %dma_wait3A_57 = tpu.memref_slice %arg5[%mul3A_46, %dma_wait3A] : memref<20x128xi32, #tpu.memory_space<vmem>> -> memref<1x128xi32, #tpu.memory_space<vmem>>
      %dma_wait3A_58 = tpu.memref_squeeze %dma_wait3A_57 : memref<1x128xi32, #tpu.memory_space<vmem>> -> memref<128xi32, #tpu.memory_space<vmem>>
      %dma_wait3A_59 = arith.constant 0 : i32
      %dma_wait3A_60 = arith.constant 0 : i32
      %dma_wait3A_61 = tpu.memref_slice %arg2[%dma_wait3A_59, %dma_wait3A_60] : memref<100000x128xf32, #tpu.memory_space<hbm>> -> memref<100000x128xf32, #tpu.memory_space<hbm>>
      tpu.wait_indirect_dma semaphore(%arg8 : memref<!tpu.dma_semaphore, #tpu.memory_space<semaphore_mem>>) src(%dma_wait3A_61 : memref<100000x128xf32, #tpu.memory_space<hbm>>) dst(%arg6 : memref<128x128xf32, #tpu.memory_space<vmem>>)
      %mul3A_62 = arith.constant 128 : i32
      %mul3A_63 = arith.muli %mul3A_46, %mul3A_62 : i32
      %add3A_64 = arith.addi %mul3A_32, %mul3A_63 : i32
      "tpu.region"() ({
        %run_scoped3A = tpu.sem_alloc : memref<!tpu.dma_semaphore, #tpu.memory_space<semaphore_mem>>
        %dma_start3A_77 = arith.constant 0 : i32
        %dma_start3A_78 = tpu.memref_slice %arg4[%select_n3A, %add3A_64, %dma_start3A_77] : memref<8x10240x128xf32, #tpu.memory_space<hbm>> -> memref<1x128x128xf32, #tpu.memory_space<hbm>>
        %dma_start3A_79 = tpu.memref_squeeze %dma_start3A_78 : memref<1x128x128xf32, #tpu.memory_space<hbm>> -> memref<128x128xf32, #tpu.memory_space<hbm>>
        %dma_start3A_80 = arith.constant 0 : i32
        %dma_start3A_81 = tpu.memref_slice %arg4[%select_n3A, %add3A_64, %dma_start3A_80] : memref<8x10240x128xf32, #tpu.memory_space<hbm>> -> memref<1x128x128xf32, #tpu.memory_space<hbm>>
        %dma_start3A_82 = tpu.memref_squeeze %dma_start3A_81 : memref<1x128x128xf32, #tpu.memory_space<hbm>> -> memref<128x128xf32, #tpu.memory_space<hbm>>
        tpu.enqueue_dma source(%arg6 : memref<128x128xf32, #tpu.memory_space<vmem>>) target(%dma_start3A_82 : memref<128x128xf32, #tpu.memory_space<hbm>>) target_semaphore(%run_scoped3A : memref<!tpu.dma_semaphore, #tpu.memory_space<semaphore_mem>>)
        %dma_wait3A_83 = arith.constant 0 : i32
        %dma_wait3A_84 = tpu.memref_slice %arg4[%select_n3A, %add3A_64, %dma_wait3A_83] : memref<8x10240x128xf32, #tpu.memory_space<hbm>> -> memref<1x128x128xf32, #tpu.memory_space<hbm>>
        %dma_wait3A_85 = tpu.memref_squeeze %dma_wait3A_84 : memref<1x128x128xf32, #tpu.memory_space<hbm>> -> memref<128x128xf32, #tpu.memory_space<hbm>>
        %dma_wait3A_86 = arith.constant 0 : i32
        %dma_wait3A_87 = tpu.memref_slice %arg4[%select_n3A, %add3A_64, %dma_wait3A_86] : memref<8x10240x128xf32, #tpu.memory_space<hbm>> -> memref<1x128x128xf32, #tpu.memory_space<hbm>>
        %dma_wait3A_88 = tpu.memref_squeeze %dma_wait3A_87 : memref<1x128x128xf32, #tpu.memory_space<hbm>> -> memref<128x128xf32, #tpu.memory_space<hbm>>
        tpu.wait_dma2 semaphore(%run_scoped3A : memref<!tpu.dma_semaphore, #tpu.memory_space<semaphore_mem>>) src(%arg6 : memref<128x128xf32, #tpu.memory_space<vmem>>) dst(%dma_wait3A_88 : memref<128x128xf32, #tpu.memory_space<hbm>>)
        tpu.yield
      }) : () -> ()
      %lt3A_65 = arith.constant 9 : i32
      %lt3A_66 = arith.cmpi slt, %scan3A_44, %lt3A_65 : i32
      %convert_element_type3A = arith.extui %lt3A_66 : i1 to i32
      %cond3A = arith.constant 0 : i32
      %cond3A_67 = arith.cmpi ne, %convert_element_type3A, %cond3A : i32
      scf.if %cond3A_67 {
        %add3A_77 = arith.constant 2 : i32
        %add3A_78 = arith.addi %mul3A_46, %add3A_77 : i32
        %dma_start3A_79 = arith.constant 0 : i32
        %dma_start3A_80 = tpu.memref_slice %arg5[%add3A_78, %dma_start3A_79] : memref<20x128xi32, #tpu.memory_space<vmem>> -> memref<1x128xi32, #tpu.memory_space<vmem>>
        %dma_start3A_81 = tpu.memref_squeeze %dma_start3A_80 : memref<1x128xi32, #tpu.memory_space<vmem>> -> memref<128xi32, #tpu.memory_space<vmem>>
        %dma_start3A_82 = arith.constant 0 : i32
        %dma_start3A_83 = arith.constant 0 : i32
        %dma_start3A_84 = tpu.memref_slice %arg2[%dma_start3A_82, %dma_start3A_83] : memref<100000x128xf32, #tpu.memory_space<hbm>> -> memref<100000x128xf32, #tpu.memory_space<hbm>>
        tpu.enqueue_indirect_dma source(%dma_start3A_84 : memref<100000x128xf32, #tpu.memory_space<hbm>>) target(%arg6 : memref<128x128xf32, #tpu.memory_space<vmem>>) offsets(%dma_start3A_81 : memref<128xi32, #tpu.memory_space<vmem>>) semaphore(%arg8 : memref<!tpu.dma_semaphore, #tpu.memory_space<semaphore_mem>>)
      } else {
      }
      %dma_wait3A_68 = arith.constant 0 : i32
      %dma_wait3A_69 = tpu.memref_slice %arg5[%add3A_50, %dma_wait3A_68] : memref<20x128xi32, #tpu.memory_space<vmem>> -> memref<1x128xi32, #tpu.memory_space<vmem>>
      %dma_wait3A_70 = tpu.memref_squeeze %dma_wait3A_69 : memref<1x128xi32, #tpu.memory_space<vmem>> -> memref<128xi32, #tpu.memory_space<vmem>>
      %dma_wait3A_71 = arith.constant 0 : i32
      %dma_wait3A_72 = arith.constant 0 : i32
      %dma_wait3A_73 = tpu.memref_slice %arg2[%dma_wait3A_71, %dma_wait3A_72] : memref<100000x128xf32, #tpu.memory_space<hbm>> -> memref<100000x128xf32, #tpu.memory_space<hbm>>
      tpu.wait_indirect_dma semaphore(%arg9 : memref<!tpu.dma_semaphore, #tpu.memory_space<semaphore_mem>>) src(%dma_wait3A_73 : memref<100000x128xf32, #tpu.memory_space<hbm>>) dst(%arg7 : memref<128x128xf32, #tpu.memory_space<vmem>>)
      %mul3A_74 = arith.constant 128 : i32
      %mul3A_75 = arith.muli %add3A_50, %mul3A_74 : i32
      %add3A_76 = arith.addi %mul3A_32, %mul3A_75 : i32
      "tpu.region"() ({
        %run_scoped3A = tpu.sem_alloc : memref<!tpu.dma_semaphore, #tpu.memory_space<semaphore_mem>>
        %dma_start3A_77 = arith.constant 0 : i32
        %dma_start3A_78 = tpu.memref_slice %arg4[%select_n3A, %add3A_76, %dma_start3A_77] : memref<8x10240x128xf32, #tpu.memory_space<hbm>> -> memref<1x128x128xf32, #tpu.memory_space<hbm>>
        %dma_start3A_79 = tpu.memref_squeeze %dma_start3A_78 : memref<1x128x128xf32, #tpu.memory_space<hbm>> -> memref<128x128xf32, #tpu.memory_space<hbm>>
        %dma_start3A_80 = arith.constant 0 : i32
        %dma_start3A_81 = tpu.memref_slice %arg4[%select_n3A, %add3A_76, %dma_start3A_80] : memref<8x10240x128xf32, #tpu.memory_space<hbm>> -> memref<1x128x128xf32, #tpu.memory_space<hbm>>
        %dma_start3A_82 = tpu.memref_squeeze %dma_start3A_81 : memref<1x128x128xf32, #tpu.memory_space<hbm>> -> memref<128x128xf32, #tpu.memory_space<hbm>>
        tpu.enqueue_dma source(%arg7 : memref<128x128xf32, #tpu.memory_space<vmem>>) target(%dma_start3A_82 : memref<128x128xf32, #tpu.memory_space<hbm>>) target_semaphore(%run_scoped3A : memref<!tpu.dma_semaphore, #tpu.memory_space<semaphore_mem>>)
        %dma_wait3A_83 = arith.constant 0 : i32
        %dma_wait3A_84 = tpu.memref_slice %arg4[%select_n3A, %add3A_76, %dma_wait3A_83] : memref<8x10240x128xf32, #tpu.memory_space<hbm>> -> memref<1x128x128xf32, #tpu.memory_space<hbm>>
        %dma_wait3A_85 = tpu.memref_squeeze %dma_wait3A_84 : memref<1x128x128xf32, #tpu.memory_space<hbm>> -> memref<128x128xf32, #tpu.memory_space<hbm>>
        %dma_wait3A_86 = arith.constant 0 : i32
        %dma_wait3A_87 = tpu.memref_slice %arg4[%select_n3A, %add3A_76, %dma_wait3A_86] : memref<8x10240x128xf32, #tpu.memory_space<hbm>> -> memref<1x128x128xf32, #tpu.memory_space<hbm>>
        %dma_wait3A_88 = tpu.memref_squeeze %dma_wait3A_87 : memref<1x128x128xf32, #tpu.memory_space<hbm>> -> memref<128x128xf32, #tpu.memory_space<hbm>>
        tpu.wait_dma2 semaphore(%run_scoped3A : memref<!tpu.dma_semaphore, #tpu.memory_space<semaphore_mem>>) src(%arg7 : memref<128x128xf32, #tpu.memory_space<vmem>>) dst(%dma_wait3A_88 : memref<128x128xf32, #tpu.memory_space<hbm>>)
        tpu.yield
      }) : () -> ()
    }
    %scan3A_43 = arith.constant 10 : i32
    return
  }
}

module attributes {stable_mosaic.version = 14 : i64} {
  func.func @_pad_body(%arg0: i32, %arg1: memref<10000x100xf32, #tpu.memory_space<vmem>>, %arg2: memref<10000x128xf32, #tpu.memory_space<vmem>>) attributes {dimension_semantics = [#tpu.dimension_semantics<arbitrary>], iteration_bounds = array<i64: 10>, scalar_prefetch = 0 : i64, scratch_operands = 0 : i64, tpu.core_type = #tpu.core_type<tc>, window_params = [{transform_indices = @transform_0, window_bounds = array<i64: 10000, 100>}, {transform_indices = @transform_1, window_bounds = array<i64: 10000, 128>}]} {
    %get3A = arith.constant 0 : index
    %get3A_0 = arith.constant 0 : index
    %get3A_1 = vector.load %arg1[%get3A, %get3A_0] : memref<10000x100xf32, #tpu.memory_space<vmem>>, vector<10000x100xf32>
    %jit3A = arith.constant 0 : i32
    %convert_element_type3A = arith.sitofp %jit3A : i32 to f32
    %pad3A = vector.broadcast %convert_element_type3A : f32 to vector<10000x28xf32>
    %pad3A_2 = tpu.concatenate %get3A_1, %pad3A in 1 : vector<10000x100xf32>, vector<10000x28xf32> -> vector<10000x128xf32>
    %swap3A = arith.constant 0 : index
    %swap3A_3 = arith.constant 0 : index
    %swap3A_4 = vector.load %arg2[%swap3A, %swap3A_3] : memref<10000x128xf32, #tpu.memory_space<vmem>>, vector<10000x128xf32>
    tpu.vector_store %arg2[%swap3A, %swap3A_3], %pad3A_2 {strides = array<i32>} : memref<10000x128xf32, #tpu.memory_space<vmem>>, vector<10000x128xf32>,
    return
  }
  func.func @transform_0(%arg0: i32) -> (i32, i32) {
    %c0_i32 = arith.constant 0 : i32
    %c0_i32_0 = arith.constant 0 : i32
    return %arg0, %c0_i32 : i32, i32
  }
  func.func @transform_1(%arg0: i32) -> (i32, i32) {
    %c0_i32 = arith.constant 0 : i32
    %c0_i32_0 = arith.constant 0 : i32
    return %arg0, %c0_i32 : i32, i32
  }
}

module attributes {stable_mosaic.version = 14 : i64} {
  func.func @_gru_body(%arg0: i32, %arg1: memref<8x512x128xf32, #tpu.memory_space<vmem>>, %arg2: memref<512x128xf32, #tpu.memory_space<vmem>>, %arg3: memref<512x128xf32, #tpu.memory_space<vmem>>, %arg4: memref<12x128x128xf32, #tpu.memory_space<vmem>>, %arg5: memref<8x128xf32, #tpu.memory_space<vmem>>, %arg6: memref<128x128xf32, #tpu.memory_space<vmem>>, %arg7: memref<512x2xf32, #tpu.memory_space<vmem>>, %arg8: memref<512x128xf32, #tpu.memory_space<vmem>>, %arg9: memref<512x128xf32, #tpu.memory_space<vmem>>) attributes {dimension_semantics = [#tpu.dimension_semantics<arbitrary>], iteration_bounds = array<i64: 20>, scalar_prefetch = 0 : i64, scratch_operands = 0 : i64, tpu.core_type = #tpu.core_type<tc>, window_params = [{transform_indices = @transform_0, window_bounds = array<i64: 8, 512, 128>}, {transform_indices = @transform_1, window_bounds = array<i64: 512, 128>}, {transform_indices = @transform_2, window_bounds = array<i64: 512, 128>}, {pipeline_mode = #tpu.pipeline_mode<synchronous>, transform_indices = @transform_3, window_bounds = array<i64: 12, 128, 128>}, {pipeline_mode = #tpu.pipeline_mode<synchronous>, transform_indices = @transform_4, window_bounds = array<i64: 8, 128>}, {pipeline_mode = #tpu.pipeline_mode<synchronous>, transform_indices = @transform_5, window_bounds = array<i64: 128, 128>}, {transform_indices = @transform_6, window_bounds = array<i64: 512, 2>}, {transform_indices = @transform_7, window_bounds = array<i64: 512, 128>}, {transform_indices = @transform_8, window_bounds = array<i64: 512, 128>}]} {
    %get3A = arith.constant 0 : index
    %get3A_0 = arith.constant 0 : index
    %get3A_1 = vector.load %arg2[%get3A, %get3A_0] : memref<512x128xf32, #tpu.memory_space<vmem>>, vector<512x128xf32>
    %get3A_2 = arith.constant 0 : index
    %get3A_3 = arith.constant 0 : index
    %get3A_4 = vector.load %arg3[%get3A_2, %get3A_3] : memref<512x128xf32, #tpu.memory_space<vmem>>, vector<512x128xf32>
    %get3A_5 = arith.constant 0 : index
    %get3A_6 = arith.constant 0 : index
    %get3A_7 = arith.constant 0 : index
    %get3A_8 = vector.load %arg4[%get3A_5, %get3A_6, %get3A_7] : memref<12x128x128xf32, #tpu.memory_space<vmem>>, vector<1x128x128xf32>
    %get3A_9 = vector.shape_cast %get3A_8 : vector<1x128x128xf32> to vector<128x128xf32>
    %convert_element_type3A = arith.truncf %get3A_9 : vector<128x128xf32> to vector<128x128xbf16>
    %get3A_10 = arith.constant 1 : index
    %get3A_11 = arith.constant 0 : index
    %get3A_12 = arith.constant 0 : index
    %get3A_13 = vector.load %arg4[%get3A_10, %get3A_11, %get3A_12] : memref<12x128x128xf32, #tpu.memory_space<vmem>>, vector<1x128x128xf32>
    %get3A_14 = vector.shape_cast %get3A_13 : vector<1x128x128xf32> to vector<128x128xf32>
    %convert_element_type3A_15 = arith.truncf %get3A_14 : vector<128x128xf32> to vector<128x128xbf16>
    %get3A_16 = arith.constant 2 : index
    %get3A_17 = arith.constant 0 : index
    %get3A_18 = arith.constant 0 : index
    %get3A_19 = vector.load %arg4[%get3A_16, %get3A_17, %get3A_18] : memref<12x128x128xf32, #tpu.memory_space<vmem>>, vector<1x128x128xf32>
    %get3A_20 = vector.shape_cast %get3A_19 : vector<1x128x128xf32> to vector<128x128xf32>
    %convert_element_type3A_21 = arith.truncf %get3A_20 : vector<128x128xf32> to vector<128x128xbf16>
    %get3A_22 = arith.constant 3 : index
    %get3A_23 = arith.constant 0 : index
    %get3A_24 = arith.constant 0 : index
    %get3A_25 = vector.load %arg4[%get3A_22, %get3A_23, %get3A_24] : memref<12x128x128xf32, #tpu.memory_space<vmem>>, vector<1x128x128xf32>
    %get3A_26 = vector.shape_cast %get3A_25 : vector<1x128x128xf32> to vector<128x128xf32>
    %convert_element_type3A_27 = arith.truncf %get3A_26 : vector<128x128xf32> to vector<128x128xbf16>
    %get3A_28 = arith.constant 4 : index
    %get3A_29 = arith.constant 0 : index
    %get3A_30 = arith.constant 0 : index
    %get3A_31 = vector.load %arg4[%get3A_28, %get3A_29, %get3A_30] : memref<12x128x128xf32, #tpu.memory_space<vmem>>, vector<1x128x128xf32>
    %get3A_32 = vector.shape_cast %get3A_31 : vector<1x128x128xf32> to vector<128x128xf32>
    %convert_element_type3A_33 = arith.truncf %get3A_32 : vector<128x128xf32> to vector<128x128xbf16>
    %get3A_34 = arith.constant 5 : index
    %get3A_35 = arith.constant 0 : index
    %get3A_36 = arith.constant 0 : index
    %get3A_37 = vector.load %arg4[%get3A_34, %get3A_35, %get3A_36] : memref<12x128x128xf32, #tpu.memory_space<vmem>>, vector<1x128x128xf32>
    %get3A_38 = vector.shape_cast %get3A_37 : vector<1x128x128xf32> to vector<128x128xf32>
    %convert_element_type3A_39 = arith.truncf %get3A_38 : vector<128x128xf32> to vector<128x128xbf16>
    %get3A_40 = arith.constant 6 : index
    %get3A_41 = arith.constant 0 : index
    %get3A_42 = arith.constant 0 : index
    %get3A_43 = vector.load %arg4[%get3A_40, %get3A_41, %get3A_42] : memref<12x128x128xf32, #tpu.memory_space<vmem>>, vector<1x128x128xf32>
    %get3A_44 = vector.shape_cast %get3A_43 : vector<1x128x128xf32> to vector<128x128xf32>
    %convert_element_type3A_45 = arith.truncf %get3A_44 : vector<128x128xf32> to vector<128x128xbf16>
    %get3A_46 = arith.constant 7 : index
    %get3A_47 = arith.constant 0 : index
    %get3A_48 = arith.constant 0 : index
    %get3A_49 = vector.load %arg4[%get3A_46, %get3A_47, %get3A_48] : memref<12x128x128xf32, #tpu.memory_space<vmem>>, vector<1x128x128xf32>
    %get3A_50 = vector.shape_cast %get3A_49 : vector<1x128x128xf32> to vector<128x128xf32>
    %convert_element_type3A_51 = arith.truncf %get3A_50 : vector<128x128xf32> to vector<128x128xbf16>
    %get3A_52 = arith.constant 8 : index
    %get3A_53 = arith.constant 0 : index
    %get3A_54 = arith.constant 0 : index
    %get3A_55 = vector.load %arg4[%get3A_52, %get3A_53, %get3A_54] : memref<12x128x128xf32, #tpu.memory_space<vmem>>, vector<1x128x128xf32>
    %get3A_56 = vector.shape_cast %get3A_55 : vector<1x128x128xf32> to vector<128x128xf32>
    %convert_element_type3A_57 = arith.truncf %get3A_56 : vector<128x128xf32> to vector<128x128xbf16>
    %get3A_58 = arith.constant 9 : index
    %get3A_59 = arith.constant 0 : index
    %get3A_60 = arith.constant 0 : index
    %get3A_61 = vector.load %arg4[%get3A_58, %get3A_59, %get3A_60] : memref<12x128x128xf32, #tpu.memory_space<vmem>>, vector<1x128x128xf32>
    %get3A_62 = vector.shape_cast %get3A_61 : vector<1x128x128xf32> to vector<128x128xf32>
    %convert_element_type3A_63 = arith.truncf %get3A_62 : vector<128x128xf32> to vector<128x128xbf16>
    %get3A_64 = arith.constant 10 : index
    %get3A_65 = arith.constant 0 : index
    %get3A_66 = arith.constant 0 : index
    %get3A_67 = vector.load %arg4[%get3A_64, %get3A_65, %get3A_66] : memref<12x128x128xf32, #tpu.memory_space<vmem>>, vector<1x128x128xf32>
    %get3A_68 = vector.shape_cast %get3A_67 : vector<1x128x128xf32> to vector<128x128xf32>
    %convert_element_type3A_69 = arith.truncf %get3A_68 : vector<128x128xf32> to vector<128x128xbf16>
    %get3A_70 = arith.constant 11 : index
    %get3A_71 = arith.constant 0 : index
    %get3A_72 = arith.constant 0 : index
    %get3A_73 = vector.load %arg4[%get3A_70, %get3A_71, %get3A_72] : memref<12x128x128xf32, #tpu.memory_space<vmem>>, vector<1x128x128xf32>
    %get3A_74 = vector.shape_cast %get3A_73 : vector<1x128x128xf32> to vector<128x128xf32>
    %convert_element_type3A_75 = arith.truncf %get3A_74 : vector<128x128xf32> to vector<128x128xbf16>
    %get3A_76 = arith.constant 0 : index
    %get3A_77 = arith.constant 0 : index
    %get3A_78 = vector.load %arg5[%get3A_76, %get3A_77] : memref<8x128xf32, #tpu.memory_space<vmem>>, vector<1x128xf32>
    %get3A_79 = arith.constant 1 : index
    %get3A_80 = arith.constant 0 : index
    %get3A_81 = vector.load %arg5[%get3A_79, %get3A_80] : memref<8x128xf32, #tpu.memory_space<vmem>>, vector<1x128xf32>
    %get3A_82 = arith.constant 2 : index
    %get3A_83 = arith.constant 0 : index
    %get3A_84 = vector.load %arg5[%get3A_82, %get3A_83] : memref<8x128xf32, #tpu.memory_space<vmem>>, vector<1x128xf32>
    %get3A_85 = arith.constant 3 : index
    %get3A_86 = arith.constant 0 : index
    %get3A_87 = vector.load %arg5[%get3A_85, %get3A_86] : memref<8x128xf32, #tpu.memory_space<vmem>>, vector<1x128xf32>
    %get3A_88 = arith.constant 4 : index
    %get3A_89 = arith.constant 0 : index
    %get3A_90 = vector.load %arg5[%get3A_88, %get3A_89] : memref<8x128xf32, #tpu.memory_space<vmem>>, vector<1x128xf32>
    %get3A_91 = arith.constant 5 : index
    %get3A_92 = arith.constant 0 : index
    %get3A_93 = vector.load %arg5[%get3A_91, %get3A_92] : memref<8x128xf32, #tpu.memory_space<vmem>>, vector<1x128xf32>
    %get3A_94 = arith.constant 6 : index
    %get3A_95 = arith.constant 0 : index
    %get3A_96 = vector.load %arg5[%get3A_94, %get3A_95] : memref<8x128xf32, #tpu.memory_space<vmem>>, vector<1x128xf32>
    %get3A_97 = arith.constant 7 : index
    %get3A_98 = arith.constant 0 : index
    %get3A_99 = vector.load %arg5[%get3A_97, %get3A_98] : memref<8x128xf32, #tpu.memory_space<vmem>>, vector<1x128xf32>
    %get3A_100 = arith.constant 0 : index
    %get3A_101 = arith.constant 0 : index
    %get3A_102 = arith.constant 0 : index
    %get3A_103 = vector.load %arg1[%get3A_100, %get3A_101, %get3A_102] : memref<8x512x128xf32, #tpu.memory_space<vmem>>, vector<1x512x128xf32>
    %get3A_104 = vector.shape_cast %get3A_103 : vector<1x512x128xf32> to vector<512x128xf32>
    %convert_element_type3A_105 = arith.truncf %get3A_104 : vector<512x128xf32> to vector<512x128xbf16>
    %convert_element_type3A_106 = arith.truncf %get3A_1 : vector<512x128xf32> to vector<512x128xbf16>
    %dot_general3A = arith.constant dense<0.000000e+00> : vector<512x128xf32>
    %dot_general3A_107 = tpu.matmul %convert_element_type3A_105, %convert_element_type3A, %dot_general3A {dimension_numbers = #tpu.dot_dimension_numbers<[1], [0], [0], [1], [0, 0, 1, 1], [], []>, transpose_lhs_hint = false} : vector<512x128xbf16>, vector<128x128xbf16>, vector<512x128xf32> -> vector<512x128xf32>
    %dot_general3A_108 = arith.constant dense<0.000000e+00> : vector<512x128xf32>
    %dot_general3A_109 = tpu.matmul %convert_element_type3A_106, %convert_element_type3A_27, %dot_general3A_108 {dimension_numbers = #tpu.dot_dimension_numbers<[1], [0], [0], [1], [0, 0, 1, 1], [], []>, transpose_lhs_hint = false} : vector<512x128xbf16>, vector<128x128xbf16>, vector<512x128xf32> -> vector<512x128xf32>
    %add3A = arith.addf %dot_general3A_107, %dot_general3A_109 : vector<512x128xf32>
    %add3A_110 = vector.broadcast %get3A_78 : vector<1x128xf32> to vector<512x128xf32>
    %add3A_111 = arith.addf %add3A, %add3A_110 : vector<512x128xf32>
    %logistic3A = arith.negf %add3A_111 : vector<512x128xf32>
    %logistic3A_112 = math.exp %logistic3A : vector<512x128xf32>
    %logistic3A_113 = arith.constant 1.000000e+00 : f32
    %logistic3A_114 = vector.broadcast %logistic3A_113 : f32 to vector<512x128xf32>
    %logistic3A_115 = arith.addf %logistic3A_114, %logistic3A_112 : vector<512x128xf32>
    %logistic3A_116 = arith.divf %logistic3A_114, %logistic3A_115 : vector<512x128xf32>
    %dot_general3A_117 = arith.constant dense<0.000000e+00> : vector<512x128xf32>
    %dot_general3A_118 = tpu.matmul %convert_element_type3A_105, %convert_element_type3A_15, %dot_general3A_117 {dimension_numbers = #tpu.dot_dimension_numbers<[1], [0], [0], [1], [0, 0, 1, 1], [], []>, transpose_lhs_hint = false} : vector<512x128xbf16>, vector<128x128xbf16>, vector<512x128xf32> -> vector<512x128xf32>
    %dot_general3A_119 = arith.constant dense<0.000000e+00> : vector<512x128xf32>
    %dot_general3A_120 = tpu.matmul %convert_element_type3A_106, %convert_element_type3A_33, %dot_general3A_119 {dimension_numbers = #tpu.dot_dimension_numbers<[1], [0], [0], [1], [0, 0, 1, 1], [], []>, transpose_lhs_hint = false} : vector<512x128xbf16>, vector<128x128xbf16>, vector<512x128xf32> -> vector<512x128xf32>
    %add3A_121 = arith.addf %dot_general3A_118, %dot_general3A_120 : vector<512x128xf32>
    %add3A_122 = vector.broadcast %get3A_81 : vector<1x128xf32> to vector<512x128xf32>
    %add3A_123 = arith.addf %add3A_121, %add3A_122 : vector<512x128xf32>
    %logistic3A_124 = arith.negf %add3A_123 : vector<512x128xf32>
    %logistic3A_125 = math.exp %logistic3A_124 : vector<512x128xf32>
    %logistic3A_126 = arith.constant 1.000000e+00 : f32
    %logistic3A_127 = vector.broadcast %logistic3A_126 : f32 to vector<512x128xf32>
    %logistic3A_128 = arith.addf %logistic3A_127, %logistic3A_125 : vector<512x128xf32>
    %logistic3A_129 = arith.divf %logistic3A_127, %logistic3A_128 : vector<512x128xf32>
    %dot_general3A_130 = arith.constant dense<0.000000e+00> : vector<512x128xf32>
    %dot_general3A_131 = tpu.matmul %convert_element_type3A_105, %convert_element_type3A_21, %dot_general3A_130 {dimension_numbers = #tpu.dot_dimension_numbers<[1], [0], [0], [1], [0, 0, 1, 1], [], []>, transpose_lhs_hint = false} : vector<512x128xbf16>, vector<128x128xbf16>, vector<512x128xf32> -> vector<512x128xf32>
    %add3A_132 = vector.broadcast %get3A_84 : vector<1x128xf32> to vector<512x128xf32>
    %add3A_133 = arith.addf %dot_general3A_131, %add3A_132 : vector<512x128xf32>
    %dot_general3A_134 = arith.constant dense<0.000000e+00> : vector<512x128xf32>
    %dot_general3A_135 = tpu.matmul %convert_element_type3A_106, %convert_element_type3A_39, %dot_general3A_134 {dimension_numbers = #tpu.dot_dimension_numbers<[1], [0], [0], [1], [0, 0, 1, 1], [], []>, transpose_lhs_hint = false} : vector<512x128xbf16>, vector<128x128xbf16>, vector<512x128xf32> -> vector<512x128xf32>
    %add3A_136 = vector.broadcast %get3A_87 : vector<1x128xf32> to vector<512x128xf32>
    %add3A_137 = arith.addf %dot_general3A_135, %add3A_136 : vector<512x128xf32>
    %mul3A = arith.mulf %logistic3A_116, %add3A_137 : vector<512x128xf32>
    %add3A_138 = arith.addf %add3A_133, %mul3A : vector<512x128xf32>
    %tanh3A = math.tanh %add3A_138 : vector<512x128xf32>
    %sub3A = arith.constant 1.000000e+00 : f32
    %sub3A_139 = vector.broadcast %sub3A : f32 to vector<512x128xf32>
    %sub3A_140 = arith.subf %sub3A_139, %logistic3A_129 : vector<512x128xf32>
    %mul3A_141 = arith.mulf %sub3A_140, %tanh3A : vector<512x128xf32>
    %mul3A_142 = arith.mulf %logistic3A_129, %get3A_1 : vector<512x128xf32>
    %add3A_143 = arith.addf %mul3A_141, %mul3A_142 : vector<512x128xf32>
    %convert_element_type3A_144 = arith.truncf %add3A_143 : vector<512x128xf32> to vector<512x128xbf16>
    %convert_element_type3A_145 = arith.truncf %get3A_4 : vector<512x128xf32> to vector<512x128xbf16>
    %dot_general3A_146 = arith.constant dense<0.000000e+00> : vector<512x128xf32>
    %dot_general3A_147 = tpu.matmul %convert_element_type3A_144, %convert_element_type3A_45, %dot_general3A_146 {dimension_numbers = #tpu.dot_dimension_numbers<[1], [0], [0], [1], [0, 0, 1, 1], [], []>, transpose_lhs_hint = false} : vector<512x128xbf16>, vector<128x128xbf16>, vector<512x128xf32> -> vector<512x128xf32>
    %dot_general3A_148 = arith.constant dense<0.000000e+00> : vector<512x128xf32>
    %dot_general3A_149 = tpu.matmul %convert_element_type3A_145, %convert_element_type3A_63, %dot_general3A_148 {dimension_numbers = #tpu.dot_dimension_numbers<[1], [0], [0], [1], [0, 0, 1, 1], [], []>, transpose_lhs_hint = false} : vector<512x128xbf16>, vector<128x128xbf16>, vector<512x128xf32> -> vector<512x128xf32>
    %add3A_150 = arith.addf %dot_general3A_147, %dot_general3A_149 : vector<512x128xf32>
    %add3A_151 = vector.broadcast %get3A_90 : vector<1x128xf32> to vector<512x128xf32>
    %add3A_152 = arith.addf %add3A_150, %add3A_151 : vector<512x128xf32>
    %logistic3A_153 = arith.negf %add3A_152 : vector<512x128xf32>
    %logistic3A_154 = math.exp %logistic3A_153 : vector<512x128xf32>
    %logistic3A_155 = arith.constant 1.000000e+00 : f32
    %logistic3A_156 = vector.broadcast %logistic3A_155 : f32 to vector<512x128xf32>
    %logistic3A_157 = arith.addf %logistic3A_156, %logistic3A_154 : vector<512x128xf32>
    %logistic3A_158 = arith.divf %logistic3A_156, %logistic3A_157 : vector<512x128xf32>
    %dot_general3A_159 = arith.constant dense<0.000000e+00> : vector<512x128xf32>
    %dot_general3A_160 = tpu.matmul %convert_element_type3A_144, %convert_element_type3A_51, %dot_general3A_159 {dimension_numbers = #tpu.dot_dimension_numbers<[1], [0], [0], [1], [0, 0, 1, 1], [], []>, transpose_lhs_hint = false} : vector<512x128xbf16>, vector<128x128xbf16>, vector<512x128xf32> -> vector<512x128xf32>
    %dot_general3A_161 = arith.constant dense<0.000000e+00> : vector<512x128xf32>
    %dot_general3A_162 = tpu.matmul %convert_element_type3A_145, %convert_element_type3A_69, %dot_general3A_161 {dimension_numbers = #tpu.dot_dimension_numbers<[1], [0], [0], [1], [0, 0, 1, 1], [], []>, transpose_lhs_hint = false} : vector<512x128xbf16>, vector<128x128xbf16>, vector<512x128xf32> -> vector<512x128xf32>
    %add3A_163 = arith.addf %dot_general3A_160, %dot_general3A_162 : vector<512x128xf32>
    %add3A_164 = vector.broadcast %get3A_93 : vector<1x128xf32> to vector<512x128xf32>
    %add3A_165 = arith.addf %add3A_163, %add3A_164 : vector<512x128xf32>
    %logistic3A_166 = arith.negf %add3A_165 : vector<512x128xf32>
    %logistic3A_167 = math.exp %logistic3A_166 : vector<512x128xf32>
    %logistic3A_168 = arith.constant 1.000000e+00 : f32
    %logistic3A_169 = vector.broadcast %logistic3A_168 : f32 to vector<512x128xf32>
    %logistic3A_170 = arith.addf %logistic3A_169, %logistic3A_167 : vector<512x128xf32>
    %logistic3A_171 = arith.divf %logistic3A_169, %logistic3A_170 : vector<512x128xf32>
    %dot_general3A_172 = arith.constant dense<0.000000e+00> : vector<512x128xf32>
    %dot_general3A_173 = tpu.matmul %convert_element_type3A_144, %convert_element_type3A_57, %dot_general3A_172 {dimension_numbers = #tpu.dot_dimension_numbers<[1], [0], [0], [1], [0, 0, 1, 1], [], []>, transpose_lhs_hint = false} : vector<512x128xbf16>, vector<128x128xbf16>, vector<512x128xf32> -> vector<512x128xf32>
    %add3A_174 = vector.broadcast %get3A_96 : vector<1x128xf32> to vector<512x128xf32>
    %add3A_175 = arith.addf %dot_general3A_173, %add3A_174 : vector<512x128xf32>
    %dot_general3A_176 = arith.constant dense<0.000000e+00> : vector<512x128xf32>
    %dot_general3A_177 = tpu.matmul %convert_element_type3A_145, %convert_element_type3A_75, %dot_general3A_176 {dimension_numbers = #tpu.dot_dimension_numbers<[1], [0], [0], [1], [0, 0, 1, 1], [], []>, transpose_lhs_hint = false} : vector<512x128xbf16>, vector<128x128xbf16>, vector<512x128xf32> -> vector<512x128xf32>
    %add3A_178 = vector.broadcast %get3A_99 : vector<1x128xf32> to vector<512x128xf32>
    %add3A_179 = arith.addf %dot_general3A_177, %add3A_178 : vector<512x128xf32>
    %mul3A_180 = arith.mulf %logistic3A_158, %add3A_179 : vector<512x128xf32>
    %add3A_181 = arith.addf %add3A_175, %mul3A_180 : vector<512x128xf32>
    %tanh3A_182 = math.tanh %add3A_181 : vector<512x128xf32>
    %sub3A_183 = arith.constant 1.000000e+00 : f32
    %sub3A_184 = vector.broadcast %sub3A_183 : f32 to vector<512x128xf32>
    %sub3A_185 = arith.subf %sub3A_184, %logistic3A_171 : vector<512x128xf32>
    %mul3A_186 = arith.mulf %sub3A_185, %tanh3A_182 : vector<512x128xf32>
    %mul3A_187 = arith.mulf %logistic3A_171, %get3A_4 : vector<512x128xf32>
    %add3A_188 = arith.addf %mul3A_186, %mul3A_187 : vector<512x128xf32>
    %get3A_189 = arith.constant 1 : index
    %get3A_190 = arith.constant 0 : index
    %get3A_191 = arith.constant 0 : index
    %get3A_192 = vector.load %arg1[%get3A_189, %get3A_190, %get3A_191] : memref<8x512x128xf32, #tpu.memory_space<vmem>>, vector<1x512x128xf32>
    %get3A_193 = vector.shape_cast %get3A_192 : vector<1x512x128xf32> to vector<512x128xf32>
    %convert_element_type3A_194 = arith.truncf %get3A_193 : vector<512x128xf32> to vector<512x128xbf16>
    %convert_element_type3A_195 = arith.truncf %add3A_143 : vector<512x128xf32> to vector<512x128xbf16>
    %dot_general3A_196 = arith.constant dense<0.000000e+00> : vector<512x128xf32>
    %dot_general3A_197 = tpu.matmul %convert_element_type3A_194, %convert_element_type3A, %dot_general3A_196 {dimension_numbers = #tpu.dot_dimension_numbers<[1], [0], [0], [1], [0, 0, 1, 1], [], []>, transpose_lhs_hint = false} : vector<512x128xbf16>, vector<128x128xbf16>, vector<512x128xf32> -> vector<512x128xf32>
    %dot_general3A_198 = arith.constant dense<0.000000e+00> : vector<512x128xf32>
    %dot_general3A_199 = tpu.matmul %convert_element_type3A_195, %convert_element_type3A_27, %dot_general3A_198 {dimension_numbers = #tpu.dot_dimension_numbers<[1], [0], [0], [1], [0, 0, 1, 1], [], []>, transpose_lhs_hint = false} : vector<512x128xbf16>, vector<128x128xbf16>, vector<512x128xf32> -> vector<512x128xf32>
    %add3A_200 = arith.addf %dot_general3A_197, %dot_general3A_199 : vector<512x128xf32>
    %add3A_201 = vector.broadcast %get3A_78 : vector<1x128xf32> to vector<512x128xf32>
    %add3A_202 = arith.addf %add3A_200, %add3A_201 : vector<512x128xf32>
    %logistic3A_203 = arith.negf %add3A_202 : vector<512x128xf32>
    %logistic3A_204 = math.exp %logistic3A_203 : vector<512x128xf32>
    %logistic3A_205 = arith.constant 1.000000e+00 : f32
    %logistic3A_206 = vector.broadcast %logistic3A_205 : f32 to vector<512x128xf32>
    %logistic3A_207 = arith.addf %logistic3A_206, %logistic3A_204 : vector<512x128xf32>
    %logistic3A_208 = arith.divf %logistic3A_206, %logistic3A_207 : vector<512x128xf32>
    %dot_general3A_209 = arith.constant dense<0.000000e+00> : vector<512x128xf32>
    %dot_general3A_210 = tpu.matmul %convert_element_type3A_194, %convert_element_type3A_15, %dot_general3A_209 {dimension_numbers = #tpu.dot_dimension_numbers<[1], [0], [0], [1], [0, 0, 1, 1], [], []>, transpose_lhs_hint = false} : vector<512x128xbf16>, vector<128x128xbf16>, vector<512x128xf32> -> vector<512x128xf32>
    %dot_general3A_211 = arith.constant dense<0.000000e+00> : vector<512x128xf32>
    %dot_general3A_212 = tpu.matmul %convert_element_type3A_195, %convert_element_type3A_33, %dot_general3A_211 {dimension_numbers = #tpu.dot_dimension_numbers<[1], [0], [0], [1], [0, 0, 1, 1], [], []>, transpose_lhs_hint = false} : vector<512x128xbf16>, vector<128x128xbf16>, vector<512x128xf32> -> vector<512x128xf32>
    %add3A_213 = arith.addf %dot_general3A_210, %dot_general3A_212 : vector<512x128xf32>
    %add3A_214 = vector.broadcast %get3A_81 : vector<1x128xf32> to vector<512x128xf32>
    %add3A_215 = arith.addf %add3A_213, %add3A_214 : vector<512x128xf32>
    %logistic3A_216 = arith.negf %add3A_215 : vector<512x128xf32>
    %logistic3A_217 = math.exp %logistic3A_216 : vector<512x128xf32>
    %logistic3A_218 = arith.constant 1.000000e+00 : f32
    %logistic3A_219 = vector.broadcast %logistic3A_218 : f32 to vector<512x128xf32>
    %logistic3A_220 = arith.addf %logistic3A_219, %logistic3A_217 : vector<512x128xf32>
    %logistic3A_221 = arith.divf %logistic3A_219, %logistic3A_220 : vector<512x128xf32>
    %dot_general3A_222 = arith.constant dense<0.000000e+00> : vector<512x128xf32>
    %dot_general3A_223 = tpu.matmul %convert_element_type3A_194, %convert_element_type3A_21, %dot_general3A_222 {dimension_numbers = #tpu.dot_dimension_numbers<[1], [0], [0], [1], [0, 0, 1, 1], [], []>, transpose_lhs_hint = false} : vector<512x128xbf16>, vector<128x128xbf16>, vector<512x128xf32> -> vector<512x128xf32>
    %add3A_224 = vector.broadcast %get3A_84 : vector<1x128xf32> to vector<512x128xf32>
    %add3A_225 = arith.addf %dot_general3A_223, %add3A_224 : vector<512x128xf32>
    %dot_general3A_226 = arith.constant dense<0.000000e+00> : vector<512x128xf32>
    %dot_general3A_227 = tpu.matmul %convert_element_type3A_195, %convert_element_type3A_39, %dot_general3A_226 {dimension_numbers = #tpu.dot_dimension_numbers<[1], [0], [0], [1], [0, 0, 1, 1], [], []>, transpose_lhs_hint = false} : vector<512x128xbf16>, vector<128x128xbf16>, vector<512x128xf32> -> vector<512x128xf32>
    %add3A_228 = vector.broadcast %get3A_87 : vector<1x128xf32> to vector<512x128xf32>
    %add3A_229 = arith.addf %dot_general3A_227, %add3A_228 : vector<512x128xf32>
    %mul3A_230 = arith.mulf %logistic3A_208, %add3A_229 : vector<512x128xf32>
    %add3A_231 = arith.addf %add3A_225, %mul3A_230 : vector<512x128xf32>
    %tanh3A_232 = math.tanh %add3A_231 : vector<512x128xf32>
    %sub3A_233 = arith.constant 1.000000e+00 : f32
    %sub3A_234 = vector.broadcast %sub3A_233 : f32 to vector<512x128xf32>
    %sub3A_235 = arith.subf %sub3A_234, %logistic3A_221 : vector<512x128xf32>
    %mul3A_236 = arith.mulf %sub3A_235, %tanh3A_232 : vector<512x128xf32>
    %mul3A_237 = arith.mulf %logistic3A_221, %add3A_143 : vector<512x128xf32>
    %add3A_238 = arith.addf %mul3A_236, %mul3A_237 : vector<512x128xf32>
    %convert_element_type3A_239 = arith.truncf %add3A_238 : vector<512x128xf32> to vector<512x128xbf16>
    %convert_element_type3A_240 = arith.truncf %add3A_188 : vector<512x128xf32> to vector<512x128xbf16>
    %dot_general3A_241 = arith.constant dense<0.000000e+00> : vector<512x128xf32>
    %dot_general3A_242 = tpu.matmul %convert_element_type3A_239, %convert_element_type3A_45, %dot_general3A_241 {dimension_numbers = #tpu.dot_dimension_numbers<[1], [0], [0], [1], [0, 0, 1, 1], [], []>, transpose_lhs_hint = false} : vector<512x128xbf16>, vector<128x128xbf16>, vector<512x128xf32> -> vector<512x128xf32>
    %dot_general3A_243 = arith.constant dense<0.000000e+00> : vector<512x128xf32>
    %dot_general3A_244 = tpu.matmul %convert_element_type3A_240, %convert_element_type3A_63, %dot_general3A_243 {dimension_numbers = #tpu.dot_dimension_numbers<[1], [0], [0], [1], [0, 0, 1, 1], [], []>, transpose_lhs_hint = false} : vector<512x128xbf16>, vector<128x128xbf16>, vector<512x128xf32> -> vector<512x128xf32>
    %add3A_245 = arith.addf %dot_general3A_242, %dot_general3A_244 : vector<512x128xf32>
    %add3A_246 = vector.broadcast %get3A_90 : vector<1x128xf32> to vector<512x128xf32>
    %add3A_247 = arith.addf %add3A_245, %add3A_246 : vector<512x128xf32>
    %logistic3A_248 = arith.negf %add3A_247 : vector<512x128xf32>
    %logistic3A_249 = math.exp %logistic3A_248 : vector<512x128xf32>
    %logistic3A_250 = arith.constant 1.000000e+00 : f32
    %logistic3A_251 = vector.broadcast %logistic3A_250 : f32 to vector<512x128xf32>
    %logistic3A_252 = arith.addf %logistic3A_251, %logistic3A_249 : vector<512x128xf32>
    %logistic3A_253 = arith.divf %logistic3A_251, %logistic3A_252 : vector<512x128xf32>
    %dot_general3A_254 = arith.constant dense<0.000000e+00> : vector<512x128xf32>
    %dot_general3A_255 = tpu.matmul %convert_element_type3A_239, %convert_element_type3A_51, %dot_general3A_254 {dimension_numbers = #tpu.dot_dimension_numbers<[1], [0], [0], [1], [0, 0, 1, 1], [], []>, transpose_lhs_hint = false} : vector<512x128xbf16>, vector<128x128xbf16>, vector<512x128xf32> -> vector<512x128xf32>
    %dot_general3A_256 = arith.constant dense<0.000000e+00> : vector<512x128xf32>
    %dot_general3A_257 = tpu.matmul %convert_element_type3A_240, %convert_element_type3A_69, %dot_general3A_256 {dimension_numbers = #tpu.dot_dimension_numbers<[1], [0], [0], [1], [0, 0, 1, 1], [], []>, transpose_lhs_hint = false} : vector<512x128xbf16>, vector<128x128xbf16>, vector<512x128xf32> -> vector<512x128xf32>
    %add3A_258 = arith.addf %dot_general3A_255, %dot_general3A_257 : vector<512x128xf32>
    %add3A_259 = vector.broadcast %get3A_93 : vector<1x128xf32> to vector<512x128xf32>
    %add3A_260 = arith.addf %add3A_258, %add3A_259 : vector<512x128xf32>
    %logistic3A_261 = arith.negf %add3A_260 : vector<512x128xf32>
    %logistic3A_262 = math.exp %logistic3A_261 : vector<512x128xf32>
    %logistic3A_263 = arith.constant 1.000000e+00 : f32
    %logistic3A_264 = vector.broadcast %logistic3A_263 : f32 to vector<512x128xf32>
    %logistic3A_265 = arith.addf %logistic3A_264, %logistic3A_262 : vector<512x128xf32>
    %logistic3A_266 = arith.divf %logistic3A_264, %logistic3A_265 : vector<512x128xf32>
    %dot_general3A_267 = arith.constant dense<0.000000e+00> : vector<512x128xf32>
    %dot_general3A_268 = tpu.matmul %convert_element_type3A_239, %convert_element_type3A_57, %dot_general3A_267 {dimension_numbers = #tpu.dot_dimension_numbers<[1], [0], [0], [1], [0, 0, 1, 1], [], []>, transpose_lhs_hint = false} : vector<512x128xbf16>, vector<128x128xbf16>, vector<512x128xf32> -> vector<512x128xf32>
    %add3A_269 = vector.broadcast %get3A_96 : vector<1x128xf32> to vector<512x128xf32>
    %add3A_270 = arith.addf %dot_general3A_268, %add3A_269 : vector<512x128xf32>
    %dot_general3A_271 = arith.constant dense<0.000000e+00> : vector<512x128xf32>
    %dot_general3A_272 = tpu.matmul %convert_element_type3A_240, %convert_element_type3A_75, %dot_general3A_271 {dimension_numbers = #tpu.dot_dimension_numbers<[1], [0], [0], [1], [0, 0, 1, 1], [], []>, transpose_lhs_hint = false} : vector<512x128xbf16>, vector<128x128xbf16>, vector<512x128xf32> -> vector<512x128xf32>
    %add3A_273 = vector.broadcast %get3A_99 : vector<1x128xf32> to vector<512x128xf32>
    %add3A_274 = arith.addf %dot_general3A_272, %add3A_273 : vector<512x128xf32>
    %mul3A_275 = arith.mulf %logistic3A_253, %add3A_274 : vector<512x128xf32>
    %add3A_276 = arith.addf %add3A_270, %mul3A_275 : vector<512x128xf32>
    %tanh3A_277 = math.tanh %add3A_276 : vector<512x128xf32>
    %sub3A_278 = arith.constant 1.000000e+00 : f32
    %sub3A_279 = vector.broadcast %sub3A_278 : f32 to vector<512x128xf32>
    %sub3A_280 = arith.subf %sub3A_279, %logistic3A_266 : vector<512x128xf32>
    %mul3A_281 = arith.mulf %sub3A_280, %tanh3A_277 : vector<512x128xf32>
    %mul3A_282 = arith.mulf %logistic3A_266, %add3A_188 : vector<512x128xf32>
    %add3A_283 = arith.addf %mul3A_281, %mul3A_282 : vector<512x128xf32>
    %get3A_284 = arith.constant 2 : index
    %get3A_285 = arith.constant 0 : index
    %get3A_286 = arith.constant 0 : index
    %get3A_287 = vector.load %arg1[%get3A_284, %get3A_285, %get3A_286] : memref<8x512x128xf32, #tpu.memory_space<vmem>>, vector<1x512x128xf32>
    %get3A_288 = vector.shape_cast %get3A_287 : vector<1x512x128xf32> to vector<512x128xf32>
    %convert_element_type3A_289 = arith.truncf %get3A_288 : vector<512x128xf32> to vector<512x128xbf16>
    %convert_element_type3A_290 = arith.truncf %add3A_238 : vector<512x128xf32> to vector<512x128xbf16>
    %dot_general3A_291 = arith.constant dense<0.000000e+00> : vector<512x128xf32>
    %dot_general3A_292 = tpu.matmul %convert_element_type3A_289, %convert_element_type3A, %dot_general3A_291 {dimension_numbers = #tpu.dot_dimension_numbers<[1], [0], [0], [1], [0, 0, 1, 1], [], []>, transpose_lhs_hint = false} : vector<512x128xbf16>, vector<128x128xbf16>, vector<512x128xf32> -> vector<512x128xf32>
    %dot_general3A_293 = arith.constant dense<0.000000e+00> : vector<512x128xf32>
    %dot_general3A_294 = tpu.matmul %convert_element_type3A_290, %convert_element_type3A_27, %dot_general3A_293 {dimension_numbers = #tpu.dot_dimension_numbers<[1], [0], [0], [1], [0, 0, 1, 1], [], []>, transpose_lhs_hint = false} : vector<512x128xbf16>, vector<128x128xbf16>, vector<512x128xf32> -> vector<512x128xf32>
    %add3A_295 = arith.addf %dot_general3A_292, %dot_general3A_294 : vector<512x128xf32>
    %add3A_296 = vector.broadcast %get3A_78 : vector<1x128xf32> to vector<512x128xf32>
    %add3A_297 = arith.addf %add3A_295, %add3A_296 : vector<512x128xf32>
    %logistic3A_298 = arith.negf %add3A_297 : vector<512x128xf32>
    %logistic3A_299 = math.exp %logistic3A_298 : vector<512x128xf32>
    %logistic3A_300 = arith.constant 1.000000e+00 : f32
    %logistic3A_301 = vector.broadcast %logistic3A_300 : f32 to vector<512x128xf32>
    %logistic3A_302 = arith.addf %logistic3A_301, %logistic3A_299 : vector<512x128xf32>
    %logistic3A_303 = arith.divf %logistic3A_301, %logistic3A_302 : vector<512x128xf32>
    %dot_general3A_304 = arith.constant dense<0.000000e+00> : vector<512x128xf32>
    %dot_general3A_305 = tpu.matmul %convert_element_type3A_289, %convert_element_type3A_15, %dot_general3A_304 {dimension_numbers = #tpu.dot_dimension_numbers<[1], [0], [0], [1], [0, 0, 1, 1], [], []>, transpose_lhs_hint = false} : vector<512x128xbf16>, vector<128x128xbf16>, vector<512x128xf32> -> vector<512x128xf32>
    %dot_general3A_306 = arith.constant dense<0.000000e+00> : vector<512x128xf32>
    %dot_general3A_307 = tpu.matmul %convert_element_type3A_290, %convert_element_type3A_33, %dot_general3A_306 {dimension_numbers = #tpu.dot_dimension_numbers<[1], [0], [0], [1], [0, 0, 1, 1], [], []>, transpose_lhs_hint = false} : vector<512x128xbf16>, vector<128x128xbf16>, vector<512x128xf32> -> vector<512x128xf32>
    %add3A_308 = arith.addf %dot_general3A_305, %dot_general3A_307 : vector<512x128xf32>
    %add3A_309 = vector.broadcast %get3A_81 : vector<1x128xf32> to vector<512x128xf32>
    %add3A_310 = arith.addf %add3A_308, %add3A_309 : vector<512x128xf32>
    %logistic3A_311 = arith.negf %add3A_310 : vector<512x128xf32>
    %logistic3A_312 = math.exp %logistic3A_311 : vector<512x128xf32>
    %logistic3A_313 = arith.constant 1.000000e+00 : f32
    %logistic3A_314 = vector.broadcast %logistic3A_313 : f32 to vector<512x128xf32>
    %logistic3A_315 = arith.addf %logistic3A_314, %logistic3A_312 : vector<512x128xf32>
    %logistic3A_316 = arith.divf %logistic3A_314, %logistic3A_315 : vector<512x128xf32>
    %dot_general3A_317 = arith.constant dense<0.000000e+00> : vector<512x128xf32>
    %dot_general3A_318 = tpu.matmul %convert_element_type3A_289, %convert_element_type3A_21, %dot_general3A_317 {dimension_numbers = #tpu.dot_dimension_numbers<[1], [0], [0], [1], [0, 0, 1, 1], [], []>, transpose_lhs_hint = false} : vector<512x128xbf16>, vector<128x128xbf16>, vector<512x128xf32> -> vector<512x128xf32>
    %add3A_319 = vector.broadcast %get3A_84 : vector<1x128xf32> to vector<512x128xf32>
    %add3A_320 = arith.addf %dot_general3A_318, %add3A_319 : vector<512x128xf32>
    %dot_general3A_321 = arith.constant dense<0.000000e+00> : vector<512x128xf32>
    %dot_general3A_322 = tpu.matmul %convert_element_type3A_290, %convert_element_type3A_39, %dot_general3A_321 {dimension_numbers = #tpu.dot_dimension_numbers<[1], [0], [0], [1], [0, 0, 1, 1], [], []>, transpose_lhs_hint = false} : vector<512x128xbf16>, vector<128x128xbf16>, vector<512x128xf32> -> vector<512x128xf32>
    %add3A_323 = vector.broadcast %get3A_87 : vector<1x128xf32> to vector<512x128xf32>
    %add3A_324 = arith.addf %dot_general3A_322, %add3A_323 : vector<512x128xf32>
    %mul3A_325 = arith.mulf %logistic3A_303, %add3A_324 : vector<512x128xf32>
    %add3A_326 = arith.addf %add3A_320, %mul3A_325 : vector<512x128xf32>
    %tanh3A_327 = math.tanh %add3A_326 : vector<512x128xf32>
    %sub3A_328 = arith.constant 1.000000e+00 : f32
    %sub3A_329 = vector.broadcast %sub3A_328 : f32 to vector<512x128xf32>
    %sub3A_330 = arith.subf %sub3A_329, %logistic3A_316 : vector<512x128xf32>
    %mul3A_331 = arith.mulf %sub3A_330, %tanh3A_327 : vector<512x128xf32>
    %mul3A_332 = arith.mulf %logistic3A_316, %add3A_238 : vector<512x128xf32>
    %add3A_333 = arith.addf %mul3A_331, %mul3A_332 : vector<512x128xf32>
    %convert_element_type3A_334 = arith.truncf %add3A_333 : vector<512x128xf32> to vector<512x128xbf16>
    %convert_element_type3A_335 = arith.truncf %add3A_283 : vector<512x128xf32> to vector<512x128xbf16>
    %dot_general3A_336 = arith.constant dense<0.000000e+00> : vector<512x128xf32>
    %dot_general3A_337 = tpu.matmul %convert_element_type3A_334, %convert_element_type3A_45, %dot_general3A_336 {dimension_numbers = #tpu.dot_dimension_numbers<[1], [0], [0], [1], [0, 0, 1, 1], [], []>, transpose_lhs_hint = false} : vector<512x128xbf16>, vector<128x128xbf16>, vector<512x128xf32> -> vector<512x128xf32>
    %dot_general3A_338 = arith.constant dense<0.000000e+00> : vector<512x128xf32>
    %dot_general3A_339 = tpu.matmul %convert_element_type3A_335, %convert_element_type3A_63, %dot_general3A_338 {dimension_numbers = #tpu.dot_dimension_numbers<[1], [0], [0], [1], [0, 0, 1, 1], [], []>, transpose_lhs_hint = false} : vector<512x128xbf16>, vector<128x128xbf16>, vector<512x128xf32> -> vector<512x128xf32>
    %add3A_340 = arith.addf %dot_general3A_337, %dot_general3A_339 : vector<512x128xf32>
    %add3A_341 = vector.broadcast %get3A_90 : vector<1x128xf32> to vector<512x128xf32>
    %add3A_342 = arith.addf %add3A_340, %add3A_341 : vector<512x128xf32>
    %logistic3A_343 = arith.negf %add3A_342 : vector<512x128xf32>
    %logistic3A_344 = math.exp %logistic3A_343 : vector<512x128xf32>
    %logistic3A_345 = arith.constant 1.000000e+00 : f32
    %logistic3A_346 = vector.broadcast %logistic3A_345 : f32 to vector<512x128xf32>
    %logistic3A_347 = arith.addf %logistic3A_346, %logistic3A_344 : vector<512x128xf32>
    %logistic3A_348 = arith.divf %logistic3A_346, %logistic3A_347 : vector<512x128xf32>
    %dot_general3A_349 = arith.constant dense<0.000000e+00> : vector<512x128xf32>
    %dot_general3A_350 = tpu.matmul %convert_element_type3A_334, %convert_element_type3A_51, %dot_general3A_349 {dimension_numbers = #tpu.dot_dimension_numbers<[1], [0], [0], [1], [0, 0, 1, 1], [], []>, transpose_lhs_hint = false} : vector<512x128xbf16>, vector<128x128xbf16>, vector<512x128xf32> -> vector<512x128xf32>
    %dot_general3A_351 = arith.constant dense<0.000000e+00> : vector<512x128xf32>
    %dot_general3A_352 = tpu.matmul %convert_element_type3A_335, %convert_element_type3A_69, %dot_general3A_351 {dimension_numbers = #tpu.dot_dimension_numbers<[1], [0], [0], [1], [0, 0, 1, 1], [], []>, transpose_lhs_hint = false} : vector<512x128xbf16>, vector<128x128xbf16>, vector<512x128xf32> -> vector<512x128xf32>
    %add3A_353 = arith.addf %dot_general3A_350, %dot_general3A_352 : vector<512x128xf32>
    %add3A_354 = vector.broadcast %get3A_93 : vector<1x128xf32> to vector<512x128xf32>
    %add3A_355 = arith.addf %add3A_353, %add3A_354 : vector<512x128xf32>
    %logistic3A_356 = arith.negf %add3A_355 : vector<512x128xf32>
    %logistic3A_357 = math.exp %logistic3A_356 : vector<512x128xf32>
    %logistic3A_358 = arith.constant 1.000000e+00 : f32
    %logistic3A_359 = vector.broadcast %logistic3A_358 : f32 to vector<512x128xf32>
    %logistic3A_360 = arith.addf %logistic3A_359, %logistic3A_357 : vector<512x128xf32>
    %logistic3A_361 = arith.divf %logistic3A_359, %logistic3A_360 : vector<512x128xf32>
    %dot_general3A_362 = arith.constant dense<0.000000e+00> : vector<512x128xf32>
    %dot_general3A_363 = tpu.matmul %convert_element_type3A_334, %convert_element_type3A_57, %dot_general3A_362 {dimension_numbers = #tpu.dot_dimension_numbers<[1], [0], [0], [1], [0, 0, 1, 1], [], []>, transpose_lhs_hint = false} : vector<512x128xbf16>, vector<128x128xbf16>, vector<512x128xf32> -> vector<512x128xf32>
    %add3A_364 = vector.broadcast %get3A_96 : vector<1x128xf32> to vector<512x128xf32>
    %add3A_365 = arith.addf %dot_general3A_363, %add3A_364 : vector<512x128xf32>
    %dot_general3A_366 = arith.constant dense<0.000000e+00> : vector<512x128xf32>
    %dot_general3A_367 = tpu.matmul %convert_element_type3A_335, %convert_element_type3A_75, %dot_general3A_366 {dimension_numbers = #tpu.dot_dimension_numbers<[1], [0], [0], [1], [0, 0, 1, 1], [], []>, transpose_lhs_hint = false} : vector<512x128xbf16>, vector<128x128xbf16>, vector<512x128xf32> -> vector<512x128xf32>
    %add3A_368 = vector.broadcast %get3A_99 : vector<1x128xf32> to vector<512x128xf32>
    %add3A_369 = arith.addf %dot_general3A_367, %add3A_368 : vector<512x128xf32>
    %mul3A_370 = arith.mulf %logistic3A_348, %add3A_369 : vector<512x128xf32>
    %add3A_371 = arith.addf %add3A_365, %mul3A_370 : vector<512x128xf32>
    %tanh3A_372 = math.tanh %add3A_371 : vector<512x128xf32>
    %sub3A_373 = arith.constant 1.000000e+00 : f32
    %sub3A_374 = vector.broadcast %sub3A_373 : f32 to vector<512x128xf32>
    %sub3A_375 = arith.subf %sub3A_374, %logistic3A_361 : vector<512x128xf32>
    %mul3A_376 = arith.mulf %sub3A_375, %tanh3A_372 : vector<512x128xf32>
    %mul3A_377 = arith.mulf %logistic3A_361, %add3A_283 : vector<512x128xf32>
    %add3A_378 = arith.addf %mul3A_376, %mul3A_377 : vector<512x128xf32>
    %get3A_379 = arith.constant 3 : index
    %get3A_380 = arith.constant 0 : index
    %get3A_381 = arith.constant 0 : index
    %get3A_382 = vector.load %arg1[%get3A_379, %get3A_380, %get3A_381] : memref<8x512x128xf32, #tpu.memory_space<vmem>>, vector<1x512x128xf32>
    %get3A_383 = vector.shape_cast %get3A_382 : vector<1x512x128xf32> to vector<512x128xf32>
    %convert_element_type3A_384 = arith.truncf %get3A_383 : vector<512x128xf32> to vector<512x128xbf16>
    %convert_element_type3A_385 = arith.truncf %add3A_333 : vector<512x128xf32> to vector<512x128xbf16>
    %dot_general3A_386 = arith.constant dense<0.000000e+00> : vector<512x128xf32>
    %dot_general3A_387 = tpu.matmul %convert_element_type3A_384, %convert_element_type3A, %dot_general3A_386 {dimension_numbers = #tpu.dot_dimension_numbers<[1], [0], [0], [1], [0, 0, 1, 1], [], []>, transpose_lhs_hint = false} : vector<512x128xbf16>, vector<128x128xbf16>, vector<512x128xf32> -> vector<512x128xf32>
    %dot_general3A_388 = arith.constant dense<0.000000e+00> : vector<512x128xf32>
    %dot_general3A_389 = tpu.matmul %convert_element_type3A_385, %convert_element_type3A_27, %dot_general3A_388 {dimension_numbers = #tpu.dot_dimension_numbers<[1], [0], [0], [1], [0, 0, 1, 1], [], []>, transpose_lhs_hint = false} : vector<512x128xbf16>, vector<128x128xbf16>, vector<512x128xf32> -> vector<512x128xf32>
    %add3A_390 = arith.addf %dot_general3A_387, %dot_general3A_389 : vector<512x128xf32>
    %add3A_391 = vector.broadcast %get3A_78 : vector<1x128xf32> to vector<512x128xf32>
    %add3A_392 = arith.addf %add3A_390, %add3A_391 : vector<512x128xf32>
    %logistic3A_393 = arith.negf %add3A_392 : vector<512x128xf32>
    %logistic3A_394 = math.exp %logistic3A_393 : vector<512x128xf32>
    %logistic3A_395 = arith.constant 1.000000e+00 : f32
    %logistic3A_396 = vector.broadcast %logistic3A_395 : f32 to vector<512x128xf32>
    %logistic3A_397 = arith.addf %logistic3A_396, %logistic3A_394 : vector<512x128xf32>
    %logistic3A_398 = arith.divf %logistic3A_396, %logistic3A_397 : vector<512x128xf32>
    %dot_general3A_399 = arith.constant dense<0.000000e+00> : vector<512x128xf32>
    %dot_general3A_400 = tpu.matmul %convert_element_type3A_384, %convert_element_type3A_15, %dot_general3A_399 {dimension_numbers = #tpu.dot_dimension_numbers<[1], [0], [0], [1], [0, 0, 1, 1], [], []>, transpose_lhs_hint = false} : vector<512x128xbf16>, vector<128x128xbf16>, vector<512x128xf32> -> vector<512x128xf32>
    %dot_general3A_401 = arith.constant dense<0.000000e+00> : vector<512x128xf32>
    %dot_general3A_402 = tpu.matmul %convert_element_type3A_385, %convert_element_type3A_33, %dot_general3A_401 {dimension_numbers = #tpu.dot_dimension_numbers<[1], [0], [0], [1], [0, 0, 1, 1], [], []>, transpose_lhs_hint = false} : vector<512x128xbf16>, vector<128x128xbf16>, vector<512x128xf32> -> vector<512x128xf32>
    %add3A_403 = arith.addf %dot_general3A_400, %dot_general3A_402 : vector<512x128xf32>
    %add3A_404 = vector.broadcast %get3A_81 : vector<1x128xf32> to vector<512x128xf32>
    %add3A_405 = arith.addf %add3A_403, %add3A_404 : vector<512x128xf32>
    %logistic3A_406 = arith.negf %add3A_405 : vector<512x128xf32>
    %logistic3A_407 = math.exp %logistic3A_406 : vector<512x128xf32>
    %logistic3A_408 = arith.constant 1.000000e+00 : f32
    %logistic3A_409 = vector.broadcast %logistic3A_408 : f32 to vector<512x128xf32>
    %logistic3A_410 = arith.addf %logistic3A_409, %logistic3A_407 : vector<512x128xf32>
    %logistic3A_411 = arith.divf %logistic3A_409, %logistic3A_410 : vector<512x128xf32>
    %dot_general3A_412 = arith.constant dense<0.000000e+00> : vector<512x128xf32>
    %dot_general3A_413 = tpu.matmul %convert_element_type3A_384, %convert_element_type3A_21, %dot_general3A_412 {dimension_numbers = #tpu.dot_dimension_numbers<[1], [0], [0], [1], [0, 0, 1, 1], [], []>, transpose_lhs_hint = false} : vector<512x128xbf16>, vector<128x128xbf16>, vector<512x128xf32> -> vector<512x128xf32>
    %add3A_414 = vector.broadcast %get3A_84 : vector<1x128xf32> to vector<512x128xf32>
    %add3A_415 = arith.addf %dot_general3A_413, %add3A_414 : vector<512x128xf32>
    %dot_general3A_416 = arith.constant dense<0.000000e+00> : vector<512x128xf32>
    %dot_general3A_417 = tpu.matmul %convert_element_type3A_385, %convert_element_type3A_39, %dot_general3A_416 {dimension_numbers = #tpu.dot_dimension_numbers<[1], [0], [0], [1], [0, 0, 1, 1], [], []>, transpose_lhs_hint = false} : vector<512x128xbf16>, vector<128x128xbf16>, vector<512x128xf32> -> vector<512x128xf32>
    %add3A_418 = vector.broadcast %get3A_87 : vector<1x128xf32> to vector<512x128xf32>
    %add3A_419 = arith.addf %dot_general3A_417, %add3A_418 : vector<512x128xf32>
    %mul3A_420 = arith.mulf %logistic3A_398, %add3A_419 : vector<512x128xf32>
    %add3A_421 = arith.addf %add3A_415, %mul3A_420 : vector<512x128xf32>
    %tanh3A_422 = math.tanh %add3A_421 : vector<512x128xf32>
    %sub3A_423 = arith.constant 1.000000e+00 : f32
    %sub3A_424 = vector.broadcast %sub3A_423 : f32 to vector<512x128xf32>
    %sub3A_425 = arith.subf %sub3A_424, %logistic3A_411 : vector<512x128xf32>
    %mul3A_426 = arith.mulf %sub3A_425, %tanh3A_422 : vector<512x128xf32>
    %mul3A_427 = arith.mulf %logistic3A_411, %add3A_333 : vector<512x128xf32>
    %add3A_428 = arith.addf %mul3A_426, %mul3A_427 : vector<512x128xf32>
    %convert_element_type3A_429 = arith.truncf %add3A_428 : vector<512x128xf32> to vector<512x128xbf16>
    %convert_element_type3A_430 = arith.truncf %add3A_378 : vector<512x128xf32> to vector<512x128xbf16>
    %dot_general3A_431 = arith.constant dense<0.000000e+00> : vector<512x128xf32>
    %dot_general3A_432 = tpu.matmul %convert_element_type3A_429, %convert_element_type3A_45, %dot_general3A_431 {dimension_numbers = #tpu.dot_dimension_numbers<[1], [0], [0], [1], [0, 0, 1, 1], [], []>, transpose_lhs_hint = false} : vector<512x128xbf16>, vector<128x128xbf16>, vector<512x128xf32> -> vector<512x128xf32>
    %dot_general3A_433 = arith.constant dense<0.000000e+00> : vector<512x128xf32>
    %dot_general3A_434 = tpu.matmul %convert_element_type3A_430, %convert_element_type3A_63, %dot_general3A_433 {dimension_numbers = #tpu.dot_dimension_numbers<[1], [0], [0], [1], [0, 0, 1, 1], [], []>, transpose_lhs_hint = false} : vector<512x128xbf16>, vector<128x128xbf16>, vector<512x128xf32> -> vector<512x128xf32>
    %add3A_435 = arith.addf %dot_general3A_432, %dot_general3A_434 : vector<512x128xf32>
    %add3A_436 = vector.broadcast %get3A_90 : vector<1x128xf32> to vector<512x128xf32>
    %add3A_437 = arith.addf %add3A_435, %add3A_436 : vector<512x128xf32>
    %logistic3A_438 = arith.negf %add3A_437 : vector<512x128xf32>
    %logistic3A_439 = math.exp %logistic3A_438 : vector<512x128xf32>
    %logistic3A_440 = arith.constant 1.000000e+00 : f32
    %logistic3A_441 = vector.broadcast %logistic3A_440 : f32 to vector<512x128xf32>
    %logistic3A_442 = arith.addf %logistic3A_441, %logistic3A_439 : vector<512x128xf32>
    %logistic3A_443 = arith.divf %logistic3A_441, %logistic3A_442 : vector<512x128xf32>
    %dot_general3A_444 = arith.constant dense<0.000000e+00> : vector<512x128xf32>
    %dot_general3A_445 = tpu.matmul %convert_element_type3A_429, %convert_element_type3A_51, %dot_general3A_444 {dimension_numbers = #tpu.dot_dimension_numbers<[1], [0], [0], [1], [0, 0, 1, 1], [], []>, transpose_lhs_hint = false} : vector<512x128xbf16>, vector<128x128xbf16>, vector<512x128xf32> -> vector<512x128xf32>
    %dot_general3A_446 = arith.constant dense<0.000000e+00> : vector<512x128xf32>
    %dot_general3A_447 = tpu.matmul %convert_element_type3A_430, %convert_element_type3A_69, %dot_general3A_446 {dimension_numbers = #tpu.dot_dimension_numbers<[1], [0], [0], [1], [0, 0, 1, 1], [], []>, transpose_lhs_hint = false} : vector<512x128xbf16>, vector<128x128xbf16>, vector<512x128xf32> -> vector<512x128xf32>
    %add3A_448 = arith.addf %dot_general3A_445, %dot_general3A_447 : vector<512x128xf32>
    %add3A_449 = vector.broadcast %get3A_93 : vector<1x128xf32> to vector<512x128xf32>
    %add3A_450 = arith.addf %add3A_448, %add3A_449 : vector<512x128xf32>
    %logistic3A_451 = arith.negf %add3A_450 : vector<512x128xf32>
    %logistic3A_452 = math.exp %logistic3A_451 : vector<512x128xf32>
    %logistic3A_453 = arith.constant 1.000000e+00 : f32
    %logistic3A_454 = vector.broadcast %logistic3A_453 : f32 to vector<512x128xf32>
    %logistic3A_455 = arith.addf %logistic3A_454, %logistic3A_452 : vector<512x128xf32>
    %logistic3A_456 = arith.divf %logistic3A_454, %logistic3A_455 : vector<512x128xf32>
    %dot_general3A_457 = arith.constant dense<0.000000e+00> : vector<512x128xf32>
    %dot_general3A_458 = tpu.matmul %convert_element_type3A_429, %convert_element_type3A_57, %dot_general3A_457 {dimension_numbers = #tpu.dot_dimension_numbers<[1], [0], [0], [1], [0, 0, 1, 1], [], []>, transpose_lhs_hint = false} : vector<512x128xbf16>, vector<128x128xbf16>, vector<512x128xf32> -> vector<512x128xf32>
    %add3A_459 = vector.broadcast %get3A_96 : vector<1x128xf32> to vector<512x128xf32>
    %add3A_460 = arith.addf %dot_general3A_458, %add3A_459 : vector<512x128xf32>
    %dot_general3A_461 = arith.constant dense<0.000000e+00> : vector<512x128xf32>
    %dot_general3A_462 = tpu.matmul %convert_element_type3A_430, %convert_element_type3A_75, %dot_general3A_461 {dimension_numbers = #tpu.dot_dimension_numbers<[1], [0], [0], [1], [0, 0, 1, 1], [], []>, transpose_lhs_hint = false} : vector<512x128xbf16>, vector<128x128xbf16>, vector<512x128xf32> -> vector<512x128xf32>
    %add3A_463 = vector.broadcast %get3A_99 : vector<1x128xf32> to vector<512x128xf32>
    %add3A_464 = arith.addf %dot_general3A_462, %add3A_463 : vector<512x128xf32>
    %mul3A_465 = arith.mulf %logistic3A_443, %add3A_464 : vector<512x128xf32>
    %add3A_466 = arith.addf %add3A_460, %mul3A_465 : vector<512x128xf32>
    %tanh3A_467 = math.tanh %add3A_466 : vector<512x128xf32>
    %sub3A_468 = arith.constant 1.000000e+00 : f32
    %sub3A_469 = vector.broadcast %sub3A_468 : f32 to vector<512x128xf32>
    %sub3A_470 = arith.subf %sub3A_469, %logistic3A_456 : vector<512x128xf32>
    %mul3A_471 = arith.mulf %sub3A_470, %tanh3A_467 : vector<512x128xf32>
    %mul3A_472 = arith.mulf %logistic3A_456, %add3A_378 : vector<512x128xf32>
    %add3A_473 = arith.addf %mul3A_471, %mul3A_472 : vector<512x128xf32>
    %get3A_474 = arith.constant 4 : index
    %get3A_475 = arith.constant 0 : index
    %get3A_476 = arith.constant 0 : index
    %get3A_477 = vector.load %arg1[%get3A_474, %get3A_475, %get3A_476] : memref<8x512x128xf32, #tpu.memory_space<vmem>>, vector<1x512x128xf32>
    %get3A_478 = vector.shape_cast %get3A_477 : vector<1x512x128xf32> to vector<512x128xf32>
    %convert_element_type3A_479 = arith.truncf %get3A_478 : vector<512x128xf32> to vector<512x128xbf16>
    %convert_element_type3A_480 = arith.truncf %add3A_428 : vector<512x128xf32> to vector<512x128xbf16>
    %dot_general3A_481 = arith.constant dense<0.000000e+00> : vector<512x128xf32>
    %dot_general3A_482 = tpu.matmul %convert_element_type3A_479, %convert_element_type3A, %dot_general3A_481 {dimension_numbers = #tpu.dot_dimension_numbers<[1], [0], [0], [1], [0, 0, 1, 1], [], []>, transpose_lhs_hint = false} : vector<512x128xbf16>, vector<128x128xbf16>, vector<512x128xf32> -> vector<512x128xf32>
    %dot_general3A_483 = arith.constant dense<0.000000e+00> : vector<512x128xf32>
    %dot_general3A_484 = tpu.matmul %convert_element_type3A_480, %convert_element_type3A_27, %dot_general3A_483 {dimension_numbers = #tpu.dot_dimension_numbers<[1], [0], [0], [1], [0, 0, 1, 1], [], []>, transpose_lhs_hint = false} : vector<512x128xbf16>, vector<128x128xbf16>, vector<512x128xf32> -> vector<512x128xf32>
    %add3A_485 = arith.addf %dot_general3A_482, %dot_general3A_484 : vector<512x128xf32>
    %add3A_486 = vector.broadcast %get3A_78 : vector<1x128xf32> to vector<512x128xf32>
    %add3A_487 = arith.addf %add3A_485, %add3A_486 : vector<512x128xf32>
    %logistic3A_488 = arith.negf %add3A_487 : vector<512x128xf32>
    %logistic3A_489 = math.exp %logistic3A_488 : vector<512x128xf32>
    %logistic3A_490 = arith.constant 1.000000e+00 : f32
    %logistic3A_491 = vector.broadcast %logistic3A_490 : f32 to vector<512x128xf32>
    %logistic3A_492 = arith.addf %logistic3A_491, %logistic3A_489 : vector<512x128xf32>
    %logistic3A_493 = arith.divf %logistic3A_491, %logistic3A_492 : vector<512x128xf32>
    %dot_general3A_494 = arith.constant dense<0.000000e+00> : vector<512x128xf32>
    %dot_general3A_495 = tpu.matmul %convert_element_type3A_479, %convert_element_type3A_15, %dot_general3A_494 {dimension_numbers = #tpu.dot_dimension_numbers<[1], [0], [0], [1], [0, 0, 1, 1], [], []>, transpose_lhs_hint = false} : vector<512x128xbf16>, vector<128x128xbf16>, vector<512x128xf32> -> vector<512x128xf32>
    %dot_general3A_496 = arith.constant dense<0.000000e+00> : vector<512x128xf32>
    %dot_general3A_497 = tpu.matmul %convert_element_type3A_480, %convert_element_type3A_33, %dot_general3A_496 {dimension_numbers = #tpu.dot_dimension_numbers<[1], [0], [0], [1], [0, 0, 1, 1], [], []>, transpose_lhs_hint = false} : vector<512x128xbf16>, vector<128x128xbf16>, vector<512x128xf32> -> vector<512x128xf32>
    %add3A_498 = arith.addf %dot_general3A_495, %dot_general3A_497 : vector<512x128xf32>
    %add3A_499 = vector.broadcast %get3A_81 : vector<1x128xf32> to vector<512x128xf32>
    %add3A_500 = arith.addf %add3A_498, %add3A_499 : vector<512x128xf32>
    %logistic3A_501 = arith.negf %add3A_500 : vector<512x128xf32>
    %logistic3A_502 = math.exp %logistic3A_501 : vector<512x128xf32>
    %logistic3A_503 = arith.constant 1.000000e+00 : f32
    %logistic3A_504 = vector.broadcast %logistic3A_503 : f32 to vector<512x128xf32>
    %logistic3A_505 = arith.addf %logistic3A_504, %logistic3A_502 : vector<512x128xf32>
    %logistic3A_506 = arith.divf %logistic3A_504, %logistic3A_505 : vector<512x128xf32>
    %dot_general3A_507 = arith.constant dense<0.000000e+00> : vector<512x128xf32>
    %dot_general3A_508 = tpu.matmul %convert_element_type3A_479, %convert_element_type3A_21, %dot_general3A_507 {dimension_numbers = #tpu.dot_dimension_numbers<[1], [0], [0], [1], [0, 0, 1, 1], [], []>, transpose_lhs_hint = false} : vector<512x128xbf16>, vector<128x128xbf16>, vector<512x128xf32> -> vector<512x128xf32>
    %add3A_509 = vector.broadcast %get3A_84 : vector<1x128xf32> to vector<512x128xf32>
    %add3A_510 = arith.addf %dot_general3A_508, %add3A_509 : vector<512x128xf32>
    %dot_general3A_511 = arith.constant dense<0.000000e+00> : vector<512x128xf32>
    %dot_general3A_512 = tpu.matmul %convert_element_type3A_480, %convert_element_type3A_39, %dot_general3A_511 {dimension_numbers = #tpu.dot_dimension_numbers<[1], [0], [0], [1], [0, 0, 1, 1], [], []>, transpose_lhs_hint = false} : vector<512x128xbf16>, vector<128x128xbf16>, vector<512x128xf32> -> vector<512x128xf32>
    %add3A_513 = vector.broadcast %get3A_87 : vector<1x128xf32> to vector<512x128xf32>
    %add3A_514 = arith.addf %dot_general3A_512, %add3A_513 : vector<512x128xf32>
    %mul3A_515 = arith.mulf %logistic3A_493, %add3A_514 : vector<512x128xf32>
    %add3A_516 = arith.addf %add3A_510, %mul3A_515 : vector<512x128xf32>
    %tanh3A_517 = math.tanh %add3A_516 : vector<512x128xf32>
    %sub3A_518 = arith.constant 1.000000e+00 : f32
    %sub3A_519 = vector.broadcast %sub3A_518 : f32 to vector<512x128xf32>
    %sub3A_520 = arith.subf %sub3A_519, %logistic3A_506 : vector<512x128xf32>
    %mul3A_521 = arith.mulf %sub3A_520, %tanh3A_517 : vector<512x128xf32>
    %mul3A_522 = arith.mulf %logistic3A_506, %add3A_428 : vector<512x128xf32>
    %add3A_523 = arith.addf %mul3A_521, %mul3A_522 : vector<512x128xf32>
    %convert_element_type3A_524 = arith.truncf %add3A_523 : vector<512x128xf32> to vector<512x128xbf16>
    %convert_element_type3A_525 = arith.truncf %add3A_473 : vector<512x128xf32> to vector<512x128xbf16>
    %dot_general3A_526 = arith.constant dense<0.000000e+00> : vector<512x128xf32>
    %dot_general3A_527 = tpu.matmul %convert_element_type3A_524, %convert_element_type3A_45, %dot_general3A_526 {dimension_numbers = #tpu.dot_dimension_numbers<[1], [0], [0], [1], [0, 0, 1, 1], [], []>, transpose_lhs_hint = false} : vector<512x128xbf16>, vector<128x128xbf16>, vector<512x128xf32> -> vector<512x128xf32>
    %dot_general3A_528 = arith.constant dense<0.000000e+00> : vector<512x128xf32>
    %dot_general3A_529 = tpu.matmul %convert_element_type3A_525, %convert_element_type3A_63, %dot_general3A_528 {dimension_numbers = #tpu.dot_dimension_numbers<[1], [0], [0], [1], [0, 0, 1, 1], [], []>, transpose_lhs_hint = false} : vector<512x128xbf16>, vector<128x128xbf16>, vector<512x128xf32> -> vector<512x128xf32>
    %add3A_530 = arith.addf %dot_general3A_527, %dot_general3A_529 : vector<512x128xf32>
    %add3A_531 = vector.broadcast %get3A_90 : vector<1x128xf32> to vector<512x128xf32>
    %add3A_532 = arith.addf %add3A_530, %add3A_531 : vector<512x128xf32>
    %logistic3A_533 = arith.negf %add3A_532 : vector<512x128xf32>
    %logistic3A_534 = math.exp %logistic3A_533 : vector<512x128xf32>
    %logistic3A_535 = arith.constant 1.000000e+00 : f32
    %logistic3A_536 = vector.broadcast %logistic3A_535 : f32 to vector<512x128xf32>
    %logistic3A_537 = arith.addf %logistic3A_536, %logistic3A_534 : vector<512x128xf32>
    %logistic3A_538 = arith.divf %logistic3A_536, %logistic3A_537 : vector<512x128xf32>
    %dot_general3A_539 = arith.constant dense<0.000000e+00> : vector<512x128xf32>
    %dot_general3A_540 = tpu.matmul %convert_element_type3A_524, %convert_element_type3A_51, %dot_general3A_539 {dimension_numbers = #tpu.dot_dimension_numbers<[1], [0], [0], [1], [0, 0, 1, 1], [], []>, transpose_lhs_hint = false} : vector<512x128xbf16>, vector<128x128xbf16>, vector<512x128xf32> -> vector<512x128xf32>
    %dot_general3A_541 = arith.constant dense<0.000000e+00> : vector<512x128xf32>
    %dot_general3A_542 = tpu.matmul %convert_element_type3A_525, %convert_element_type3A_69, %dot_general3A_541 {dimension_numbers = #tpu.dot_dimension_numbers<[1], [0], [0], [1], [0, 0, 1, 1], [], []>, transpose_lhs_hint = false} : vector<512x128xbf16>, vector<128x128xbf16>, vector<512x128xf32> -> vector<512x128xf32>
    %add3A_543 = arith.addf %dot_general3A_540, %dot_general3A_542 : vector<512x128xf32>
    %add3A_544 = vector.broadcast %get3A_93 : vector<1x128xf32> to vector<512x128xf32>
    %add3A_545 = arith.addf %add3A_543, %add3A_544 : vector<512x128xf32>
    %logistic3A_546 = arith.negf %add3A_545 : vector<512x128xf32>
    %logistic3A_547 = math.exp %logistic3A_546 : vector<512x128xf32>
    %logistic3A_548 = arith.constant 1.000000e+00 : f32
    %logistic3A_549 = vector.broadcast %logistic3A_548 : f32 to vector<512x128xf32>
    %logistic3A_550 = arith.addf %logistic3A_549, %logistic3A_547 : vector<512x128xf32>
    %logistic3A_551 = arith.divf %logistic3A_549, %logistic3A_550 : vector<512x128xf32>
    %dot_general3A_552 = arith.constant dense<0.000000e+00> : vector<512x128xf32>
    %dot_general3A_553 = tpu.matmul %convert_element_type3A_524, %convert_element_type3A_57, %dot_general3A_552 {dimension_numbers = #tpu.dot_dimension_numbers<[1], [0], [0], [1], [0, 0, 1, 1], [], []>, transpose_lhs_hint = false} : vector<512x128xbf16>, vector<128x128xbf16>, vector<512x128xf32> -> vector<512x128xf32>
    %add3A_554 = vector.broadcast %get3A_96 : vector<1x128xf32> to vector<512x128xf32>
    %add3A_555 = arith.addf %dot_general3A_553, %add3A_554 : vector<512x128xf32>
    %dot_general3A_556 = arith.constant dense<0.000000e+00> : vector<512x128xf32>
    %dot_general3A_557 = tpu.matmul %convert_element_type3A_525, %convert_element_type3A_75, %dot_general3A_556 {dimension_numbers = #tpu.dot_dimension_numbers<[1], [0], [0], [1], [0, 0, 1, 1], [], []>, transpose_lhs_hint = false} : vector<512x128xbf16>, vector<128x128xbf16>, vector<512x128xf32> -> vector<512x128xf32>
    %add3A_558 = vector.broadcast %get3A_99 : vector<1x128xf32> to vector<512x128xf32>
    %add3A_559 = arith.addf %dot_general3A_557, %add3A_558 : vector<512x128xf32>
    %mul3A_560 = arith.mulf %logistic3A_538, %add3A_559 : vector<512x128xf32>
    %add3A_561 = arith.addf %add3A_555, %mul3A_560 : vector<512x128xf32>
    %tanh3A_562 = math.tanh %add3A_561 : vector<512x128xf32>
    %sub3A_563 = arith.constant 1.000000e+00 : f32
    %sub3A_564 = vector.broadcast %sub3A_563 : f32 to vector<512x128xf32>
    %sub3A_565 = arith.subf %sub3A_564, %logistic3A_551 : vector<512x128xf32>
    %mul3A_566 = arith.mulf %sub3A_565, %tanh3A_562 : vector<512x128xf32>
    %mul3A_567 = arith.mulf %logistic3A_551, %add3A_473 : vector<512x128xf32>
    %add3A_568 = arith.addf %mul3A_566, %mul3A_567 : vector<512x128xf32>
    %get3A_569 = arith.constant 5 : index
    %get3A_570 = arith.constant 0 : index
    %get3A_571 = arith.constant 0 : index
    %get3A_572 = vector.load %arg1[%get3A_569, %get3A_570, %get3A_571] : memref<8x512x128xf32, #tpu.memory_space<vmem>>, vector<1x512x128xf32>
    %get3A_573 = vector.shape_cast %get3A_572 : vector<1x512x128xf32> to vector<512x128xf32>
    %convert_element_type3A_574 = arith.truncf %get3A_573 : vector<512x128xf32> to vector<512x128xbf16>
    %convert_element_type3A_575 = arith.truncf %add3A_523 : vector<512x128xf32> to vector<512x128xbf16>
    %dot_general3A_576 = arith.constant dense<0.000000e+00> : vector<512x128xf32>
    %dot_general3A_577 = tpu.matmul %convert_element_type3A_574, %convert_element_type3A, %dot_general3A_576 {dimension_numbers = #tpu.dot_dimension_numbers<[1], [0], [0], [1], [0, 0, 1, 1], [], []>, transpose_lhs_hint = false} : vector<512x128xbf16>, vector<128x128xbf16>, vector<512x128xf32> -> vector<512x128xf32>
    %dot_general3A_578 = arith.constant dense<0.000000e+00> : vector<512x128xf32>
    %dot_general3A_579 = tpu.matmul %convert_element_type3A_575, %convert_element_type3A_27, %dot_general3A_578 {dimension_numbers = #tpu.dot_dimension_numbers<[1], [0], [0], [1], [0, 0, 1, 1], [], []>, transpose_lhs_hint = false} : vector<512x128xbf16>, vector<128x128xbf16>, vector<512x128xf32> -> vector<512x128xf32>
    %add3A_580 = arith.addf %dot_general3A_577, %dot_general3A_579 : vector<512x128xf32>
    %add3A_581 = vector.broadcast %get3A_78 : vector<1x128xf32> to vector<512x128xf32>
    %add3A_582 = arith.addf %add3A_580, %add3A_581 : vector<512x128xf32>
    %logistic3A_583 = arith.negf %add3A_582 : vector<512x128xf32>
    %logistic3A_584 = math.exp %logistic3A_583 : vector<512x128xf32>
    %logistic3A_585 = arith.constant 1.000000e+00 : f32
    %logistic3A_586 = vector.broadcast %logistic3A_585 : f32 to vector<512x128xf32>
    %logistic3A_587 = arith.addf %logistic3A_586, %logistic3A_584 : vector<512x128xf32>
    %logistic3A_588 = arith.divf %logistic3A_586, %logistic3A_587 : vector<512x128xf32>
    %dot_general3A_589 = arith.constant dense<0.000000e+00> : vector<512x128xf32>
    %dot_general3A_590 = tpu.matmul %convert_element_type3A_574, %convert_element_type3A_15, %dot_general3A_589 {dimension_numbers = #tpu.dot_dimension_numbers<[1], [0], [0], [1], [0, 0, 1, 1], [], []>, transpose_lhs_hint = false} : vector<512x128xbf16>, vector<128x128xbf16>, vector<512x128xf32> -> vector<512x128xf32>
    %dot_general3A_591 = arith.constant dense<0.000000e+00> : vector<512x128xf32>
    %dot_general3A_592 = tpu.matmul %convert_element_type3A_575, %convert_element_type3A_33, %dot_general3A_591 {dimension_numbers = #tpu.dot_dimension_numbers<[1], [0], [0], [1], [0, 0, 1, 1], [], []>, transpose_lhs_hint = false} : vector<512x128xbf16>, vector<128x128xbf16>, vector<512x128xf32> -> vector<512x128xf32>
    %add3A_593 = arith.addf %dot_general3A_590, %dot_general3A_592 : vector<512x128xf32>
    %add3A_594 = vector.broadcast %get3A_81 : vector<1x128xf32> to vector<512x128xf32>
    %add3A_595 = arith.addf %add3A_593, %add3A_594 : vector<512x128xf32>
    %logistic3A_596 = arith.negf %add3A_595 : vector<512x128xf32>
    %logistic3A_597 = math.exp %logistic3A_596 : vector<512x128xf32>
    %logistic3A_598 = arith.constant 1.000000e+00 : f32
    %logistic3A_599 = vector.broadcast %logistic3A_598 : f32 to vector<512x128xf32>
    %logistic3A_600 = arith.addf %logistic3A_599, %logistic3A_597 : vector<512x128xf32>
    %logistic3A_601 = arith.divf %logistic3A_599, %logistic3A_600 : vector<512x128xf32>
    %dot_general3A_602 = arith.constant dense<0.000000e+00> : vector<512x128xf32>
    %dot_general3A_603 = tpu.matmul %convert_element_type3A_574, %convert_element_type3A_21, %dot_general3A_602 {dimension_numbers = #tpu.dot_dimension_numbers<[1], [0], [0], [1], [0, 0, 1, 1], [], []>, transpose_lhs_hint = false} : vector<512x128xbf16>, vector<128x128xbf16>, vector<512x128xf32> -> vector<512x128xf32>
    %add3A_604 = vector.broadcast %get3A_84 : vector<1x128xf32> to vector<512x128xf32>
    %add3A_605 = arith.addf %dot_general3A_603, %add3A_604 : vector<512x128xf32>
    %dot_general3A_606 = arith.constant dense<0.000000e+00> : vector<512x128xf32>
    %dot_general3A_607 = tpu.matmul %convert_element_type3A_575, %convert_element_type3A_39, %dot_general3A_606 {dimension_numbers = #tpu.dot_dimension_numbers<[1], [0], [0], [1], [0, 0, 1, 1], [], []>, transpose_lhs_hint = false} : vector<512x128xbf16>, vector<128x128xbf16>, vector<512x128xf32> -> vector<512x128xf32>
    %add3A_608 = vector.broadcast %get3A_87 : vector<1x128xf32> to vector<512x128xf32>
    %add3A_609 = arith.addf %dot_general3A_607, %add3A_608 : vector<512x128xf32>
    %mul3A_610 = arith.mulf %logistic3A_588, %add3A_609 : vector<512x128xf32>
    %add3A_611 = arith.addf %add3A_605, %mul3A_610 : vector<512x128xf32>
    %tanh3A_612 = math.tanh %add3A_611 : vector<512x128xf32>
    %sub3A_613 = arith.constant 1.000000e+00 : f32
    %sub3A_614 = vector.broadcast %sub3A_613 : f32 to vector<512x128xf32>
    %sub3A_615 = arith.subf %sub3A_614, %logistic3A_601 : vector<512x128xf32>
    %mul3A_616 = arith.mulf %sub3A_615, %tanh3A_612 : vector<512x128xf32>
    %mul3A_617 = arith.mulf %logistic3A_601, %add3A_523 : vector<512x128xf32>
    %add3A_618 = arith.addf %mul3A_616, %mul3A_617 : vector<512x128xf32>
    %convert_element_type3A_619 = arith.truncf %add3A_618 : vector<512x128xf32> to vector<512x128xbf16>
    %convert_element_type3A_620 = arith.truncf %add3A_568 : vector<512x128xf32> to vector<512x128xbf16>
    %dot_general3A_621 = arith.constant dense<0.000000e+00> : vector<512x128xf32>
    %dot_general3A_622 = tpu.matmul %convert_element_type3A_619, %convert_element_type3A_45, %dot_general3A_621 {dimension_numbers = #tpu.dot_dimension_numbers<[1], [0], [0], [1], [0, 0, 1, 1], [], []>, transpose_lhs_hint = false} : vector<512x128xbf16>, vector<128x128xbf16>, vector<512x128xf32> -> vector<512x128xf32>
    %dot_general3A_623 = arith.constant dense<0.000000e+00> : vector<512x128xf32>
    %dot_general3A_624 = tpu.matmul %convert_element_type3A_620, %convert_element_type3A_63, %dot_general3A_623 {dimension_numbers = #tpu.dot_dimension_numbers<[1], [0], [0], [1], [0, 0, 1, 1], [], []>, transpose_lhs_hint = false} : vector<512x128xbf16>, vector<128x128xbf16>, vector<512x128xf32> -> vector<512x128xf32>
    %add3A_625 = arith.addf %dot_general3A_622, %dot_general3A_624 : vector<512x128xf32>
    %add3A_626 = vector.broadcast %get3A_90 : vector<1x128xf32> to vector<512x128xf32>
    %add3A_627 = arith.addf %add3A_625, %add3A_626 : vector<512x128xf32>
    %logistic3A_628 = arith.negf %add3A_627 : vector<512x128xf32>
    %logistic3A_629 = math.exp %logistic3A_628 : vector<512x128xf32>
    %logistic3A_630 = arith.constant 1.000000e+00 : f32
    %logistic3A_631 = vector.broadcast %logistic3A_630 : f32 to vector<512x128xf32>
    %logistic3A_632 = arith.addf %logistic3A_631, %logistic3A_629 : vector<512x128xf32>
    %logistic3A_633 = arith.divf %logistic3A_631, %logistic3A_632 : vector<512x128xf32>
    %dot_general3A_634 = arith.constant dense<0.000000e+00> : vector<512x128xf32>
    %dot_general3A_635 = tpu.matmul %convert_element_type3A_619, %convert_element_type3A_51, %dot_general3A_634 {dimension_numbers = #tpu.dot_dimension_numbers<[1], [0], [0], [1], [0, 0, 1, 1], [], []>, transpose_lhs_hint = false} : vector<512x128xbf16>, vector<128x128xbf16>, vector<512x128xf32> -> vector<512x128xf32>
    %dot_general3A_636 = arith.constant dense<0.000000e+00> : vector<512x128xf32>
    %dot_general3A_637 = tpu.matmul %convert_element_type3A_620, %convert_element_type3A_69, %dot_general3A_636 {dimension_numbers = #tpu.dot_dimension_numbers<[1], [0], [0], [1], [0, 0, 1, 1], [], []>, transpose_lhs_hint = false} : vector<512x128xbf16>, vector<128x128xbf16>, vector<512x128xf32> -> vector<512x128xf32>
    %add3A_638 = arith.addf %dot_general3A_635, %dot_general3A_637 : vector<512x128xf32>
    %add3A_639 = vector.broadcast %get3A_93 : vector<1x128xf32> to vector<512x128xf32>
    %add3A_640 = arith.addf %add3A_638, %add3A_639 : vector<512x128xf32>
    %logistic3A_641 = arith.negf %add3A_640 : vector<512x128xf32>
    %logistic3A_642 = math.exp %logistic3A_641 : vector<512x128xf32>
    %logistic3A_643 = arith.constant 1.000000e+00 : f32
    %logistic3A_644 = vector.broadcast %logistic3A_643 : f32 to vector<512x128xf32>
    %logistic3A_645 = arith.addf %logistic3A_644, %logistic3A_642 : vector<512x128xf32>
    %logistic3A_646 = arith.divf %logistic3A_644, %logistic3A_645 : vector<512x128xf32>
    %dot_general3A_647 = arith.constant dense<0.000000e+00> : vector<512x128xf32>
    %dot_general3A_648 = tpu.matmul %convert_element_type3A_619, %convert_element_type3A_57, %dot_general3A_647 {dimension_numbers = #tpu.dot_dimension_numbers<[1], [0], [0], [1], [0, 0, 1, 1], [], []>, transpose_lhs_hint = false} : vector<512x128xbf16>, vector<128x128xbf16>, vector<512x128xf32> -> vector<512x128xf32>
    %add3A_649 = vector.broadcast %get3A_96 : vector<1x128xf32> to vector<512x128xf32>
    %add3A_650 = arith.addf %dot_general3A_648, %add3A_649 : vector<512x128xf32>
    %dot_general3A_651 = arith.constant dense<0.000000e+00> : vector<512x128xf32>
    %dot_general3A_652 = tpu.matmul %convert_element_type3A_620, %convert_element_type3A_75, %dot_general3A_651 {dimension_numbers = #tpu.dot_dimension_numbers<[1], [0], [0], [1], [0, 0, 1, 1], [], []>, transpose_lhs_hint = false} : vector<512x128xbf16>, vector<128x128xbf16>, vector<512x128xf32> -> vector<512x128xf32>
    %add3A_653 = vector.broadcast %get3A_99 : vector<1x128xf32> to vector<512x128xf32>
    %add3A_654 = arith.addf %dot_general3A_652, %add3A_653 : vector<512x128xf32>
    %mul3A_655 = arith.mulf %logistic3A_633, %add3A_654 : vector<512x128xf32>
    %add3A_656 = arith.addf %add3A_650, %mul3A_655 : vector<512x128xf32>
    %tanh3A_657 = math.tanh %add3A_656 : vector<512x128xf32>
    %sub3A_658 = arith.constant 1.000000e+00 : f32
    %sub3A_659 = vector.broadcast %sub3A_658 : f32 to vector<512x128xf32>
    %sub3A_660 = arith.subf %sub3A_659, %logistic3A_646 : vector<512x128xf32>
    %mul3A_661 = arith.mulf %sub3A_660, %tanh3A_657 : vector<512x128xf32>
    %mul3A_662 = arith.mulf %logistic3A_646, %add3A_568 : vector<512x128xf32>
    %add3A_663 = arith.addf %mul3A_661, %mul3A_662 : vector<512x128xf32>
    %get3A_664 = arith.constant 6 : index
    %get3A_665 = arith.constant 0 : index
    %get3A_666 = arith.constant 0 : index
    %get3A_667 = vector.load %arg1[%get3A_664, %get3A_665, %get3A_666] : memref<8x512x128xf32, #tpu.memory_space<vmem>>, vector<1x512x128xf32>
    %get3A_668 = vector.shape_cast %get3A_667 : vector<1x512x128xf32> to vector<512x128xf32>
    %convert_element_type3A_669 = arith.truncf %get3A_668 : vector<512x128xf32> to vector<512x128xbf16>
    %convert_element_type3A_670 = arith.truncf %add3A_618 : vector<512x128xf32> to vector<512x128xbf16>
    %dot_general3A_671 = arith.constant dense<0.000000e+00> : vector<512x128xf32>
    %dot_general3A_672 = tpu.matmul %convert_element_type3A_669, %convert_element_type3A, %dot_general3A_671 {dimension_numbers = #tpu.dot_dimension_numbers<[1], [0], [0], [1], [0, 0, 1, 1], [], []>, transpose_lhs_hint = false} : vector<512x128xbf16>, vector<128x128xbf16>, vector<512x128xf32> -> vector<512x128xf32>
    %dot_general3A_673 = arith.constant dense<0.000000e+00> : vector<512x128xf32>
    %dot_general3A_674 = tpu.matmul %convert_element_type3A_670, %convert_element_type3A_27, %dot_general3A_673 {dimension_numbers = #tpu.dot_dimension_numbers<[1], [0], [0], [1], [0, 0, 1, 1], [], []>, transpose_lhs_hint = false} : vector<512x128xbf16>, vector<128x128xbf16>, vector<512x128xf32> -> vector<512x128xf32>
    %add3A_675 = arith.addf %dot_general3A_672, %dot_general3A_674 : vector<512x128xf32>
    %add3A_676 = vector.broadcast %get3A_78 : vector<1x128xf32> to vector<512x128xf32>
    %add3A_677 = arith.addf %add3A_675, %add3A_676 : vector<512x128xf32>
    %logistic3A_678 = arith.negf %add3A_677 : vector<512x128xf32>
    %logistic3A_679 = math.exp %logistic3A_678 : vector<512x128xf32>
    %logistic3A_680 = arith.constant 1.000000e+00 : f32
    %logistic3A_681 = vector.broadcast %logistic3A_680 : f32 to vector<512x128xf32>
    %logistic3A_682 = arith.addf %logistic3A_681, %logistic3A_679 : vector<512x128xf32>
    %logistic3A_683 = arith.divf %logistic3A_681, %logistic3A_682 : vector<512x128xf32>
    %dot_general3A_684 = arith.constant dense<0.000000e+00> : vector<512x128xf32>
    %dot_general3A_685 = tpu.matmul %convert_element_type3A_669, %convert_element_type3A_15, %dot_general3A_684 {dimension_numbers = #tpu.dot_dimension_numbers<[1], [0], [0], [1], [0, 0, 1, 1], [], []>, transpose_lhs_hint = false} : vector<512x128xbf16>, vector<128x128xbf16>, vector<512x128xf32> -> vector<512x128xf32>
    %dot_general3A_686 = arith.constant dense<0.000000e+00> : vector<512x128xf32>
    %dot_general3A_687 = tpu.matmul %convert_element_type3A_670, %convert_element_type3A_33, %dot_general3A_686 {dimension_numbers = #tpu.dot_dimension_numbers<[1], [0], [0], [1], [0, 0, 1, 1], [], []>, transpose_lhs_hint = false} : vector<512x128xbf16>, vector<128x128xbf16>, vector<512x128xf32> -> vector<512x128xf32>
    %add3A_688 = arith.addf %dot_general3A_685, %dot_general3A_687 : vector<512x128xf32>
    %add3A_689 = vector.broadcast %get3A_81 : vector<1x128xf32> to vector<512x128xf32>
    %add3A_690 = arith.addf %add3A_688, %add3A_689 : vector<512x128xf32>
    %logistic3A_691 = arith.negf %add3A_690 : vector<512x128xf32>
    %logistic3A_692 = math.exp %logistic3A_691 : vector<512x128xf32>
    %logistic3A_693 = arith.constant 1.000000e+00 : f32
    %logistic3A_694 = vector.broadcast %logistic3A_693 : f32 to vector<512x128xf32>
    %logistic3A_695 = arith.addf %logistic3A_694, %logistic3A_692 : vector<512x128xf32>
    %logistic3A_696 = arith.divf %logistic3A_694, %logistic3A_695 : vector<512x128xf32>
    %dot_general3A_697 = arith.constant dense<0.000000e+00> : vector<512x128xf32>
    %dot_general3A_698 = tpu.matmul %convert_element_type3A_669, %convert_element_type3A_21, %dot_general3A_697 {dimension_numbers = #tpu.dot_dimension_numbers<[1], [0], [0], [1], [0, 0, 1, 1], [], []>, transpose_lhs_hint = false} : vector<512x128xbf16>, vector<128x128xbf16>, vector<512x128xf32> -> vector<512x128xf32>
    %add3A_699 = vector.broadcast %get3A_84 : vector<1x128xf32> to vector<512x128xf32>
    %add3A_700 = arith.addf %dot_general3A_698, %add3A_699 : vector<512x128xf32>
    %dot_general3A_701 = arith.constant dense<0.000000e+00> : vector<512x128xf32>
    %dot_general3A_702 = tpu.matmul %convert_element_type3A_670, %convert_element_type3A_39, %dot_general3A_701 {dimension_numbers = #tpu.dot_dimension_numbers<[1], [0], [0], [1], [0, 0, 1, 1], [], []>, transpose_lhs_hint = false} : vector<512x128xbf16>, vector<128x128xbf16>, vector<512x128xf32> -> vector<512x128xf32>
    %add3A_703 = vector.broadcast %get3A_87 : vector<1x128xf32> to vector<512x128xf32>
    %add3A_704 = arith.addf %dot_general3A_702, %add3A_703 : vector<512x128xf32>
    %mul3A_705 = arith.mulf %logistic3A_683, %add3A_704 : vector<512x128xf32>
    %add3A_706 = arith.addf %add3A_700, %mul3A_705 : vector<512x128xf32>
    %tanh3A_707 = math.tanh %add3A_706 : vector<512x128xf32>
    %sub3A_708 = arith.constant 1.000000e+00 : f32
    %sub3A_709 = vector.broadcast %sub3A_708 : f32 to vector<512x128xf32>
    %sub3A_710 = arith.subf %sub3A_709, %logistic3A_696 : vector<512x128xf32>
    %mul3A_711 = arith.mulf %sub3A_710, %tanh3A_707 : vector<512x128xf32>
    %mul3A_712 = arith.mulf %logistic3A_696, %add3A_618 : vector<512x128xf32>
    %add3A_713 = arith.addf %mul3A_711, %mul3A_712 : vector<512x128xf32>
    %convert_element_type3A_714 = arith.truncf %add3A_713 : vector<512x128xf32> to vector<512x128xbf16>
    %convert_element_type3A_715 = arith.truncf %add3A_663 : vector<512x128xf32> to vector<512x128xbf16>
    %dot_general3A_716 = arith.constant dense<0.000000e+00> : vector<512x128xf32>
    %dot_general3A_717 = tpu.matmul %convert_element_type3A_714, %convert_element_type3A_45, %dot_general3A_716 {dimension_numbers = #tpu.dot_dimension_numbers<[1], [0], [0], [1], [0, 0, 1, 1], [], []>, transpose_lhs_hint = false} : vector<512x128xbf16>, vector<128x128xbf16>, vector<512x128xf32> -> vector<512x128xf32>
    %dot_general3A_718 = arith.constant dense<0.000000e+00> : vector<512x128xf32>
    %dot_general3A_719 = tpu.matmul %convert_element_type3A_715, %convert_element_type3A_63, %dot_general3A_718 {dimension_numbers = #tpu.dot_dimension_numbers<[1], [0], [0], [1], [0, 0, 1, 1], [], []>, transpose_lhs_hint = false} : vector<512x128xbf16>, vector<128x128xbf16>, vector<512x128xf32> -> vector<512x128xf32>
    %add3A_720 = arith.addf %dot_general3A_717, %dot_general3A_719 : vector<512x128xf32>
    %add3A_721 = vector.broadcast %get3A_90 : vector<1x128xf32> to vector<512x128xf32>
    %add3A_722 = arith.addf %add3A_720, %add3A_721 : vector<512x128xf32>
    %logistic3A_723 = arith.negf %add3A_722 : vector<512x128xf32>
    %logistic3A_724 = math.exp %logistic3A_723 : vector<512x128xf32>
    %logistic3A_725 = arith.constant 1.000000e+00 : f32
    %logistic3A_726 = vector.broadcast %logistic3A_725 : f32 to vector<512x128xf32>
    %logistic3A_727 = arith.addf %logistic3A_726, %logistic3A_724 : vector<512x128xf32>
    %logistic3A_728 = arith.divf %logistic3A_726, %logistic3A_727 : vector<512x128xf32>
    %dot_general3A_729 = arith.constant dense<0.000000e+00> : vector<512x128xf32>
    %dot_general3A_730 = tpu.matmul %convert_element_type3A_714, %convert_element_type3A_51, %dot_general3A_729 {dimension_numbers = #tpu.dot_dimension_numbers<[1], [0], [0], [1], [0, 0, 1, 1], [], []>, transpose_lhs_hint = false} : vector<512x128xbf16>, vector<128x128xbf16>, vector<512x128xf32> -> vector<512x128xf32>
    %dot_general3A_731 = arith.constant dense<0.000000e+00> : vector<512x128xf32>
    %dot_general3A_732 = tpu.matmul %convert_element_type3A_715, %convert_element_type3A_69, %dot_general3A_731 {dimension_numbers = #tpu.dot_dimension_numbers<[1], [0], [0], [1], [0, 0, 1, 1], [], []>, transpose_lhs_hint = false} : vector<512x128xbf16>, vector<128x128xbf16>, vector<512x128xf32> -> vector<512x128xf32>
    %add3A_733 = arith.addf %dot_general3A_730, %dot_general3A_732 : vector<512x128xf32>
    %add3A_734 = vector.broadcast %get3A_93 : vector<1x128xf32> to vector<512x128xf32>
    %add3A_735 = arith.addf %add3A_733, %add3A_734 : vector<512x128xf32>
    %logistic3A_736 = arith.negf %add3A_735 : vector<512x128xf32>
    %logistic3A_737 = math.exp %logistic3A_736 : vector<512x128xf32>
    %logistic3A_738 = arith.constant 1.000000e+00 : f32
    %logistic3A_739 = vector.broadcast %logistic3A_738 : f32 to vector<512x128xf32>
    %logistic3A_740 = arith.addf %logistic3A_739, %logistic3A_737 : vector<512x128xf32>
    %logistic3A_741 = arith.divf %logistic3A_739, %logistic3A_740 : vector<512x128xf32>
    %dot_general3A_742 = arith.constant dense<0.000000e+00> : vector<512x128xf32>
    %dot_general3A_743 = tpu.matmul %convert_element_type3A_714, %convert_element_type3A_57, %dot_general3A_742 {dimension_numbers = #tpu.dot_dimension_numbers<[1], [0], [0], [1], [0, 0, 1, 1], [], []>, transpose_lhs_hint = false} : vector<512x128xbf16>, vector<128x128xbf16>, vector<512x128xf32> -> vector<512x128xf32>
    %add3A_744 = vector.broadcast %get3A_96 : vector<1x128xf32> to vector<512x128xf32>
    %add3A_745 = arith.addf %dot_general3A_743, %add3A_744 : vector<512x128xf32>
    %dot_general3A_746 = arith.constant dense<0.000000e+00> : vector<512x128xf32>
    %dot_general3A_747 = tpu.matmul %convert_element_type3A_715, %convert_element_type3A_75, %dot_general3A_746 {dimension_numbers = #tpu.dot_dimension_numbers<[1], [0], [0], [1], [0, 0, 1, 1], [], []>, transpose_lhs_hint = false} : vector<512x128xbf16>, vector<128x128xbf16>, vector<512x128xf32> -> vector<512x128xf32>
    %add3A_748 = vector.broadcast %get3A_99 : vector<1x128xf32> to vector<512x128xf32>
    %add3A_749 = arith.addf %dot_general3A_747, %add3A_748 : vector<512x128xf32>
    %mul3A_750 = arith.mulf %logistic3A_728, %add3A_749 : vector<512x128xf32>
    %add3A_751 = arith.addf %add3A_745, %mul3A_750 : vector<512x128xf32>
    %tanh3A_752 = math.tanh %add3A_751 : vector<512x128xf32>
    %sub3A_753 = arith.constant 1.000000e+00 : f32
    %sub3A_754 = vector.broadcast %sub3A_753 : f32 to vector<512x128xf32>
    %sub3A_755 = arith.subf %sub3A_754, %logistic3A_741 : vector<512x128xf32>
    %mul3A_756 = arith.mulf %sub3A_755, %tanh3A_752 : vector<512x128xf32>
    %mul3A_757 = arith.mulf %logistic3A_741, %add3A_663 : vector<512x128xf32>
    %add3A_758 = arith.addf %mul3A_756, %mul3A_757 : vector<512x128xf32>
    %get3A_759 = arith.constant 7 : index
    %get3A_760 = arith.constant 0 : index
    %get3A_761 = arith.constant 0 : index
    %get3A_762 = vector.load %arg1[%get3A_759, %get3A_760, %get3A_761] : memref<8x512x128xf32, #tpu.memory_space<vmem>>, vector<1x512x128xf32>
    %get3A_763 = vector.shape_cast %get3A_762 : vector<1x512x128xf32> to vector<512x128xf32>
    %convert_element_type3A_764 = arith.truncf %get3A_763 : vector<512x128xf32> to vector<512x128xbf16>
    %convert_element_type3A_765 = arith.truncf %add3A_713 : vector<512x128xf32> to vector<512x128xbf16>
    %dot_general3A_766 = arith.constant dense<0.000000e+00> : vector<512x128xf32>
    %dot_general3A_767 = tpu.matmul %convert_element_type3A_764, %convert_element_type3A, %dot_general3A_766 {dimension_numbers = #tpu.dot_dimension_numbers<[1], [0], [0], [1], [0, 0, 1, 1], [], []>, transpose_lhs_hint = false} : vector<512x128xbf16>, vector<128x128xbf16>, vector<512x128xf32> -> vector<512x128xf32>
    %dot_general3A_768 = arith.constant dense<0.000000e+00> : vector<512x128xf32>
    %dot_general3A_769 = tpu.matmul %convert_element_type3A_765, %convert_element_type3A_27, %dot_general3A_768 {dimension_numbers = #tpu.dot_dimension_numbers<[1], [0], [0], [1], [0, 0, 1, 1], [], []>, transpose_lhs_hint = false} : vector<512x128xbf16>, vector<128x128xbf16>, vector<512x128xf32> -> vector<512x128xf32>
    %add3A_770 = arith.addf %dot_general3A_767, %dot_general3A_769 : vector<512x128xf32>
    %add3A_771 = vector.broadcast %get3A_78 : vector<1x128xf32> to vector<512x128xf32>
    %add3A_772 = arith.addf %add3A_770, %add3A_771 : vector<512x128xf32>
    %logistic3A_773 = arith.negf %add3A_772 : vector<512x128xf32>
    %logistic3A_774 = math.exp %logistic3A_773 : vector<512x128xf32>
    %logistic3A_775 = arith.constant 1.000000e+00 : f32
    %logistic3A_776 = vector.broadcast %logistic3A_775 : f32 to vector<512x128xf32>
    %logistic3A_777 = arith.addf %logistic3A_776, %logistic3A_774 : vector<512x128xf32>
    %logistic3A_778 = arith.divf %logistic3A_776, %logistic3A_777 : vector<512x128xf32>
    %dot_general3A_779 = arith.constant dense<0.000000e+00> : vector<512x128xf32>
    %dot_general3A_780 = tpu.matmul %convert_element_type3A_764, %convert_element_type3A_15, %dot_general3A_779 {dimension_numbers = #tpu.dot_dimension_numbers<[1], [0], [0], [1], [0, 0, 1, 1], [], []>, transpose_lhs_hint = false} : vector<512x128xbf16>, vector<128x128xbf16>, vector<512x128xf32> -> vector<512x128xf32>
    %dot_general3A_781 = arith.constant dense<0.000000e+00> : vector<512x128xf32>
    %dot_general3A_782 = tpu.matmul %convert_element_type3A_765, %convert_element_type3A_33, %dot_general3A_781 {dimension_numbers = #tpu.dot_dimension_numbers<[1], [0], [0], [1], [0, 0, 1, 1], [], []>, transpose_lhs_hint = false} : vector<512x128xbf16>, vector<128x128xbf16>, vector<512x128xf32> -> vector<512x128xf32>
    %add3A_783 = arith.addf %dot_general3A_780, %dot_general3A_782 : vector<512x128xf32>
    %add3A_784 = vector.broadcast %get3A_81 : vector<1x128xf32> to vector<512x128xf32>
    %add3A_785 = arith.addf %add3A_783, %add3A_784 : vector<512x128xf32>
    %logistic3A_786 = arith.negf %add3A_785 : vector<512x128xf32>
    %logistic3A_787 = math.exp %logistic3A_786 : vector<512x128xf32>
    %logistic3A_788 = arith.constant 1.000000e+00 : f32
    %logistic3A_789 = vector.broadcast %logistic3A_788 : f32 to vector<512x128xf32>
    %logistic3A_790 = arith.addf %logistic3A_789, %logistic3A_787 : vector<512x128xf32>
    %logistic3A_791 = arith.divf %logistic3A_789, %logistic3A_790 : vector<512x128xf32>
    %dot_general3A_792 = arith.constant dense<0.000000e+00> : vector<512x128xf32>
    %dot_general3A_793 = tpu.matmul %convert_element_type3A_764, %convert_element_type3A_21, %dot_general3A_792 {dimension_numbers = #tpu.dot_dimension_numbers<[1], [0], [0], [1], [0, 0, 1, 1], [], []>, transpose_lhs_hint = false} : vector<512x128xbf16>, vector<128x128xbf16>, vector<512x128xf32> -> vector<512x128xf32>
    %add3A_794 = vector.broadcast %get3A_84 : vector<1x128xf32> to vector<512x128xf32>
    %add3A_795 = arith.addf %dot_general3A_793, %add3A_794 : vector<512x128xf32>
    %dot_general3A_796 = arith.constant dense<0.000000e+00> : vector<512x128xf32>
    %dot_general3A_797 = tpu.matmul %convert_element_type3A_765, %convert_element_type3A_39, %dot_general3A_796 {dimension_numbers = #tpu.dot_dimension_numbers<[1], [0], [0], [1], [0, 0, 1, 1], [], []>, transpose_lhs_hint = false} : vector<512x128xbf16>, vector<128x128xbf16>, vector<512x128xf32> -> vector<512x128xf32>
    %add3A_798 = vector.broadcast %get3A_87 : vector<1x128xf32> to vector<512x128xf32>
    %add3A_799 = arith.addf %dot_general3A_797, %add3A_798 : vector<512x128xf32>
    %mul3A_800 = arith.mulf %logistic3A_778, %add3A_799 : vector<512x128xf32>
    %add3A_801 = arith.addf %add3A_795, %mul3A_800 : vector<512x128xf32>
    %tanh3A_802 = math.tanh %add3A_801 : vector<512x128xf32>
    %sub3A_803 = arith.constant 1.000000e+00 : f32
    %sub3A_804 = vector.broadcast %sub3A_803 : f32 to vector<512x128xf32>
    %sub3A_805 = arith.subf %sub3A_804, %logistic3A_791 : vector<512x128xf32>
    %mul3A_806 = arith.mulf %sub3A_805, %tanh3A_802 : vector<512x128xf32>
    %mul3A_807 = arith.mulf %logistic3A_791, %add3A_713 : vector<512x128xf32>
    %add3A_808 = arith.addf %mul3A_806, %mul3A_807 : vector<512x128xf32>
    %convert_element_type3A_809 = arith.truncf %add3A_808 : vector<512x128xf32> to vector<512x128xbf16>
    %convert_element_type3A_810 = arith.truncf %add3A_758 : vector<512x128xf32> to vector<512x128xbf16>
    %dot_general3A_811 = arith.constant dense<0.000000e+00> : vector<512x128xf32>
    %dot_general3A_812 = tpu.matmul %convert_element_type3A_809, %convert_element_type3A_45, %dot_general3A_811 {dimension_numbers = #tpu.dot_dimension_numbers<[1], [0], [0], [1], [0, 0, 1, 1], [], []>, transpose_lhs_hint = false} : vector<512x128xbf16>, vector<128x128xbf16>, vector<512x128xf32> -> vector<512x128xf32>
    %dot_general3A_813 = arith.constant dense<0.000000e+00> : vector<512x128xf32>
    %dot_general3A_814 = tpu.matmul %convert_element_type3A_810, %convert_element_type3A_63, %dot_general3A_813 {dimension_numbers = #tpu.dot_dimension_numbers<[1], [0], [0], [1], [0, 0, 1, 1], [], []>, transpose_lhs_hint = false} : vector<512x128xbf16>, vector<128x128xbf16>, vector<512x128xf32> -> vector<512x128xf32>
    %add3A_815 = arith.addf %dot_general3A_812, %dot_general3A_814 : vector<512x128xf32>
    %add3A_816 = vector.broadcast %get3A_90 : vector<1x128xf32> to vector<512x128xf32>
    %add3A_817 = arith.addf %add3A_815, %add3A_816 : vector<512x128xf32>
    %logistic3A_818 = arith.negf %add3A_817 : vector<512x128xf32>
    %logistic3A_819 = math.exp %logistic3A_818 : vector<512x128xf32>
    %logistic3A_820 = arith.constant 1.000000e+00 : f32
    %logistic3A_821 = vector.broadcast %logistic3A_820 : f32 to vector<512x128xf32>
    %logistic3A_822 = arith.addf %logistic3A_821, %logistic3A_819 : vector<512x128xf32>
    %logistic3A_823 = arith.divf %logistic3A_821, %logistic3A_822 : vector<512x128xf32>
    %dot_general3A_824 = arith.constant dense<0.000000e+00> : vector<512x128xf32>
    %dot_general3A_825 = tpu.matmul %convert_element_type3A_809, %convert_element_type3A_51, %dot_general3A_824 {dimension_numbers = #tpu.dot_dimension_numbers<[1], [0], [0], [1], [0, 0, 1, 1], [], []>, transpose_lhs_hint = false} : vector<512x128xbf16>, vector<128x128xbf16>, vector<512x128xf32> -> vector<512x128xf32>
    %dot_general3A_826 = arith.constant dense<0.000000e+00> : vector<512x128xf32>
    %dot_general3A_827 = tpu.matmul %convert_element_type3A_810, %convert_element_type3A_69, %dot_general3A_826 {dimension_numbers = #tpu.dot_dimension_numbers<[1], [0], [0], [1], [0, 0, 1, 1], [], []>, transpose_lhs_hint = false} : vector<512x128xbf16>, vector<128x128xbf16>, vector<512x128xf32> -> vector<512x128xf32>
    %add3A_828 = arith.addf %dot_general3A_825, %dot_general3A_827 : vector<512x128xf32>
    %add3A_829 = vector.broadcast %get3A_93 : vector<1x128xf32> to vector<512x128xf32>
    %add3A_830 = arith.addf %add3A_828, %add3A_829 : vector<512x128xf32>
    %logistic3A_831 = arith.negf %add3A_830 : vector<512x128xf32>
    %logistic3A_832 = math.exp %logistic3A_831 : vector<512x128xf32>
    %logistic3A_833 = arith.constant 1.000000e+00 : f32
    %logistic3A_834 = vector.broadcast %logistic3A_833 : f32 to vector<512x128xf32>
    %logistic3A_835 = arith.addf %logistic3A_834, %logistic3A_832 : vector<512x128xf32>
    %logistic3A_836 = arith.divf %logistic3A_834, %logistic3A_835 : vector<512x128xf32>
    %dot_general3A_837 = arith.constant dense<0.000000e+00> : vector<512x128xf32>
    %dot_general3A_838 = tpu.matmul %convert_element_type3A_809, %convert_element_type3A_57, %dot_general3A_837 {dimension_numbers = #tpu.dot_dimension_numbers<[1], [0], [0], [1], [0, 0, 1, 1], [], []>, transpose_lhs_hint = false} : vector<512x128xbf16>, vector<128x128xbf16>, vector<512x128xf32> -> vector<512x128xf32>
    %add3A_839 = vector.broadcast %get3A_96 : vector<1x128xf32> to vector<512x128xf32>
    %add3A_840 = arith.addf %dot_general3A_838, %add3A_839 : vector<512x128xf32>
    %dot_general3A_841 = arith.constant dense<0.000000e+00> : vector<512x128xf32>
    %dot_general3A_842 = tpu.matmul %convert_element_type3A_810, %convert_element_type3A_75, %dot_general3A_841 {dimension_numbers = #tpu.dot_dimension_numbers<[1], [0], [0], [1], [0, 0, 1, 1], [], []>, transpose_lhs_hint = false} : vector<512x128xbf16>, vector<128x128xbf16>, vector<512x128xf32> -> vector<512x128xf32>
    %add3A_843 = vector.broadcast %get3A_99 : vector<1x128xf32> to vector<512x128xf32>
    %add3A_844 = arith.addf %dot_general3A_842, %add3A_843 : vector<512x128xf32>
    %mul3A_845 = arith.mulf %logistic3A_823, %add3A_844 : vector<512x128xf32>
    %add3A_846 = arith.addf %add3A_840, %mul3A_845 : vector<512x128xf32>
    %tanh3A_847 = math.tanh %add3A_846 : vector<512x128xf32>
    %sub3A_848 = arith.constant 1.000000e+00 : f32
    %sub3A_849 = vector.broadcast %sub3A_848 : f32 to vector<512x128xf32>
    %sub3A_850 = arith.subf %sub3A_849, %logistic3A_836 : vector<512x128xf32>
    %mul3A_851 = arith.mulf %sub3A_850, %tanh3A_847 : vector<512x128xf32>
    %mul3A_852 = arith.mulf %logistic3A_836, %add3A_758 : vector<512x128xf32>
    %add3A_853 = arith.addf %mul3A_851, %mul3A_852 : vector<512x128xf32>
    %swap3A = arith.constant 0 : index
    %swap3A_854 = arith.constant 0 : index
    %swap3A_855 = vector.load %arg8[%swap3A, %swap3A_854] : memref<512x128xf32, #tpu.memory_space<vmem>>, vector<512x128xf32>
    tpu.vector_store %arg8[%swap3A, %swap3A_854], %add3A_853 {strides = array<i32>} : memref<512x128xf32, #tpu.memory_space<vmem>>, vector<512x128xf32>,
    %get3A_856 = arith.constant 0 : index
    %get3A_857 = arith.constant 0 : index
    %get3A_858 = vector.load %arg7[%get3A_856, %get3A_857] : memref<512x2xf32, #tpu.memory_space<vmem>>, vector<512x1xf32>
    %get3A_859 = arith.constant 0 : index
    %get3A_860 = arith.constant 1 : index
    %get3A_861 = vector.load %arg7[%get3A_859, %get3A_860] : memref<512x2xf32, #tpu.memory_space<vmem>>, vector<512x1xf32>
    %add3A_862 = arith.addf %get3A_858, %get3A_861 : vector<512x1xf32>
    %add3A_863 = arith.constant 1.000000e+00 : f32
    %add3A_864 = vector.broadcast %add3A_863 : f32 to vector<512x1xf32>
    %add3A_865 = arith.addf %add3A_862, %add3A_864 : vector<512x1xf32>
    %rsqrt3A = math.rsqrt %add3A_865 : vector<512x1xf32>
    %mul3A_866 = arith.constant 512 : i32
    %mul3A_867 = arith.muli %arg0, %mul3A_866 : i32
    %iota3A = tpu.iota {dimensions = array<i32: 0>} : vector<512x1xi32>
    %add3A_868 = vector.broadcast %mul3A_867 : i32 to vector<512x1xi32>
    %add3A_869 = arith.addi %add3A_868, %iota3A : vector<512x1xi32>
    %lt3A = arith.constant 10000 : i32
    %lt3A_870 = vector.broadcast %lt3A : i32 to vector<512x1xi32>
    %lt3A_871 = arith.cmpi slt, %add3A_869, %lt3A_870 : vector<512x1xi32>
    %get3A_872 = arith.constant 0 : index
    %get3A_873 = arith.constant 0 : index
    %get3A_874 = vector.load %arg6[%get3A_872, %get3A_873] : memref<128x128xf32, #tpu.memory_space<vmem>>, vector<128x128xf32>
    %dot_general3A_875 = arith.constant dense<0.000000e+00> : vector<512x128xf32>
    %dot_general3A_876 = tpu.matmul %add3A_853, %get3A_874, %dot_general3A_875 {dimension_numbers = #tpu.dot_dimension_numbers<[1], [0], [0], [1], [0, 0, 1, 1], [], []>, transpose_lhs_hint = false} : vector<512x128xf32>, vector<128x128xf32>, vector<512x128xf32> -> vector<512x128xf32>
    %mul3A_877 = vector.broadcast %rsqrt3A : vector<512x1xf32> to vector<512x128xf32>
    %mul3A_878 = arith.mulf %mul3A_877, %dot_general3A_876 : vector<512x128xf32>
    %jit3A = arith.constant 0.000000e+00 : f32
    %broadcast_in_dim3A = vector.shape_cast %lt3A_871 : vector<512x1xi1> to vector<512x1xi1>
    %broadcast_in_dim3A_879 = vector.broadcast %broadcast_in_dim3A : vector<512x1xi1> to vector<512x128xi1>
    %broadcast_in_dim3A_880 = vector.broadcast %jit3A : f32 to vector<512x128xf32>
    %select_n3A = arith.select %broadcast_in_dim3A_879, %mul3A_878, %broadcast_in_dim3A_880 : vector<512x128xi1>, vector<512x128xf32>
    %swap3A_881 = arith.constant 0 : index
    %swap3A_882 = arith.constant 0 : index
    %swap3A_883 = vector.load %arg9[%swap3A_881, %swap3A_882] : memref<512x128xf32, #tpu.memory_space<vmem>>, vector<512x128xf32>
    tpu.vector_store %arg9[%swap3A_881, %swap3A_882], %select_n3A {strides = array<i32>} : memref<512x128xf32, #tpu.memory_space<vmem>>, vector<512x128xf32>,
    return
  }
  func.func @transform_0(%arg0: i32) -> (i32, i32, i32) {
    %c0_i32 = arith.constant 0 : i32
    %c0_i32_0 = arith.constant 0 : i32
    %c0_i32_1 = arith.constant 0 : i32
    return %c0_i32, %arg0, %c0_i32_0 : i32, i32, i32
  }
  func.func @transform_1(%arg0: i32) -> (i32, i32) {
    %c0_i32 = arith.constant 0 : i32
    %c0_i32_0 = arith.constant 0 : i32
    return %arg0, %c0_i32 : i32, i32
  }
  func.func @transform_2(%arg0: i32) -> (i32, i32) {
    %c0_i32 = arith.constant 0 : i32
    %c0_i32_0 = arith.constant 0 : i32
    return %arg0, %c0_i32 : i32, i32
  }
  func.func @transform_3(%arg0: i32) -> (i32, i32, i32) {
    %c0_i32 = arith.constant 0 : i32
    %c0_i32_0 = arith.constant 0 : i32
    %c0_i32_1 = arith.constant 0 : i32
    %c0_i32_2 = arith.constant 0 : i32
    return %c0_i32, %c0_i32_0, %c0_i32_1 : i32, i32, i32
  }
  func.func @transform_4(%arg0: i32) -> (i32, i32) {
    %c0_i32 = arith.constant 0 : i32
    %c0_i32_0 = arith.constant 0 : i32
    %c0_i32_1 = arith.constant 0 : i32
    return %c0_i32, %c0_i32_0 : i32, i32
  }
  func.func @transform_5(%arg0: i32) -> (i32, i32) {
    %c0_i32 = arith.constant 0 : i32
    %c0_i32_0 = arith.constant 0 : i32
    %c0_i32_1 = arith.constant 0 : i32
    return %c0_i32, %c0_i32_0 : i32, i32
  }
  func.func @transform_6(%arg0: i32) -> (i32, i32) {
    %c0_i32 = arith.constant 0 : i32
    %c0_i32_0 = arith.constant 0 : i32
    return %arg0, %c0_i32 : i32, i32
  }
  func.func @transform_7(%arg0: i32) -> (i32, i32) {
    %c0_i32 = arith.constant 0 : i32
    %c0_i32_0 = arith.constant 0 : i32
    return %arg0, %c0_i32 : i32, i32
  }
  func.func @transform_8(%arg0: i32) -> (i32, i32) {
    %c0_i32 = arith.constant 0 : i32
    %c0_i32_0 = arith.constant 0 : i32
    return %arg0, %c0_i32 : i32, i32
  }
}

module attributes {stable_mosaic.version = 14 : i64} {
  func.func @_tcb_body(%arg0: i32, %arg1: memref<2x512x128xf32, #tpu.memory_space<vmem>>, %arg2: memref<512x128xf32, #tpu.memory_space<vmem>>, %arg3: memref<512x2xf32, #tpu.memory_space<vmem>>, %arg4: memref<128x128xf32, #tpu.memory_space<vmem>>, %arg5: memref<512x1xi32, #tpu.memory_space<vmem>>, %arg6: memref<128x128xf32, #tpu.memory_space<vmem>>, %arg7: memref<128x128xf32, #tpu.memory_space<vmem>>, %arg8: memref<1x128xf32, #tpu.memory_space<vmem>>, %arg9: memref<512x128xf32, #tpu.memory_space<vmem>>, %arg10: memref<512x128xf32, #tpu.memory_space<vmem>>) attributes {dimension_semantics = [#tpu.dimension_semantics<arbitrary>], iteration_bounds = array<i64: 20>, scalar_prefetch = 0 : i64, scratch_operands = 0 : i64, tpu.core_type = #tpu.core_type<tc>, window_params = [{transform_indices = @transform_0, window_bounds = array<i64: 2, 512, 128>}, {transform_indices = @transform_1, window_bounds = array<i64: 512, 128>}, {transform_indices = @transform_2, window_bounds = array<i64: 512, 2>}, {transform_indices = @transform_3, window_bounds = array<i64: 128, 128>}, {transform_indices = @transform_4, window_bounds = array<i64: 512, 1>}, {pipeline_mode = #tpu.pipeline_mode<synchronous>, transform_indices = @transform_5, window_bounds = array<i64: 128, 128>}, {pipeline_mode = #tpu.pipeline_mode<synchronous>, transform_indices = @transform_6, window_bounds = array<i64: 128, 128>}, {pipeline_mode = #tpu.pipeline_mode<synchronous>, transform_indices = @transform_7, window_bounds = array<i64: 1, 128>}, {transform_indices = @transform_8, window_bounds = array<i64: 512, 128>}, {transform_indices = @transform_9, window_bounds = array<i64: 512, 128>}]} {
    %get3A = arith.constant 0 : index
    %get3A_0 = arith.constant 0 : index
    %get3A_1 = arith.constant 0 : index
    %get3A_2 = vector.load %arg1[%get3A, %get3A_0, %get3A_1] : memref<2x512x128xf32, #tpu.memory_space<vmem>>, vector<1x512x128xf32>
    %get3A_3 = vector.shape_cast %get3A_2 : vector<1x512x128xf32> to vector<512x128xf32>
    %get3A_4 = arith.constant 1 : index
    %get3A_5 = arith.constant 0 : index
    %get3A_6 = arith.constant 0 : index
    %get3A_7 = vector.load %arg1[%get3A_4, %get3A_5, %get3A_6] : memref<2x512x128xf32, #tpu.memory_space<vmem>>, vector<1x512x128xf32>
    %get3A_8 = vector.shape_cast %get3A_7 : vector<1x512x128xf32> to vector<512x128xf32>
    %add3A = arith.addf %get3A_3, %get3A_8 : vector<512x128xf32>
    %get3A_9 = arith.constant 0 : index
    %get3A_10 = arith.constant 0 : index
    %get3A_11 = vector.load %arg3[%get3A_9, %get3A_10] : memref<512x2xf32, #tpu.memory_space<vmem>>, vector<512x1xf32>
    %get3A_12 = arith.constant 0 : index
    %get3A_13 = arith.constant 1 : index
    %get3A_14 = vector.load %arg3[%get3A_12, %get3A_13] : memref<512x2xf32, #tpu.memory_space<vmem>>, vector<512x1xf32>
    %add3A_15 = arith.addf %get3A_11, %get3A_14 : vector<512x1xf32>
    %add3A_16 = arith.constant 1.000000e+00 : f32
    %add3A_17 = vector.broadcast %add3A_16 : f32 to vector<512x1xf32>
    %add3A_18 = arith.addf %add3A_15, %add3A_17 : vector<512x1xf32>
    %rsqrt3A = math.rsqrt %add3A_18 : vector<512x1xf32>
    %get3A_19 = arith.constant 0 : index
    %get3A_20 = arith.constant 0 : index
    %get3A_21 = vector.load %arg2[%get3A_19, %get3A_20] : memref<512x128xf32, #tpu.memory_space<vmem>>, vector<512x128xf32>
    %add3A_22 = arith.addf %add3A, %get3A_21 : vector<512x128xf32>
    %mul3A = vector.broadcast %rsqrt3A : vector<512x1xf32> to vector<512x128xf32>
    %mul3A_23 = arith.mulf %mul3A, %add3A_22 : vector<512x128xf32>
    %get3A_24 = arith.constant 0 : index
    %get3A_25 = arith.constant 0 : index
    %get3A_26 = vector.load %arg8[%get3A_24, %get3A_25] : memref<1x128xf32, #tpu.memory_space<vmem>>, vector<1x128xf32>
    %add3A_27 = vector.broadcast %get3A_26 : vector<1x128xf32> to vector<512x128xf32>
    %add3A_28 = arith.addf %mul3A_23, %add3A_27 : vector<512x128xf32>
    %get3A_29 = arith.constant 0 : index
    %get3A_30 = arith.constant 0 : index
    %get3A_31 = vector.load %arg5[%get3A_29, %get3A_30] : memref<512x1xi32, #tpu.memory_space<vmem>>, vector<512x1xi32>
    %iota3A = tpu.iota {dimensions = array<i32: 1>} : vector<512x128xi32>
    %eq3A = vector.broadcast %get3A_31 : vector<512x1xi32> to vector<512x128xi32>
    %eq3A_32 = arith.cmpi eq, %eq3A, %iota3A : vector<512x128xi32>
    %convert_element_type3A = arith.extui %eq3A_32 : vector<512x128xi1> to vector<512x128xi32>
    %convert_element_type3A_33 = arith.sitofp %convert_element_type3A : vector<512x128xi32> to vector<512x128xf32>
    %get3A_34 = arith.constant 0 : index
    %get3A_35 = arith.constant 0 : index
    %get3A_36 = vector.load %arg4[%get3A_34, %get3A_35] : memref<128x128xf32, #tpu.memory_space<vmem>>, vector<128x128xf32>
    %dot_general3A = arith.constant dense<0.000000e+00> : vector<512x128xf32>
    %dot_general3A_37 = tpu.matmul %convert_element_type3A_33, %get3A_36, %dot_general3A {dimension_numbers = #tpu.dot_dimension_numbers<[1], [0], [0], [1], [0, 0, 1, 1], [], []>, transpose_lhs_hint = false} : vector<512x128xf32>, vector<128x128xf32>, vector<512x128xf32> -> vector<512x128xf32>
    %gt3A = arith.constant 0.000000e+00 : f32
    %gt3A_38 = vector.broadcast %gt3A : f32 to vector<512x128xf32>
    %gt3A_39 = arith.cmpf ogt, %add3A_28, %gt3A_38 : vector<512x128xf32>
    %min3A = arith.constant 0.000000e+00 : f32
    %min3A_40 = vector.broadcast %min3A : f32 to vector<512x128xf32>
    %min3A_41 = arith.minimumf %add3A_28, %min3A_40 : vector<512x128xf32>
    %exp3A = math.exp %min3A_41 : vector<512x128xf32>
    %sub3A = arith.constant 1.000000e+00 : f32
    %sub3A_42 = vector.broadcast %sub3A : f32 to vector<512x128xf32>
    %sub3A_43 = arith.subf %exp3A, %sub3A_42 : vector<512x128xf32>
    %select_n3A = arith.select %gt3A_39, %add3A_28, %sub3A_43 : vector<512x128xi1>, vector<512x128xf32>
    %get3A_44 = arith.constant 0 : index
    %get3A_45 = arith.constant 0 : index
    %get3A_46 = vector.load %arg6[%get3A_44, %get3A_45] : memref<128x128xf32, #tpu.memory_space<vmem>>, vector<128x128xf32>
    %dot_general3A_47 = arith.constant dense<0.000000e+00> : vector<512x128xf32>
    %dot_general3A_48 = tpu.matmul %select_n3A, %get3A_46, %dot_general3A_47 {dimension_numbers = #tpu.dot_dimension_numbers<[1], [0], [0], [1], [0, 0, 1, 1], [], []>, transpose_lhs_hint = false} : vector<512x128xf32>, vector<128x128xf32>, vector<512x128xf32> -> vector<512x128xf32>
    %gt3A_49 = arith.constant 0.000000e+00 : f32
    %gt3A_50 = vector.broadcast %gt3A_49 : f32 to vector<512x128xf32>
    %gt3A_51 = arith.cmpf ogt, %dot_general3A_37, %gt3A_50 : vector<512x128xf32>
    %min3A_52 = arith.constant 0.000000e+00 : f32
    %min3A_53 = vector.broadcast %min3A_52 : f32 to vector<512x128xf32>
    %min3A_54 = arith.minimumf %dot_general3A_37, %min3A_53 : vector<512x128xf32>
    %exp3A_55 = math.exp %min3A_54 : vector<512x128xf32>
    %sub3A_56 = arith.constant 1.000000e+00 : f32
    %sub3A_57 = vector.broadcast %sub3A_56 : f32 to vector<512x128xf32>
    %sub3A_58 = arith.subf %exp3A_55, %sub3A_57 : vector<512x128xf32>
    %select_n3A_59 = arith.select %gt3A_51, %dot_general3A_37, %sub3A_58 : vector<512x128xi1>, vector<512x128xf32>
    %get3A_60 = arith.constant 0 : index
    %get3A_61 = arith.constant 0 : index
    %get3A_62 = vector.load %arg7[%get3A_60, %get3A_61] : memref<128x128xf32, #tpu.memory_space<vmem>>, vector<128x128xf32>
    %dot_general3A_63 = arith.constant dense<0.000000e+00> : vector<512x128xf32>
    %dot_general3A_64 = tpu.matmul %select_n3A_59, %get3A_62, %dot_general3A_63 {dimension_numbers = #tpu.dot_dimension_numbers<[1], [0], [0], [1], [0, 0, 1, 1], [], []>, transpose_lhs_hint = false} : vector<512x128xf32>, vector<128x128xf32>, vector<512x128xf32> -> vector<512x128xf32>
    %add3A_65 = arith.addf %dot_general3A_48, %dot_general3A_64 : vector<512x128xf32>
    %mul3A_66 = arith.constant 512 : i32
    %mul3A_67 = arith.muli %arg0, %mul3A_66 : i32
    %iota3A_68 = tpu.iota {dimensions = array<i32: 0>} : vector<512x1xi32>
    %add3A_69 = vector.broadcast %mul3A_67 : i32 to vector<512x1xi32>
    %add3A_70 = arith.addi %add3A_69, %iota3A_68 : vector<512x1xi32>
    %lt3A = arith.constant 10000 : i32
    %lt3A_71 = vector.broadcast %lt3A : i32 to vector<512x1xi32>
    %lt3A_72 = arith.cmpi slt, %add3A_70, %lt3A_71 : vector<512x1xi32>
    %mul3A_73 = vector.broadcast %rsqrt3A : vector<512x1xf32> to vector<512x128xf32>
    %mul3A_74 = arith.mulf %mul3A_73, %add3A_65 : vector<512x128xf32>
    %jit3A = arith.constant 0.000000e+00 : f32
    %broadcast_in_dim3A = vector.shape_cast %lt3A_72 : vector<512x1xi1> to vector<512x1xi1>
    %broadcast_in_dim3A_75 = vector.broadcast %broadcast_in_dim3A : vector<512x1xi1> to vector<512x128xi1>
    %broadcast_in_dim3A_76 = vector.broadcast %jit3A : f32 to vector<512x128xf32>
    %select_n3A_77 = arith.select %broadcast_in_dim3A_75, %mul3A_74, %broadcast_in_dim3A_76 : vector<512x128xi1>, vector<512x128xf32>
    %swap3A = arith.constant 0 : index
    %swap3A_78 = arith.constant 0 : index
    %swap3A_79 = vector.load %arg9[%swap3A, %swap3A_78] : memref<512x128xf32, #tpu.memory_space<vmem>>, vector<512x128xf32>
    tpu.vector_store %arg9[%swap3A, %swap3A_78], %select_n3A_77 {strides = array<i32>} : memref<512x128xf32, #tpu.memory_space<vmem>>, vector<512x128xf32>,
    %swap3A_80 = arith.constant 0 : index
    %swap3A_81 = arith.constant 0 : index
    %swap3A_82 = vector.load %arg10[%swap3A_80, %swap3A_81] : memref<512x128xf32, #tpu.memory_space<vmem>>, vector<512x128xf32>
    tpu.vector_store %arg10[%swap3A_80, %swap3A_81], %add3A_28 {strides = array<i32>} : memref<512x128xf32, #tpu.memory_space<vmem>>, vector<512x128xf32>,
    return
  }
  func.func @transform_0(%arg0: i32) -> (i32, i32, i32) {
    %c0_i32 = arith.constant 0 : i32
    %c0_i32_0 = arith.constant 0 : i32
    %c0_i32_1 = arith.constant 0 : i32
    return %c0_i32, %arg0, %c0_i32_0 : i32, i32, i32
  }
  func.func @transform_1(%arg0: i32) -> (i32, i32) {
    %c0_i32 = arith.constant 0 : i32
    %c0_i32_0 = arith.constant 0 : i32
    return %arg0, %c0_i32 : i32, i32
  }
  func.func @transform_2(%arg0: i32) -> (i32, i32) {
    %c0_i32 = arith.constant 0 : i32
    %c0_i32_0 = arith.constant 0 : i32
    return %arg0, %c0_i32 : i32, i32
  }
  func.func @transform_3(%arg0: i32) -> (i32, i32) {
    %c0_i32 = arith.constant 0 : i32
    %c0_i32_0 = arith.constant 0 : i32
    %c0_i32_1 = arith.constant 0 : i32
    return %c0_i32, %c0_i32_0 : i32, i32
  }
  func.func @transform_4(%arg0: i32) -> (i32, i32) {
    %c0_i32 = arith.constant 0 : i32
    %c0_i32_0 = arith.constant 0 : i32
    return %arg0, %c0_i32 : i32, i32
  }
  func.func @transform_5(%arg0: i32) -> (i32, i32) {
    %c0_i32 = arith.constant 0 : i32
    %c0_i32_0 = arith.constant 0 : i32
    %c0_i32_1 = arith.constant 0 : i32
    return %c0_i32, %c0_i32_0 : i32, i32
  }
  func.func @transform_6(%arg0: i32) -> (i32, i32) {
    %c0_i32 = arith.constant 0 : i32
    %c0_i32_0 = arith.constant 0 : i32
    %c0_i32_1 = arith.constant 0 : i32
    return %c0_i32, %c0_i32_0 : i32, i32
  }
  func.func @transform_7(%arg0: i32) -> (i32, i32) {
    %c0_i32 = arith.constant 0 : i32
    %c0_i32_0 = arith.constant 0 : i32
    %c0_i32_1 = arith.constant 0 : i32
    return %c0_i32, %c0_i32_0 : i32, i32
  }
  func.func @transform_8(%arg0: i32) -> (i32, i32) {
    %c0_i32 = arith.constant 0 : i32
    %c0_i32_0 = arith.constant 0 : i32
    return %arg0, %c0_i32 : i32, i32
  }
  func.func @transform_9(%arg0: i32) -> (i32, i32) {
    %c0_i32 = arith.constant 0 : i32
    %c0_i32_0 = arith.constant 0 : i32
    return %arg0, %c0_i32 : i32, i32
  }
}

module attributes {stable_mosaic.version = 14 : i64} {
  func.func @_tcc_body(%arg0: i32, %arg1: memref<2x512x128xf32, #tpu.memory_space<vmem>>, %arg2: memref<512x128xf32, #tpu.memory_space<vmem>>, %arg3: memref<512x2xf32, #tpu.memory_space<vmem>>, %arg4: memref<128x128xf32, #tpu.memory_space<vmem>>, %arg5: memref<512x1xi32, #tpu.memory_space<vmem>>, %arg6: memref<1x128xf32, #tpu.memory_space<vmem>>, %arg7: memref<128x128xf32, #tpu.memory_space<vmem>>, %arg8: memref<128x128xf32, #tpu.memory_space<vmem>>, %arg9: memref<128x1xf32, #tpu.memory_space<vmem>>) attributes {dimension_semantics = [#tpu.dimension_semantics<arbitrary>], iteration_bounds = array<i64: 20>, scalar_prefetch = 0 : i64, scratch_operands = 0 : i64, tpu.core_type = #tpu.core_type<tc>, window_params = [{transform_indices = @transform_0, window_bounds = array<i64: 2, 512, 128>}, {transform_indices = @transform_1, window_bounds = array<i64: 512, 128>}, {transform_indices = @transform_2, window_bounds = array<i64: 512, 2>}, {transform_indices = @transform_3, window_bounds = array<i64: 128, 128>}, {transform_indices = @transform_4, window_bounds = array<i64: 512, 1>}, {pipeline_mode = #tpu.pipeline_mode<synchronous>, transform_indices = @transform_5, window_bounds = array<i64: 1, 128>}, {pipeline_mode = #tpu.pipeline_mode<synchronous>, transform_indices = @transform_6, window_bounds = array<i64: 128, 128>}, {pipeline_mode = #tpu.pipeline_mode<synchronous>, transform_indices = @transform_7, window_bounds = array<i64: 128, 128>}, {pipeline_mode = #tpu.pipeline_mode<synchronous>, transform_indices = @transform_8, window_bounds = array<i64: 128, 1>}]} {
    %get3A = arith.constant 0 : index
    %get3A_0 = arith.constant 0 : index
    %get3A_1 = arith.constant 0 : index
    %get3A_2 = vector.load %arg1[%get3A, %get3A_0, %get3A_1] : memref<2x512x128xf32, #tpu.memory_space<vmem>>, vector<1x512x128xf32>
    %get3A_3 = vector.shape_cast %get3A_2 : vector<1x512x128xf32> to vector<512x128xf32>
    %get3A_4 = arith.constant 1 : index
    %get3A_5 = arith.constant 0 : index
    %get3A_6 = arith.constant 0 : index
    %get3A_7 = vector.load %arg1[%get3A_4, %get3A_5, %get3A_6] : memref<2x512x128xf32, #tpu.memory_space<vmem>>, vector<1x512x128xf32>
    %get3A_8 = vector.shape_cast %get3A_7 : vector<1x512x128xf32> to vector<512x128xf32>
    %add3A = arith.addf %get3A_3, %get3A_8 : vector<512x128xf32>
    %get3A_9 = arith.constant 0 : index
    %get3A_10 = arith.constant 0 : index
    %get3A_11 = vector.load %arg3[%get3A_9, %get3A_10] : memref<512x2xf32, #tpu.memory_space<vmem>>, vector<512x1xf32>
    %get3A_12 = arith.constant 0 : index
    %get3A_13 = arith.constant 1 : index
    %get3A_14 = vector.load %arg3[%get3A_12, %get3A_13] : memref<512x2xf32, #tpu.memory_space<vmem>>, vector<512x1xf32>
    %add3A_15 = arith.addf %get3A_11, %get3A_14 : vector<512x1xf32>
    %add3A_16 = arith.constant 1.000000e+00 : f32
    %add3A_17 = vector.broadcast %add3A_16 : f32 to vector<512x1xf32>
    %add3A_18 = arith.addf %add3A_15, %add3A_17 : vector<512x1xf32>
    %rsqrt3A = math.rsqrt %add3A_18 : vector<512x1xf32>
    %get3A_19 = arith.constant 0 : index
    %get3A_20 = arith.constant 0 : index
    %get3A_21 = vector.load %arg2[%get3A_19, %get3A_20] : memref<512x128xf32, #tpu.memory_space<vmem>>, vector<512x128xf32>
    %add3A_22 = arith.addf %add3A, %get3A_21 : vector<512x128xf32>
    %mul3A = vector.broadcast %rsqrt3A : vector<512x1xf32> to vector<512x128xf32>
    %mul3A_23 = arith.mulf %mul3A, %add3A_22 : vector<512x128xf32>
    %get3A_24 = arith.constant 0 : index
    %get3A_25 = arith.constant 0 : index
    %get3A_26 = vector.load %arg6[%get3A_24, %get3A_25] : memref<1x128xf32, #tpu.memory_space<vmem>>, vector<1x128xf32>
    %add3A_27 = vector.broadcast %get3A_26 : vector<1x128xf32> to vector<512x128xf32>
    %add3A_28 = arith.addf %mul3A_23, %add3A_27 : vector<512x128xf32>
    %gt3A = arith.constant 0.000000e+00 : f32
    %gt3A_29 = vector.broadcast %gt3A : f32 to vector<512x128xf32>
    %gt3A_30 = arith.cmpf ogt, %add3A_28, %gt3A_29 : vector<512x128xf32>
    %min3A = arith.constant 0.000000e+00 : f32
    %min3A_31 = vector.broadcast %min3A : f32 to vector<512x128xf32>
    %min3A_32 = arith.minimumf %add3A_28, %min3A_31 : vector<512x128xf32>
    %exp3A = math.exp %min3A_32 : vector<512x128xf32>
    %sub3A = arith.constant 1.000000e+00 : f32
    %sub3A_33 = vector.broadcast %sub3A : f32 to vector<512x128xf32>
    %sub3A_34 = arith.subf %exp3A, %sub3A_33 : vector<512x128xf32>
    %select_n3A = arith.select %gt3A_30, %add3A_28, %sub3A_34 : vector<512x128xi1>, vector<512x128xf32>
    %get3A_35 = arith.constant 0 : index
    %get3A_36 = arith.constant 0 : index
    %get3A_37 = vector.load %arg5[%get3A_35, %get3A_36] : memref<512x1xi32, #tpu.memory_space<vmem>>, vector<512x1xi32>
    %iota3A = tpu.iota {dimensions = array<i32: 1>} : vector<512x128xi32>
    %eq3A = vector.broadcast %get3A_37 : vector<512x1xi32> to vector<512x128xi32>
    %eq3A_38 = arith.cmpi eq, %eq3A, %iota3A : vector<512x128xi32>
    %convert_element_type3A = arith.extui %eq3A_38 : vector<512x128xi1> to vector<512x128xi32>
    %convert_element_type3A_39 = arith.sitofp %convert_element_type3A : vector<512x128xi32> to vector<512x128xf32>
    %get3A_40 = arith.constant 0 : index
    %get3A_41 = arith.constant 0 : index
    %get3A_42 = vector.load %arg4[%get3A_40, %get3A_41] : memref<128x128xf32, #tpu.memory_space<vmem>>, vector<128x128xf32>
    %dot_general3A = arith.constant dense<0.000000e+00> : vector<512x128xf32>
    %dot_general3A_43 = tpu.matmul %convert_element_type3A_39, %get3A_42, %dot_general3A {dimension_numbers = #tpu.dot_dimension_numbers<[1], [0], [0], [1], [0, 0, 1, 1], [], []>, transpose_lhs_hint = false} : vector<512x128xf32>, vector<128x128xf32>, vector<512x128xf32> -> vector<512x128xf32>
    %dot_general3A_44 = arith.constant dense<0.000000e+00> : vector<128x128xf32>
    %dot_general3A_45 = tpu.matmul %convert_element_type3A_39, %select_n3A, %dot_general3A_44 {dimension_numbers = #tpu.dot_dimension_numbers<[0], [0], [1], [1], [0, 1, 1, 1], [], []>, transpose_lhs_hint = false} : vector<512x128xf32>, vector<512x128xf32>, vector<128x128xf32> -> vector<128x128xf32>
    %dot_general3A_46 = arith.constant dense<0.000000e+00> : vector<128x128xf32>
    %dot_general3A_47 = tpu.matmul %convert_element_type3A_39, %dot_general3A_43, %dot_general3A_46 {dimension_numbers = #tpu.dot_dimension_numbers<[0], [0], [1], [1], [0, 1, 1, 1], [], []>, transpose_lhs_hint = false} : vector<512x128xf32>, vector<512x128xf32>, vector<128x128xf32> -> vector<128x128xf32>
    %broadcast_in_dim3A = arith.constant 1.000000e+00 : f32
    %broadcast_in_dim3A_48 = vector.broadcast %broadcast_in_dim3A : f32 to vector<512x1xf32>
    %dot_general3A_49 = arith.constant dense<0.000000e+00> : vector<128x1xf32>
    %dot_general3A_50 = tpu.matmul %convert_element_type3A_39, %broadcast_in_dim3A_48, %dot_general3A_49 {dimension_numbers = #tpu.dot_dimension_numbers<[0], [0], [1], [1], [0, 1, 1, 1], [], []>, transpose_lhs_hint = false} : vector<512x128xf32>, vector<512x1xf32>, vector<128x1xf32> -> vector<128x1xf32>
    %eq3A_51 = arith.constant 0 : i32
    %eq3A_52 = arith.cmpi eq, %arg0, %eq3A_51 : i32
    %convert_element_type3A_53 = arith.extui %eq3A_52 : i1 to i32
    %cond3A = arith.constant 0 : i32
    %cond3A_54 = arith.cmpi ne, %convert_element_type3A_53, %cond3A : i32
    scf.if %cond3A_54 {
      %swap3A = arith.constant 0 : index
      %swap3A_65 = arith.constant 0 : index
      %swap3A_66 = vector.load %arg7[%swap3A, %swap3A_65] : memref<128x128xf32, #tpu.memory_space<vmem>>, vector<128x128xf32>
      tpu.vector_store %arg7[%swap3A, %swap3A_65], %dot_general3A_45 {strides = array<i32>} : memref<128x128xf32, #tpu.memory_space<vmem>>, vector<128x128xf32>,
      %swap3A_67 = arith.constant 0 : index
      %swap3A_68 = arith.constant 0 : index
      %swap3A_69 = vector.load %arg8[%swap3A_67, %swap3A_68] : memref<128x128xf32, #tpu.memory_space<vmem>>, vector<128x128xf32>
      tpu.vector_store %arg8[%swap3A_67, %swap3A_68], %dot_general3A_47 {strides = array<i32>} : memref<128x128xf32, #tpu.memory_space<vmem>>, vector<128x128xf32>,
      %swap3A_70 = arith.constant 0 : index
      %swap3A_71 = arith.constant 0 : index
      %swap3A_72 = vector.load %arg9[%swap3A_70, %swap3A_71] : memref<128x1xf32, #tpu.memory_space<vmem>>, vector<128x1xf32>
      tpu.vector_store %arg9[%swap3A_70, %swap3A_71], %dot_general3A_50 {strides = array<i32>} : memref<128x1xf32, #tpu.memory_space<vmem>>, vector<128x1xf32>,
    } else {
    }
    %gt3A_55 = arith.constant 0 : i32
    %gt3A_56 = arith.cmpi sgt, %arg0, %gt3A_55 : i32
    %convert_element_type3A_57 = arith.extui %gt3A_56 : i1 to i32
    %cond3A_58 = arith.constant 0 : i32
    %cond3A_59 = arith.cmpi ne, %convert_element_type3A_57, %cond3A_58 : i32
    scf.if %cond3A_59 {
      %get3A_65 = arith.constant 0 : index
      %get3A_66 = arith.constant 0 : index
      %get3A_67 = vector.load %arg7[%get3A_65, %get3A_66] : memref<128x128xf32, #tpu.memory_space<vmem>>, vector<128x128xf32>
      %add3A_68 = arith.addf %get3A_67, %dot_general3A_45 : vector<128x128xf32>
      %swap3A = arith.constant 0 : index
      %swap3A_69 = arith.constant 0 : index
      %swap3A_70 = vector.load %arg7[%swap3A, %swap3A_69] : memref<128x128xf32, #tpu.memory_space<vmem>>, vector<128x128xf32>
      tpu.vector_store %arg7[%swap3A, %swap3A_69], %add3A_68 {strides = array<i32>} : memref<128x128xf32, #tpu.memory_space<vmem>>, vector<128x128xf32>,
      %get3A_71 = arith.constant 0 : index
      %get3A_72 = arith.constant 0 : index
      %get3A_73 = vector.load %arg8[%get3A_71, %get3A_72] : memref<128x128xf32, #tpu.memory_space<vmem>>, vector<128x128xf32>
      %add3A_74 = arith.addf %get3A_73, %dot_general3A_47 : vector<128x128xf32>
      %swap3A_75 = arith.constant 0 : index
      %swap3A_76 = arith.constant 0 : index
      %swap3A_77 = vector.load %arg8[%swap3A_75, %swap3A_76] : memref<128x128xf32, #tpu.memory_space<vmem>>, vector<128x128xf32>
      tpu.vector_store %arg8[%swap3A_75, %swap3A_76], %add3A_74 {strides = array<i32>} : memref<128x128xf32, #tpu.memory_space<vmem>>, vector<128x128xf32>,
      %get3A_78 = arith.constant 0 : index
      %get3A_79 = arith.constant 0 : index
      %get3A_80 = vector.load %arg9[%get3A_78, %get3A_79] : memref<128x1xf32, #tpu.memory_space<vmem>>, vector<128x1xf32>
      %add3A_81 = arith.addf %get3A_80, %dot_general3A_50 : vector<128x1xf32>
      %swap3A_82 = arith.constant 0 : index
      %swap3A_83 = arith.constant 0 : index
      %swap3A_84 = vector.load %arg9[%swap3A_82, %swap3A_83] : memref<128x1xf32, #tpu.memory_space<vmem>>, vector<128x1xf32>
      tpu.vector_store %arg9[%swap3A_82, %swap3A_83], %add3A_81 {strides = array<i32>} : memref<128x1xf32, #tpu.memory_space<vmem>>, vector<128x1xf32>,
    } else {
    }
    %eq3A_60 = arith.constant 19 : i32
    %eq3A_61 = arith.cmpi eq, %arg0, %eq3A_60 : i32
    %convert_element_type3A_62 = arith.extui %eq3A_61 : i1 to i32
    %cond3A_63 = arith.constant 0 : i32
    %cond3A_64 = arith.cmpi ne, %convert_element_type3A_62, %cond3A_63 : i32
    scf.if %cond3A_64 {
      %get3A_65 = arith.constant 0 : index
      %get3A_66 = arith.constant 0 : index
      %get3A_67 = vector.load %arg9[%get3A_65, %get3A_66] : memref<128x1xf32, #tpu.memory_space<vmem>>, vector<128x1xf32>
      %max3A = arith.constant 1.000000e+00 : f32
      %max3A_68 = vector.broadcast %max3A : f32 to vector<128x1xf32>
      %max3A_69 = arith.maximumf %get3A_67, %max3A_68 : vector<128x1xf32>
      %get3A_70 = arith.constant 0 : index
      %get3A_71 = arith.constant 0 : index
      %get3A_72 = vector.load %arg7[%get3A_70, %get3A_71] : memref<128x128xf32, #tpu.memory_space<vmem>>, vector<128x128xf32>
      %div3A = vector.broadcast %max3A_69 : vector<128x1xf32> to vector<128x128xf32>
      %div3A_73 = arith.divf %get3A_72, %div3A : vector<128x128xf32>
      %swap3A = arith.constant 0 : index
      %swap3A_74 = arith.constant 0 : index
      %swap3A_75 = vector.load %arg7[%swap3A, %swap3A_74] : memref<128x128xf32, #tpu.memory_space<vmem>>, vector<128x128xf32>
      tpu.vector_store %arg7[%swap3A, %swap3A_74], %div3A_73 {strides = array<i32>} : memref<128x128xf32, #tpu.memory_space<vmem>>, vector<128x128xf32>,
      %get3A_76 = arith.constant 0 : index
      %get3A_77 = arith.constant 0 : index
      %get3A_78 = vector.load %arg8[%get3A_76, %get3A_77] : memref<128x128xf32, #tpu.memory_space<vmem>>, vector<128x128xf32>
      %div3A_79 = vector.broadcast %max3A_69 : vector<128x1xf32> to vector<128x128xf32>
      %div3A_80 = arith.divf %get3A_78, %div3A_79 : vector<128x128xf32>
      %swap3A_81 = arith.constant 0 : index
      %swap3A_82 = arith.constant 0 : index
      %swap3A_83 = vector.load %arg8[%swap3A_81, %swap3A_82] : memref<128x128xf32, #tpu.memory_space<vmem>>, vector<128x128xf32>
      tpu.vector_store %arg8[%swap3A_81, %swap3A_82], %div3A_80 {strides = array<i32>} : memref<128x128xf32, #tpu.memory_space<vmem>>, vector<128x128xf32>,
    } else {
    }
    return
  }
  func.func @transform_0(%arg0: i32) -> (i32, i32, i32) {
    %c0_i32 = arith.constant 0 : i32
    %c0_i32_0 = arith.constant 0 : i32
    %c0_i32_1 = arith.constant 0 : i32
    return %c0_i32, %arg0, %c0_i32_0 : i32, i32, i32
  }
  func.func @transform_1(%arg0: i32) -> (i32, i32) {
    %c0_i32 = arith.constant 0 : i32
    %c0_i32_0 = arith.constant 0 : i32
    return %arg0, %c0_i32 : i32, i32
  }
  func.func @transform_2(%arg0: i32) -> (i32, i32) {
    %c0_i32 = arith.constant 0 : i32
    %c0_i32_0 = arith.constant 0 : i32
    return %arg0, %c0_i32 : i32, i32
  }
  func.func @transform_3(%arg0: i32) -> (i32, i32) {
    %c0_i32 = arith.constant 0 : i32
    %c0_i32_0 = arith.constant 0 : i32
    %c0_i32_1 = arith.constant 0 : i32
    return %c0_i32, %c0_i32_0 : i32, i32
  }
  func.func @transform_4(%arg0: i32) -> (i32, i32) {
    %c0_i32 = arith.constant 0 : i32
    %c0_i32_0 = arith.constant 0 : i32
    return %arg0, %c0_i32 : i32, i32
  }
  func.func @transform_5(%arg0: i32) -> (i32, i32) {
    %c0_i32 = arith.constant 0 : i32
    %c0_i32_0 = arith.constant 0 : i32
    %c0_i32_1 = arith.constant 0 : i32
    return %c0_i32, %c0_i32_0 : i32, i32
  }
  func.func @transform_6(%arg0: i32) -> (i32, i32) {
    %c0_i32 = arith.constant 0 : i32
    %c0_i32_0 = arith.constant 0 : i32
    %c0_i32_1 = arith.constant 0 : i32
    return %c0_i32, %c0_i32_0 : i32, i32
  }
  func.func @transform_7(%arg0: i32) -> (i32, i32) {
    %c0_i32 = arith.constant 0 : i32
    %c0_i32_0 = arith.constant 0 : i32
    %c0_i32_1 = arith.constant 0 : i32
    return %c0_i32, %c0_i32_0 : i32, i32
  }
  func.func @transform_8(%arg0: i32) -> (i32, i32) {
    %c0_i32 = arith.constant 0 : i32
    %c0_i32_0 = arith.constant 0 : i32
    %c0_i32_1 = arith.constant 0 : i32
    return %c0_i32, %c0_i32_0 : i32, i32
  }
}

</mosaic_0001>

<sc_bundles>
// kernel: kernel.10.cloned.1.call-start
scs
__scs_entry_jumppad:
0x0: {  	(pc) =	sbr.rel $0x88, $3  }
0x1: {  	(tag) =	ssettag $0x0;
	lr =	simm.s32 $0x1  }
0x2: {  	[smem:$0x3F90] =	sst lr;
	_ =	strace $0xD0000000  }
0x3: {  	_ = 	snop  }
0x4: {  	_ = 	snop  }
0x5: {  	_ = 	snop  }
0x6: {  	_ = 	snop  }
0x7: {  	_ = 	snop  }
__scs_overlays_trampoline_lowered:
0x8: {  	[smem:$0x3F9F] =	sst s0  }
0x9: {  	[smem:$0x3FA0] =	sst s1  }
0xa: {  	[smem:$0x3FA1] =	sst s2  }
0xb: {  	[smem:$0x3FA2] =	sst s3  }
0xc: {  	[smem:$0x3FA3] =	sst s4  }
0xd: {  	[smem:$0x3FA4] =	sst s5  }
0xe: {  	[smem:$0x3FA5] =	sst s6  }
0xf: {  	[smem:$0x3FA6] =	sst s7  }
0x10: {  	[smem:$0x3FA7] =	sst s8  }
0x11: {  	[smem:$0x3FA8] =	sst s9;
	s0 =	simm.s32 @!p0 $0x0  }
0x12: {  	s1 =	sld [smem:$0x3F8E];
	s0 =	simm.s32 @p0 $0x1  }
0x13: {  	[smem:$0x3FA9] =	sst s0;
	s0 =	simm.s32 @!p1 $0x0  }
0x14: {  	s2 =	sld [smem:$0x3F8D];
	s0 =	simm.s32 @p1 $0x1  }
0x15: {  	[smem:$0x3FAA] =	sst s0;
	s0 =	simm.s32 @!p2 $0x0  }
0x16: {  	s3 =	sld [smem:$0x3FDB];
	s0 =	simm.s32 @p2 $0x1  }
0x17: {  	s4 =	simm.s32 $0x1BF5;
	[smem:$0x3FAC] =	sst s0  }
0x18: {  	s0 =	sld [smem:$0x3F8F];
	_ =	swait.ge [sflag:s4], $0x0  }
0x19: {  	s7 =	sld [smem:$0x3F90]  }
0x1a: {  	s8 =	sadd.s32 $0xFFFFE003, lr  }
0x1b: {  	s9 =	sadd.s32 $0xFFFFFEF7, lr;
	s5 =	simm.s32 $0xFFFFFFFF;
	p2 =	slt.u32 s8, $0xFFFFF086  }
0x1c: {  	p1 =	slt.u32 s9, $0xF7A;
	s5 =	simm.s32 @!p2 $0x0  }
0x1d: {  	s5 =	simm.s32 @p1 $0x1;
	p0 =	seq.s32 s7, s2  }
0x1e: {  	s7 =	smul.u32 @!p0 $0xF7A, s2;
	p2 =	seq.s32 @!p0 s5, $0x0  }
0x1f: {  	s9 =	smul.u32 $0xF7A, s1;
	s8 =	simm.s32 @!p0 $0x1BF5;
	p2 =	por !p2, p0  }
0x20: {  	[sflag:s8] =	ssyncset.s32 @!p0 $0xFFFFF086;
	s6 =	sadd.s32 @!p0 s3, s7;
	s7 =	simm.s32 @!p0 $0x108  }
0x21: {  	s3 =	sadd.s32 s3, s9;
	s6 =	sadd.s32 @!p0 $0x88, s6;
	s7 =	simm.s32 @p2 $0x1082  }
0x22: {  	[simem:s7], [sflag:s8] =	dma.local @!p0 [hbm:s6], $0xF7A  }
0x23: {  	s9 =	sor.u32 $0xD0000000, s2;
	s6 =	simm.s32 $0x108;
	_ =	swait.ge @!p0 [sflag:s8], $0x0  }
0x24: {  	s3 =	sadd.s32 $0x88, s3;
	s6 =	simm.s32 @!p1 $0x1082;
	[sflag:s4] =	ssyncset.s32 $0xFFFFF086  }
0x25: {  	[simem:s6], [sflag:s4] =	dma.local [hbm:s3], $0xF7A  }
0x26: {  	[smem:$0x3F90] =	sst s1;
	(tag) =	ssettag s2;
	_ =	strace s9  }
0x27: {  	s1 =	sld [smem:$0x3FA0]  }
0x28: {  	s2 =	sld [smem:$0x3FA1]  }
0x29: {  	s4 =	sld [smem:$0x3FA3]  }
0x2a: {  	p0 =	seq.s32 s5, $0x0;
	s5 =	sld [smem:$0x3FA4]  }
0x2b: {  	s6 =	sld [smem:$0x3FA5]  }
0x2c: {  	s7 =	sld [smem:$0x3FA6]  }
0x2d: {  	s3 =	simm.s32 $0x108;
	s8 =	sld [smem:$0x3FA7]  }
0x2e: {  	s3 =	simm.s32 @!p0 $0x1082;
	s9 =	sld [smem:$0x3FA8]  }
0x2f: {  	lr =	sadd.s32 s0, s3;
	s0 =	sld [smem:$0x3F9F]  }
0x30: {  	s3 =	sld [smem:$0x3FA2]  }
0x31: {  	[smem:$0x3FAB] =	sst s10  }
0x32: {  	s10 =	sld [smem:$0x3FA9];
	_ =	sdelay $0x3  }
0x33: {  	p0 =	seq.s32 s10, $0x1;
	s10 =	sld [smem:$0x3FAB];
	_ =	sdelay $0x3  }
0x34: {  	[smem:$0x3FAB] =	sst s10  }
0x35: {  	s10 =	sld [smem:$0x3FAA];
	_ =	sdelay $0x3  }
0x36: {  	p1 =	seq.s32 s10, $0x1;
	s10 =	sld [smem:$0x3FAB];
	_ =	sdelay $0x3  }
0x37: {  	[smem:$0x3FAB] =	sst s10  }
0x38: {  	s10 =	sld [smem:$0x3FAC]  }
0x39: {  	_ = 	snop;
	(pc) =	sbr.ind lr, $3  }
0x3a: {  	_ = 	snop  }
0x3b: {  	_ = 	snop  }
0x3c: {  	p2 =	seq.s32 s10, $0x1;
	s10 =	sld [smem:$0x3FAB]  }
0x3d: {  	_ =	shalt  }
0x3e: {  	_ =	shalt  }
0x3f: {  	_ =	shalt  }
0x40: {  	_ =	shalt  }
0x41: {  	_ =	shalt  }
0x42: {  	_ =	shalt  }
0x43: {  	_ =	shalt  }
0x44: {  	_ =	shalt  }
0x45: {  	_ =	shalt  }
0x46: {  	_ =	shalt  }
0x47: {  	_ =	shalt  }
0x48: {  	_ =	shalt  }
0x49: {  	_ =	shalt  }
0x4a: {  	_ =	shalt  }
0x4b: {  	_ =	shalt  }
0x4c: {  	_ =	shalt  }
0x4d: {  	_ =	shalt  }
0x4e: {  	_ =	shalt  }
0x4f: {  	_ =	shalt  }
0x50: {  	_ =	shalt  }
0x51: {  	_ =	shalt  }
0x52: {  	_ =	shalt  }
0x53: {  	_ =	shalt  }
0x54: {  	_ =	shalt  }
0x55: {  	_ =	shalt  }
0x56: {  	_ =	shalt  }
0x57: {  	_ =	shalt  }
0x58: {  	_ =	shalt  }
0x59: {  	_ =	shalt  }
0x5a: {  	_ =	shalt  }
0x5b: {  	_ =	shalt  }
0x5c: {  	_ =	shalt  }
0x5d: {  	_ =	shalt  }
0x5e: {  	_ =	shalt  }
0x5f: {  	_ =	shalt  }
0x60: {  	_ =	shalt  }
0x61: {  	_ =	shalt  }
0x62: {  	_ =	shalt  }
0x63: {  	_ =	shalt  }
0x64: {  	_ =	shalt  }
0x65: {  	_ =	shalt  }
0x66: {  	_ =	shalt  }
0x67: {  	_ =	shalt  }
0x68: {  	_ =	shalt  }
0x69: {  	_ =	shalt  }
0x6a: {  	_ =	shalt  }
0x6b: {  	_ =	shalt  }
0x6c: {  	_ =	shalt  }
0x6d: {  	_ =	shalt  }
0x6e: {  	_ =	shalt  }
0x6f: {  	_ =	shalt  }
0x70: {  	_ =	shalt  }
0x71: {  	_ =	shalt  }
0x72: {  	_ =	shalt  }
0x73: {  	_ =	shalt  }
0x74: {  	_ =	shalt  }
0x75: {  	_ =	shalt  }
0x76: {  	_ =	shalt  }
0x77: {  	_ =	shalt  }
0x78: {  	_ =	shalt  }
0x79: {  	_ =	shalt  }
0x7a: {  	_ =	shalt  }
0x7b: {  	_ =	shalt  }
0x7c: {  	_ =	shalt  }
0x7d: {  	_ =	shalt  }
0x7e: {  	_ =	shalt  }
0x7f: {  	_ =	shalt  }
0x80: {  	_ =	shalt  }
0x81: {  	_ =	shalt  }
0x82: {  	_ =	shalt  }
0x83: {  	_ =	shalt  }
0x84: {  	_ =	shalt  }
0x85: {  	_ =	shalt  }
0x86: {  	_ =	shalt  }
0x87: {  	_ =	shalt  }
.Lfunc_end0:
.L_simem_size_0:
called_computation_lowered:
.L_overlay_start_0:
0x88: {  	s2 =	sld [smem:$0x3FD9]  }
0x89: {  	s3 =	sld [smem:$0x3FFE];
	_ =	sdelay $0x1  }
0x8a: {  	s1 =	srdreg.scid  }
0x8b: {  	s0 =	sand.u32 $0x1, s1  }
0x8c: {  	s17 =	sshll.u32 s0, $0xA;
	s2 =	sadd.s32 s3, s2  }
0x8d: {  	s2 =	sadd.s32 s2, s17  }
0x8e: {  	[smem:$0x3FB7] =	sst s2  }
0x8f: {  	_ = 	snop  }
0x90: {  	(tm) =	ssettm $0x1  }
0x91: {  	s18 =	sld [smem:$0x3FFB];
	_ =	sdelay $0x3  }
0x92: {  	_ =	strace s18  }
0x93: {  	s2 =	sld [smem:$0x3FFC];
	_ =	sdelay $0x3  }
0x94: {  	_ =	strace s2  }
0x95: {  	s2 =	sld [smem:$0x3FFD];
	_ =	sdelay $0x3  }
0x96: {  	_ =	strace s2  }
0x97: {  	_ =	strace $0x8FFFFFFF  }
0x98: {  	s19 =	sld [smem:$0x3FDB];
	_ =	sdelay $0x1  }
0x99: {  	s20 =	simm.s32 $_scs_section_size  }
0x9a: {  	s4 =	simm.s32 $_size__tile_overlayer_lowered;
	s5 =	simm.s32 $_tile_overlayer_lowered  }
0x9b: {  	s6 =	simm.s32 $0x1BFF;
	s21 =	sshll.u32 s5, $0x1;
	s3 =	sadd.s32 s20, s19  }
0x9c: {  	s22 =	simm.s32 $0x0;
	s4 =	sshll.u32 s4, $0x1;
	s5 =	sadd.s32 s21, s3  }
0x9d: {  	[timem:s22], [sflag:s6] =	dma.local [hbm:s5], s4  }
0x9e: {  	_ =	swait.ge [sflag:s6], s4  }
0x9f: {  	s4 =	ssub.s32 $0x0, s4;
	[sflag:s6] =	ssyncset.done $0x0  }
0xa0: {  	[sflag:s6] =	ssyncadd.s32 s4;
	_ =	sdelay $0x1  }
0xa1: {  	s23 =	simm.s32 $0x1B8B  }
0xa2: {  	_ =	swait.ge [sflag:s23], $0x1  }
0xa3: {  	[sflag:s23] =	ssyncset.done $0x0  }
0xa4: {  	[sflag:s23] =	ssyncadd.s32 $0xFFFFFFFF  }
0xa5: {  	s4 =	sld [smem:$0x0]  }
0xa6: {  	s5 =	sand.u32 $0xFFFFFFFE, s1  }
0xa7: {  	p0 =	sne.s32 s1, s5  }
0xa8: {  	s5 =	sshll.u32 @p0 s5, $0xE  }
0xa9: {  	s5 =	sadd.s32 @p0 $0x11B8D, s5;
	s6 =	sshll.u32 @p0 s4, $0x11  }
0xaa: {  	s5 =	sor.u32 @p0 s6, s5  }
0xab: {  	[sflag:s5] =	ssyncadd.remote.s32 @p0 $0x1;
	_ =	sdelay $0x1  }
0xac: {  	s5 =	simm.s32 @p0 $0x1B8D  }
0xad: {  	_ =	swait.eq @p0 [sflag:s5], $0x1  }
0xae: {  	[sflag:s5] =	ssyncadd.s32 @p0 $0xFFFFFFFF  }
0xaf: {  	s6 =	sshll.u32 @!p0 s1, $0xE  }
0xb0: {  	s6 =	sor.u32 @!p0 $0x4000, s6;
	s5 =	simm.s32 @!p0 $0x1B8D  }
0xb1: {  	s4 =	sshll.u32 @!p0 s4, $0x11;
	s6 =	sadd.s32 @!p0 $0x11B8D, s6;
	_ =	swait.eq @!p0 [sflag:s5], $0x1  }
0xb2: {  	s4 =	sor.u32 @!p0 s4, s6;
	[sflag:s5] =	ssyncadd.s32 @!p0 $0xFFFFFFFF  }
0xb3: {  	s25 =	simm.s32 $0x1B8E;
	s24 =	sld [smem:$0x3FFE];
	[sflag:s4] =	ssyncadd.remote.s32 @!p0 $0x1  }
0xb4: {  	s26 =	simm.s32 $execute0_lowered;
	[smem:$0x3FD2] =	sst s25  }
0xb5: {  	s5 =	sshll.u32 s26, $0x1;
	_ =	strace $0x80000049;
	[dreg:$0x1] =	wrdreg $0xFFFFFFFF  }
0xb6: {  	s28 =	simm.s32 $_size_execute0_lowered;
	s3 =	sadd.s32 s3, s5;
	[dreg:$0x0] =	wrdreg $0x0  }
0xb7: {  	s5 =	sshll.u32 s28, $0x1;
	[dreg:$0x2] =	wrdreg s3  }
0xb8: {  	[dreg:$0x3] =	wrdreg s5  }
0xb9: {  	[dreg:$0x4] =	wrdreg $0xC0  }
0xba: {  	_ =	task [dreg:s22], $0x5FFFF  }
0xbb: {  	[dreg:$0x1] =	wrdreg $0xFFFFFFFF  }
0xbc: {  	[dreg:$0x0] =	wrdreg $0x60  }
0xbd: {  	[dreg:$0x2] =	wrdreg s24  }
0xbe: {  	[dreg:$0x3] =	wrdreg $0x9  }
0xbf: {  	_ =	task.clear_ibuf [dreg:s22], $0x4FFFF;
	_ =	strace $0x90000049  }
0xc0: {  	s29 =	simm.s32 $0x9;
	_ =	strace $0x8000004B  }
0xc1: {  	_ =	swait.ge [sflag:s29], $0x1  }
0xc2: {  	[sflag:s29] =	ssyncadd.s32 $0xFFFFFFFF  }
0xc3: {  	_ =	strace $0x9000004B  }
0xc4: {  	_ =	sfence  }
0xc5: {  	s30 =	sld [smem:$0x0];
	_ =	sdelay $0x2  }
0xc6: {  	s31 =	sshll.u32 s1, $0xD;
	s1 =	sshrl.u32 s1, $0x2  }
0xc7: {  	s4 =	sand.u32 $0x4000, s31;
	s1 =	sadd.s32 s1, s30  }
0xc8: {  	s0 =	sor.u32 s4, s0;
	s1 =	sshll.u32 s1, $0x11  }
0xc9: {  	s0 =	sor.u32 s1, s0  }
0xca: {  	s0 =	sadd.s32 $0x8F2B, s0  }
0xcb: {  	[sflag:s0] =	ssyncadd.remote.s32 $0x1  }
0xcc: {  	_ =	sfence.sel $0xFFFF  }
0xcd: {  	[dreg:$0x0] =	wrdreg $0xFFFFFFFF;
	(pc) =	sbr.abs _section_cstart, $3  }
0xce: {  	[dreg:$0x1] =	wrdreg $0xFFFFFFFF  }
0xcf: {  	_ =	task.clear_ibuf [dreg:s22], $0x2FFFF;
	_ =	strace $0x9FFFFFFF  }
0xd0: {  	(tm) =	ssettm $0x7FFFFFFF  }
0xd1: {  	_ =	shalt  }
tec
execute0_lowered:
.L_overlay_start_1:
0x0: {  	(tag) =	ssettag $0x1  }
0x1: {  	s1 =	srdreg.scid  }
0x2: {  	s0 =	stileid.u32;
	s4 =	rddreg [dreg:$0x0]  }
0x3: {  	s11 =	simm.s32 $0xC00;
	s12 =	simm.s32 $0x80;
	s13 =	simm.s32 $0x4C00  }
0x4: {  	s14 =	simm.s32 $0x1;
	s15 =	simm.s32 $0x2;
	s16 =	simm.s32 $0x980  }
0x5: {  	s5 =	sand.u32 $0x1, s1;
	s2 =	sshll.u32 s0, $0x1;
	s7 =	sshrl.u32 s0, $0x1  }
0x6: {  	s17 =	simm.s32 $0x0;
	s3 =	sor.u32 s5, s2;
	s7 =	smul.u32 $0x140000, s7  }
0x7: {  	s1 =	rddreg [dreg:$0x1];
	s6 =	smul.u32 $0x180, s3;
	s3 =	sand.u32 $0x3, s3  }
0x8: {  	s2 =	simm.s32 $0x0;
	s5 =	ssub.s32 $0x2, s5;
	s8 =	smul.u32 $0x50000, s3  }
0x9: {  	s9 =	sadd.s32 $0x1DC00, s4;
	[smem:$0x7FF] =	sst s2;
	s30 =	sshrl.u32 s5, $0x1  }
0xa: {  	_ =	strace $0x8000004A;
	s3 =	sadd.s32 $0x1A1600, s4;
	s7 =	sadd.s32 s7, s8  }
0xb: {  	s5 =	ssub.s32 s5, s30;
	s6 =	sadd.s32 s6, s4;
	s31 =	sshrl.u32 s7, $0x3  }
0xc: {  	s4 =	sadd.s32 $0x1AC00, s6;
	s10 =	sor.u32 $0x4000, s7;
	s6 =	sadd.s32 s31, s9  }
0xd: {  	s5 =	smax.u32 s5, $0x1;
	s10 =	sshrl.u32 s10, $0x3;
	s7 =	sadd.s32 $0x9000, s6  }
0xe: {  	s8 =	sadd.s32 $0x9800, s6;
	s9 =	sadd.s32 s10, s9;
	s10 =	simm.s32 $0x3  }
.LBB2_1:
0xf: {  	[tilespmem:s2], [sflag:$0x3] =	stream.linear.gather [hbm4b:s4+s2], $0xA00, $0x38;
	[tilespmem:$0x8C00] =	vst v63  }
0x10: {  	_ =	swait.ge [sflag:s10], $0xA00  }
0x11: {  	[sflag:s10] =	ssyncset.done $0x0  }
0x12: {  	[sflag:s10] =	ssyncadd.s32 $0xFFFFF600  }
0x13: {  	[tilespmem:s11], [sflag:$0x1] =	stream.indirect.gather [hbm4b:s3+s12], $0x80, s2, s12, $0xb8;
	[tilespmem:$0x8C00] =	vst v63  }
0x14: {  	_ = 	snop  }
0x15: {  	[tilespmem:s13], [sflag:$0x2] =	stream.indirect.gather [hbm4b:s3+s12], $0x80, s12, s12, $0xb8;
	[tilespmem:$0x8C00] =	vst v63  }
0x16: {  	_ =	swait.ge [sflag:s14], $0x4000  }
0x17: {  	[sflag:s14] =	ssyncset.done $0x0  }
0x18: {  	s18 =	sadd.s32 $0x0, s6;
	[sflag:s14] =	ssyncadd.s32 $0xFFFFC000  }
0x19: {  	[hbm4b:s18+s2] =	stream.linear.scatter [tilespmem:s11], [sflag:$0x3], $0x4000, $0x38;
	[tilespmem:$0x8C00] =	vst v63  }
0x1a: {  	_ =	swait.ge [sflag:s10], $0x4000  }
0x1b: {  	[sflag:s10] =	ssyncset.done $0x0  }
0x1c: {  	s30 =	simm.s32 $0x100;
	[sflag:s10] =	ssyncadd.s32 $0xFFFFC000  }
0x1d: {  	[tilespmem:s11], [sflag:$0x1] =	stream.indirect.gather [hbm4b:s3+s12], $0x80, s30, s12, $0xb8;
	[tilespmem:$0x8C00] =	vst v63  }
0x1e: {  	_ =	swait.ge [sflag:s15], $0x4000  }
0x1f: {  	[sflag:s15] =	ssyncset.done $0x0  }
0x20: {  	s31 =	sadd.s32 $0x0, s9;
	[sflag:s15] =	ssyncadd.s32 $0xFFFFC000  }
0x21: {  	[hbm4b:s31+s2] =	stream.linear.scatter [tilespmem:s13], [sflag:$0x3], $0x4000, $0x38;
	[tilespmem:$0x8C00] =	vst v63  }
0x22: {  	_ =	swait.ge [sflag:s10], $0x4000  }
0x23: {  	s19 =	simm.s32 $0x80;
	s18 =	simm.s32 $0x1000;
	[sflag:s10] =	ssyncset.done $0x0  }
.LBB2_2:
0x24: {  	p0 =	sne.s32 s18, $0x8000;
	[sflag:s10] =	ssyncadd.s32 $0xFFFFC000;
	s19 =	sadd.s32 $0x100, s19  }
0x25: {  	[tilespmem:s13], [sflag:$0x2] =	stream.indirect.gather [hbm4b:s3+s12], $0x80, s19, s12, $0xb8;
	[tilespmem:$0x8C00] =	vst v63  }
0x26: {  	s20 =	smov.u32 s18;
	s18 =	sadd.s32 $0x1000, s18;
	_ =	swait.ge [sflag:s14], $0x4000  }
0x27: {  	[sflag:s14] =	ssyncset.done $0x0  }
0x28: {  	s21 =	sadd.s32 s20, s6;
	[sflag:s14] =	ssyncadd.s32 $0xFFFFC000  }
0x29: {  	[hbm4b:s21+s2] =	stream.linear.scatter [tilespmem:s11], [sflag:$0x3], $0x4000, $0x38;
	[tilespmem:$0x8C00] =	vst v63  }
0x2a: {  	_ =	swait.ge [sflag:s10], $0x4000  }
0x2b: {  	[sflag:s10] =	ssyncset.done $0x0  }
0x2c: {  	s21 =	sadd.s32 $0x80, s19;
	[sflag:s10] =	ssyncadd.s32 $0xFFFFC000  }
0x2d: {  	[tilespmem:s11], [sflag:$0x1] =	stream.indirect.gather [hbm4b:s3+s12], $0x80, s21, s12, $0xb8;
	[tilespmem:$0x8C00] =	vst v63  }
0x2e: {  	_ =	swait.ge [sflag:s15], $0x4000  }
.Ltmp0:
0x2f: {  	[sflag:s15] =	ssyncset.done $0x0;
	(pc) =	sbr.rel @p0 .LBB2_2-.Ltmp0, $4  }
0x30: {  	s20 =	sadd.s32 s20, s9;
	[sflag:s15] =	ssyncadd.s32 $0xFFFFC000  }
0x31: {  	[hbm4b:s20+s2] =	stream.linear.scatter [tilespmem:s13], [sflag:$0x3], $0x4000, $0x38;
	[tilespmem:$0x8C00] =	vst v63  }
0x32: {  	_ =	swait.ge [sflag:s10], $0x4000  }
0x33: {  	[sflag:s10] =	ssyncset.done $0x0  }
0x34: {  	[sflag:s10] =	ssyncadd.s32 $0xFFFFC000  }
0x35: {  	[tilespmem:s13], [sflag:$0x2] =	stream.indirect.gather [hbm4b:s3+s12], $0x80, s16, s12, $0xb8;
	[tilespmem:$0x8C00] =	vst v63  }
0x36: {  	_ =	swait.ge [sflag:s14], $0x4000  }
0x37: {  	[sflag:s14] =	ssyncset.done $0x0  }
0x38: {  	[sflag:s14] =	ssyncadd.s32 $0xFFFFC000  }
0x39: {  	[hbm4b:s7+s2] =	stream.linear.scatter [tilespmem:s11], [sflag:$0x3], $0x4000, $0x38;
	[tilespmem:$0x8C00] =	vst v63  }
0x3a: {  	_ =	swait.ge [sflag:s10], $0x4000  }
0x3b: {  	[sflag:s10] =	ssyncset.done $0x0  }
0x3c: {  	[sflag:s10] =	ssyncadd.s32 $0xFFFFC000  }
0x3d: {  	s17 =	sadd.s32 $0x1, s17;
	_ =	swait.ge [sflag:s15], $0x4000  }
0x3e: {  	p0 =	sne.s32 s17, s5;
	[sflag:s15] =	ssyncset.done $0x0  }
.Ltmp1:
0x3f: {  	[sflag:s15] =	ssyncadd.s32 $0xFFFFC000;
	(pc) =	sbr.rel @p0 .LBB2_1-.Ltmp1, $4  }
0x40: {  	[hbm4b:s8+s2] =	stream.linear.scatter [tilespmem:s13], [sflag:$0x3], $0x4000, $0x38;
	[tilespmem:$0x8C00] =	vst v63  }
0x41: {  	_ =	swait.ge [sflag:s10], $0x4000  }
0x42: {  	[sflag:s10] =	ssyncset.done $0x0  }
0x43: {  	[sflag:s10] =	ssyncadd.s32 $0xFFFFC000  }
0x44: {  	_ =	sfence.sel $0x180000  }
0x45: {  	[bflag:$0x0] =	sbarrier.arrive $0xFFFF  }
0x46: {  	p0 =	sne.s32 s0, $0x0;
	_ =	strace $0x9000004A  }
0x47: {  	s0 =	sadd.s32 @!p0 $0x100000, s1;
	[bflag:$0x2] =	sbarrier.arrive $0xFFFF  }
0x48: {  	[sflag:s0] =	ssyncadd.tile.s32 @!p0 $0x1;
	_ =	shalt  }
.Lfunc_end2:
_tile_overlayer_lowered:
.L_overlay_start_2:
0x49: {  	(tag) =	ssettag $0x2  }
0x4a: {  	s0 =	rddreg [dreg:$0x0];
	s2 =	stileid.u32  }
0x4b: {  	s1 =	rddreg [dreg:$0x1];
	p0 =	sne.s32 s2, $0x0  }
0x4c: {  	s3 =	rddreg [dreg:$0x2];
	[bflag:$0x3] =	sbarrier.arrive $0xFFFF;
	s2 =	simm.s32 @!p0 $0x1C03  }
0x4d: {  	[timem:s3], [sflag:s2] =	dma.local @!p0 [hbm:s0], s1  }
0x4e: {  	s0 =	simm.s32 @!p0 $0x3  }
0x4f: {  	_ =	swait.ge @!p0 [sflag:s0], s1  }
0x50: {  	s1 =	ssub.s32 @!p0 $0x0, s1;
	[sflag:s0] =	ssyncset.done @!p0 $0x0  }
0x51: {  	[sflag:s0] =	ssyncadd.s32 @!p0 s1  }
0x52: {  	[bflag:$0x3] =	sbarrier.arrive $0xFFFF  }
0x53: {  	_ =	shalt  }

// kernel: kernel.13.cloned.1.call-start
scs
__scs_entry_jumppad:
0x0: {  	(pc) =	sbr.rel $0x88, $3  }
0x1: {  	(tag) =	ssettag $0x0;
	lr =	simm.s32 $0x1  }
0x2: {  	[smem:$0x3F90] =	sst lr;
	_ =	strace $0xD0000000  }
0x3: {  	_ = 	snop  }
0x4: {  	_ = 	snop  }
0x5: {  	_ = 	snop  }
0x6: {  	_ = 	snop  }
0x7: {  	_ = 	snop  }
__scs_overlays_trampoline_lowered:
0x8: {  	[smem:$0x3F9F] =	sst s0  }
0x9: {  	[smem:$0x3FA0] =	sst s1  }
0xa: {  	[smem:$0x3FA1] =	sst s2  }
0xb: {  	[smem:$0x3FA2] =	sst s3  }
0xc: {  	[smem:$0x3FA3] =	sst s4  }
0xd: {  	[smem:$0x3FA4] =	sst s5  }
0xe: {  	[smem:$0x3FA5] =	sst s6  }
0xf: {  	[smem:$0x3FA6] =	sst s7  }
0x10: {  	[smem:$0x3FA7] =	sst s8  }
0x11: {  	[smem:$0x3FA8] =	sst s9;
	s0 =	simm.s32 @!p0 $0x0  }
0x12: {  	s1 =	sld [smem:$0x3F8E];
	s0 =	simm.s32 @p0 $0x1  }
0x13: {  	[smem:$0x3FA9] =	sst s0;
	s0 =	simm.s32 @!p1 $0x0  }
0x14: {  	s2 =	sld [smem:$0x3F8D];
	s0 =	simm.s32 @p1 $0x1  }
0x15: {  	[smem:$0x3FAA] =	sst s0;
	s0 =	simm.s32 @!p2 $0x0  }
0x16: {  	s3 =	sld [smem:$0x3FDB];
	s0 =	simm.s32 @p2 $0x1  }
0x17: {  	s4 =	simm.s32 $0x1BF5;
	[smem:$0x3FAC] =	sst s0  }
0x18: {  	s0 =	sld [smem:$0x3F8F];
	_ =	swait.ge [sflag:s4], $0x0  }
0x19: {  	s7 =	sld [smem:$0x3F90]  }
0x1a: {  	s8 =	sadd.s32 $0xFFFFE003, lr  }
0x1b: {  	s9 =	sadd.s32 $0xFFFFFEF7, lr;
	s5 =	simm.s32 $0xFFFFFFFF;
	p2 =	slt.u32 s8, $0xFFFFF086  }
0x1c: {  	p1 =	slt.u32 s9, $0xF7A;
	s5 =	simm.s32 @!p2 $0x0  }
0x1d: {  	s5 =	simm.s32 @p1 $0x1;
	p0 =	seq.s32 s7, s2  }
0x1e: {  	s7 =	smul.u32 @!p0 $0xF7A, s2;
	p2 =	seq.s32 @!p0 s5, $0x0  }
0x1f: {  	s9 =	smul.u32 $0xF7A, s1;
	s8 =	simm.s32 @!p0 $0x1BF5;
	p2 =	por !p2, p0  }
0x20: {  	[sflag:s8] =	ssyncset.s32 @!p0 $0xFFFFF086;
	s6 =	sadd.s32 @!p0 s3, s7;
	s7 =	simm.s32 @!p0 $0x108  }
0x21: {  	s3 =	sadd.s32 s3, s9;
	s6 =	sadd.s32 @!p0 $0x88, s6;
	s7 =	simm.s32 @p2 $0x1082  }
0x22: {  	[simem:s7], [sflag:s8] =	dma.local @!p0 [hbm:s6], $0xF7A  }
0x23: {  	s9 =	sor.u32 $0xD0000000, s2;
	s6 =	simm.s32 $0x108;
	_ =	swait.ge @!p0 [sflag:s8], $0x0  }
0x24: {  	s3 =	sadd.s32 $0x88, s3;
	s6 =	simm.s32 @!p1 $0x1082;
	[sflag:s4] =	ssyncset.s32 $0xFFFFF086  }
0x25: {  	[simem:s6], [sflag:s4] =	dma.local [hbm:s3], $0xF7A  }
0x26: {  	[smem:$0x3F90] =	sst s1;
	(tag) =	ssettag s2;
	_ =	strace s9  }
0x27: {  	s1 =	sld [smem:$0x3FA0]  }
0x28: {  	s2 =	sld [smem:$0x3FA1]  }
0x29: {  	s4 =	sld [smem:$0x3FA3]  }
0x2a: {  	p0 =	seq.s32 s5, $0x0;
	s5 =	sld [smem:$0x3FA4]  }
0x2b: {  	s6 =	sld [smem:$0x3FA5]  }
0x2c: {  	s7 =	sld [smem:$0x3FA6]  }
0x2d: {  	s3 =	simm.s32 $0x108;
	s8 =	sld [smem:$0x3FA7]  }
0x2e: {  	s3 =	simm.s32 @!p0 $0x1082;
	s9 =	sld [smem:$0x3FA8]  }
0x2f: {  	lr =	sadd.s32 s0, s3;
	s0 =	sld [smem:$0x3F9F]  }
0x30: {  	s3 =	sld [smem:$0x3FA2]  }
0x31: {  	[smem:$0x3FAB] =	sst s10  }
0x32: {  	s10 =	sld [smem:$0x3FA9];
	_ =	sdelay $0x3  }
0x33: {  	p0 =	seq.s32 s10, $0x1;
	s10 =	sld [smem:$0x3FAB];
	_ =	sdelay $0x3  }
0x34: {  	[smem:$0x3FAB] =	sst s10  }
0x35: {  	s10 =	sld [smem:$0x3FAA];
	_ =	sdelay $0x3  }
0x36: {  	p1 =	seq.s32 s10, $0x1;
	s10 =	sld [smem:$0x3FAB];
	_ =	sdelay $0x3  }
0x37: {  	[smem:$0x3FAB] =	sst s10  }
0x38: {  	s10 =	sld [smem:$0x3FAC]  }
0x39: {  	_ = 	snop;
	(pc) =	sbr.ind lr, $3  }
0x3a: {  	_ = 	snop  }
0x3b: {  	_ = 	snop  }
0x3c: {  	p2 =	seq.s32 s10, $0x1;
	s10 =	sld [smem:$0x3FAB]  }
0x3d: {  	_ =	shalt  }
0x3e: {  	_ =	shalt  }
0x3f: {  	_ =	shalt  }
0x40: {  	_ =	shalt  }
0x41: {  	_ =	shalt  }
0x42: {  	_ =	shalt  }
0x43: {  	_ =	shalt  }
0x44: {  	_ =	shalt  }
0x45: {  	_ =	shalt  }
0x46: {  	_ =	shalt  }
0x47: {  	_ =	shalt  }
0x48: {  	_ =	shalt  }
0x49: {  	_ =	shalt  }
0x4a: {  	_ =	shalt  }
0x4b: {  	_ =	shalt  }
0x4c: {  	_ =	shalt  }
0x4d: {  	_ =	shalt  }
0x4e: {  	_ =	shalt  }
0x4f: {  	_ =	shalt  }
0x50: {  	_ =	shalt  }
0x51: {  	_ =	shalt  }
0x52: {  	_ =	shalt  }
0x53: {  	_ =	shalt  }
0x54: {  	_ =	shalt  }
0x55: {  	_ =	shalt  }
0x56: {  	_ =	shalt  }
0x57: {  	_ =	shalt  }
0x58: {  	_ =	shalt  }
0x59: {  	_ =	shalt  }
0x5a: {  	_ =	shalt  }
0x5b: {  	_ =	shalt  }
0x5c: {  	_ =	shalt  }
0x5d: {  	_ =	shalt  }
0x5e: {  	_ =	shalt  }
0x5f: {  	_ =	shalt  }
0x60: {  	_ =	shalt  }
0x61: {  	_ =	shalt  }
0x62: {  	_ =	shalt  }
0x63: {  	_ =	shalt  }
0x64: {  	_ =	shalt  }
0x65: {  	_ =	shalt  }
0x66: {  	_ =	shalt  }
0x67: {  	_ =	shalt  }
0x68: {  	_ =	shalt  }
0x69: {  	_ =	shalt  }
0x6a: {  	_ =	shalt  }
0x6b: {  	_ =	shalt  }
0x6c: {  	_ =	shalt  }
0x6d: {  	_ =	shalt  }
0x6e: {  	_ =	shalt  }
0x6f: {  	_ =	shalt  }
0x70: {  	_ =	shalt  }
0x71: {  	_ =	shalt  }
0x72: {  	_ =	shalt  }
0x73: {  	_ =	shalt  }
0x74: {  	_ =	shalt  }
0x75: {  	_ =	shalt  }
0x76: {  	_ =	shalt  }
0x77: {  	_ =	shalt  }
0x78: {  	_ =	shalt  }
0x79: {  	_ =	shalt  }
0x7a: {  	_ =	shalt  }
0x7b: {  	_ =	shalt  }
0x7c: {  	_ =	shalt  }
0x7d: {  	_ =	shalt  }
0x7e: {  	_ =	shalt  }
0x7f: {  	_ =	shalt  }
0x80: {  	_ =	shalt  }
0x81: {  	_ =	shalt  }
0x82: {  	_ =	shalt  }
0x83: {  	_ =	shalt  }
0x84: {  	_ =	shalt  }
0x85: {  	_ =	shalt  }
0x86: {  	_ =	shalt  }
0x87: {  	_ =	shalt  }
.Lfunc_end0:
.L_simem_size_0:
called_computation.1_lowered:
.L_overlay_start_0:
0x88: {  	s2 =	sld [smem:$0x3FD9]  }
0x89: {  	s3 =	sld [smem:$0x3FFE];
	_ =	sdelay $0x1  }
0x8a: {  	s1 =	srdreg.scid  }
0x8b: {  	s0 =	sand.u32 $0x1, s1  }
0x8c: {  	s17 =	sshll.u32 s0, $0xA;
	s2 =	sadd.s32 s3, s2  }
0x8d: {  	s2 =	sadd.s32 s2, s17  }
0x8e: {  	[smem:$0x3FB7] =	sst s2  }
0x8f: {  	_ = 	snop  }
0x90: {  	s2 =	sld [smem:$0x3FD0];
	(tm) =	ssettm $0x1  }
0x91: {  	s18 =	sld [smem:$0x3FFB];
	_ =	sdelay $0x3  }
0x92: {  	_ =	strace s18  }
0x93: {  	s3 =	sld [smem:$0x3FFC];
	_ =	sdelay $0x3  }
0x94: {  	_ =	strace s3  }
0x95: {  	s3 =	sld [smem:$0x3FFD];
	_ =	sdelay $0x3  }
0x96: {  	_ =	strace s3  }
0x97: {  	_ =	strace $0x8FFFFFFF  }
0x98: {  	s19 =	sld [smem:$0x3FDB];
	_ =	sdelay $0x1  }
0x99: {  	s4 =	simm.s32 $_scs_section_size  }
0x9a: {  	s5 =	simm.s32 $_size__tile_overlayer_lowered;
	s6 =	simm.s32 $_tile_overlayer_lowered  }
0x9b: {  	s22 =	simm.s32 $0x1BFF;
	s21 =	sshll.u32 s6, $0x1;
	s3 =	sadd.s32 s4, s19  }
0x9c: {  	s7 =	simm.s32 $0x0;
	s20 =	sshll.u32 s5, $0x1;
	s5 =	sadd.s32 s21, s3  }
0x9d: {  	[timem:s7], [sflag:s22] =	dma.local [hbm:s5], s20  }
0x9e: {  	_ =	swait.ge [sflag:s22], s20  }
0x9f: {  	s4 =	ssub.s32 $0x0, s20;
	[sflag:s22] =	ssyncset.done $0x0  }
0xa0: {  	[sflag:s22] =	ssyncadd.s32 s4;
	_ =	sdelay $0x1  }
0xa1: {  	s23 =	simm.s32 $0x1B8B  }
0xa2: {  	_ =	swait.ge [sflag:s23], $0x1  }
0xa3: {  	[sflag:s23] =	ssyncset.done $0x0  }
0xa4: {  	s25 =	simm.s32 $0x1B8E;
	s24 =	sld [smem:$0x3FFE];
	[sflag:s23] =	ssyncadd.s32 $0xFFFFFFFF  }
0xa5: {  	s26 =	simm.s32 $execute0_lowered;
	[smem:$0x3FD2] =	sst s25  }
0xa6: {  	s5 =	sshll.u32 s26, $0x1;
	_ =	strace $0x80000046;
	[dreg:$0x1] =	wrdreg $0xFFFFFFFF  }
0xa7: {  	s28 =	simm.s32 $_size_execute0_lowered;
	s3 =	sadd.s32 s3, s5;
	[dreg:$0x0] =	wrdreg $0x0  }
0xa8: {  	s5 =	sshll.u32 s28, $0x1;
	[dreg:$0x2] =	wrdreg s3  }
0xa9: {  	[dreg:$0x3] =	wrdreg s5  }
0xaa: {  	[dreg:$0x4] =	wrdreg $0xC0  }
0xab: {  	_ =	task [dreg:s7], $0x5FFFF  }
0xac: {  	[dreg:$0x1] =	wrdreg $0xFFFFFFFF  }
0xad: {  	[dreg:$0x0] =	wrdreg $0x60  }
0xae: {  	[dreg:$0x2] =	wrdreg s24  }
0xaf: {  	[dreg:$0x3] =	wrdreg s2  }
0xb0: {  	[dreg:$0x4] =	wrdreg $0x7000  }
0xb1: {  	[dreg:$0x5] =	wrdreg $0xA  }
0xb2: {  	_ =	task.clear_ibuf [dreg:s7], $0x6FFFF;
	_ =	strace $0x90000046  }
0xb3: {  	s29 =	simm.s32 $0xA;
	_ =	strace $0x80000048  }
0xb4: {  	_ =	swait.ge [sflag:s29], $0x1  }
0xb5: {  	[sflag:s29] =	ssyncadd.s32 $0xFFFFFFFF  }
0xb6: {  	_ =	strace $0x90000048  }
0xb7: {  	_ =	sfence  }
0xb8: {  	s30 =	sld [smem:$0x0];
	_ =	sdelay $0x2  }
0xb9: {  	s31 =	sshll.u32 s1, $0xD;
	s1 =	sshrl.u32 s1, $0x2  }
0xba: {  	s3 =	sand.u32 $0x4000, s31;
	s1 =	sadd.s32 s1, s30  }
0xbb: {  	s0 =	sor.u32 s3, s0;
	s1 =	sshll.u32 s1, $0x11  }
0xbc: {  	s0 =	sor.u32 s1, s0  }
0xbd: {  	s0 =	sadd.s32 $0x8F2B, s0  }
0xbe: {  	[sflag:s0] =	ssyncadd.remote.s32 $0x1  }
0xbf: {  	_ =	sfence.sel $0xFFFF  }
0xc0: {  	[dreg:$0x0] =	wrdreg $0xFFFFFFFF;
	(pc) =	sbr.abs _section_cstart, $3  }
0xc1: {  	[dreg:$0x1] =	wrdreg $0xFFFFFFFF  }
0xc2: {  	_ =	task.clear_ibuf [dreg:s7], $0x2FFFF;
	_ =	strace $0x9FFFFFFF  }
0xc3: {  	(tm) =	ssettm $0x7FFFFFFF  }
tec
execute0_lowered:
.L_overlay_start_1:
0x0: {  	(tag) =	ssettag $0x1  }
0x1: {  	s4 =	rddreg [dreg:$0x0]  }
0x2: {  	s5 =	rddreg [dreg:$0x1]  }
0x3: {  	s2 =	rddreg [dreg:$0x2]  }
0x4: {  	s0 =	rddreg [dreg:$0x3]  }
0x5: {  	s3 =	simm.s32 $0x0;
	s1 =	stileid.u32;
	s6 =	srdreg.scid  }
0x6: {  	s12 =	simm.s32 $0x100;
	s13 =	simm.s32 $0x180;
	s14 =	simm.s32 $0x200  }
0x7: {  	s15 =	simm.s32 $0x280;
	s16 =	simm.s32 $0x300;
	s17 =	simm.s32 $0x380  }
0x8: {  	s18 =	simm.s32 $0x0;
	[smem:$0x7FF] =	sst s3;
	s7 =	smul.u32 $0xA00, s1  }
0x9: {  	s6 =	sand.u32 $0x1, s6;
	s9 =	smul.u32 $0x500, s1;
	_ =	strace $0x80000047  }
0xa: {  	s8 =	ssub.s32 $0x2, s6;
	s11 =	sshll.u32 s6, $0x7;
	s28 =	smul.u32 $0x500, s6  }
0xb: {  	s10 =	sadd.s32 s7, s4;
	s26 =	sshrl.u32 s8, $0x1;
	s7 =	sshrl.u32 s7, $0x2  }
0xc: {  	s9 =	sor.u32 s11, s9;
	s11 =	simm.s32 $0x400;
	s29 =	ssub.s32 s8, s26  }
0xd: {  	s4 =	sadd.s32 s7, s2;
	s30 =	sshrl.u32 s9, $0x3;
	s31 =	sadd.s32 s28, s10  }
0xe: {  	s8 =	simm.s32 $0x480;
	s9 =	simm.s32 $0x1;
	s10 =	simm.s32 $0x80  }
0xf: {  	v0 =	vimm.f32 $1.000000000e+00;
	v1 =	vimm.f32 $0.0e+00;
	s5 =	sadd.s32 s5, s30;
	s6 =	smax.u32 s29, $0x1;
	s7 =	sadd.s32 $0x10C00, s31  }
.LBB2_1:
0x10: {  	[tilespmem:$0x400] =	vst v0  }
0x11: {  	[tilespmem:$0x410] =	vst v0  }
0x12: {  	[tilespmem:$0x420] =	vst v0  }
0x13: {  	[tilespmem:$0x430] =	vst v0  }
0x14: {  	[tilespmem:$0x440] =	vst v0  }
0x15: {  	[tilespmem:$0x450] =	vst v0  }
0x16: {  	[tilespmem:$0x460] =	vst v0  }
0x17: {  	[tilespmem:$0x470] =	vst v0  }
0x18: {  	[tilespmem:$0x480] =	vst v1  }
0x19: {  	[tilespmem:$0x490] =	vst v1  }
0x1a: {  	[tilespmem:$0x4A0] =	vst v1  }
0x1b: {  	[tilespmem:$0x4B0] =	vst v1  }
0x1c: {  	[tilespmem:$0x4C0] =	vst v1  }
0x1d: {  	[tilespmem:$0x4D0] =	vst v1  }
0x1e: {  	[tilespmem:$0x4E0] =	vst v1  }
0x1f: {  	[tilespmem:$0x4F0] =	vst v1  }
0x20: {  	[tilespmem:$0x500] =	vst v1  }
0x21: {  	[tilespmem:$0x510] =	vst v1  }
0x22: {  	[tilespmem:$0x520] =	vst v1  }
0x23: {  	[tilespmem:$0x530] =	vst v1  }
0x24: {  	[tilespmem:$0x540] =	vst v1  }
0x25: {  	[tilespmem:$0x550] =	vst v1  }
0x26: {  	[tilespmem:$0x560] =	vst v1  }
0x27: {  	[tilespmem:$0x570] =	vst v1  }
0x28: {  	[tilespmem:$0x580] =	vst v1  }
0x29: {  	[tilespmem:$0x590] =	vst v1  }
0x2a: {  	[tilespmem:$0x5A0] =	vst v1  }
0x2b: {  	[tilespmem:$0x5B0] =	vst v1  }
0x2c: {  	[tilespmem:$0x5C0] =	vst v1  }
0x2d: {  	[tilespmem:$0x5D0] =	vst v1  }
0x2e: {  	[tilespmem:$0x5E0] =	vst v1  }
0x2f: {  	[tilespmem:$0x5F0] =	vst v1  }
0x30: {  	[tilespmem:$0x600] =	vst v1  }
0x31: {  	[tilespmem:$0x610] =	vst v1  }
0x32: {  	[tilespmem:$0x620] =	vst v1  }
0x33: {  	[tilespmem:$0x630] =	vst v1  }
0x34: {  	[tilespmem:$0x640] =	vst v1  }
0x35: {  	[tilespmem:$0x650] =	vst v1  }
0x36: {  	[tilespmem:$0x660] =	vst v1  }
0x37: {  	[tilespmem:$0x670] =	vst v1  }
0x38: {  	[tilespmem:$0x680] =	vst v1  }
0x39: {  	[tilespmem:$0x690] =	vst v1  }
0x3a: {  	[tilespmem:$0x6A0] =	vst v1  }
0x3b: {  	[tilespmem:$0x6B0] =	vst v1  }
0x3c: {  	[tilespmem:$0x6C0] =	vst v1  }
0x3d: {  	[tilespmem:$0x6D0] =	vst v1  }
0x3e: {  	[tilespmem:$0x6E0] =	vst v1  }
0x3f: {  	[tilespmem:$0x6F0] =	vst v1  }
0x40: {  	[spmem:s4] =	stream.linear.scatter [tilespmem:s8], [sflag:$0x1], $0x280, $0x38;
	[tilespmem:$0x980] =	vst v63  }
0x41: {  	_ =	swait.ge [sflag:s9], $0x280  }
0x42: {  	[sflag:s9] =	ssyncset.done $0x0  }
0x43: {  	[sflag:s9] =	ssyncadd.s32 $0xFFFFFD80  }
0x44: {  	s19 =	sadd.s32 $0x0, s7;
	[bflag:$0x0] =	sbarrier.arrive $0xFFFF  }
0x45: {  	[tilespmem:s3], [sflag:$0x1] =	stream.linear.gather [hbm4b:s19+s3], $0x400, $0x38;
	[tilespmem:$0x980] =	vst v63  }
0x46: {  	_ =	swait.ge [sflag:s9], $0x400  }
0x47: {  	[sflag:s9] =	ssyncset.done $0x0  }
0x48: {  	[sflag:s9] =	ssyncadd.s32 $0xFFFFFC00  }
0x49: {  	[spmem:s2] =	stream.indirect.scatter.add.f32 [tilespmem:s11], [sflag:$0x1], $0x1, s3, s10, $0xb8;
	[tilespmem:$0x980] =	vst v63  }
0x4a: {  	_ =	swait.ge [sflag:s9], $0x80  }
0x4b: {  	[sflag:s9] =	ssyncset.done $0x0  }
0x4c: {  	[sflag:s9] =	ssyncadd.s32 $0xFFFFFF80  }
0x4d: {  	[spmem:s2] =	stream.indirect.scatter.add.f32 [tilespmem:s11], [sflag:$0x1], $0x1, s10, s10, $0xb8;
	[tilespmem:$0x980] =	vst v63  }
0x4e: {  	_ =	swait.ge [sflag:s9], $0x80  }
0x4f: {  	[sflag:s9] =	ssyncset.done $0x0  }
0x50: {  	[sflag:s9] =	ssyncadd.s32 $0xFFFFFF80  }
0x51: {  	[spmem:s2] =	stream.indirect.scatter.add.f32 [tilespmem:s11], [sflag:$0x1], $0x1, s12, s10, $0xb8;
	[tilespmem:$0x980] =	vst v63  }
0x52: {  	_ =	swait.ge [sflag:s9], $0x80  }
0x53: {  	[sflag:s9] =	ssyncset.done $0x0  }
0x54: {  	[sflag:s9] =	ssyncadd.s32 $0xFFFFFF80  }
0x55: {  	[spmem:s2] =	stream.indirect.scatter.add.f32 [tilespmem:s11], [sflag:$0x1], $0x1, s13, s10, $0xb8;
	[tilespmem:$0x980] =	vst v63  }
0x56: {  	_ =	swait.ge [sflag:s9], $0x80  }
0x57: {  	[sflag:s9] =	ssyncset.done $0x0  }
0x58: {  	[sflag:s9] =	ssyncadd.s32 $0xFFFFFF80  }
0x59: {  	[spmem:s2] =	stream.indirect.scatter.add.f32 [tilespmem:s11], [sflag:$0x1], $0x1, s14, s10, $0xb8;
	[tilespmem:$0x980] =	vst v63  }
0x5a: {  	_ =	swait.ge [sflag:s9], $0x80  }
0x5b: {  	[sflag:s9] =	ssyncset.done $0x0  }
0x5c: {  	[sflag:s9] =	ssyncadd.s32 $0xFFFFFF80  }
0x5d: {  	[spmem:s2] =	stream.indirect.scatter.add.f32 [tilespmem:s11], [sflag:$0x1], $0x1, s15, s10, $0xb8;
	[tilespmem:$0x980] =	vst v63  }
0x5e: {  	_ =	swait.ge [sflag:s9], $0x80  }
0x5f: {  	[sflag:s9] =	ssyncset.done $0x0  }
0x60: {  	[sflag:s9] =	ssyncadd.s32 $0xFFFFFF80  }
0x61: {  	[spmem:s2] =	stream.indirect.scatter.add.f32 [tilespmem:s11], [sflag:$0x1], $0x1, s16, s10, $0xb8;
	[tilespmem:$0x980] =	vst v63  }
0x62: {  	_ =	swait.ge [sflag:s9], $0x80  }
0x63: {  	[sflag:s9] =	ssyncset.done $0x0  }
0x64: {  	[sflag:s9] =	ssyncadd.s32 $0xFFFFFF80  }
0x65: {  	[spmem:s2] =	stream.indirect.scatter.add.f32 [tilespmem:s11], [sflag:$0x1], $0x1, s17, s10, $0xb8;
	[tilespmem:$0x980] =	vst v63  }
0x66: {  	_ =	swait.ge [sflag:s9], $0x80  }
0x67: {  	s21 =	simm.s32 $0x100;
	s19 =	simm.s32 $0x80;
	[sflag:s9] =	ssyncset.done $0x0  }
.LBB2_2:
0x68: {  	s22 =	sadd.s32 s19, s7  }
0x69: {  	[sflag:s9] =	ssyncadd.s32 $0xFFFFFF80;
	s19 =	smov.u32 s21;
	s20 =	sadd.s32 $0x80, s21  }
0x6a: {  	[tilespmem:s3], [sflag:$0x1] =	stream.linear.gather [hbm4b:s22+s3], $0x400, $0x38;
	[tilespmem:$0x980] =	vst v63  }
0x6b: {  	p0 =	sne.s32 s21, $0x480;
	_ =	swait.ge [sflag:s9], $0x400  }
0x6c: {  	[sflag:s9] =	ssyncset.done $0x0  }
0x6d: {  	[sflag:s9] =	ssyncadd.s32 $0xFFFFFC00  }
0x6e: {  	[spmem:s2] =	stream.indirect.scatter.add.f32 [tilespmem:s11], [sflag:$0x1], $0x1, s3, s10, $0xb8;
	[tilespmem:$0x980] =	vst v63  }
0x6f: {  	_ =	swait.ge [sflag:s9], $0x80  }
0x70: {  	[sflag:s9] =	ssyncset.done $0x0  }
0x71: {  	[sflag:s9] =	ssyncadd.s32 $0xFFFFFF80  }
0x72: {  	[spmem:s2] =	stream.indirect.scatter.add.f32 [tilespmem:s11], [sflag:$0x1], $0x1, s10, s10, $0xb8;
	[tilespmem:$0x980] =	vst v63  }
0x73: {  	_ =	swait.ge [sflag:s9], $0x80  }
0x74: {  	[sflag:s9] =	ssyncset.done $0x0  }
0x75: {  	[sflag:s9] =	ssyncadd.s32 $0xFFFFFF80  }
0x76: {  	[spmem:s2] =	stream.indirect.scatter.add.f32 [tilespmem:s11], [sflag:$0x1], $0x1, s12, s10, $0xb8;
	[tilespmem:$0x980] =	vst v63  }
0x77: {  	_ =	swait.ge [sflag:s9], $0x80  }
0x78: {  	[sflag:s9] =	ssyncset.done $0x0  }
0x79: {  	[sflag:s9] =	ssyncadd.s32 $0xFFFFFF80  }
0x7a: {  	[spmem:s2] =	stream.indirect.scatter.add.f32 [tilespmem:s11], [sflag:$0x1], $0x1, s13, s10, $0xb8;
	[tilespmem:$0x980] =	vst v63  }
0x7b: {  	_ =	swait.ge [sflag:s9], $0x80  }
0x7c: {  	[sflag:s9] =	ssyncset.done $0x0  }
0x7d: {  	[sflag:s9] =	ssyncadd.s32 $0xFFFFFF80  }
0x7e: {  	[spmem:s2] =	stream.indirect.scatter.add.f32 [tilespmem:s11], [sflag:$0x1], $0x1, s14, s10, $0xb8;
	[tilespmem:$0x980] =	vst v63  }
0x7f: {  	_ =	swait.ge [sflag:s9], $0x80  }
0x80: {  	[sflag:s9] =	ssyncset.done $0x0  }
0x81: {  	[sflag:s9] =	ssyncadd.s32 $0xFFFFFF80  }
0x82: {  	[spmem:s2] =	stream.indirect.scatter.add.f32 [tilespmem:s11], [sflag:$0x1], $0x1, s15, s10, $0xb8;
	[tilespmem:$0x980] =	vst v63  }
0x83: {  	_ =	swait.ge [sflag:s9], $0x80  }
0x84: {  	[sflag:s9] =	ssyncset.done $0x0  }
0x85: {  	[sflag:s9] =	ssyncadd.s32 $0xFFFFFF80  }
0x86: {  	[spmem:s2] =	stream.indirect.scatter.add.f32 [tilespmem:s11], [sflag:$0x1], $0x1, s16, s10, $0xb8;
	[tilespmem:$0x980] =	vst v63  }
0x87: {  	_ =	swait.ge [sflag:s9], $0x80  }
.Ltmp0:
0x88: {  	[sflag:s9] =	ssyncset.done $0x0;
	(pc) =	sbr.rel @p0 .LBB2_2-.Ltmp0, $4  }
0x89: {  	[sflag:s9] =	ssyncadd.s32 $0xFFFFFF80  }
0x8a: {  	[spmem:s2] =	stream.indirect.scatter.add.f32 [tilespmem:s11], [sflag:$0x1], $0x1, s17, s10, $0xb8;
	[tilespmem:$0x980] =	vst v63  }
0x8b: {  	_ =	swait.ge [sflag:s9], $0x80  }
0x8c: {  	s21 =	smov.u32 s20;
	[sflag:s9] =	ssyncset.done $0x0  }
0x8d: {  	s19 =	sadd.s32 s19, s7;
	[sflag:s9] =	ssyncadd.s32 $0xFFFFFF80  }
0x8e: {  	[tilespmem:s3], [sflag:$0x1] =	stream.linear.gather [hbm4b:s19+s3], $0x400, $0x38;
	[tilespmem:$0x980] =	vst v63  }
0x8f: {  	_ =	swait.ge [sflag:s9], $0x400  }
0x90: {  	[sflag:s9] =	ssyncset.done $0x0  }
0x91: {  	[sflag:s9] =	ssyncadd.s32 $0xFFFFFC00  }
0x92: {  	[spmem:s2] =	stream.indirect.scatter.add.f32 [tilespmem:s11], [sflag:$0x1], $0x1, s3, s10, $0xb8;
	[tilespmem:$0x980] =	vst v63  }
0x93: {  	_ =	swait.ge [sflag:s9], $0x80  }
0x94: {  	[sflag:s9] =	ssyncset.done $0x0  }
0x95: {  	[sflag:s9] =	ssyncadd.s32 $0xFFFFFF80  }
0x96: {  	[spmem:s2] =	stream.indirect.scatter.add.f32 [tilespmem:s11], [sflag:$0x1], $0x1, s10, s10, $0xb8;
	[tilespmem:$0x980] =	vst v63  }
0x97: {  	_ =	swait.ge [sflag:s9], $0x80  }
0x98: {  	[sflag:s9] =	ssyncset.done $0x0  }
0x99: {  	[sflag:s9] =	ssyncadd.s32 $0xFFFFFF80  }
0x9a: {  	[spmem:s2] =	stream.indirect.scatter.add.f32 [tilespmem:s11], [sflag:$0x1], $0x1, s12, s10, $0xb8;
	[tilespmem:$0x980] =	vst v63  }
0x9b: {  	_ =	swait.ge [sflag:s9], $0x80  }
0x9c: {  	[sflag:s9] =	ssyncset.done $0x0  }
0x9d: {  	[sflag:s9] =	ssyncadd.s32 $0xFFFFFF80  }
0x9e: {  	[spmem:s2] =	stream.indirect.scatter.add.f32 [tilespmem:s11], [sflag:$0x1], $0x1, s13, s10, $0xb8;
	[tilespmem:$0x980] =	vst v63  }
0x9f: {  	_ =	swait.ge [sflag:s9], $0x80  }
0xa0: {  	[sflag:s9] =	ssyncset.done $0x0  }
0xa1: {  	[sflag:s9] =	ssyncadd.s32 $0xFFFFFF80  }
0xa2: {  	[spmem:s2] =	stream.indirect.scatter.add.f32 [tilespmem:s11], [sflag:$0x1], $0x1, s14, s10, $0xb8;
	[tilespmem:$0x980] =	vst v63  }
0xa3: {  	_ =	swait.ge [sflag:s9], $0x80  }
0xa4: {  	[sflag:s9] =	ssyncset.done $0x0  }
0xa5: {  	[sflag:s9] =	ssyncadd.s32 $0xFFFFFF80  }
0xa6: {  	[spmem:s2] =	stream.indirect.scatter.add.f32 [tilespmem:s11], [sflag:$0x1], $0x1, s15, s10, $0xb8;
	[tilespmem:$0x980] =	vst v63  }
0xa7: {  	_ =	swait.ge [sflag:s9], $0x80  }
0xa8: {  	[sflag:s9] =	ssyncset.done $0x0  }
0xa9: {  	[sflag:s9] =	ssyncadd.s32 $0xFFFFFF80  }
0xaa: {  	[spmem:s2] =	stream.indirect.scatter.add.f32 [tilespmem:s11], [sflag:$0x1], $0x1, s16, s10, $0xb8;
	[tilespmem:$0x980] =	vst v63  }
0xab: {  	_ =	swait.ge [sflag:s9], $0x80  }
0xac: {  	[sflag:s9] =	ssyncset.done $0x0  }
0xad: {  	[sflag:s9] =	ssyncadd.s32 $0xFFFFFF80  }
0xae: {  	[spmem:s2] =	stream.indirect.scatter.add.f32 [tilespmem:s11], [sflag:$0x1], $0x1, s17, s10, $0xb8;
	[tilespmem:$0x980] =	vst v63  }
0xaf: {  	_ =	swait.ge [sflag:s9], $0x80  }
0xb0: {  	[sflag:s9] =	ssyncset.done $0x0  }
0xb1: {  	[sflag:s9] =	ssyncadd.s32 $0xFFFFFF80  }
0xb2: {  	[bflag:$0x0] =	sbarrier.arrive $0xFFFF  }
0xb3: {  	[tilespmem:s8], [sflag:$0x1] =	stream.linear.gather [spmem:s4], $0x280, $0x38;
	[tilespmem:$0x980] =	vst v63  }
0xb4: {  	s18 =	sadd.s32 $0x1, s18;
	_ =	swait.ge [sflag:s9], $0x280  }
0xb5: {  	p0 =	sne.s32 s18, s6;
	[sflag:s9] =	ssyncset.done $0x0  }
.Ltmp1:
0xb6: {  	[sflag:s9] =	ssyncadd.s32 $0xFFFFFD80;
	(pc) =	sbr.rel @p0 .LBB2_1-.Ltmp1, $4  }
0xb7: {  	[hbm4b:s5+s10] =	stream.strided.scatter [tilespmem:s8], [sflag:$0x1], $0x280, s12, s10, $0x38;
	[tilespmem:$0x980] =	vst v63  }
0xb8: {  	_ =	swait.ge [sflag:s9], $0x280  }
0xb9: {  	[sflag:s9] =	ssyncset.done $0x0  }
0xba: {  	[sflag:s9] =	ssyncadd.s32 $0xFFFFFD80  }
0xbb: {  	_ =	sfence.sel $0x180000  }
0xbc: {  	[bflag:$0x0] =	sbarrier.arrive $0xFFFF  }
0xbd: {  	p0 =	sne.s32 s1, $0x0;
	_ =	strace $0x90000047  }
0xbe: {  	s0 =	sadd.s32 @!p0 $0x100000, s0;
	[bflag:$0x2] =	sbarrier.arrive $0xFFFF  }
0xbf: {  	[sflag:s0] =	ssyncadd.tile.s32 @!p0 $0x1;
	_ =	shalt  }
.Lfunc_end2:
_tile_overlayer_lowered:
.L_overlay_start_2:
0xc0: {  	(tag) =	ssettag $0x2  }
0xc1: {  	s0 =	rddreg [dreg:$0x0];
	s2 =	stileid.u32  }
0xc2: {  	s1 =	rddreg [dreg:$0x1];
	p0 =	sne.s32 s2, $0x0  }
0xc3: {  	s3 =	rddreg [dreg:$0x2];
	[bflag:$0x3] =	sbarrier.arrive $0xFFFF;
	s2 =	simm.s32 @!p0 $0x1C01  }
0xc4: {  	[timem:s3], [sflag:s2] =	dma.local @!p0 [hbm:s0], s1  }
0xc5: {  	s0 =	simm.s32 @!p0 $0x1  }
0xc6: {  	_ =	swait.ge @!p0 [sflag:s0], s1  }
0xc7: {  	s1 =	ssub.s32 @!p0 $0x0, s1;
	[sflag:s0] =	ssyncset.done @!p0 $0x0  }
0xc8: {  	[sflag:s0] =	ssyncadd.s32 @!p0 s1  }
0xc9: {  	[bflag:$0x3] =	sbarrier.arrive $0xFFFF  }
0xca: {  	_ =	shalt  }

// kernel: kernel.16.cloned.1.call-start
scs
__scs_entry_jumppad:
0x0: {  	(pc) =	sbr.rel $0x88, $3  }
0x1: {  	(tag) =	ssettag $0x0;
	lr =	simm.s32 $0x1  }
0x2: {  	[smem:$0x3F90] =	sst lr;
	_ =	strace $0xD0000000  }
0x3: {  	_ = 	snop  }
0x4: {  	_ = 	snop  }
0x5: {  	_ = 	snop  }
0x6: {  	_ = 	snop  }
0x7: {  	_ = 	snop  }
__scs_overlays_trampoline_lowered:
0x8: {  	[smem:$0x3F9F] =	sst s0  }
0x9: {  	[smem:$0x3FA0] =	sst s1  }
0xa: {  	[smem:$0x3FA1] =	sst s2  }
0xb: {  	[smem:$0x3FA2] =	sst s3  }
0xc: {  	[smem:$0x3FA3] =	sst s4  }
0xd: {  	[smem:$0x3FA4] =	sst s5  }
0xe: {  	[smem:$0x3FA5] =	sst s6  }
0xf: {  	[smem:$0x3FA6] =	sst s7  }
0x10: {  	[smem:$0x3FA7] =	sst s8  }
0x11: {  	[smem:$0x3FA8] =	sst s9;
	s0 =	simm.s32 @!p0 $0x0  }
0x12: {  	s1 =	sld [smem:$0x3F8E];
	s0 =	simm.s32 @p0 $0x1  }
0x13: {  	[smem:$0x3FA9] =	sst s0;
	s0 =	simm.s32 @!p1 $0x0  }
0x14: {  	s2 =	sld [smem:$0x3F8D];
	s0 =	simm.s32 @p1 $0x1  }
0x15: {  	[smem:$0x3FAA] =	sst s0;
	s0 =	simm.s32 @!p2 $0x0  }
0x16: {  	s3 =	sld [smem:$0x3FDB];
	s0 =	simm.s32 @p2 $0x1  }
0x17: {  	s4 =	simm.s32 $0x1BF5;
	[smem:$0x3FAC] =	sst s0  }
0x18: {  	s0 =	sld [smem:$0x3F8F];
	_ =	swait.ge [sflag:s4], $0x0  }
0x19: {  	s7 =	sld [smem:$0x3F90]  }
0x1a: {  	s8 =	sadd.s32 $0xFFFFE003, lr  }
0x1b: {  	s9 =	sadd.s32 $0xFFFFFEF7, lr;
	s5 =	simm.s32 $0xFFFFFFFF;
	p2 =	slt.u32 s8, $0xFFFFF086  }
0x1c: {  	p1 =	slt.u32 s9, $0xF7A;
	s5 =	simm.s32 @!p2 $0x0  }
0x1d: {  	s5 =	simm.s32 @p1 $0x1;
	p0 =	seq.s32 s7, s2  }
0x1e: {  	s7 =	smul.u32 @!p0 $0xF7A, s2;
	p2 =	seq.s32 @!p0 s5, $0x0  }
0x1f: {  	s9 =	smul.u32 $0xF7A, s1;
	s8 =	simm.s32 @!p0 $0x1BF5;
	p2 =	por !p2, p0  }
0x20: {  	[sflag:s8] =	ssyncset.s32 @!p0 $0xFFFFF086;
	s6 =	sadd.s32 @!p0 s3, s7;
	s7 =	simm.s32 @!p0 $0x108  }
0x21: {  	s3 =	sadd.s32 s3, s9;
	s6 =	sadd.s32 @!p0 $0x88, s6;
	s7 =	simm.s32 @p2 $0x1082  }
0x22: {  	[simem:s7], [sflag:s8] =	dma.local @!p0 [hbm:s6], $0xF7A  }
0x23: {  	s9 =	sor.u32 $0xD0000000, s2;
	s6 =	simm.s32 $0x108;
	_ =	swait.ge @!p0 [sflag:s8], $0x0  }
0x24: {  	s3 =	sadd.s32 $0x88, s3;
	s6 =	simm.s32 @!p1 $0x1082;
	[sflag:s4] =	ssyncset.s32 $0xFFFFF086  }
0x25: {  	[simem:s6], [sflag:s4] =	dma.local [hbm:s3], $0xF7A  }
0x26: {  	[smem:$0x3F90] =	sst s1;
	(tag) =	ssettag s2;
	_ =	strace s9  }
0x27: {  	s1 =	sld [smem:$0x3FA0]  }
0x28: {  	s2 =	sld [smem:$0x3FA1]  }
0x29: {  	s4 =	sld [smem:$0x3FA3]  }
0x2a: {  	p0 =	seq.s32 s5, $0x0;
	s5 =	sld [smem:$0x3FA4]  }
0x2b: {  	s6 =	sld [smem:$0x3FA5]  }
0x2c: {  	s7 =	sld [smem:$0x3FA6]  }
0x2d: {  	s3 =	simm.s32 $0x108;
	s8 =	sld [smem:$0x3FA7]  }
0x2e: {  	s3 =	simm.s32 @!p0 $0x1082;
	s9 =	sld [smem:$0x3FA8]  }
0x2f: {  	lr =	sadd.s32 s0, s3;
	s0 =	sld [smem:$0x3F9F]  }
0x30: {  	s3 =	sld [smem:$0x3FA2]  }
0x31: {  	[smem:$0x3FAB] =	sst s10  }
0x32: {  	s10 =	sld [smem:$0x3FA9];
	_ =	sdelay $0x3  }
0x33: {  	p0 =	seq.s32 s10, $0x1;
	s10 =	sld [smem:$0x3FAB];
	_ =	sdelay $0x3  }
0x34: {  	[smem:$0x3FAB] =	sst s10  }
0x35: {  	s10 =	sld [smem:$0x3FAA];
	_ =	sdelay $0x3  }
0x36: {  	p1 =	seq.s32 s10, $0x1;
	s10 =	sld [smem:$0x3FAB];
	_ =	sdelay $0x3  }
0x37: {  	[smem:$0x3FAB] =	sst s10  }
0x38: {  	s10 =	sld [smem:$0x3FAC]  }
0x39: {  	_ = 	snop;
	(pc) =	sbr.ind lr, $3  }
0x3a: {  	_ = 	snop  }
0x3b: {  	_ = 	snop  }
0x3c: {  	p2 =	seq.s32 s10, $0x1;
	s10 =	sld [smem:$0x3FAB]  }
0x3d: {  	_ =	shalt  }
0x3e: {  	_ =	shalt  }
0x3f: {  	_ =	shalt  }
0x40: {  	_ =	shalt  }
0x41: {  	_ =	shalt  }
0x42: {  	_ =	shalt  }
0x43: {  	_ =	shalt  }
0x44: {  	_ =	shalt  }
0x45: {  	_ =	shalt  }
0x46: {  	_ =	shalt  }
0x47: {  	_ =	shalt  }
0x48: {  	_ =	shalt  }
0x49: {  	_ =	shalt  }
0x4a: {  	_ =	shalt  }
0x4b: {  	_ =	shalt  }
0x4c: {  	_ =	shalt  }
0x4d: {  	_ =	shalt  }
0x4e: {  	_ =	shalt  }
0x4f: {  	_ =	shalt  }
0x50: {  	_ =	shalt  }
0x51: {  	_ =	shalt  }
0x52: {  	_ =	shalt  }
0x53: {  	_ =	shalt  }
0x54: {  	_ =	shalt  }
0x55: {  	_ =	shalt  }
0x56: {  	_ =	shalt  }
0x57: {  	_ =	shalt  }
0x58: {  	_ =	shalt  }
0x59: {  	_ =	shalt  }
0x5a: {  	_ =	shalt  }
0x5b: {  	_ =	shalt  }
0x5c: {  	_ =	shalt  }
0x5d: {  	_ =	shalt  }
0x5e: {  	_ =	shalt  }
0x5f: {  	_ =	shalt  }
0x60: {  	_ =	shalt  }
0x61: {  	_ =	shalt  }
0x62: {  	_ =	shalt  }
0x63: {  	_ =	shalt  }
0x64: {  	_ =	shalt  }
0x65: {  	_ =	shalt  }
0x66: {  	_ =	shalt  }
0x67: {  	_ =	shalt  }
0x68: {  	_ =	shalt  }
0x69: {  	_ =	shalt  }
0x6a: {  	_ =	shalt  }
0x6b: {  	_ =	shalt  }
0x6c: {  	_ =	shalt  }
0x6d: {  	_ =	shalt  }
0x6e: {  	_ =	shalt  }
0x6f: {  	_ =	shalt  }
0x70: {  	_ =	shalt  }
0x71: {  	_ =	shalt  }
0x72: {  	_ =	shalt  }
0x73: {  	_ =	shalt  }
0x74: {  	_ =	shalt  }
0x75: {  	_ =	shalt  }
0x76: {  	_ =	shalt  }
0x77: {  	_ =	shalt  }
0x78: {  	_ =	shalt  }
0x79: {  	_ =	shalt  }
0x7a: {  	_ =	shalt  }
0x7b: {  	_ =	shalt  }
0x7c: {  	_ =	shalt  }
0x7d: {  	_ =	shalt  }
0x7e: {  	_ =	shalt  }
0x7f: {  	_ =	shalt  }
0x80: {  	_ =	shalt  }
0x81: {  	_ =	shalt  }
0x82: {  	_ =	shalt  }
0x83: {  	_ =	shalt  }
0x84: {  	_ =	shalt  }
0x85: {  	_ =	shalt  }
0x86: {  	_ =	shalt  }
0x87: {  	_ =	shalt  }
.Lfunc_end0:
.L_simem_size_0:
called_computation.2_lowered:
.L_overlay_start_0:
0x88: {  	s2 =	sld [smem:$0x3FD9]  }
0x89: {  	s3 =	sld [smem:$0x3FFE];
	_ =	sdelay $0x1  }
0x8a: {  	s1 =	srdreg.scid  }
0x8b: {  	s0 =	sand.u32 $0x1, s1  }
0x8c: {  	s16 =	sshll.u32 s0, $0xA;
	s2 =	sadd.s32 s3, s2  }
0x8d: {  	s2 =	sadd.s32 s2, s16  }
0x8e: {  	[smem:$0x3FB7] =	sst s2  }
0x8f: {  	_ = 	snop  }
0x90: {  	(tm) =	ssettm $0x1  }
0x91: {  	s17 =	sld [smem:$0x3FFB];
	_ =	sdelay $0x3  }
0x92: {  	_ =	strace s17  }
0x93: {  	s2 =	sld [smem:$0x3FFC];
	_ =	sdelay $0x3  }
0x94: {  	_ =	strace s2  }
0x95: {  	s2 =	sld [smem:$0x3FFD];
	_ =	sdelay $0x3  }
0x96: {  	_ =	strace s2  }
0x97: {  	_ =	strace $0x8FFFFFFF  }
0x98: {  	s18 =	sld [smem:$0x3FDB];
	_ =	sdelay $0x1  }
0x99: {  	s19 =	simm.s32 $_scs_section_size  }
0x9a: {  	s4 =	simm.s32 $_size__tile_overlayer_lowered;
	s5 =	simm.s32 $_tile_overlayer_lowered  }
0x9b: {  	s22 =	simm.s32 $0x1BFF;
	s21 =	sshll.u32 s5, $0x1;
	s2 =	sadd.s32 s19, s18  }
0x9c: {  	s6 =	simm.s32 $0x0;
	s20 =	sshll.u32 s4, $0x1;
	s4 =	sadd.s32 s21, s2  }
0x9d: {  	[timem:s6], [sflag:s22] =	dma.local [hbm:s4], s20  }
0x9e: {  	_ =	swait.ge [sflag:s22], s20  }
0x9f: {  	s3 =	ssub.s32 $0x0, s20;
	[sflag:s22] =	ssyncset.done $0x0  }
0xa0: {  	[sflag:s22] =	ssyncadd.s32 s3;
	_ =	sdelay $0x1  }
0xa1: {  	s23 =	simm.s32 $0x1B8B  }
0xa2: {  	_ =	swait.ge [sflag:s23], $0x1  }
0xa3: {  	[sflag:s23] =	ssyncset.done $0x0  }
0xa4: {  	s25 =	simm.s32 $0x1B8E;
	s24 =	sld [smem:$0x3FFE];
	[sflag:s23] =	ssyncadd.s32 $0xFFFFFFFF  }
0xa5: {  	s26 =	simm.s32 $execute0_lowered;
	[smem:$0x3FD2] =	sst s25  }
0xa6: {  	s4 =	sshll.u32 s26, $0x1;
	_ =	strace $0x8000004C;
	[dreg:$0x1] =	wrdreg $0xFFFFFFFF  }
0xa7: {  	s28 =	simm.s32 $_size_execute0_lowered;
	s2 =	sadd.s32 s2, s4;
	[dreg:$0x0] =	wrdreg $0x0  }
0xa8: {  	s4 =	sshll.u32 s28, $0x1;
	[dreg:$0x2] =	wrdreg s2  }
0xa9: {  	[dreg:$0x3] =	wrdreg s4  }
0xaa: {  	[dreg:$0x4] =	wrdreg $0xC0  }
0xab: {  	_ =	task [dreg:s6], $0x5FFFF  }
0xac: {  	[dreg:$0x1] =	wrdreg $0xFFFFFFFF  }
0xad: {  	[dreg:$0x0] =	wrdreg $0x60  }
0xae: {  	[dreg:$0x2] =	wrdreg s24  }
0xaf: {  	[dreg:$0x3] =	wrdreg $0x88000  }
0xb0: {  	[dreg:$0x4] =	wrdreg $0x9  }
0xb1: {  	_ =	task.clear_ibuf [dreg:s6], $0x5FFFF;
	_ =	strace $0x9000004C  }
0xb2: {  	s29 =	simm.s32 $0x9;
	_ =	strace $0x8000004E  }
0xb3: {  	_ =	swait.ge [sflag:s29], $0x1  }
0xb4: {  	[sflag:s29] =	ssyncadd.s32 $0xFFFFFFFF  }
0xb5: {  	_ =	strace $0x9000004E  }
0xb6: {  	_ =	sfence  }
0xb7: {  	s30 =	sld [smem:$0x0];
	_ =	sdelay $0x2  }
0xb8: {  	s31 =	sshll.u32 s1, $0xD;
	s1 =	sshrl.u32 s1, $0x2  }
0xb9: {  	s3 =	sand.u32 $0x4000, s31;
	s1 =	sadd.s32 s1, s30  }
0xba: {  	s0 =	sor.u32 s3, s0;
	s1 =	sshll.u32 s1, $0x11  }
0xbb: {  	s0 =	sor.u32 s1, s0  }
0xbc: {  	s0 =	sadd.s32 $0x8F2B, s0  }
0xbd: {  	[sflag:s0] =	ssyncadd.remote.s32 $0x1  }
0xbe: {  	_ =	sfence.sel $0xFFFF  }
0xbf: {  	[dreg:$0x0] =	wrdreg $0xFFFFFFFF;
	(pc) =	sbr.abs _section_cstart, $3  }
0xc0: {  	[dreg:$0x1] =	wrdreg $0xFFFFFFFF  }
0xc1: {  	_ =	task.clear_ibuf [dreg:s6], $0x2FFFF;
	_ =	strace $0x9FFFFFFF  }
0xc2: {  	(tm) =	ssettm $0x7FFFFFFF  }
0xc3: {  	_ =	shalt  }
tec
execute0_lowered:
.L_overlay_start_1:
0x0: {  	(tag) =	ssettag $0x1  }
0x1: {  	s0 =	rddreg [dreg:$0x0]  }
0x2: {  	s2 =	rddreg [dreg:$0x1];
	s3 =	simm.s32 $0x0;
	s10 =	stileid.u32  }
0x3: {  	s1 =	srdreg.scid;
	s28 =	simm.s32 $0x1;
	s29 =	simm.s32 $0x100  }
0x4: {  	s30 =	simm.s32 $0x2;
	s31 =	simm.s32 $0x480;
	s5 =	smul.u32 $0xA00, s10  }
0x5: {  	[smem:$0x7FF] =	sst s3;
	s1 =	sand.u32 $0x1, s1;
	s7 =	smul.u32 $0x50000, s10  }
0x6: {  	s4 =	sadd.s32 $0x1AC00, s0;
	s13 =	smul.u32 $0x14000, s10;
	_ =	strace $0x8000004D  }
0x7: {  	s6 =	ssub.s32 $0x2, s1;
	s9 =	smul.u32 $0x140000, s1;
	p0 =	sne.s32 s1, $0x0  }
0x8: {  	s1 =	simm.s32 $0x500;
	s8 =	sadd.s32 s5, s0;
	s11 =	sshrl.u32 s6, $0x1  }
0x9: {  	s12 =	sshrl.u32 s7, $0x2;
	s0 =	sadd.s32 $0x6AC00, s0;
	s17 =	sadd.s32 $0x4000, s13  }
0xa: {  	s21 =	sadd.s32 $0x8000, s13;
	s24 =	sadd.s32 $0xC000, s13;
	s7 =	sadd.s32 $0x10000, s13  }
0xb: {  	s6 =	ssub.s32 s6, s11;
	s5 =	sadd.s32 s12, s2;
	s15 =	sadd.s32 s9, s13  }
0xc: {  	s20 =	sadd.s32 s9, s17;
	s10 =	sadd.s32 s17, s2;
	s22 =	sadd.s32 s21, s2  }
0xd: {  	s23 =	sadd.s32 s9, s21;
	s25 =	sadd.s32 s9, s24;
	s9 =	sadd.s32 s9, s7  }
0xe: {  	s26 =	sadd.s32 s7, s2;
	s21 =	sadd.s32 $0x6C00, s8;
	[dreg:$0xa] =	wrdreg s10  }
0xf: {  	s7 =	simm.s32 $0x580;
	s12 =	simm.s32 $0x380;
	[dreg:$0xc] =	wrdreg s22  }
0x10: {  	s13 =	simm.s32 $0x700;
	s18 =	smax.u32 s6, $0x1;
	[dreg:$0x10] =	wrdreg s26  }
0x11: {  	s19 =	sadd.s32 $0x4000, s5;
	s14 =	sadd.s32 $0x8000, s5;
	[dreg:$0x3] =	wrdreg s5  }
0x12: {  	s16 =	sadd.s32 $0xC000, s5;
	s6 =	sshrl.u32 s15, $0x3;
	[dreg:$0x6] =	wrdreg s14  }
0x13: {  	s11 =	sadd.s32 $0x10000, s5;
	s10 =	sadd.s32 s24, s2;
	[dreg:$0x7] =	wrdreg s16  }
0x14: {  	s9 =	sshrl.u32 s9, $0x3;
	s22 =	simm.s32 $0x800;
	[dreg:$0x8] =	wrdreg s11  }
0x15: {  	s24 =	simm.s32 $0x400;
	s26 =	simm.s32 $0x4800;
	[dreg:$0xe] =	wrdreg s10  }
0x16: {  	s15 =	simm.s32 $0x0;
	s6 =	sadd.s32 s0, s6;
	[dreg:$0x4] =	wrdreg s18  }
0x17: {  	s10 =	simm.s32 $0x300;
	[dreg:$0x9] =	wrdreg s6;
	s6 =	sshrl.u32 s20, $0x3  }
0x18: {  	s11 =	simm.s32 $0x680;
	[dreg:$0x5] =	wrdreg s19;
	s6 =	sadd.s32 s0, s6  }
0x19: {  	s14 =	simm.s32 $0x780;
	[dreg:$0xb] =	wrdreg s6;
	s6 =	sshrl.u32 s23, $0x3  }
.Ltmp0:
0x1a: {  	s20 =	sadd.s32 $0x10C00, s8;
	s6 =	sadd.s32 s0, s6;
	(pc) =	sbr.rel .LBB2_1-.Ltmp0, $4  }
0x1b: {  	s8 =	simm.s32 $0x280;
	[dreg:$0xd] =	wrdreg s6;
	s6 =	sshrl.u32 s25, $0x3  }
0x1c: {  	s23 =	simm.s32 $0x3;
	s25 =	simm.s32 $0x80;
	s6 =	sadd.s32 s0, s6  }
0x1d: {  	s0 =	sadd.s32 s0, s9;
	s9 =	simm.s32 $0x600;
	[dreg:$0xf] =	wrdreg s6  }
0x1e: {  	v0 =	vimm.f32 $0.0e+00;
	[dreg:$0x11] =	wrdreg s0;
	s0 =	simm.s32 $0x180;
	s6 =	simm.s32 $0x200  }
.LBB2_6:
0x1f: {  	s5 =	sadd.s32 s16, s21;
	[sflag:s23] =	ssyncadd.s32 $0xFFFFC000  }
0x20: {  	[tilespmem:s3], [sflag:$0x3] =	stream.linear.gather [hbm4b:s5+s3], $0x400, $0x38;
	[tilespmem:$0x1C800] =	vst v63  }
0x21: {  	_ =	swait.ge [sflag:s23], $0x400  }
0x22: {  	[sflag:s23] =	ssyncset.done $0x0  }
0x23: {  	s19 =	sadd.s32 s16, s20;
	[sflag:s23] =	ssyncadd.s32 $0xFFFFFC00  }
0x24: {  	[tilespmem:s24], [sflag:$0x3] =	stream.linear.gather [hbm4b:s19+s3], $0x400, $0x38;
	[tilespmem:$0x1C800] =	vst v63  }
0x25: {  	_ =	swait.ge [sflag:s23], $0x400  }
0x26: {  	[sflag:s23] =	ssyncset.done $0x0  }
0x27: {  	[sflag:s23] =	ssyncadd.s32 $0xFFFFFC00  }
0x28: {  	[tilespmem:s22], [sflag:$0x1] =	stream.indirect.gather [hbm4b:s4+s25], $0x80, s3, s25, $0xb8;
	[tilespmem:$0x1C800] =	vst v63  }
0x29: {  	_ = 	snop  }
0x2a: {  	[tilespmem:s26], [sflag:$0x2] =	stream.indirect.gather [hbm4b:s4+s25], $0x80, s25, s25, $0xb8;
	[tilespmem:$0x1C800] =	vst v63  }
0x2b: {  	_ =	swait.ge [sflag:s28], $0x4000  }
0x2c: {  	[sflag:s28] =	ssyncset.done $0x0  }
0x2d: {  	[sflag:s28] =	ssyncadd.s32 $0xFFFFC000  }
0x2e: {  	[spmem:s2] =	stream.indirect.scatter.add.f32 [tilespmem:s22], [sflag:$0x3], $0x80, s24, s25, $0xb8;
	[tilespmem:$0x1C800] =	vst v63  }
0x2f: {  	_ =	swait.ge [sflag:s23], $0x4000  }
0x30: {  	[sflag:s23] =	ssyncset.done $0x0  }
0x31: {  	[sflag:s23] =	ssyncadd.s32 $0xFFFFC000  }
0x32: {  	[tilespmem:s22], [sflag:$0x1] =	stream.indirect.gather [hbm4b:s4+s25], $0x80, s29, s25, $0xb8;
	[tilespmem:$0x1C800] =	vst v63  }
0x33: {  	_ =	swait.ge [sflag:s30], $0x4000  }
0x34: {  	[sflag:s30] =	ssyncset.done $0x0  }
0x35: {  	[sflag:s30] =	ssyncadd.s32 $0xFFFFC000  }
0x36: {  	[spmem:s2] =	stream.indirect.scatter.add.f32 [tilespmem:s26], [sflag:$0x3], $0x80, s31, s25, $0xb8;
	[tilespmem:$0x1C800] =	vst v63  }
0x37: {  	_ =	swait.ge [sflag:s23], $0x4000  }
0x38: {  	[sflag:s23] =	ssyncset.done $0x0  }
0x39: {  	[sflag:s23] =	ssyncadd.s32 $0xFFFFC000  }
0x3a: {  	[tilespmem:s26], [sflag:$0x2] =	stream.indirect.gather [hbm4b:s4+s25], $0x80, s0, s25, $0xb8;
	[tilespmem:$0x1C800] =	vst v63  }
0x3b: {  	_ =	swait.ge [sflag:s28], $0x4000  }
0x3c: {  	[sflag:s28] =	ssyncset.done $0x0  }
0x3d: {  	[sflag:s28] =	ssyncadd.s32 $0xFFFFC000  }
0x3e: {  	[spmem:s2] =	stream.indirect.scatter.add.f32 [tilespmem:s22], [sflag:$0x3], $0x80, s1, s25, $0xb8;
	[tilespmem:$0x1C800] =	vst v63  }
0x3f: {  	_ =	swait.ge [sflag:s23], $0x4000  }
0x40: {  	[sflag:s23] =	ssyncset.done $0x0  }
0x41: {  	[sflag:s23] =	ssyncadd.s32 $0xFFFFC000  }
0x42: {  	[tilespmem:s22], [sflag:$0x1] =	stream.indirect.gather [hbm4b:s4+s25], $0x80, s6, s25, $0xb8;
	[tilespmem:$0x1C800] =	vst v63  }
0x43: {  	_ =	swait.ge [sflag:s30], $0x4000  }
0x44: {  	[sflag:s30] =	ssyncset.done $0x0  }
0x45: {  	[sflag:s30] =	ssyncadd.s32 $0xFFFFC000  }
0x46: {  	[spmem:s2] =	stream.indirect.scatter.add.f32 [tilespmem:s26], [sflag:$0x3], $0x80, s7, s25, $0xb8;
	[tilespmem:$0x1C800] =	vst v63  }
0x47: {  	_ =	swait.ge [sflag:s23], $0x4000  }
0x48: {  	[sflag:s23] =	ssyncset.done $0x0  }
0x49: {  	[sflag:s23] =	ssyncadd.s32 $0xFFFFC000  }
0x4a: {  	[tilespmem:s26], [sflag:$0x2] =	stream.indirect.gather [hbm4b:s4+s25], $0x80, s8, s25, $0xb8;
	[tilespmem:$0x1C800] =	vst v63  }
0x4b: {  	_ =	swait.ge [sflag:s28], $0x4000  }
0x4c: {  	[sflag:s28] =	ssyncset.done $0x0  }
0x4d: {  	[sflag:s28] =	ssyncadd.s32 $0xFFFFC000  }
0x4e: {  	[spmem:s2] =	stream.indirect.scatter.add.f32 [tilespmem:s22], [sflag:$0x3], $0x80, s9, s25, $0xb8;
	[tilespmem:$0x1C800] =	vst v63  }
0x4f: {  	_ =	swait.ge [sflag:s23], $0x4000  }
0x50: {  	[sflag:s23] =	ssyncset.done $0x0  }
0x51: {  	[sflag:s23] =	ssyncadd.s32 $0xFFFFC000  }
0x52: {  	[tilespmem:s22], [sflag:$0x1] =	stream.indirect.gather [hbm4b:s4+s25], $0x80, s10, s25, $0xb8;
	[tilespmem:$0x1C800] =	vst v63  }
0x53: {  	_ =	swait.ge [sflag:s30], $0x4000  }
0x54: {  	[sflag:s30] =	ssyncset.done $0x0  }
0x55: {  	[sflag:s30] =	ssyncadd.s32 $0xFFFFC000  }
0x56: {  	[spmem:s2] =	stream.indirect.scatter.add.f32 [tilespmem:s26], [sflag:$0x3], $0x80, s11, s25, $0xb8;
	[tilespmem:$0x1C800] =	vst v63  }
0x57: {  	_ =	swait.ge [sflag:s23], $0x4000  }
0x58: {  	[sflag:s23] =	ssyncset.done $0x0  }
0x59: {  	[sflag:s23] =	ssyncadd.s32 $0xFFFFC000  }
0x5a: {  	[tilespmem:s26], [sflag:$0x2] =	stream.indirect.gather [hbm4b:s4+s25], $0x80, s12, s25, $0xb8;
	[tilespmem:$0x1C800] =	vst v63  }
0x5b: {  	_ =	swait.ge [sflag:s28], $0x4000  }
0x5c: {  	[sflag:s28] =	ssyncset.done $0x0  }
0x5d: {  	[sflag:s28] =	ssyncadd.s32 $0xFFFFC000  }
0x5e: {  	[spmem:s2] =	stream.indirect.scatter.add.f32 [tilespmem:s22], [sflag:$0x3], $0x80, s13, s25, $0xb8;
	[tilespmem:$0x1C800] =	vst v63  }
0x5f: {  	_ =	swait.ge [sflag:s23], $0x4000  }
0x60: {  	[sflag:s23] =	ssyncset.done $0x0  }
0x61: {  	[sflag:s23] =	ssyncadd.s32 $0xFFFFC000  }
0x62: {  	_ =	swait.ge [sflag:s30], $0x4000  }
0x63: {  	[sflag:s30] =	ssyncset.done $0x0  }
0x64: {  	[sflag:s30] =	ssyncadd.s32 $0xFFFFC000  }
0x65: {  	[spmem:s2] =	stream.indirect.scatter.add.f32 [tilespmem:s26], [sflag:$0x3], $0x80, s14, s25, $0xb8;
	[tilespmem:$0x1C800] =	vst v63  }
0x66: {  	_ =	swait.ge [sflag:s23], $0x4000  }
0x67: {  	s5 =	rddreg [dreg:$0x3]  }
0x68: {  	[sflag:s23] =	ssyncset.done $0x0;
	s18 =	rddreg [dreg:$0x4]  }
0x69: {  	s19 =	rddreg [dreg:$0x5];
	[sflag:s23] =	ssyncadd.s32 $0xFFFFC000  }
.LBB2_7:
0x6a: {  	[bflag:$0x0] =	sbarrier.arrive $0xFFFF  }
0x6b: {  	[tilespmem:s22], [sflag:$0x3] =	stream.linear.gather [spmem:s5], $0x4000, $0x38;
	[tilespmem:$0x1C800] =	vst v63  }
0x6c: {  	_ =	swait.ge [sflag:s23], $0x4000  }
0x6d: {  	[sflag:s23] =	ssyncset.done $0x0  }
0x6e: {  	s16 =	rddreg [dreg:$0x9];
	[sflag:s23] =	ssyncadd.s32 $0xFFFFC000  }
0x6f: {  	[hbm4b:s16+s3] =	stream.linear.scatter [tilespmem:s22], [sflag:$0x3], $0x4000, $0x38;
	[tilespmem:$0x1C800] =	vst v63  }
0x70: {  	_ =	swait.ge [sflag:s23], $0x4000  }
0x71: {  	[sflag:s23] =	ssyncset.done $0x0  }
0x72: {  	s17 =	rddreg [dreg:$0xa];
	[sflag:s23] =	ssyncadd.s32 $0xFFFFC000  }
0x73: {  	[tilespmem:s22], [sflag:$0x3] =	stream.linear.gather [spmem:s17], $0x4000, $0x38;
	[tilespmem:$0x1C800] =	vst v63  }
0x74: {  	_ =	swait.ge [sflag:s23], $0x4000  }
0x75: {  	[sflag:s23] =	ssyncset.done $0x0  }
0x76: {  	s17 =	rddreg [dreg:$0xb];
	[sflag:s23] =	ssyncadd.s32 $0xFFFFC000  }
0x77: {  	[hbm4b:s17+s3] =	stream.linear.scatter [tilespmem:s22], [sflag:$0x3], $0x4000, $0x38;
	[tilespmem:$0x1C800] =	vst v63  }
0x78: {  	_ =	swait.ge [sflag:s23], $0x4000  }
0x79: {  	[sflag:s23] =	ssyncset.done $0x0  }
0x7a: {  	s17 =	rddreg [dreg:$0xc];
	[sflag:s23] =	ssyncadd.s32 $0xFFFFC000  }
0x7b: {  	[tilespmem:s22], [sflag:$0x3] =	stream.linear.gather [spmem:s17], $0x4000, $0x38;
	[tilespmem:$0x1C800] =	vst v63  }
0x7c: {  	_ =	swait.ge [sflag:s23], $0x4000  }
0x7d: {  	[sflag:s23] =	ssyncset.done $0x0  }
0x7e: {  	s17 =	rddreg [dreg:$0xd];
	[sflag:s23] =	ssyncadd.s32 $0xFFFFC000  }
0x7f: {  	[hbm4b:s17+s3] =	stream.linear.scatter [tilespmem:s22], [sflag:$0x3], $0x4000, $0x38;
	[tilespmem:$0x1C800] =	vst v63  }
0x80: {  	_ =	swait.ge [sflag:s23], $0x4000  }
0x81: {  	[sflag:s23] =	ssyncset.done $0x0  }
0x82: {  	s17 =	rddreg [dreg:$0xe];
	[sflag:s23] =	ssyncadd.s32 $0xFFFFC000  }
0x83: {  	[tilespmem:s22], [sflag:$0x3] =	stream.linear.gather [spmem:s17], $0x4000, $0x38;
	[tilespmem:$0x1C800] =	vst v63  }
0x84: {  	_ =	swait.ge [sflag:s23], $0x4000  }
0x85: {  	[sflag:s23] =	ssyncset.done $0x0  }
0x86: {  	s17 =	rddreg [dreg:$0xf];
	[sflag:s23] =	ssyncadd.s32 $0xFFFFC000  }
0x87: {  	[hbm4b:s17+s3] =	stream.linear.scatter [tilespmem:s22], [sflag:$0x3], $0x4000, $0x38;
	[tilespmem:$0x1C800] =	vst v63  }
0x88: {  	_ =	swait.ge [sflag:s23], $0x4000  }
0x89: {  	[sflag:s23] =	ssyncset.done $0x0  }
0x8a: {  	s17 =	rddreg [dreg:$0x10];
	[sflag:s23] =	ssyncadd.s32 $0xFFFFC000  }
0x8b: {  	[tilespmem:s22], [sflag:$0x3] =	stream.linear.gather [spmem:s17], $0x4000, $0x38;
	[tilespmem:$0x1C800] =	vst v63  }
0x8c: {  	s15 =	sadd.s32 $0x1, s15;
	_ =	swait.ge [sflag:s23], $0x4000  }
0x8d: {  	p1 =	sne.s32 s15, s18;
	[sflag:s23] =	ssyncset.done $0x0  }
.Ltmp1:
0x8e: {  	s17 =	rddreg [dreg:$0x11];
	[sflag:s23] =	ssyncadd.s32 $0xFFFFC000;
	(pc) =	sbr.rel @!p1 .LBB2_8-.Ltmp1, $4  }
0x8f: {  	[hbm4b:s17+s3] =	stream.linear.scatter [tilespmem:s22], [sflag:$0x3], $0x4000, $0x38;
	[tilespmem:$0x1C800] =	vst v63  }
0x90: {  	_ =	swait.ge [sflag:s23], $0x4000  }
0x91: {  	[sflag:s23] =	ssyncset.done $0x0  }
0x92: {  	[sflag:s23] =	ssyncadd.s32 $0xFFFFC000  }
.LBB2_1:
0x93: {  	s16 =	simm.s32 $0x0;
	s17 =	simm.s32 $0x200  }
.LBB2_2:
0x94: {  	p1 =	sne.s32 s17, $0xFE00;
	[tilespmem:s16+$0x870] =	vst v0  }
0x95: {  	[tilespmem:s16+$0x800] =	vst v0  }
0x96: {  	[tilespmem:s16+$0x810] =	vst v0  }
.Ltmp2:
0x97: {  	[tilespmem:s16+$0x820] =	vst v0;
	(pc) =	sbr.rel @p1 .LBB2_2-.Ltmp2, $4  }
0x98: {  	[tilespmem:s16+$0x830] =	vst v0  }
0x99: {  	[tilespmem:s16+$0x840] =	vst v0  }
0x9a: {  	[tilespmem:s16+$0x850] =	vst v0  }
0x9b: {  	[tilespmem:s16+$0x860] =	vst v0;
	s16 =	sshra.s32 s17, $0x2;
	s17 =	sadd.s32 $0x200, s17  }
0x9c: {  	[tilespmem:s16+$0x870] =	vst v0  }
0x9d: {  	[tilespmem:s16+$0x800] =	vst v0  }
0x9e: {  	[tilespmem:s16+$0x810] =	vst v0  }
0x9f: {  	[tilespmem:s16+$0x820] =	vst v0  }
0xa0: {  	[tilespmem:s16+$0x830] =	vst v0  }
0xa1: {  	[tilespmem:s16+$0x840] =	vst v0  }
0xa2: {  	[tilespmem:s16+$0x850] =	vst v0  }
0xa3: {  	[tilespmem:s16+$0x860] =	vst v0  }
0xa4: {  	[spmem:s5] =	stream.linear.scatter [tilespmem:s22], [sflag:$0x3], $0x4000, $0x38;
	[tilespmem:$0x1C800] =	vst v63  }
0xa5: {  	_ =	swait.ge [sflag:s23], $0x4000  }
0xa6: {  	[sflag:s23] =	ssyncset.done $0x0  }
0xa7: {  	[sflag:s23] =	ssyncadd.s32 $0xFFFFC000  }
0xa8: {  	[spmem:s19] =	stream.linear.scatter [tilespmem:s22], [sflag:$0x3], $0x4000, $0x38;
	[tilespmem:$0x1C800] =	vst v63  }
0xa9: {  	_ =	swait.ge [sflag:s23], $0x4000  }
0xaa: {  	[sflag:s23] =	ssyncset.done $0x0  }
0xab: {  	s17 =	rddreg [dreg:$0x6];
	[sflag:s23] =	ssyncadd.s32 $0xFFFFC000  }
0xac: {  	[spmem:s17] =	stream.linear.scatter [tilespmem:s22], [sflag:$0x3], $0x4000, $0x38;
	[tilespmem:$0x1C800] =	vst v63  }
0xad: {  	_ =	swait.ge [sflag:s23], $0x4000  }
0xae: {  	[sflag:s23] =	ssyncset.done $0x0  }
0xaf: {  	s17 =	rddreg [dreg:$0x7];
	[sflag:s23] =	ssyncadd.s32 $0xFFFFC000  }
0xb0: {  	[spmem:s17] =	stream.linear.scatter [tilespmem:s22], [sflag:$0x3], $0x4000, $0x38;
	[tilespmem:$0x1C800] =	vst v63  }
0xb1: {  	_ =	swait.ge [sflag:s23], $0x4000  }
0xb2: {  	[sflag:s23] =	ssyncset.done $0x0  }
0xb3: {  	s17 =	rddreg [dreg:$0x8];
	[sflag:s23] =	ssyncadd.s32 $0xFFFFC000  }
0xb4: {  	[spmem:s17] =	stream.linear.scatter [tilespmem:s22], [sflag:$0x3], $0x4000, $0x38;
	[tilespmem:$0x1C800] =	vst v63  }
.Ltmp3:
0xb5: {  	_ =	swait.ge [sflag:s23], $0x4000;
	(pc) =	sbr.rel @p0 .LBB2_7-.Ltmp3, $3  }
0xb6: {  	[sflag:s23] =	ssyncset.done $0x0  }
0xb7: {  	[sflag:s23] =	ssyncadd.s32 $0xFFFFC000  }
0xb8: {  	[bflag:$0x0] =	sbarrier.arrive $0xFFFF;
	_ =	sdelay $0x1  }
0xb9: {  	s16 =	sadd.s32 $0x0, s21  }
0xba: {  	[tilespmem:s3], [sflag:$0x3] =	stream.linear.gather [hbm4b:s16+s3], $0x400, $0x38;
	[tilespmem:$0x1C800] =	vst v63  }
0xbb: {  	_ =	swait.ge [sflag:s23], $0x400  }
0xbc: {  	[sflag:s23] =	ssyncset.done $0x0  }
0xbd: {  	s19 =	sadd.s32 $0x0, s20;
	[sflag:s23] =	ssyncadd.s32 $0xFFFFFC00  }
0xbe: {  	[tilespmem:s24], [sflag:$0x3] =	stream.linear.gather [hbm4b:s19+s3], $0x400, $0x38;
	[tilespmem:$0x1C800] =	vst v63  }
0xbf: {  	_ =	swait.ge [sflag:s23], $0x400  }
0xc0: {  	[sflag:s23] =	ssyncset.done $0x0  }
0xc1: {  	[sflag:s23] =	ssyncadd.s32 $0xFFFFFC00  }
0xc2: {  	[tilespmem:s22], [sflag:$0x1] =	stream.indirect.gather [hbm4b:s4+s25], $0x80, s3, s25, $0xb8;
	[tilespmem:$0x1C800] =	vst v63  }
0xc3: {  	_ = 	snop  }
0xc4: {  	[tilespmem:s26], [sflag:$0x2] =	stream.indirect.gather [hbm4b:s4+s25], $0x80, s25, s25, $0xb8;
	[tilespmem:$0x1C800] =	vst v63  }
0xc5: {  	_ =	swait.ge [sflag:s28], $0x4000  }
0xc6: {  	[sflag:s28] =	ssyncset.done $0x0  }
0xc7: {  	[sflag:s28] =	ssyncadd.s32 $0xFFFFC000  }
0xc8: {  	[spmem:s2] =	stream.indirect.scatter.add.f32 [tilespmem:s22], [sflag:$0x3], $0x80, s24, s25, $0xb8;
	[tilespmem:$0x1C800] =	vst v63  }
0xc9: {  	_ =	swait.ge [sflag:s23], $0x4000  }
0xca: {  	[sflag:s23] =	ssyncset.done $0x0  }
0xcb: {  	[sflag:s23] =	ssyncadd.s32 $0xFFFFC000  }
0xcc: {  	[tilespmem:s22], [sflag:$0x1] =	stream.indirect.gather [hbm4b:s4+s25], $0x80, s29, s25, $0xb8;
	[tilespmem:$0x1C800] =	vst v63  }
0xcd: {  	_ =	swait.ge [sflag:s30], $0x4000  }
0xce: {  	[sflag:s30] =	ssyncset.done $0x0  }
0xcf: {  	[sflag:s30] =	ssyncadd.s32 $0xFFFFC000  }
0xd0: {  	[spmem:s2] =	stream.indirect.scatter.add.f32 [tilespmem:s26], [sflag:$0x3], $0x80, s31, s25, $0xb8;
	[tilespmem:$0x1C800] =	vst v63  }
0xd1: {  	_ =	swait.ge [sflag:s23], $0x4000  }
0xd2: {  	[sflag:s23] =	ssyncset.done $0x0  }
0xd3: {  	[sflag:s23] =	ssyncadd.s32 $0xFFFFC000  }
0xd4: {  	[tilespmem:s26], [sflag:$0x2] =	stream.indirect.gather [hbm4b:s4+s25], $0x80, s0, s25, $0xb8;
	[tilespmem:$0x1C800] =	vst v63  }
0xd5: {  	_ =	swait.ge [sflag:s28], $0x4000  }
0xd6: {  	[sflag:s28] =	ssyncset.done $0x0  }
0xd7: {  	[sflag:s28] =	ssyncadd.s32 $0xFFFFC000  }
0xd8: {  	[spmem:s2] =	stream.indirect.scatter.add.f32 [tilespmem:s22], [sflag:$0x3], $0x80, s1, s25, $0xb8;
	[tilespmem:$0x1C800] =	vst v63  }
0xd9: {  	_ =	swait.ge [sflag:s23], $0x4000  }
0xda: {  	[sflag:s23] =	ssyncset.done $0x0  }
0xdb: {  	[sflag:s23] =	ssyncadd.s32 $0xFFFFC000  }
0xdc: {  	[tilespmem:s22], [sflag:$0x1] =	stream.indirect.gather [hbm4b:s4+s25], $0x80, s6, s25, $0xb8;
	[tilespmem:$0x1C800] =	vst v63  }
0xdd: {  	_ =	swait.ge [sflag:s30], $0x4000  }
0xde: {  	[sflag:s30] =	ssyncset.done $0x0  }
0xdf: {  	[sflag:s30] =	ssyncadd.s32 $0xFFFFC000  }
0xe0: {  	[spmem:s2] =	stream.indirect.scatter.add.f32 [tilespmem:s26], [sflag:$0x3], $0x80, s7, s25, $0xb8;
	[tilespmem:$0x1C800] =	vst v63  }
0xe1: {  	_ =	swait.ge [sflag:s23], $0x4000  }
0xe2: {  	[sflag:s23] =	ssyncset.done $0x0  }
0xe3: {  	[sflag:s23] =	ssyncadd.s32 $0xFFFFC000  }
0xe4: {  	[tilespmem:s26], [sflag:$0x2] =	stream.indirect.gather [hbm4b:s4+s25], $0x80, s8, s25, $0xb8;
	[tilespmem:$0x1C800] =	vst v63  }
0xe5: {  	_ =	swait.ge [sflag:s28], $0x4000  }
0xe6: {  	[sflag:s28] =	ssyncset.done $0x0  }
0xe7: {  	[sflag:s28] =	ssyncadd.s32 $0xFFFFC000  }
0xe8: {  	[spmem:s2] =	stream.indirect.scatter.add.f32 [tilespmem:s22], [sflag:$0x3], $0x80, s9, s25, $0xb8;
	[tilespmem:$0x1C800] =	vst v63  }
0xe9: {  	_ =	swait.ge [sflag:s23], $0x4000  }
0xea: {  	[sflag:s23] =	ssyncset.done $0x0  }
0xeb: {  	[sflag:s23] =	ssyncadd.s32 $0xFFFFC000  }
0xec: {  	[tilespmem:s22], [sflag:$0x1] =	stream.indirect.gather [hbm4b:s4+s25], $0x80, s10, s25, $0xb8;
	[tilespmem:$0x1C800] =	vst v63  }
0xed: {  	_ =	swait.ge [sflag:s30], $0x4000  }
0xee: {  	[sflag:s30] =	ssyncset.done $0x0  }
0xef: {  	[sflag:s30] =	ssyncadd.s32 $0xFFFFC000  }
0xf0: {  	[spmem:s2] =	stream.indirect.scatter.add.f32 [tilespmem:s26], [sflag:$0x3], $0x80, s11, s25, $0xb8;
	[tilespmem:$0x1C800] =	vst v63  }
0xf1: {  	_ =	swait.ge [sflag:s23], $0x4000  }
0xf2: {  	[sflag:s23] =	ssyncset.done $0x0  }
0xf3: {  	[sflag:s23] =	ssyncadd.s32 $0xFFFFC000  }
0xf4: {  	[tilespmem:s26], [sflag:$0x2] =	stream.indirect.gather [hbm4b:s4+s25], $0x80, s12, s25, $0xb8;
	[tilespmem:$0x1C800] =	vst v63  }
0xf5: {  	_ =	swait.ge [sflag:s28], $0x4000  }
0xf6: {  	[sflag:s28] =	ssyncset.done $0x0  }
0xf7: {  	[sflag:s28] =	ssyncadd.s32 $0xFFFFC000  }
0xf8: {  	[spmem:s2] =	stream.indirect.scatter.add.f32 [tilespmem:s22], [sflag:$0x3], $0x80, s13, s25, $0xb8;
	[tilespmem:$0x1C800] =	vst v63  }
0xf9: {  	_ =	swait.ge [sflag:s23], $0x4000  }
0xfa: {  	[sflag:s23] =	ssyncset.done $0x0  }
0xfb: {  	[sflag:s23] =	ssyncadd.s32 $0xFFFFC000  }
0xfc: {  	_ =	swait.ge [sflag:s30], $0x4000  }
0xfd: {  	[sflag:s30] =	ssyncset.done $0x0  }
0xfe: {  	[sflag:s30] =	ssyncadd.s32 $0xFFFFC000  }
0xff: {  	[spmem:s2] =	stream.indirect.scatter.add.f32 [tilespmem:s26], [sflag:$0x3], $0x80, s14, s25, $0xb8;
	[tilespmem:$0x1C800] =	vst v63  }
0x100: {  	_ =	swait.ge [sflag:s23], $0x4000  }
0x101: {  	s17 =	simm.s32 $0x100;
	s16 =	simm.s32 $0x80;
	[sflag:s23] =	ssyncset.done $0x0  }
.LBB2_5:
0x102: {  	s19 =	sadd.s32 s16, s21  }
0x103: {  	[sflag:s23] =	ssyncadd.s32 $0xFFFFC000;
	s5 =	smov.u32 s17;
	s18 =	sadd.s32 $0x80, s17  }
0x104: {  	[tilespmem:s3], [sflag:$0x3] =	stream.linear.gather [hbm4b:s19+s3], $0x400, $0x38;
	[tilespmem:$0x1C800] =	vst v63  }
0x105: {  	p1 =	sne.s32 s17, $0x980;
	_ =	swait.ge [sflag:s23], $0x400  }
0x106: {  	[sflag:s23] =	ssyncset.done $0x0  }
0x107: {  	s17 =	sadd.s32 s16, s20;
	s16 =	smov.u32 s5;
	[sflag:s23] =	ssyncadd.s32 $0xFFFFFC00  }
0x108: {  	[tilespmem:s24], [sflag:$0x3] =	stream.linear.gather [hbm4b:s17+s3], $0x400, $0x38;
	[tilespmem:$0x1C800] =	vst v63  }
0x109: {  	_ =	swait.ge [sflag:s23], $0x400  }
0x10a: {  	[sflag:s23] =	ssyncset.done $0x0  }
0x10b: {  	[sflag:s23] =	ssyncadd.s32 $0xFFFFFC00  }
0x10c: {  	[tilespmem:s22], [sflag:$0x1] =	stream.indirect.gather [hbm4b:s4+s25], $0x80, s3, s25, $0xb8;
	[tilespmem:$0x1C800] =	vst v63  }
0x10d: {  	_ = 	snop  }
0x10e: {  	[tilespmem:s26], [sflag:$0x2] =	stream.indirect.gather [hbm4b:s4+s25], $0x80, s25, s25, $0xb8;
	[tilespmem:$0x1C800] =	vst v63  }
0x10f: {  	_ =	swait.ge [sflag:s28], $0x4000  }
0x110: {  	[sflag:s28] =	ssyncset.done $0x0  }
0x111: {  	[sflag:s28] =	ssyncadd.s32 $0xFFFFC000  }
0x112: {  	[spmem:s2] =	stream.indirect.scatter.add.f32 [tilespmem:s22], [sflag:$0x3], $0x80, s24, s25, $0xb8;
	[tilespmem:$0x1C800] =	vst v63  }
0x113: {  	_ =	swait.ge [sflag:s23], $0x4000  }
0x114: {  	[sflag:s23] =	ssyncset.done $0x0  }
0x115: {  	[sflag:s23] =	ssyncadd.s32 $0xFFFFC000  }
0x116: {  	[tilespmem:s22], [sflag:$0x1] =	stream.indirect.gather [hbm4b:s4+s25], $0x80, s29, s25, $0xb8;
	[tilespmem:$0x1C800] =	vst v63  }
0x117: {  	_ =	swait.ge [sflag:s30], $0x4000  }
0x118: {  	[sflag:s30] =	ssyncset.done $0x0  }
0x119: {  	[sflag:s30] =	ssyncadd.s32 $0xFFFFC000  }
0x11a: {  	[spmem:s2] =	stream.indirect.scatter.add.f32 [tilespmem:s26], [sflag:$0x3], $0x80, s31, s25, $0xb8;
	[tilespmem:$0x1C800] =	vst v63  }
0x11b: {  	_ =	swait.ge [sflag:s23], $0x4000  }
0x11c: {  	[sflag:s23] =	ssyncset.done $0x0  }
0x11d: {  	[sflag:s23] =	ssyncadd.s32 $0xFFFFC000  }
0x11e: {  	[tilespmem:s26], [sflag:$0x2] =	stream.indirect.gather [hbm4b:s4+s25], $0x80, s0, s25, $0xb8;
	[tilespmem:$0x1C800] =	vst v63  }
0x11f: {  	_ =	swait.ge [sflag:s28], $0x4000  }
0x120: {  	[sflag:s28] =	ssyncset.done $0x0  }
0x121: {  	[sflag:s28] =	ssyncadd.s32 $0xFFFFC000  }
0x122: {  	[spmem:s2] =	stream.indirect.scatter.add.f32 [tilespmem:s22], [sflag:$0x3], $0x80, s1, s25, $0xb8;
	[tilespmem:$0x1C800] =	vst v63  }
0x123: {  	_ =	swait.ge [sflag:s23], $0x4000  }
0x124: {  	[sflag:s23] =	ssyncset.done $0x0  }
0x125: {  	[sflag:s23] =	ssyncadd.s32 $0xFFFFC000  }
0x126: {  	[tilespmem:s22], [sflag:$0x1] =	stream.indirect.gather [hbm4b:s4+s25], $0x80, s6, s25, $0xb8;
	[tilespmem:$0x1C800] =	vst v63  }
0x127: {  	_ =	swait.ge [sflag:s30], $0x4000  }
0x128: {  	[sflag:s30] =	ssyncset.done $0x0  }
0x129: {  	[sflag:s30] =	ssyncadd.s32 $0xFFFFC000  }
0x12a: {  	[spmem:s2] =	stream.indirect.scatter.add.f32 [tilespmem:s26], [sflag:$0x3], $0x80, s7, s25, $0xb8;
	[tilespmem:$0x1C800] =	vst v63  }
0x12b: {  	_ =	swait.ge [sflag:s23], $0x4000  }
0x12c: {  	[sflag:s23] =	ssyncset.done $0x0  }
0x12d: {  	[sflag:s23] =	ssyncadd.s32 $0xFFFFC000  }
0x12e: {  	[tilespmem:s26], [sflag:$0x2] =	stream.indirect.gather [hbm4b:s4+s25], $0x80, s8, s25, $0xb8;
	[tilespmem:$0x1C800] =	vst v63  }
0x12f: {  	_ =	swait.ge [sflag:s28], $0x4000  }
0x130: {  	[sflag:s28] =	ssyncset.done $0x0  }
0x131: {  	[sflag:s28] =	ssyncadd.s32 $0xFFFFC000  }
0x132: {  	[spmem:s2] =	stream.indirect.scatter.add.f32 [tilespmem:s22], [sflag:$0x3], $0x80, s9, s25, $0xb8;
	[tilespmem:$0x1C800] =	vst v63  }
0x133: {  	_ =	swait.ge [sflag:s23], $0x4000  }
0x134: {  	[sflag:s23] =	ssyncset.done $0x0  }
0x135: {  	[sflag:s23] =	ssyncadd.s32 $0xFFFFC000  }
0x136: {  	[tilespmem:s22], [sflag:$0x1] =	stream.indirect.gather [hbm4b:s4+s25], $0x80, s10, s25, $0xb8;
	[tilespmem:$0x1C800] =	vst v63  }
0x137: {  	_ =	swait.ge [sflag:s30], $0x4000  }
0x138: {  	[sflag:s30] =	ssyncset.done $0x0  }
0x139: {  	[sflag:s30] =	ssyncadd.s32 $0xFFFFC000  }
0x13a: {  	[spmem:s2] =	stream.indirect.scatter.add.f32 [tilespmem:s26], [sflag:$0x3], $0x80, s11, s25, $0xb8;
	[tilespmem:$0x1C800] =	vst v63  }
0x13b: {  	_ =	swait.ge [sflag:s23], $0x4000  }
0x13c: {  	[sflag:s23] =	ssyncset.done $0x0  }
0x13d: {  	[sflag:s23] =	ssyncadd.s32 $0xFFFFC000  }
0x13e: {  	[tilespmem:s26], [sflag:$0x2] =	stream.indirect.gather [hbm4b:s4+s25], $0x80, s12, s25, $0xb8;
	[tilespmem:$0x1C800] =	vst v63  }
0x13f: {  	_ =	swait.ge [sflag:s28], $0x4000  }
0x140: {  	[sflag:s28] =	ssyncset.done $0x0  }
0x141: {  	[sflag:s28] =	ssyncadd.s32 $0xFFFFC000  }
0x142: {  	[spmem:s2] =	stream.indirect.scatter.add.f32 [tilespmem:s22], [sflag:$0x3], $0x80, s13, s25, $0xb8;
	[tilespmem:$0x1C800] =	vst v63  }
0x143: {  	_ =	swait.ge [sflag:s23], $0x4000  }
0x144: {  	[sflag:s23] =	ssyncset.done $0x0  }
0x145: {  	[sflag:s23] =	ssyncadd.s32 $0xFFFFC000  }
0x146: {  	_ =	swait.ge [sflag:s30], $0x4000  }
.Ltmp4:
0x147: {  	[sflag:s30] =	ssyncset.done $0x0;
	(pc) =	sbr.rel @p1 .LBB2_5-.Ltmp4, $4  }
0x148: {  	[sflag:s30] =	ssyncadd.s32 $0xFFFFC000  }
0x149: {  	[spmem:s2] =	stream.indirect.scatter.add.f32 [tilespmem:s26], [sflag:$0x3], $0x80, s14, s25, $0xb8;
	[tilespmem:$0x1C800] =	vst v63  }
0x14a: {  	_ =	swait.ge [sflag:s23], $0x4000  }
0x14b: {  	s17 =	smov.u32 s18;
	[sflag:s23] =	ssyncset.done $0x0  }
.Ltmp5:
0x14c: {  	_ = 	snop;
	(pc) =	sbr.rel .LBB2_6-.Ltmp5, $1  }
0x14d: {  	_ =	sdelay $0x3  }
.LBB2_8:
0x14e: {  	_ =	sfence.sel $0x180000  }
0x14f: {  	[bflag:$0x0] =	sbarrier.arrive $0xFFFF  }
0x150: {  	_ =	strace $0x9000004D  }
0x151: {  	s0 =	stileid.u32;
	[bflag:$0x2] =	sbarrier.arrive $0xFFFF  }
0x152: {  	p0 =	sne.s32 s0, $0x0;
	s0 =	rddreg [dreg:$0x2]  }
0x153: {  	s0 =	sadd.s32 @!p0 $0x100000, s0  }
0x154: {  	[sflag:s0] =	ssyncadd.tile.s32 @!p0 $0x1;
	_ =	shalt  }
.Lfunc_end2:
_tile_overlayer_lowered:
.L_overlay_start_2:
0x155: {  	(tag) =	ssettag $0x2  }
0x156: {  	s0 =	rddreg [dreg:$0x0];
	s2 =	stileid.u32  }
0x157: {  	s1 =	rddreg [dreg:$0x1];
	p0 =	sne.s32 s2, $0x0  }
0x158: {  	s3 =	rddreg [dreg:$0x2];
	[bflag:$0x3] =	sbarrier.arrive $0xFFFF;
	s2 =	simm.s32 @!p0 $0x1C03  }
0x159: {  	[timem:s3], [sflag:s2] =	dma.local @!p0 [hbm:s0], s1  }
0x15a: {  	s0 =	simm.s32 @!p0 $0x3  }
0x15b: {  	_ =	swait.ge @!p0 [sflag:s0], s1  }
0x15c: {  	s1 =	ssub.s32 @!p0 $0x0, s1;
	[sflag:s0] =	ssyncset.done @!p0 $0x0  }
0x15d: {  	[sflag:s0] =	ssyncadd.s32 @!p0 s1  }
0x15e: {  	[bflag:$0x3] =	sbarrier.arrive $0xFFFF  }
0x15f: {  	_ =	shalt  }

// kernel: kernel.19.cloned.1.call-start
scs
__scs_entry_jumppad:
0x0: {  	(pc) =	sbr.rel $0x88, $3  }
0x1: {  	(tag) =	ssettag $0x0;
	lr =	simm.s32 $0x1  }
0x2: {  	[smem:$0x3F90] =	sst lr;
	_ =	strace $0xD0000000  }
0x3: {  	_ = 	snop  }
0x4: {  	_ = 	snop  }
0x5: {  	_ = 	snop  }
0x6: {  	_ = 	snop  }
0x7: {  	_ = 	snop  }
__scs_overlays_trampoline_lowered:
0x8: {  	[smem:$0x3F9F] =	sst s0  }
0x9: {  	[smem:$0x3FA0] =	sst s1  }
0xa: {  	[smem:$0x3FA1] =	sst s2  }
0xb: {  	[smem:$0x3FA2] =	sst s3  }
0xc: {  	[smem:$0x3FA3] =	sst s4  }
0xd: {  	[smem:$0x3FA4] =	sst s5  }
0xe: {  	[smem:$0x3FA5] =	sst s6  }
0xf: {  	[smem:$0x3FA6] =	sst s7  }
0x10: {  	[smem:$0x3FA7] =	sst s8  }
0x11: {  	[smem:$0x3FA8] =	sst s9;
	s0 =	simm.s32 @!p0 $0x0  }
0x12: {  	s1 =	sld [smem:$0x3F8E];
	s0 =	simm.s32 @p0 $0x1  }
0x13: {  	[smem:$0x3FA9] =	sst s0;
	s0 =	simm.s32 @!p1 $0x0  }
0x14: {  	s2 =	sld [smem:$0x3F8D];
	s0 =	simm.s32 @p1 $0x1  }
0x15: {  	[smem:$0x3FAA] =	sst s0;
	s0 =	simm.s32 @!p2 $0x0  }
0x16: {  	s3 =	sld [smem:$0x3FDB];
	s0 =	simm.s32 @p2 $0x1  }
0x17: {  	s4 =	simm.s32 $0x1BF5;
	[smem:$0x3FAC] =	sst s0  }
0x18: {  	s0 =	sld [smem:$0x3F8F];
	_ =	swait.ge [sflag:s4], $0x0  }
0x19: {  	s7 =	sld [smem:$0x3F90]  }
0x1a: {  	s8 =	sadd.s32 $0xFFFFE003, lr  }
0x1b: {  	s9 =	sadd.s32 $0xFFFFFEF7, lr;
	s5 =	simm.s32 $0xFFFFFFFF;
	p2 =	slt.u32 s8, $0xFFFFF086  }
0x1c: {  	p1 =	slt.u32 s9, $0xF7A;
	s5 =	simm.s32 @!p2 $0x0  }
0x1d: {  	s5 =	simm.s32 @p1 $0x1;
	p0 =	seq.s32 s7, s2  }
0x1e: {  	s7 =	smul.u32 @!p0 $0xF7A, s2;
	p2 =	seq.s32 @!p0 s5, $0x0  }
0x1f: {  	s9 =	smul.u32 $0xF7A, s1;
	s8 =	simm.s32 @!p0 $0x1BF5;
	p2 =	por !p2, p0  }
0x20: {  	[sflag:s8] =	ssyncset.s32 @!p0 $0xFFFFF086;
	s6 =	sadd.s32 @!p0 s3, s7;
	s7 =	simm.s32 @!p0 $0x108  }
0x21: {  	s3 =	sadd.s32 s3, s9;
	s6 =	sadd.s32 @!p0 $0x88, s6;
	s7 =	simm.s32 @p2 $0x1082  }
0x22: {  	[simem:s7], [sflag:s8] =	dma.local @!p0 [hbm:s6], $0xF7A  }
0x23: {  	s9 =	sor.u32 $0xD0000000, s2;
	s6 =	simm.s32 $0x108;
	_ =	swait.ge @!p0 [sflag:s8], $0x0  }
0x24: {  	s3 =	sadd.s32 $0x88, s3;
	s6 =	simm.s32 @!p1 $0x1082;
	[sflag:s4] =	ssyncset.s32 $0xFFFFF086  }
0x25: {  	[simem:s6], [sflag:s4] =	dma.local [hbm:s3], $0xF7A  }
0x26: {  	[smem:$0x3F90] =	sst s1;
	(tag) =	ssettag s2;
	_ =	strace s9  }
0x27: {  	s1 =	sld [smem:$0x3FA0]  }
0x28: {  	s2 =	sld [smem:$0x3FA1]  }
0x29: {  	s4 =	sld [smem:$0x3FA3]  }
0x2a: {  	p0 =	seq.s32 s5, $0x0;
	s5 =	sld [smem:$0x3FA4]  }
0x2b: {  	s6 =	sld [smem:$0x3FA5]  }
0x2c: {  	s7 =	sld [smem:$0x3FA6]  }
0x2d: {  	s3 =	simm.s32 $0x108;
	s8 =	sld [smem:$0x3FA7]  }
0x2e: {  	s3 =	simm.s32 @!p0 $0x1082;
	s9 =	sld [smem:$0x3FA8]  }
0x2f: {  	lr =	sadd.s32 s0, s3;
	s0 =	sld [smem:$0x3F9F]  }
0x30: {  	s3 =	sld [smem:$0x3FA2]  }
0x31: {  	[smem:$0x3FAB] =	sst s10  }
0x32: {  	s10 =	sld [smem:$0x3FA9];
	_ =	sdelay $0x3  }
0x33: {  	p0 =	seq.s32 s10, $0x1;
	s10 =	sld [smem:$0x3FAB];
	_ =	sdelay $0x3  }
0x34: {  	[smem:$0x3FAB] =	sst s10  }
0x35: {  	s10 =	sld [smem:$0x3FAA];
	_ =	sdelay $0x3  }
0x36: {  	p1 =	seq.s32 s10, $0x1;
	s10 =	sld [smem:$0x3FAB];
	_ =	sdelay $0x3  }
0x37: {  	[smem:$0x3FAB] =	sst s10  }
0x38: {  	s10 =	sld [smem:$0x3FAC]  }
0x39: {  	_ = 	snop;
	(pc) =	sbr.ind lr, $3  }
0x3a: {  	_ = 	snop  }
0x3b: {  	_ = 	snop  }
0x3c: {  	p2 =	seq.s32 s10, $0x1;
	s10 =	sld [smem:$0x3FAB]  }
0x3d: {  	_ =	shalt  }
0x3e: {  	_ =	shalt  }
0x3f: {  	_ =	shalt  }
0x40: {  	_ =	shalt  }
0x41: {  	_ =	shalt  }
0x42: {  	_ =	shalt  }
0x43: {  	_ =	shalt  }
0x44: {  	_ =	shalt  }
0x45: {  	_ =	shalt  }
0x46: {  	_ =	shalt  }
0x47: {  	_ =	shalt  }
0x48: {  	_ =	shalt  }
0x49: {  	_ =	shalt  }
0x4a: {  	_ =	shalt  }
0x4b: {  	_ =	shalt  }
0x4c: {  	_ =	shalt  }
0x4d: {  	_ =	shalt  }
0x4e: {  	_ =	shalt  }
0x4f: {  	_ =	shalt  }
0x50: {  	_ =	shalt  }
0x51: {  	_ =	shalt  }
0x52: {  	_ =	shalt  }
0x53: {  	_ =	shalt  }
0x54: {  	_ =	shalt  }
0x55: {  	_ =	shalt  }
0x56: {  	_ =	shalt  }
0x57: {  	_ =	shalt  }
0x58: {  	_ =	shalt  }
0x59: {  	_ =	shalt  }
0x5a: {  	_ =	shalt  }
0x5b: {  	_ =	shalt  }
0x5c: {  	_ =	shalt  }
0x5d: {  	_ =	shalt  }
0x5e: {  	_ =	shalt  }
0x5f: {  	_ =	shalt  }
0x60: {  	_ =	shalt  }
0x61: {  	_ =	shalt  }
0x62: {  	_ =	shalt  }
0x63: {  	_ =	shalt  }
0x64: {  	_ =	shalt  }
0x65: {  	_ =	shalt  }
0x66: {  	_ =	shalt  }
0x67: {  	_ =	shalt  }
0x68: {  	_ =	shalt  }
0x69: {  	_ =	shalt  }
0x6a: {  	_ =	shalt  }
0x6b: {  	_ =	shalt  }
0x6c: {  	_ =	shalt  }
0x6d: {  	_ =	shalt  }
0x6e: {  	_ =	shalt  }
0x6f: {  	_ =	shalt  }
0x70: {  	_ =	shalt  }
0x71: {  	_ =	shalt  }
0x72: {  	_ =	shalt  }
0x73: {  	_ =	shalt  }
0x74: {  	_ =	shalt  }
0x75: {  	_ =	shalt  }
0x76: {  	_ =	shalt  }
0x77: {  	_ =	shalt  }
0x78: {  	_ =	shalt  }
0x79: {  	_ =	shalt  }
0x7a: {  	_ =	shalt  }
0x7b: {  	_ =	shalt  }
0x7c: {  	_ =	shalt  }
0x7d: {  	_ =	shalt  }
0x7e: {  	_ =	shalt  }
0x7f: {  	_ =	shalt  }
0x80: {  	_ =	shalt  }
0x81: {  	_ =	shalt  }
0x82: {  	_ =	shalt  }
0x83: {  	_ =	shalt  }
0x84: {  	_ =	shalt  }
0x85: {  	_ =	shalt  }
0x86: {  	_ =	shalt  }
0x87: {  	_ =	shalt  }
.Lfunc_end0:
.L_simem_size_0:
called_computation.3_lowered:
.L_overlay_start_0:
0x88: {  	s2 =	sld [smem:$0x3FD9]  }
0x89: {  	s3 =	sld [smem:$0x3FFE];
	_ =	sdelay $0x1  }
0x8a: {  	s1 =	srdreg.scid  }
0x8b: {  	s0 =	sand.u32 $0x1, s1  }
0x8c: {  	s16 =	sshll.u32 s0, $0xA;
	s2 =	sadd.s32 s3, s2  }
0x8d: {  	s2 =	sadd.s32 s2, s16  }
0x8e: {  	[smem:$0x3FB7] =	sst s2  }
0x8f: {  	_ = 	snop  }
0x90: {  	(tm) =	ssettm $0x1  }
0x91: {  	s17 =	sld [smem:$0x3FFB];
	_ =	sdelay $0x3  }
0x92: {  	_ =	strace s17  }
0x93: {  	s2 =	sld [smem:$0x3FFC];
	_ =	sdelay $0x3  }
0x94: {  	_ =	strace s2  }
0x95: {  	s2 =	sld [smem:$0x3FFD];
	_ =	sdelay $0x3  }
0x96: {  	_ =	strace s2  }
0x97: {  	_ =	strace $0x8FFFFFFF  }
0x98: {  	s18 =	sld [smem:$0x3FDB];
	_ =	sdelay $0x1  }
0x99: {  	s19 =	simm.s32 $_scs_section_size  }
0x9a: {  	s4 =	simm.s32 $_size__tile_overlayer_lowered;
	s5 =	simm.s32 $_tile_overlayer_lowered  }
0x9b: {  	s22 =	simm.s32 $0x1BFF;
	s21 =	sshll.u32 s5, $0x1;
	s2 =	sadd.s32 s19, s18  }
0x9c: {  	s6 =	simm.s32 $0x0;
	s20 =	sshll.u32 s4, $0x1;
	s4 =	sadd.s32 s21, s2  }
0x9d: {  	[timem:s6], [sflag:s22] =	dma.local [hbm:s4], s20  }
0x9e: {  	_ =	swait.ge [sflag:s22], s20  }
0x9f: {  	s3 =	ssub.s32 $0x0, s20;
	[sflag:s22] =	ssyncset.done $0x0  }
0xa0: {  	[sflag:s22] =	ssyncadd.s32 s3;
	_ =	sdelay $0x1  }
0xa1: {  	s23 =	simm.s32 $0x1B8B  }
0xa2: {  	_ =	swait.ge [sflag:s23], $0x1  }
0xa3: {  	[sflag:s23] =	ssyncset.done $0x0  }
0xa4: {  	s25 =	simm.s32 $0x1B8E;
	s24 =	sld [smem:$0x3FFE];
	[sflag:s23] =	ssyncadd.s32 $0xFFFFFFFF  }
0xa5: {  	s26 =	simm.s32 $execute0_lowered;
	[smem:$0x3FD2] =	sst s25  }
0xa6: {  	s4 =	sshll.u32 s26, $0x1;
	_ =	strace $0x8000004F;
	[dreg:$0x1] =	wrdreg $0xFFFFFFFF  }
0xa7: {  	s28 =	simm.s32 $_size_execute0_lowered;
	s2 =	sadd.s32 s2, s4;
	[dreg:$0x0] =	wrdreg $0x0  }
0xa8: {  	s4 =	sshll.u32 s28, $0x1;
	[dreg:$0x2] =	wrdreg s2  }
0xa9: {  	[dreg:$0x3] =	wrdreg s4  }
0xaa: {  	[dreg:$0x4] =	wrdreg $0xC0  }
0xab: {  	_ =	task [dreg:s6], $0x5FFFF  }
0xac: {  	[dreg:$0x1] =	wrdreg $0xFFFFFFFF  }
0xad: {  	[dreg:$0x0] =	wrdreg $0x60  }
0xae: {  	[dreg:$0x2] =	wrdreg s24  }
0xaf: {  	[dreg:$0x3] =	wrdreg $0x88000  }
0xb0: {  	[dreg:$0x4] =	wrdreg $0x9  }
0xb1: {  	_ =	task.clear_ibuf [dreg:s6], $0x5FFFF;
	_ =	strace $0x9000004F  }
0xb2: {  	s29 =	simm.s32 $0x9;
	_ =	strace $0x80000051  }
0xb3: {  	_ =	swait.ge [sflag:s29], $0x1  }
0xb4: {  	[sflag:s29] =	ssyncadd.s32 $0xFFFFFFFF  }
0xb5: {  	_ =	strace $0x90000051  }
0xb6: {  	_ =	sfence  }
0xb7: {  	s30 =	sld [smem:$0x0];
	_ =	sdelay $0x2  }
0xb8: {  	s31 =	sshll.u32 s1, $0xD;
	s1 =	sshrl.u32 s1, $0x2  }
0xb9: {  	s3 =	sand.u32 $0x4000, s31;
	s1 =	sadd.s32 s1, s30  }
0xba: {  	s0 =	sor.u32 s3, s0;
	s1 =	sshll.u32 s1, $0x11  }
0xbb: {  	s0 =	sor.u32 s1, s0  }
0xbc: {  	s0 =	sadd.s32 $0x8F2B, s0  }
0xbd: {  	[sflag:s0] =	ssyncadd.remote.s32 $0x1  }
0xbe: {  	_ =	sfence.sel $0xFFFF  }
0xbf: {  	[dreg:$0x0] =	wrdreg $0xFFFFFFFF;
	(pc) =	sbr.abs _section_cstart, $3  }
0xc0: {  	[dreg:$0x1] =	wrdreg $0xFFFFFFFF  }
0xc1: {  	_ =	task.clear_ibuf [dreg:s6], $0x2FFFF;
	_ =	strace $0x9FFFFFFF  }
0xc2: {  	(tm) =	ssettm $0x7FFFFFFF  }
0xc3: {  	_ =	shalt  }
tec
execute0_lowered:
.L_overlay_start_1:
0x0: {  	(tag) =	ssettag $0x1  }
0x1: {  	s0 =	rddreg [dreg:$0x0]  }
0x2: {  	s2 =	rddreg [dreg:$0x1];
	s3 =	simm.s32 $0x0;
	s10 =	stileid.u32  }
0x3: {  	s1 =	srdreg.scid;
	s28 =	simm.s32 $0x1;
	s29 =	simm.s32 $0x100  }
0x4: {  	s30 =	simm.s32 $0x2;
	s31 =	simm.s32 $0x480;
	s5 =	smul.u32 $0xA00, s10  }
0x5: {  	[smem:$0x7FF] =	sst s3;
	s1 =	sand.u32 $0x1, s1;
	s7 =	smul.u32 $0x50000, s10  }
0x6: {  	s4 =	sadd.s32 $0x1AC00, s0;
	s13 =	smul.u32 $0x14000, s10;
	_ =	strace $0x80000050  }
0x7: {  	s6 =	ssub.s32 $0x2, s1;
	s9 =	smul.u32 $0x140000, s1;
	p0 =	sne.s32 s1, $0x0  }
0x8: {  	s1 =	simm.s32 $0x500;
	s8 =	sadd.s32 s5, s0;
	s11 =	sshrl.u32 s6, $0x1  }
0x9: {  	s12 =	sshrl.u32 s7, $0x2;
	s0 =	sadd.s32 $0x42C00, s0;
	s17 =	sadd.s32 $0x4000, s13  }
0xa: {  	s21 =	sadd.s32 $0x8000, s13;
	s24 =	sadd.s32 $0xC000, s13;
	s7 =	sadd.s32 $0x10000, s13  }
0xb: {  	s6 =	ssub.s32 s6, s11;
	s5 =	sadd.s32 s12, s2;
	s15 =	sadd.s32 s9, s13  }
0xc: {  	s20 =	sadd.s32 s9, s17;
	s10 =	sadd.s32 s17, s2;
	s22 =	sadd.s32 s21, s2  }
0xd: {  	s23 =	sadd.s32 s9, s21;
	s25 =	sadd.s32 s9, s24;
	s9 =	sadd.s32 s9, s7  }
0xe: {  	s26 =	sadd.s32 s7, s2;
	s21 =	sadd.s32 $0x6C00, s8;
	[dreg:$0xa] =	wrdreg s10  }
0xf: {  	s7 =	simm.s32 $0x580;
	s12 =	simm.s32 $0x380;
	[dreg:$0xc] =	wrdreg s22  }
0x10: {  	s13 =	simm.s32 $0x700;
	s18 =	smax.u32 s6, $0x1;
	[dreg:$0x10] =	wrdreg s26  }
0x11: {  	s19 =	sadd.s32 $0x4000, s5;
	s14 =	sadd.s32 $0x8000, s5;
	[dreg:$0x3] =	wrdreg s5  }
0x12: {  	s16 =	sadd.s32 $0xC000, s5;
	s6 =	sshrl.u32 s15, $0x3;
	[dreg:$0x6] =	wrdreg s14  }
0x13: {  	s11 =	sadd.s32 $0x10000, s5;
	s10 =	sadd.s32 s24, s2;
	[dreg:$0x7] =	wrdreg s16  }
0x14: {  	s9 =	sshrl.u32 s9, $0x3;
	s22 =	simm.s32 $0x800;
	[dreg:$0x8] =	wrdreg s11  }
0x15: {  	s24 =	simm.s32 $0x400;
	s26 =	simm.s32 $0x4800;
	[dreg:$0xe] =	wrdreg s10  }
0x16: {  	s15 =	simm.s32 $0x0;
	s6 =	sadd.s32 s0, s6;
	[dreg:$0x4] =	wrdreg s18  }
0x17: {  	s10 =	simm.s32 $0x300;
	[dreg:$0x9] =	wrdreg s6;
	s6 =	sshrl.u32 s20, $0x3  }
0x18: {  	s11 =	simm.s32 $0x680;
	[dreg:$0x5] =	wrdreg s19;
	s6 =	sadd.s32 s0, s6  }
0x19: {  	s14 =	simm.s32 $0x780;
	[dreg:$0xb] =	wrdreg s6;
	s6 =	sshrl.u32 s23, $0x3  }
.Ltmp0:
0x1a: {  	s20 =	sadd.s32 $0x10C00, s8;
	s6 =	sadd.s32 s0, s6;
	(pc) =	sbr.rel .LBB2_1-.Ltmp0, $4  }
0x1b: {  	s8 =	simm.s32 $0x280;
	[dreg:$0xd] =	wrdreg s6;
	s6 =	sshrl.u32 s25, $0x3  }
0x1c: {  	s23 =	simm.s32 $0x3;
	s25 =	simm.s32 $0x80;
	s6 =	sadd.s32 s0, s6  }
0x1d: {  	s0 =	sadd.s32 s0, s9;
	s9 =	simm.s32 $0x600;
	[dreg:$0xf] =	wrdreg s6  }
0x1e: {  	v0 =	vimm.f32 $0.0e+00;
	[dreg:$0x11] =	wrdreg s0;
	s0 =	simm.s32 $0x180;
	s6 =	simm.s32 $0x200  }
.LBB2_6:
0x1f: {  	s5 =	sadd.s32 s16, s21;
	[sflag:s23] =	ssyncadd.s32 $0xFFFFC000  }
0x20: {  	[tilespmem:s3], [sflag:$0x3] =	stream.linear.gather [hbm4b:s5+s3], $0x400, $0x38;
	[tilespmem:$0x1C800] =	vst v63  }
0x21: {  	_ =	swait.ge [sflag:s23], $0x400  }
0x22: {  	[sflag:s23] =	ssyncset.done $0x0  }
0x23: {  	s19 =	sadd.s32 s16, s20;
	[sflag:s23] =	ssyncadd.s32 $0xFFFFFC00  }
0x24: {  	[tilespmem:s24], [sflag:$0x3] =	stream.linear.gather [hbm4b:s19+s3], $0x400, $0x38;
	[tilespmem:$0x1C800] =	vst v63  }
0x25: {  	_ =	swait.ge [sflag:s23], $0x400  }
0x26: {  	[sflag:s23] =	ssyncset.done $0x0  }
0x27: {  	[sflag:s23] =	ssyncadd.s32 $0xFFFFFC00  }
0x28: {  	[tilespmem:s22], [sflag:$0x1] =	stream.indirect.gather [hbm4b:s4+s25], $0x80, s3, s25, $0xb8;
	[tilespmem:$0x1C800] =	vst v63  }
0x29: {  	_ = 	snop  }
0x2a: {  	[tilespmem:s26], [sflag:$0x2] =	stream.indirect.gather [hbm4b:s4+s25], $0x80, s25, s25, $0xb8;
	[tilespmem:$0x1C800] =	vst v63  }
0x2b: {  	_ =	swait.ge [sflag:s28], $0x4000  }
0x2c: {  	[sflag:s28] =	ssyncset.done $0x0  }
0x2d: {  	[sflag:s28] =	ssyncadd.s32 $0xFFFFC000  }
0x2e: {  	[spmem:s2] =	stream.indirect.scatter.add.f32 [tilespmem:s22], [sflag:$0x3], $0x80, s24, s25, $0xb8;
	[tilespmem:$0x1C800] =	vst v63  }
0x2f: {  	_ =	swait.ge [sflag:s23], $0x4000  }
0x30: {  	[sflag:s23] =	ssyncset.done $0x0  }
0x31: {  	[sflag:s23] =	ssyncadd.s32 $0xFFFFC000  }
0x32: {  	[tilespmem:s22], [sflag:$0x1] =	stream.indirect.gather [hbm4b:s4+s25], $0x80, s29, s25, $0xb8;
	[tilespmem:$0x1C800] =	vst v63  }
0x33: {  	_ =	swait.ge [sflag:s30], $0x4000  }
0x34: {  	[sflag:s30] =	ssyncset.done $0x0  }
0x35: {  	[sflag:s30] =	ssyncadd.s32 $0xFFFFC000  }
0x36: {  	[spmem:s2] =	stream.indirect.scatter.add.f32 [tilespmem:s26], [sflag:$0x3], $0x80, s31, s25, $0xb8;
	[tilespmem:$0x1C800] =	vst v63  }
0x37: {  	_ =	swait.ge [sflag:s23], $0x4000  }
0x38: {  	[sflag:s23] =	ssyncset.done $0x0  }
0x39: {  	[sflag:s23] =	ssyncadd.s32 $0xFFFFC000  }
0x3a: {  	[tilespmem:s26], [sflag:$0x2] =	stream.indirect.gather [hbm4b:s4+s25], $0x80, s0, s25, $0xb8;
	[tilespmem:$0x1C800] =	vst v63  }
0x3b: {  	_ =	swait.ge [sflag:s28], $0x4000  }
0x3c: {  	[sflag:s28] =	ssyncset.done $0x0  }
0x3d: {  	[sflag:s28] =	ssyncadd.s32 $0xFFFFC000  }
0x3e: {  	[spmem:s2] =	stream.indirect.scatter.add.f32 [tilespmem:s22], [sflag:$0x3], $0x80, s1, s25, $0xb8;
	[tilespmem:$0x1C800] =	vst v63  }
0x3f: {  	_ =	swait.ge [sflag:s23], $0x4000  }
0x40: {  	[sflag:s23] =	ssyncset.done $0x0  }
0x41: {  	[sflag:s23] =	ssyncadd.s32 $0xFFFFC000  }
0x42: {  	[tilespmem:s22], [sflag:$0x1] =	stream.indirect.gather [hbm4b:s4+s25], $0x80, s6, s25, $0xb8;
	[tilespmem:$0x1C800] =	vst v63  }
0x43: {  	_ =	swait.ge [sflag:s30], $0x4000  }
0x44: {  	[sflag:s30] =	ssyncset.done $0x0  }
0x45: {  	[sflag:s30] =	ssyncadd.s32 $0xFFFFC000  }
0x46: {  	[spmem:s2] =	stream.indirect.scatter.add.f32 [tilespmem:s26], [sflag:$0x3], $0x80, s7, s25, $0xb8;
	[tilespmem:$0x1C800] =	vst v63  }
0x47: {  	_ =	swait.ge [sflag:s23], $0x4000  }
0x48: {  	[sflag:s23] =	ssyncset.done $0x0  }
0x49: {  	[sflag:s23] =	ssyncadd.s32 $0xFFFFC000  }
0x4a: {  	[tilespmem:s26], [sflag:$0x2] =	stream.indirect.gather [hbm4b:s4+s25], $0x80, s8, s25, $0xb8;
	[tilespmem:$0x1C800] =	vst v63  }
0x4b: {  	_ =	swait.ge [sflag:s28], $0x4000  }
0x4c: {  	[sflag:s28] =	ssyncset.done $0x0  }
0x4d: {  	[sflag:s28] =	ssyncadd.s32 $0xFFFFC000  }
0x4e: {  	[spmem:s2] =	stream.indirect.scatter.add.f32 [tilespmem:s22], [sflag:$0x3], $0x80, s9, s25, $0xb8;
	[tilespmem:$0x1C800] =	vst v63  }
0x4f: {  	_ =	swait.ge [sflag:s23], $0x4000  }
0x50: {  	[sflag:s23] =	ssyncset.done $0x0  }
0x51: {  	[sflag:s23] =	ssyncadd.s32 $0xFFFFC000  }
0x52: {  	[tilespmem:s22], [sflag:$0x1] =	stream.indirect.gather [hbm4b:s4+s25], $0x80, s10, s25, $0xb8;
	[tilespmem:$0x1C800] =	vst v63  }
0x53: {  	_ =	swait.ge [sflag:s30], $0x4000  }
0x54: {  	[sflag:s30] =	ssyncset.done $0x0  }
0x55: {  	[sflag:s30] =	ssyncadd.s32 $0xFFFFC000  }
0x56: {  	[spmem:s2] =	stream.indirect.scatter.add.f32 [tilespmem:s26], [sflag:$0x3], $0x80, s11, s25, $0xb8;
	[tilespmem:$0x1C800] =	vst v63  }
0x57: {  	_ =	swait.ge [sflag:s23], $0x4000  }
0x58: {  	[sflag:s23] =	ssyncset.done $0x0  }
0x59: {  	[sflag:s23] =	ssyncadd.s32 $0xFFFFC000  }
0x5a: {  	[tilespmem:s26], [sflag:$0x2] =	stream.indirect.gather [hbm4b:s4+s25], $0x80, s12, s25, $0xb8;
	[tilespmem:$0x1C800] =	vst v63  }
0x5b: {  	_ =	swait.ge [sflag:s28], $0x4000  }
0x5c: {  	[sflag:s28] =	ssyncset.done $0x0  }
0x5d: {  	[sflag:s28] =	ssyncadd.s32 $0xFFFFC000  }
0x5e: {  	[spmem:s2] =	stream.indirect.scatter.add.f32 [tilespmem:s22], [sflag:$0x3], $0x80, s13, s25, $0xb8;
	[tilespmem:$0x1C800] =	vst v63  }
0x5f: {  	_ =	swait.ge [sflag:s23], $0x4000  }
0x60: {  	[sflag:s23] =	ssyncset.done $0x0  }
0x61: {  	[sflag:s23] =	ssyncadd.s32 $0xFFFFC000  }
0x62: {  	_ =	swait.ge [sflag:s30], $0x4000  }
0x63: {  	[sflag:s30] =	ssyncset.done $0x0  }
0x64: {  	[sflag:s30] =	ssyncadd.s32 $0xFFFFC000  }
0x65: {  	[spmem:s2] =	stream.indirect.scatter.add.f32 [tilespmem:s26], [sflag:$0x3], $0x80, s14, s25, $0xb8;
	[tilespmem:$0x1C800] =	vst v63  }
0x66: {  	_ =	swait.ge [sflag:s23], $0x4000  }
0x67: {  	s5 =	rddreg [dreg:$0x3]  }
0x68: {  	[sflag:s23] =	ssyncset.done $0x0;
	s18 =	rddreg [dreg:$0x4]  }
0x69: {  	s19 =	rddreg [dreg:$0x5];
	[sflag:s23] =	ssyncadd.s32 $0xFFFFC000  }
.LBB2_7:
0x6a: {  	[bflag:$0x0] =	sbarrier.arrive $0xFFFF  }
0x6b: {  	[tilespmem:s22], [sflag:$0x3] =	stream.linear.gather [spmem:s5], $0x4000, $0x38;
	[tilespmem:$0x1C800] =	vst v63  }
0x6c: {  	_ =	swait.ge [sflag:s23], $0x4000  }
0x6d: {  	[sflag:s23] =	ssyncset.done $0x0  }
0x6e: {  	s16 =	rddreg [dreg:$0x9];
	[sflag:s23] =	ssyncadd.s32 $0xFFFFC000  }
0x6f: {  	[hbm4b:s16+s3] =	stream.linear.scatter [tilespmem:s22], [sflag:$0x3], $0x4000, $0x38;
	[tilespmem:$0x1C800] =	vst v63  }
0x70: {  	_ =	swait.ge [sflag:s23], $0x4000  }
0x71: {  	[sflag:s23] =	ssyncset.done $0x0  }
0x72: {  	s17 =	rddreg [dreg:$0xa];
	[sflag:s23] =	ssyncadd.s32 $0xFFFFC000  }
0x73: {  	[tilespmem:s22], [sflag:$0x3] =	stream.linear.gather [spmem:s17], $0x4000, $0x38;
	[tilespmem:$0x1C800] =	vst v63  }
0x74: {  	_ =	swait.ge [sflag:s23], $0x4000  }
0x75: {  	[sflag:s23] =	ssyncset.done $0x0  }
0x76: {  	s17 =	rddreg [dreg:$0xb];
	[sflag:s23] =	ssyncadd.s32 $0xFFFFC000  }
0x77: {  	[hbm4b:s17+s3] =	stream.linear.scatter [tilespmem:s22], [sflag:$0x3], $0x4000, $0x38;
	[tilespmem:$0x1C800] =	vst v63  }
0x78: {  	_ =	swait.ge [sflag:s23], $0x4000  }
0x79: {  	[sflag:s23] =	ssyncset.done $0x0  }
0x7a: {  	s17 =	rddreg [dreg:$0xc];
	[sflag:s23] =	ssyncadd.s32 $0xFFFFC000  }
0x7b: {  	[tilespmem:s22], [sflag:$0x3] =	stream.linear.gather [spmem:s17], $0x4000, $0x38;
	[tilespmem:$0x1C800] =	vst v63  }
0x7c: {  	_ =	swait.ge [sflag:s23], $0x4000  }
0x7d: {  	[sflag:s23] =	ssyncset.done $0x0  }
0x7e: {  	s17 =	rddreg [dreg:$0xd];
	[sflag:s23] =	ssyncadd.s32 $0xFFFFC000  }
0x7f: {  	[hbm4b:s17+s3] =	stream.linear.scatter [tilespmem:s22], [sflag:$0x3], $0x4000, $0x38;
	[tilespmem:$0x1C800] =	vst v63  }
0x80: {  	_ =	swait.ge [sflag:s23], $0x4000  }
0x81: {  	[sflag:s23] =	ssyncset.done $0x0  }
0x82: {  	s17 =	rddreg [dreg:$0xe];
	[sflag:s23] =	ssyncadd.s32 $0xFFFFC000  }
0x83: {  	[tilespmem:s22], [sflag:$0x3] =	stream.linear.gather [spmem:s17], $0x4000, $0x38;
	[tilespmem:$0x1C800] =	vst v63  }
0x84: {  	_ =	swait.ge [sflag:s23], $0x4000  }
0x85: {  	[sflag:s23] =	ssyncset.done $0x0  }
0x86: {  	s17 =	rddreg [dreg:$0xf];
	[sflag:s23] =	ssyncadd.s32 $0xFFFFC000  }
0x87: {  	[hbm4b:s17+s3] =	stream.linear.scatter [tilespmem:s22], [sflag:$0x3], $0x4000, $0x38;
	[tilespmem:$0x1C800] =	vst v63  }
0x88: {  	_ =	swait.ge [sflag:s23], $0x4000  }
0x89: {  	[sflag:s23] =	ssyncset.done $0x0  }
0x8a: {  	s17 =	rddreg [dreg:$0x10];
	[sflag:s23] =	ssyncadd.s32 $0xFFFFC000  }
0x8b: {  	[tilespmem:s22], [sflag:$0x3] =	stream.linear.gather [spmem:s17], $0x4000, $0x38;
	[tilespmem:$0x1C800] =	vst v63  }
0x8c: {  	s15 =	sadd.s32 $0x1, s15;
	_ =	swait.ge [sflag:s23], $0x4000  }
0x8d: {  	p1 =	sne.s32 s15, s18;
	[sflag:s23] =	ssyncset.done $0x0  }
.Ltmp1:
0x8e: {  	s17 =	rddreg [dreg:$0x11];
	[sflag:s23] =	ssyncadd.s32 $0xFFFFC000;
	(pc) =	sbr.rel @!p1 .LBB2_8-.Ltmp1, $4  }
0x8f: {  	[hbm4b:s17+s3] =	stream.linear.scatter [tilespmem:s22], [sflag:$0x3], $0x4000, $0x38;
	[tilespmem:$0x1C800] =	vst v63  }
0x90: {  	_ =	swait.ge [sflag:s23], $0x4000  }
0x91: {  	[sflag:s23] =	ssyncset.done $0x0  }
0x92: {  	[sflag:s23] =	ssyncadd.s32 $0xFFFFC000  }
.LBB2_1:
0x93: {  	s16 =	simm.s32 $0x0;
	s17 =	simm.s32 $0x200  }
.LBB2_2:
0x94: {  	p1 =	sne.s32 s17, $0xFE00;
	[tilespmem:s16+$0x870] =	vst v0  }
0x95: {  	[tilespmem:s16+$0x800] =	vst v0  }
0x96: {  	[tilespmem:s16+$0x810] =	vst v0  }
.Ltmp2:
0x97: {  	[tilespmem:s16+$0x820] =	vst v0;
	(pc) =	sbr.rel @p1 .LBB2_2-.Ltmp2, $4  }
0x98: {  	[tilespmem:s16+$0x830] =	vst v0  }
0x99: {  	[tilespmem:s16+$0x840] =	vst v0  }
0x9a: {  	[tilespmem:s16+$0x850] =	vst v0  }
0x9b: {  	[tilespmem:s16+$0x860] =	vst v0;
	s16 =	sshra.s32 s17, $0x2;
	s17 =	sadd.s32 $0x200, s17  }
0x9c: {  	[tilespmem:s16+$0x870] =	vst v0  }
0x9d: {  	[tilespmem:s16+$0x800] =	vst v0  }
0x9e: {  	[tilespmem:s16+$0x810] =	vst v0  }
0x9f: {  	[tilespmem:s16+$0x820] =	vst v0  }
0xa0: {  	[tilespmem:s16+$0x830] =	vst v0  }
0xa1: {  	[tilespmem:s16+$0x840] =	vst v0  }
0xa2: {  	[tilespmem:s16+$0x850] =	vst v0  }
0xa3: {  	[tilespmem:s16+$0x860] =	vst v0  }
0xa4: {  	[spmem:s5] =	stream.linear.scatter [tilespmem:s22], [sflag:$0x3], $0x4000, $0x38;
	[tilespmem:$0x1C800] =	vst v63  }
0xa5: {  	_ =	swait.ge [sflag:s23], $0x4000  }
0xa6: {  	[sflag:s23] =	ssyncset.done $0x0  }
0xa7: {  	[sflag:s23] =	ssyncadd.s32 $0xFFFFC000  }
0xa8: {  	[spmem:s19] =	stream.linear.scatter [tilespmem:s22], [sflag:$0x3], $0x4000, $0x38;
	[tilespmem:$0x1C800] =	vst v63  }
0xa9: {  	_ =	swait.ge [sflag:s23], $0x4000  }
0xaa: {  	[sflag:s23] =	ssyncset.done $0x0  }
0xab: {  	s17 =	rddreg [dreg:$0x6];
	[sflag:s23] =	ssyncadd.s32 $0xFFFFC000  }
0xac: {  	[spmem:s17] =	stream.linear.scatter [tilespmem:s22], [sflag:$0x3], $0x4000, $0x38;
	[tilespmem:$0x1C800] =	vst v63  }
0xad: {  	_ =	swait.ge [sflag:s23], $0x4000  }
0xae: {  	[sflag:s23] =	ssyncset.done $0x0  }
0xaf: {  	s17 =	rddreg [dreg:$0x7];
	[sflag:s23] =	ssyncadd.s32 $0xFFFFC000  }
0xb0: {  	[spmem:s17] =	stream.linear.scatter [tilespmem:s22], [sflag:$0x3], $0x4000, $0x38;
	[tilespmem:$0x1C800] =	vst v63  }
0xb1: {  	_ =	swait.ge [sflag:s23], $0x4000  }
0xb2: {  	[sflag:s23] =	ssyncset.done $0x0  }
0xb3: {  	s17 =	rddreg [dreg:$0x8];
	[sflag:s23] =	ssyncadd.s32 $0xFFFFC000  }
0xb4: {  	[spmem:s17] =	stream.linear.scatter [tilespmem:s22], [sflag:$0x3], $0x4000, $0x38;
	[tilespmem:$0x1C800] =	vst v63  }
.Ltmp3:
0xb5: {  	_ =	swait.ge [sflag:s23], $0x4000;
	(pc) =	sbr.rel @p0 .LBB2_7-.Ltmp3, $3  }
0xb6: {  	[sflag:s23] =	ssyncset.done $0x0  }
0xb7: {  	[sflag:s23] =	ssyncadd.s32 $0xFFFFC000  }
0xb8: {  	[bflag:$0x0] =	sbarrier.arrive $0xFFFF;
	_ =	sdelay $0x1  }
0xb9: {  	s16 =	sadd.s32 $0x0, s21  }
0xba: {  	[tilespmem:s3], [sflag:$0x3] =	stream.linear.gather [hbm4b:s16+s3], $0x400, $0x38;
	[tilespmem:$0x1C800] =	vst v63  }
0xbb: {  	_ =	swait.ge [sflag:s23], $0x400  }
0xbc: {  	[sflag:s23] =	ssyncset.done $0x0  }
0xbd: {  	s19 =	sadd.s32 $0x0, s20;
	[sflag:s23] =	ssyncadd.s32 $0xFFFFFC00  }
0xbe: {  	[tilespmem:s24], [sflag:$0x3] =	stream.linear.gather [hbm4b:s19+s3], $0x400, $0x38;
	[tilespmem:$0x1C800] =	vst v63  }
0xbf: {  	_ =	swait.ge [sflag:s23], $0x400  }
0xc0: {  	[sflag:s23] =	ssyncset.done $0x0  }
0xc1: {  	[sflag:s23] =	ssyncadd.s32 $0xFFFFFC00  }
0xc2: {  	[tilespmem:s22], [sflag:$0x1] =	stream.indirect.gather [hbm4b:s4+s25], $0x80, s3, s25, $0xb8;
	[tilespmem:$0x1C800] =	vst v63  }
0xc3: {  	_ = 	snop  }
0xc4: {  	[tilespmem:s26], [sflag:$0x2] =	stream.indirect.gather [hbm4b:s4+s25], $0x80, s25, s25, $0xb8;
	[tilespmem:$0x1C800] =	vst v63  }
0xc5: {  	_ =	swait.ge [sflag:s28], $0x4000  }
0xc6: {  	[sflag:s28] =	ssyncset.done $0x0  }
0xc7: {  	[sflag:s28] =	ssyncadd.s32 $0xFFFFC000  }
0xc8: {  	[spmem:s2] =	stream.indirect.scatter.add.f32 [tilespmem:s22], [sflag:$0x3], $0x80, s24, s25, $0xb8;
	[tilespmem:$0x1C800] =	vst v63  }
0xc9: {  	_ =	swait.ge [sflag:s23], $0x4000  }
0xca: {  	[sflag:s23] =	ssyncset.done $0x0  }
0xcb: {  	[sflag:s23] =	ssyncadd.s32 $0xFFFFC000  }
0xcc: {  	[tilespmem:s22], [sflag:$0x1] =	stream.indirect.gather [hbm4b:s4+s25], $0x80, s29, s25, $0xb8;
	[tilespmem:$0x1C800] =	vst v63  }
0xcd: {  	_ =	swait.ge [sflag:s30], $0x4000  }
0xce: {  	[sflag:s30] =	ssyncset.done $0x0  }
0xcf: {  	[sflag:s30] =	ssyncadd.s32 $0xFFFFC000  }
0xd0: {  	[spmem:s2] =	stream.indirect.scatter.add.f32 [tilespmem:s26], [sflag:$0x3], $0x80, s31, s25, $0xb8;
	[tilespmem:$0x1C800] =	vst v63  }
0xd1: {  	_ =	swait.ge [sflag:s23], $0x4000  }
0xd2: {  	[sflag:s23] =	ssyncset.done $0x0  }
0xd3: {  	[sflag:s23] =	ssyncadd.s32 $0xFFFFC000  }
0xd4: {  	[tilespmem:s26], [sflag:$0x2] =	stream.indirect.gather [hbm4b:s4+s25], $0x80, s0, s25, $0xb8;
	[tilespmem:$0x1C800] =	vst v63  }
0xd5: {  	_ =	swait.ge [sflag:s28], $0x4000  }
0xd6: {  	[sflag:s28] =	ssyncset.done $0x0  }
0xd7: {  	[sflag:s28] =	ssyncadd.s32 $0xFFFFC000  }
0xd8: {  	[spmem:s2] =	stream.indirect.scatter.add.f32 [tilespmem:s22], [sflag:$0x3], $0x80, s1, s25, $0xb8;
	[tilespmem:$0x1C800] =	vst v63  }
0xd9: {  	_ =	swait.ge [sflag:s23], $0x4000  }
0xda: {  	[sflag:s23] =	ssyncset.done $0x0  }
0xdb: {  	[sflag:s23] =	ssyncadd.s32 $0xFFFFC000  }
0xdc: {  	[tilespmem:s22], [sflag:$0x1] =	stream.indirect.gather [hbm4b:s4+s25], $0x80, s6, s25, $0xb8;
	[tilespmem:$0x1C800] =	vst v63  }
0xdd: {  	_ =	swait.ge [sflag:s30], $0x4000  }
0xde: {  	[sflag:s30] =	ssyncset.done $0x0  }
0xdf: {  	[sflag:s30] =	ssyncadd.s32 $0xFFFFC000  }
0xe0: {  	[spmem:s2] =	stream.indirect.scatter.add.f32 [tilespmem:s26], [sflag:$0x3], $0x80, s7, s25, $0xb8;
	[tilespmem:$0x1C800] =	vst v63  }
0xe1: {  	_ =	swait.ge [sflag:s23], $0x4000  }
0xe2: {  	[sflag:s23] =	ssyncset.done $0x0  }
0xe3: {  	[sflag:s23] =	ssyncadd.s32 $0xFFFFC000  }
0xe4: {  	[tilespmem:s26], [sflag:$0x2] =	stream.indirect.gather [hbm4b:s4+s25], $0x80, s8, s25, $0xb8;
	[tilespmem:$0x1C800] =	vst v63  }
0xe5: {  	_ =	swait.ge [sflag:s28], $0x4000  }
0xe6: {  	[sflag:s28] =	ssyncset.done $0x0  }
0xe7: {  	[sflag:s28] =	ssyncadd.s32 $0xFFFFC000  }
0xe8: {  	[spmem:s2] =	stream.indirect.scatter.add.f32 [tilespmem:s22], [sflag:$0x3], $0x80, s9, s25, $0xb8;
	[tilespmem:$0x1C800] =	vst v63  }
0xe9: {  	_ =	swait.ge [sflag:s23], $0x4000  }
0xea: {  	[sflag:s23] =	ssyncset.done $0x0  }
0xeb: {  	[sflag:s23] =	ssyncadd.s32 $0xFFFFC000  }
0xec: {  	[tilespmem:s22], [sflag:$0x1] =	stream.indirect.gather [hbm4b:s4+s25], $0x80, s10, s25, $0xb8;
	[tilespmem:$0x1C800] =	vst v63  }
0xed: {  	_ =	swait.ge [sflag:s30], $0x4000  }
0xee: {  	[sflag:s30] =	ssyncset.done $0x0  }
0xef: {  	[sflag:s30] =	ssyncadd.s32 $0xFFFFC000  }
0xf0: {  	[spmem:s2] =	stream.indirect.scatter.add.f32 [tilespmem:s26], [sflag:$0x3], $0x80, s11, s25, $0xb8;
	[tilespmem:$0x1C800] =	vst v63  }
0xf1: {  	_ =	swait.ge [sflag:s23], $0x4000  }
0xf2: {  	[sflag:s23] =	ssyncset.done $0x0  }
0xf3: {  	[sflag:s23] =	ssyncadd.s32 $0xFFFFC000  }
0xf4: {  	[tilespmem:s26], [sflag:$0x2] =	stream.indirect.gather [hbm4b:s4+s25], $0x80, s12, s25, $0xb8;
	[tilespmem:$0x1C800] =	vst v63  }
0xf5: {  	_ =	swait.ge [sflag:s28], $0x4000  }
0xf6: {  	[sflag:s28] =	ssyncset.done $0x0  }
0xf7: {  	[sflag:s28] =	ssyncadd.s32 $0xFFFFC000  }
0xf8: {  	[spmem:s2] =	stream.indirect.scatter.add.f32 [tilespmem:s22], [sflag:$0x3], $0x80, s13, s25, $0xb8;
	[tilespmem:$0x1C800] =	vst v63  }
0xf9: {  	_ =	swait.ge [sflag:s23], $0x4000  }
0xfa: {  	[sflag:s23] =	ssyncset.done $0x0  }
0xfb: {  	[sflag:s23] =	ssyncadd.s32 $0xFFFFC000  }
0xfc: {  	_ =	swait.ge [sflag:s30], $0x4000  }
0xfd: {  	[sflag:s30] =	ssyncset.done $0x0  }
0xfe: {  	[sflag:s30] =	ssyncadd.s32 $0xFFFFC000  }
0xff: {  	[spmem:s2] =	stream.indirect.scatter.add.f32 [tilespmem:s26], [sflag:$0x3], $0x80, s14, s25, $0xb8;
	[tilespmem:$0x1C800] =	vst v63  }
0x100: {  	_ =	swait.ge [sflag:s23], $0x4000  }
0x101: {  	s17 =	simm.s32 $0x100;
	s16 =	simm.s32 $0x80;
	[sflag:s23] =	ssyncset.done $0x0  }
.LBB2_5:
0x102: {  	s19 =	sadd.s32 s16, s21  }
0x103: {  	[sflag:s23] =	ssyncadd.s32 $0xFFFFC000;
	s5 =	smov.u32 s17;
	s18 =	sadd.s32 $0x80, s17  }
0x104: {  	[tilespmem:s3], [sflag:$0x3] =	stream.linear.gather [hbm4b:s19+s3], $0x400, $0x38;
	[tilespmem:$0x1C800] =	vst v63  }
0x105: {  	p1 =	sne.s32 s17, $0x980;
	_ =	swait.ge [sflag:s23], $0x400  }
0x106: {  	[sflag:s23] =	ssyncset.done $0x0  }
0x107: {  	s17 =	sadd.s32 s16, s20;
	s16 =	smov.u32 s5;
	[sflag:s23] =	ssyncadd.s32 $0xFFFFFC00  }
0x108: {  	[tilespmem:s24], [sflag:$0x3] =	stream.linear.gather [hbm4b:s17+s3], $0x400, $0x38;
	[tilespmem:$0x1C800] =	vst v63  }
0x109: {  	_ =	swait.ge [sflag:s23], $0x400  }
0x10a: {  	[sflag:s23] =	ssyncset.done $0x0  }
0x10b: {  	[sflag:s23] =	ssyncadd.s32 $0xFFFFFC00  }
0x10c: {  	[tilespmem:s22], [sflag:$0x1] =	stream.indirect.gather [hbm4b:s4+s25], $0x80, s3, s25, $0xb8;
	[tilespmem:$0x1C800] =	vst v63  }
0x10d: {  	_ = 	snop  }
0x10e: {  	[tilespmem:s26], [sflag:$0x2] =	stream.indirect.gather [hbm4b:s4+s25], $0x80, s25, s25, $0xb8;
	[tilespmem:$0x1C800] =	vst v63  }
0x10f: {  	_ =	swait.ge [sflag:s28], $0x4000  }
0x110: {  	[sflag:s28] =	ssyncset.done $0x0  }
0x111: {  	[sflag:s28] =	ssyncadd.s32 $0xFFFFC000  }
0x112: {  	[spmem:s2] =	stream.indirect.scatter.add.f32 [tilespmem:s22], [sflag:$0x3], $0x80, s24, s25, $0xb8;
	[tilespmem:$0x1C800] =	vst v63  }
0x113: {  	_ =	swait.ge [sflag:s23], $0x4000  }
0x114: {  	[sflag:s23] =	ssyncset.done $0x0  }
0x115: {  	[sflag:s23] =	ssyncadd.s32 $0xFFFFC000  }
0x116: {  	[tilespmem:s22], [sflag:$0x1] =	stream.indirect.gather [hbm4b:s4+s25], $0x80, s29, s25, $0xb8;
	[tilespmem:$0x1C800] =	vst v63  }
0x117: {  	_ =	swait.ge [sflag:s30], $0x4000  }
0x118: {  	[sflag:s30] =	ssyncset.done $0x0  }
0x119: {  	[sflag:s30] =	ssyncadd.s32 $0xFFFFC000  }
0x11a: {  	[spmem:s2] =	stream.indirect.scatter.add.f32 [tilespmem:s26], [sflag:$0x3], $0x80, s31, s25, $0xb8;
	[tilespmem:$0x1C800] =	vst v63  }
0x11b: {  	_ =	swait.ge [sflag:s23], $0x4000  }
0x11c: {  	[sflag:s23] =	ssyncset.done $0x0  }
0x11d: {  	[sflag:s23] =	ssyncadd.s32 $0xFFFFC000  }
0x11e: {  	[tilespmem:s26], [sflag:$0x2] =	stream.indirect.gather [hbm4b:s4+s25], $0x80, s0, s25, $0xb8;
	[tilespmem:$0x1C800] =	vst v63  }
0x11f: {  	_ =	swait.ge [sflag:s28], $0x4000  }
0x120: {  	[sflag:s28] =	ssyncset.done $0x0  }
0x121: {  	[sflag:s28] =	ssyncadd.s32 $0xFFFFC000  }
0x122: {  	[spmem:s2] =	stream.indirect.scatter.add.f32 [tilespmem:s22], [sflag:$0x3], $0x80, s1, s25, $0xb8;
	[tilespmem:$0x1C800] =	vst v63  }
0x123: {  	_ =	swait.ge [sflag:s23], $0x4000  }
0x124: {  	[sflag:s23] =	ssyncset.done $0x0  }
0x125: {  	[sflag:s23] =	ssyncadd.s32 $0xFFFFC000  }
0x126: {  	[tilespmem:s22], [sflag:$0x1] =	stream.indirect.gather [hbm4b:s4+s25], $0x80, s6, s25, $0xb8;
	[tilespmem:$0x1C800] =	vst v63  }
0x127: {  	_ =	swait.ge [sflag:s30], $0x4000  }
0x128: {  	[sflag:s30] =	ssyncset.done $0x0  }
0x129: {  	[sflag:s30] =	ssyncadd.s32 $0xFFFFC000  }
0x12a: {  	[spmem:s2] =	stream.indirect.scatter.add.f32 [tilespmem:s26], [sflag:$0x3], $0x80, s7, s25, $0xb8;
	[tilespmem:$0x1C800] =	vst v63  }
0x12b: {  	_ =	swait.ge [sflag:s23], $0x4000  }
0x12c: {  	[sflag:s23] =	ssyncset.done $0x0  }
0x12d: {  	[sflag:s23] =	ssyncadd.s32 $0xFFFFC000  }
0x12e: {  	[tilespmem:s26], [sflag:$0x2] =	stream.indirect.gather [hbm4b:s4+s25], $0x80, s8, s25, $0xb8;
	[tilespmem:$0x1C800] =	vst v63  }
0x12f: {  	_ =	swait.ge [sflag:s28], $0x4000  }
0x130: {  	[sflag:s28] =	ssyncset.done $0x0  }
0x131: {  	[sflag:s28] =	ssyncadd.s32 $0xFFFFC000  }
0x132: {  	[spmem:s2] =	stream.indirect.scatter.add.f32 [tilespmem:s22], [sflag:$0x3], $0x80, s9, s25, $0xb8;
	[tilespmem:$0x1C800] =	vst v63  }
0x133: {  	_ =	swait.ge [sflag:s23], $0x4000  }
0x134: {  	[sflag:s23] =	ssyncset.done $0x0  }
0x135: {  	[sflag:s23] =	ssyncadd.s32 $0xFFFFC000  }
0x136: {  	[tilespmem:s22], [sflag:$0x1] =	stream.indirect.gather [hbm4b:s4+s25], $0x80, s10, s25, $0xb8;
	[tilespmem:$0x1C800] =	vst v63  }
0x137: {  	_ =	swait.ge [sflag:s30], $0x4000  }
0x138: {  	[sflag:s30] =	ssyncset.done $0x0  }
0x139: {  	[sflag:s30] =	ssyncadd.s32 $0xFFFFC000  }
0x13a: {  	[spmem:s2] =	stream.indirect.scatter.add.f32 [tilespmem:s26], [sflag:$0x3], $0x80, s11, s25, $0xb8;
	[tilespmem:$0x1C800] =	vst v63  }
0x13b: {  	_ =	swait.ge [sflag:s23], $0x4000  }
0x13c: {  	[sflag:s23] =	ssyncset.done $0x0  }
0x13d: {  	[sflag:s23] =	ssyncadd.s32 $0xFFFFC000  }
0x13e: {  	[tilespmem:s26], [sflag:$0x2] =	stream.indirect.gather [hbm4b:s4+s25], $0x80, s12, s25, $0xb8;
	[tilespmem:$0x1C800] =	vst v63  }
0x13f: {  	_ =	swait.ge [sflag:s28], $0x4000  }
0x140: {  	[sflag:s28] =	ssyncset.done $0x0  }
0x141: {  	[sflag:s28] =	ssyncadd.s32 $0xFFFFC000  }
0x142: {  	[spmem:s2] =	stream.indirect.scatter.add.f32 [tilespmem:s22], [sflag:$0x3], $0x80, s13, s25, $0xb8;
	[tilespmem:$0x1C800] =	vst v63  }
0x143: {  	_ =	swait.ge [sflag:s23], $0x4000  }
0x144: {  	[sflag:s23] =	ssyncset.done $0x0  }
0x145: {  	[sflag:s23] =	ssyncadd.s32 $0xFFFFC000  }
0x146: {  	_ =	swait.ge [sflag:s30], $0x4000  }
.Ltmp4:
0x147: {  	[sflag:s30] =	ssyncset.done $0x0;
	(pc) =	sbr.rel @p1 .LBB2_5-.Ltmp4, $4  }
0x148: {  	[sflag:s30] =	ssyncadd.s32 $0xFFFFC000  }
0x149: {  	[spmem:s2] =	stream.indirect.scatter.add.f32 [tilespmem:s26], [sflag:$0x3], $0x80, s14, s25, $0xb8;
	[tilespmem:$0x1C800] =	vst v63  }
0x14a: {  	_ =	swait.ge [sflag:s23], $0x4000  }
0x14b: {  	s17 =	smov.u32 s18;
	[sflag:s23] =	ssyncset.done $0x0  }
.Ltmp5:
0x14c: {  	_ = 	snop;
	(pc) =	sbr.rel .LBB2_6-.Ltmp5, $1  }
0x14d: {  	_ =	sdelay $0x3  }
.LBB2_8:
0x14e: {  	_ =	sfence.sel $0x180000  }
0x14f: {  	[bflag:$0x0] =	sbarrier.arrive $0xFFFF  }
0x150: {  	_ =	strace $0x90000050  }
0x151: {  	s0 =	stileid.u32;
	[bflag:$0x2] =	sbarrier.arrive $0xFFFF  }
0x152: {  	p0 =	sne.s32 s0, $0x0;
	s0 =	rddreg [dreg:$0x2]  }
0x153: {  	s0 =	sadd.s32 @!p0 $0x100000, s0  }
0x154: {  	[sflag:s0] =	ssyncadd.tile.s32 @!p0 $0x1;
	_ =	shalt  }
.Lfunc_end2:
_tile_overlayer_lowered:
.L_overlay_start_2:
0x155: {  	(tag) =	ssettag $0x2  }
0x156: {  	s0 =	rddreg [dreg:$0x0];
	s2 =	stileid.u32  }
0x157: {  	s1 =	rddreg [dreg:$0x1];
	p0 =	sne.s32 s2, $0x0  }
0x158: {  	s3 =	rddreg [dreg:$0x2];
	[bflag:$0x3] =	sbarrier.arrive $0xFFFF;
	s2 =	simm.s32 @!p0 $0x1C03  }
0x159: {  	[timem:s3], [sflag:s2] =	dma.local @!p0 [hbm:s0], s1  }
0x15a: {  	s0 =	simm.s32 @!p0 $0x3  }
0x15b: {  	_ =	swait.ge @!p0 [sflag:s0], s1  }
0x15c: {  	s1 =	ssub.s32 @!p0 $0x0, s1;
	[sflag:s0] =	ssyncset.done @!p0 $0x0  }
0x15d: {  	[sflag:s0] =	ssyncadd.s32 @!p0 s1  }
0x15e: {  	[bflag:$0x3] =	sbarrier.arrive $0xFFFF  }
0x15f: {  	_ =	shalt  }

</sc_bundles>
